<compile_context>
chip_gen: v7x
topology: tpu7x:2x2x1
jax: 0.10.2.dev20260603
libtpu: 0.0.44.dev20260713+nightly
codegen_flags: <defaults>
</compile_context>

<pallas_src>
import functools

import jax
import jax.numpy as jnp
from jax import lax
from jax.experimental import pallas as pl
from jax.experimental.pallas import tpu as pltpu
from jax.experimental.pallas import tpu_sc as plsc

B = 16384
D = 32

_NC = 2
_NS = 16
_NW = _NC * _NS
_BPW = B // _NW
_CH = 128
_NCH = _BPW // _CH
_WAVE = 2

_TW = 32768
_TS = _TW // 4
_SH = 15
_SQ = 13
_MS = _TS - 1

_GDT = jnp.float32


def _tc_detile(tT):
    R = tT.shape[1]
    G = (R + _TW - 1) // _TW

    def body(t_r, i32_r, out_r):
        x = t_r[...]
        pieces = []
        for q in range(4):
            xq = x[:, q * _TS:(q + 1) * _TS]
            pieces.append(jax.lax.dot_general(
                xq, i32_r[...], (((0,), (0,)), ((), ())),
                preferred_element_type=jnp.float32))
        out_r[...] = jnp.concatenate(pieces, axis=1).astype(_GDT)

    return pl.pallas_call(
        body,
        grid=(G,),
        in_specs=[pl.BlockSpec((D, _TW), lambda i: (0, i)),
                  pl.BlockSpec((D, D), lambda i: (0, 0))],
        out_specs=pl.BlockSpec((_TS, 128), lambda i: (i, 0)),
        out_shape=jax.ShapeDtypeStruct((G * _TS, 128), _GDT),
    )(tT, jnp.eye(D, dtype=jnp.float32))


def _sc_gather(idx2, tP):
    mesh = plsc.VectorSubcoreMesh(core_axis_name="c", subcore_axis_name="s")

    @functools.partial(
        pl.kernel,
        out_type=jax.ShapeDtypeStruct((B, 128), tP.dtype),
        mesh=mesh,
        scratch_types=[
            pltpu.VMEM((_BPW,), jnp.int32),
            pltpu.VMEM((_WAVE * _CH, 128), tP.dtype),
            pltpu.SemaphoreType.DMA,
        ],
    )
    def k(idx_h, t_h, o_h, idx_v, rw, sem):
        wid = lax.axis_index("s") * _NC + lax.axis_index("c")
        base = wid * _BPW
        pltpu.sync_copy(idx_h.at[wid], idx_v)
        for s in range(_BPW // 16):
            sl = pl.ds(s * 16, 16)
            v = idx_v[sl]
            idx_v[sl] = ((v >> _SH) << _SQ) | (v & _MS)
        for w in range(_NCH // _WAVE):
            copies = []
            for b in range(_WAVE):
                j = w * _WAVE + b
                copies.append(pltpu.async_copy(
                    t_h.at[idx_v.at[pl.ds(j * _CH, _CH)]],
                    rw.at[pl.ds(b * _CH, _CH)], sem))
            for c in copies:
                c.wait()
            pltpu.sync_copy(
                rw, o_h.at[pl.ds(base + w * _WAVE * _CH, _WAVE * _CH)])

    return k(idx2, tP)


_BT = 2048
_NB = B // _BT

_F_SU, _F_SI, _F_SP, _F_LA, _F_EB, _F_FM, _F_DE, _F_AV, _F_PG = range(9)


def _tc_body(ue_r, ie_r, pe_r, fx_r,
             lt_r, et_r, ft_r, dt_r,
             wu1_r, bu1_r, wu2_r, bu2_r,
             wit_r, wil_r, wie_r, wif_r, wip_r, wid_r, wav_r, wpg_r,
             bi1_r, wi2_r, bi2_r, out_r):
    f32 = jnp.float32
    fx = fx_r[...]

    def col(j):
        return fx[:, j:j + 1]

    def icol(j):
        return col(j).astype(jnp.int32)

    def mm(a, b):
        return jax.lax.dot_general(a, b, (((1,), (0,)), ((), ())),
                                   preferred_element_type=f32)

    grp = lax.broadcasted_iota(jnp.int32, (_BT, 128), 1) >> 5

    def masked(wide_r, sub):
        q = (sub >> _SQ) & 3
        return jnp.where(grp == q, wide_r[...].astype(f32), 0.0)

    def small_lookup(idx_col, n, table, wblock):
        cols = lax.broadcasted_iota(jnp.int32, (_BT, n), 1)
        oh = jnp.where(cols == idx_col, 1.0, 0.0).astype(f32)
        return mm(oh, mm(table, wblock))

    hidden_i = (mm(masked(ie_r, icol(_F_SI)), wit_r[...])
                + mm(masked(pe_r, icol(_F_SP)), wip_r[...])
                + small_lookup(icol(_F_LA), 64, lt_r[...], wil_r[...])
                + small_lookup(icol(_F_EB), 8, et_r[...], wie_r[...])
                + small_lookup(icol(_F_FM), 16, ft_r[...], wif_r[...])
                + small_lookup(icol(_F_DE), 24, dt_r[...], wid_r[...])
                + col(_F_AV) * wav_r[...]
                + col(_F_PG) * wpg_r[...]
                + bi1_r[...])
    hi = hidden_i * jax.nn.sigmoid(hidden_i)
    item_o = mm(hi, wi2_r[...]) + bi2_r[...]

    hu_pre = mm(masked(ue_r, icol(_F_SU)), wu1_r[...]) + bu1_r[...]
    hu = hu_pre * jax.nn.sigmoid(hu_pre)
    u = mm(hu, wu2_r[...]) + bu2_r[...]

    out_r[...] = jnp.sum(u * item_o, axis=1, keepdims=True)


def _tc_towers(ue, ie, pe, fx,
               lt, et, ft, dt,
               wu1, bu1, wu2, bu2,
               wit, wil, wie, wif, wip, wid, wav, wpg,
               bi1, wi2, bi2):
    bwide = pl.BlockSpec((_BT, 128), lambda i: (i, 0))

    def full(x):
        return pl.BlockSpec(x.shape, lambda i: (0,) * x.ndim)

    in_specs = [bwide, bwide, bwide,
                pl.BlockSpec((_BT, 16), lambda i: (i, 0))]
    in_specs += [full(x) for x in (lt, et, ft, dt,
                                   wu1, bu1, wu2, bu2,
                                   wit, wil, wie, wif, wip, wid, wav, wpg,
                                   bi1, wi2, bi2)]
    return pl.pallas_call(
        _tc_body,
        grid=(_NB,),
        in_specs=in_specs,
        out_specs=pl.BlockSpec((_BT, 1), lambda i: (i, 0)),
        out_shape=jax.ShapeDtypeStruct((B, 1), jnp.float32),
    )(ue, ie, pe, fx,
      lt, et, ft, dt,
      wu1, bu1, wu2, bu2,
      wit, wil, wie, wif, wip, wid, wav, wpg,
      bi1, wi2, bi2)


def kernel(user_id, item_id, language, is_ebook, format, publisher, pub_decade,
           avg_rating, num_pages,
           user_table, item_table, lang_table, ebook_table, format_table,
           pub_table, decade_table,
           W_u1, b_u1, W_u2, b_u2, W_i1, b_i1, W_i2, b_i2):
    f32 = jnp.float32
    uid2 = user_id.astype(jnp.int32).reshape(_NW, _BPW)
    iid2 = item_id.astype(jnp.int32).reshape(_NW, _BPW)
    pid2 = publisher.astype(jnp.int32).reshape(_NW, _BPW)

    ue = _sc_gather(uid2, _tc_detile(user_table.T))
    ie = _sc_gather(iid2, _tc_detile(item_table.T))
    pe = _sc_gather(pid2, _tc_detile(pub_table.T))

    fx = jnp.stack(
        [user_id.astype(f32), item_id.astype(f32), publisher.astype(f32),
         language.astype(f32), is_ebook.astype(f32), format.astype(f32),
         pub_decade.astype(f32), avg_rating.astype(f32),
         num_pages.astype(f32)] + [jnp.zeros((B,), f32)] * 7,
        axis=1)

    et = jnp.zeros((8, D), f32).at[:2].set(ebook_table)
    dt = jnp.zeros((24, D), f32).at[:20].set(decade_table)

    wu1t = jnp.concatenate([W_u1] * 4, axis=0)
    witt = jnp.concatenate([W_i1[0:32]] * 4, axis=0)
    wipt = jnp.concatenate([W_i1[128:160]] * 4, axis=0)

    wil = W_i1[32:64]
    wie = W_i1[64:96]
    wif = W_i1[96:128]
    wid = W_i1[160:192]
    wav = W_i1[192:193]
    wpg = W_i1[193:194]

    out = _tc_towers(ue, ie, pe, fx,
                     lang_table, et, format_table, dt,
                     wu1t, b_u1.reshape(1, D), W_u2, b_u2.reshape(1, D),
                     witt, wil, wie, wif, wipt, wid, wav, wpg,
                     b_i1.reshape(1, D), W_i2, b_i2.reshape(1, D))
    return out.reshape(B)

# --- scband reference (transcript-rebuilt; emitter-appended) ---
"""Pipeline reference for scband-two-tower-81415400063701 (READ-ONLY COPY).

The authoritative reference and input builder live on the scoring server;
editing this copy changes nothing except your own understanding.
"""

import jax, jax.numpy as jnp
import numpy as np

B = 16384
D = 32

def _glorot(k, shape):
    return jax.nn.initializers.glorot_uniform()(k, shape, jnp.float32)

def setup_inputs(seed: int = 0) -> dict:
    key = jax.random.key(seed)
    ks = jax.random.split(key, 24)
    inp = {}
    inp['user_id'] = jax.random.randint(ks[0], (B,), 0, 1000000)
    inp['item_id'] = jax.random.randint(ks[1], (B,), 0, 1000000)
    inp['language'] = jax.random.randint(ks[2], (B,), 0, 64)
    inp['is_ebook'] = jax.random.randint(ks[3], (B,), 0, 2)
    inp['format'] = jax.random.randint(ks[4], (B,), 0, 16)
    inp['publisher'] = jax.random.randint(ks[5], (B,), 0, 100000)
    inp['pub_decade'] = jax.random.randint(ks[6], (B,), 0, 20)
    inp['avg_rating'] = jax.random.uniform(ks[7], (B,), jnp.float32)
    inp['num_pages'] = jax.random.uniform(ks[8], (B,), jnp.float32)
    inp['user_table'] = _glorot(ks[9], (1000000, D))
    inp['item_table'] = _glorot(ks[10], (1000000, D))
    inp['lang_table'] = _glorot(ks[11], (64, D))
    inp['ebook_table'] = _glorot(ks[12], (2, D))
    inp['format_table'] = _glorot(ks[13], (16, D))
    inp['pub_table'] = _glorot(ks[14], (100000, D))
    inp['decade_table'] = _glorot(ks[15], (20, D))
    inp['W_u1'] = _glorot(ks[16], (D, D)); inp['b_u1'] = jnp.zeros((D,), jnp.float32)
    inp['W_u2'] = _glorot(ks[17], (D, D)); inp['b_u2'] = jnp.zeros((D,), jnp.float32)
    inp['W_i1'] = _glorot(ks[18], (6 * D + 2, D)); inp['b_i1'] = jnp.zeros((D,), jnp.float32)
    inp['W_i2'] = _glorot(ks[19], (D, D)); inp['b_i2'] = jnp.zeros((D,), jnp.float32)
    return inp

def reference(user_id, item_id, language, is_ebook, format, publisher, pub_decade,
              avg_rating, num_pages,
              user_table, item_table, lang_table, ebook_table, format_table, pub_table, decade_table,
              W_u1, b_u1, W_u2, b_u2, W_i1, b_i1, W_i2, b_i2):
    # user tower
    ue = jnp.take(user_table, user_id, axis=0)
    u = jax.nn.swish(ue @ W_u1 + b_u1) @ W_u2 + b_u2
    # item tower
    item_repr = jnp.concatenate([
        jnp.take(item_table, item_id, axis=0),
        jnp.take(lang_table, language, axis=0),
        jnp.take(ebook_table, is_ebook, axis=0),
        jnp.take(format_table, format, axis=0),
        jnp.take(pub_table, publisher, axis=0),
        jnp.take(decade_table, pub_decade, axis=0),
        jnp.expand_dims(avg_rating, axis=1),
        jnp.expand_dims(num_pages, axis=1),
    ], axis=1)
    i = jax.nn.swish(item_repr @ W_i1 + b_i1) @ W_i2 + b_i2
    return jnp.einsum('ij,ij->i', u, i)

if __name__ == "__main__":
    import jax
    _d = setup_inputs()
    print(jax.jit(kernel)(*tuple(_d.values())))

</pallas_src>

<mosaic_0001>
#map = affine_map<(d0, d1) -> (0, 0)>
module attributes {stable_mosaic.version = 14 : i64} {
  func.func @k(%arg0: i32, %arg1: i32, %arg2: memref<32x512xi32, #tpu.memory_space<hbm>>, %arg3: memref<32768x128xf32, #tpu.memory_space<hbm>>, %arg4: memref<16384x128xf32, #tpu.memory_space<hbm>>, %arg5: memref<512xi32, #tpu.memory_space<vmem>>, %arg6: memref<256x128xf32, #tpu.memory_space<vmem>>, %arg7: memref<!tpu.dma_semaphore, #tpu.memory_space<semaphore_mem>>) attributes {dimension_semantics = [#tpu.dimension_semantics<core_parallel>, #tpu.dimension_semantics<subcore_parallel>], iteration_bounds = array<i64: 2, 16>, scalar_prefetch = 0 : i64, scratch_operands = 3 : i64, tpu.core_type = #tpu.core_type<sc_vector_subcore>, window_params = [{transform_indices = #map}, {transform_indices = #map}, {transform_indices = #map}]} {
    %mul3A = arith.constant 2 : i32
    %mul3A_0 = arith.muli %arg1, %mul3A : i32
    %add3A = arith.addi %mul3A_0, %arg0 : i32
    %mul3A_1 = arith.constant 512 : i32
    %mul3A_2 = arith.muli %add3A, %mul3A_1 : i32
    "tpu.region"() ({
      %run_scoped3A = tpu.sem_alloc : memref<!tpu.dma_semaphore, #tpu.memory_space<semaphore_mem>>
      %dma_start3A_607 = arith.constant 0 : i32
      %dma_start3A_608 = tpu.memref_slice %arg2[%add3A, %dma_start3A_607] : memref<32x512xi32, #tpu.memory_space<hbm>> -> memref<1x512xi32, #tpu.memory_space<hbm>>
      %dma_start3A_609 = tpu.memref_squeeze %dma_start3A_608 : memref<1x512xi32, #tpu.memory_space<hbm>> -> memref<512xi32, #tpu.memory_space<hbm>>
      %dma_start3A_610 = arith.constant 0 : i32
      %dma_start3A_611 = tpu.memref_slice %arg2[%add3A, %dma_start3A_610] : memref<32x512xi32, #tpu.memory_space<hbm>> -> memref<1x512xi32, #tpu.memory_space<hbm>>
      %dma_start3A_612 = tpu.memref_squeeze %dma_start3A_611 : memref<1x512xi32, #tpu.memory_space<hbm>> -> memref<512xi32, #tpu.memory_space<hbm>>
      tpu.enqueue_dma source(%dma_start3A_612 : memref<512xi32, #tpu.memory_space<hbm>>) target(%arg5 : memref<512xi32, #tpu.memory_space<vmem>>) target_semaphore(%run_scoped3A : memref<!tpu.dma_semaphore, #tpu.memory_space<semaphore_mem>>)
      %dma_wait3A_613 = arith.constant 0 : i32
      %dma_wait3A_614 = tpu.memref_slice %arg2[%add3A, %dma_wait3A_613] : memref<32x512xi32, #tpu.memory_space<hbm>> -> memref<1x512xi32, #tpu.memory_space<hbm>>
      %dma_wait3A_615 = tpu.memref_squeeze %dma_wait3A_614 : memref<1x512xi32, #tpu.memory_space<hbm>> -> memref<512xi32, #tpu.memory_space<hbm>>
      %dma_wait3A_616 = arith.constant 0 : i32
      %dma_wait3A_617 = tpu.memref_slice %arg2[%add3A, %dma_wait3A_616] : memref<32x512xi32, #tpu.memory_space<hbm>> -> memref<1x512xi32, #tpu.memory_space<hbm>>
      %dma_wait3A_618 = tpu.memref_squeeze %dma_wait3A_617 : memref<1x512xi32, #tpu.memory_space<hbm>> -> memref<512xi32, #tpu.memory_space<hbm>>
      tpu.wait_dma2 semaphore(%run_scoped3A : memref<!tpu.dma_semaphore, #tpu.memory_space<semaphore_mem>>) src(%dma_wait3A_618 : memref<512xi32, #tpu.memory_space<hbm>>) dst(%arg5 : memref<512xi32, #tpu.memory_space<vmem>>)
      tpu.yield
    }) : () -> ()
    %get3A = arith.constant 0 : index
    %get3A_3 = tpu.vector_load %arg5[%get3A] {strides = array<i32>} : memref<512xi32, #tpu.memory_space<vmem>>, vector<16xi32>,
    %get3A_4 = vector.shape_cast %get3A_3 : vector<16xi32> to vector<16xi32>
    %shift_right_arithmetic3A = arith.constant 15 : i32
    %shift_right_arithmetic3A_5 = vector.broadcast %shift_right_arithmetic3A : i32 to vector<16xi32>
    %shift_right_arithmetic3A_6 = arith.shrsi %get3A_4, %shift_right_arithmetic3A_5 : vector<16xi32>
    %shift_left3A = arith.constant 13 : i32
    %shift_left3A_7 = vector.broadcast %shift_left3A : i32 to vector<16xi32>
    %shift_left3A_8 = arith.shli %shift_right_arithmetic3A_6, %shift_left3A_7 : vector<16xi32>
    %and3A = arith.constant 8191 : i32
    %and3A_9 = vector.broadcast %and3A : i32 to vector<16xi32>
    %and3A_10 = arith.andi %get3A_4, %and3A_9 : vector<16xi32>
    %or3A = arith.ori %shift_left3A_8, %and3A_10 : vector<16xi32>
    %swap3A = arith.constant 0 : index
    %swap3A_11 = tpu.vector_load %arg5[%swap3A] {strides = array<i32>} : memref<512xi32, #tpu.memory_space<vmem>>, vector<16xi32>,
    %swap3A_12 = vector.shape_cast %swap3A_11 : vector<16xi32> to vector<16xi32>
    %swap3A_13 = vector.shape_cast %or3A : vector<16xi32> to vector<16xi32>
    tpu.vector_store %arg5[%swap3A], %swap3A_13 {strides = array<i32>} : memref<512xi32, #tpu.memory_space<vmem>>, vector<16xi32>,
    %get3A_14 = arith.constant 16 : index
    %get3A_15 = tpu.vector_load %arg5[%get3A_14] {strides = array<i32>} : memref<512xi32, #tpu.memory_space<vmem>>, vector<16xi32>,
    %get3A_16 = vector.shape_cast %get3A_15 : vector<16xi32> to vector<16xi32>
    %shift_right_arithmetic3A_17 = arith.constant 15 : i32
    %shift_right_arithmetic3A_18 = vector.broadcast %shift_right_arithmetic3A_17 : i32 to vector<16xi32>
    %shift_right_arithmetic3A_19 = arith.shrsi %get3A_16, %shift_right_arithmetic3A_18 : vector<16xi32>
    %shift_left3A_20 = arith.constant 13 : i32
    %shift_left3A_21 = vector.broadcast %shift_left3A_20 : i32 to vector<16xi32>
    %shift_left3A_22 = arith.shli %shift_right_arithmetic3A_19, %shift_left3A_21 : vector<16xi32>
    %and3A_23 = arith.constant 8191 : i32
    %and3A_24 = vector.broadcast %and3A_23 : i32 to vector<16xi32>
    %and3A_25 = arith.andi %get3A_16, %and3A_24 : vector<16xi32>
    %or3A_26 = arith.ori %shift_left3A_22, %and3A_25 : vector<16xi32>
    %swap3A_27 = arith.constant 16 : index
    %swap3A_28 = tpu.vector_load %arg5[%swap3A_27] {strides = array<i32>} : memref<512xi32, #tpu.memory_space<vmem>>, vector<16xi32>,
    %swap3A_29 = vector.shape_cast %swap3A_28 : vector<16xi32> to vector<16xi32>
    %swap3A_30 = vector.shape_cast %or3A_26 : vector<16xi32> to vector<16xi32>
    tpu.vector_store %arg5[%swap3A_27], %swap3A_30 {strides = array<i32>} : memref<512xi32, #tpu.memory_space<vmem>>, vector<16xi32>,
    %get3A_31 = arith.constant 32 : index
    %get3A_32 = tpu.vector_load %arg5[%get3A_31] {strides = array<i32>} : memref<512xi32, #tpu.memory_space<vmem>>, vector<16xi32>,
    %get3A_33 = vector.shape_cast %get3A_32 : vector<16xi32> to vector<16xi32>
    %shift_right_arithmetic3A_34 = arith.constant 15 : i32
    %shift_right_arithmetic3A_35 = vector.broadcast %shift_right_arithmetic3A_34 : i32 to vector<16xi32>
    %shift_right_arithmetic3A_36 = arith.shrsi %get3A_33, %shift_right_arithmetic3A_35 : vector<16xi32>
    %shift_left3A_37 = arith.constant 13 : i32
    %shift_left3A_38 = vector.broadcast %shift_left3A_37 : i32 to vector<16xi32>
    %shift_left3A_39 = arith.shli %shift_right_arithmetic3A_36, %shift_left3A_38 : vector<16xi32>
    %and3A_40 = arith.constant 8191 : i32
    %and3A_41 = vector.broadcast %and3A_40 : i32 to vector<16xi32>
    %and3A_42 = arith.andi %get3A_33, %and3A_41 : vector<16xi32>
    %or3A_43 = arith.ori %shift_left3A_39, %and3A_42 : vector<16xi32>
    %swap3A_44 = arith.constant 32 : index
    %swap3A_45 = tpu.vector_load %arg5[%swap3A_44] {strides = array<i32>} : memref<512xi32, #tpu.memory_space<vmem>>, vector<16xi32>,
    %swap3A_46 = vector.shape_cast %swap3A_45 : vector<16xi32> to vector<16xi32>
    %swap3A_47 = vector.shape_cast %or3A_43 : vector<16xi32> to vector<16xi32>
    tpu.vector_store %arg5[%swap3A_44], %swap3A_47 {strides = array<i32>} : memref<512xi32, #tpu.memory_space<vmem>>, vector<16xi32>,
    %get3A_48 = arith.constant 48 : index
    %get3A_49 = tpu.vector_load %arg5[%get3A_48] {strides = array<i32>} : memref<512xi32, #tpu.memory_space<vmem>>, vector<16xi32>,
    %get3A_50 = vector.shape_cast %get3A_49 : vector<16xi32> to vector<16xi32>
    %shift_right_arithmetic3A_51 = arith.constant 15 : i32
    %shift_right_arithmetic3A_52 = vector.broadcast %shift_right_arithmetic3A_51 : i32 to vector<16xi32>
    %shift_right_arithmetic3A_53 = arith.shrsi %get3A_50, %shift_right_arithmetic3A_52 : vector<16xi32>
    %shift_left3A_54 = arith.constant 13 : i32
    %shift_left3A_55 = vector.broadcast %shift_left3A_54 : i32 to vector<16xi32>
    %shift_left3A_56 = arith.shli %shift_right_arithmetic3A_53, %shift_left3A_55 : vector<16xi32>
    %and3A_57 = arith.constant 8191 : i32
    %and3A_58 = vector.broadcast %and3A_57 : i32 to vector<16xi32>
    %and3A_59 = arith.andi %get3A_50, %and3A_58 : vector<16xi32>
    %or3A_60 = arith.ori %shift_left3A_56, %and3A_59 : vector<16xi32>
    %swap3A_61 = arith.constant 48 : index
    %swap3A_62 = tpu.vector_load %arg5[%swap3A_61] {strides = array<i32>} : memref<512xi32, #tpu.memory_space<vmem>>, vector<16xi32>,
    %swap3A_63 = vector.shape_cast %swap3A_62 : vector<16xi32> to vector<16xi32>
    %swap3A_64 = vector.shape_cast %or3A_60 : vector<16xi32> to vector<16xi32>
    tpu.vector_store %arg5[%swap3A_61], %swap3A_64 {strides = array<i32>} : memref<512xi32, #tpu.memory_space<vmem>>, vector<16xi32>,
    %get3A_65 = arith.constant 64 : index
    %get3A_66 = tpu.vector_load %arg5[%get3A_65] {strides = array<i32>} : memref<512xi32, #tpu.memory_space<vmem>>, vector<16xi32>,
    %get3A_67 = vector.shape_cast %get3A_66 : vector<16xi32> to vector<16xi32>
    %shift_right_arithmetic3A_68 = arith.constant 15 : i32
    %shift_right_arithmetic3A_69 = vector.broadcast %shift_right_arithmetic3A_68 : i32 to vector<16xi32>
    %shift_right_arithmetic3A_70 = arith.shrsi %get3A_67, %shift_right_arithmetic3A_69 : vector<16xi32>
    %shift_left3A_71 = arith.constant 13 : i32
    %shift_left3A_72 = vector.broadcast %shift_left3A_71 : i32 to vector<16xi32>
    %shift_left3A_73 = arith.shli %shift_right_arithmetic3A_70, %shift_left3A_72 : vector<16xi32>
    %and3A_74 = arith.constant 8191 : i32
    %and3A_75 = vector.broadcast %and3A_74 : i32 to vector<16xi32>
    %and3A_76 = arith.andi %get3A_67, %and3A_75 : vector<16xi32>
    %or3A_77 = arith.ori %shift_left3A_73, %and3A_76 : vector<16xi32>
    %swap3A_78 = arith.constant 64 : index
    %swap3A_79 = tpu.vector_load %arg5[%swap3A_78] {strides = array<i32>} : memref<512xi32, #tpu.memory_space<vmem>>, vector<16xi32>,
    %swap3A_80 = vector.shape_cast %swap3A_79 : vector<16xi32> to vector<16xi32>
    %swap3A_81 = vector.shape_cast %or3A_77 : vector<16xi32> to vector<16xi32>
    tpu.vector_store %arg5[%swap3A_78], %swap3A_81 {strides = array<i32>} : memref<512xi32, #tpu.memory_space<vmem>>, vector<16xi32>,
    %get3A_82 = arith.constant 80 : index
    %get3A_83 = tpu.vector_load %arg5[%get3A_82] {strides = array<i32>} : memref<512xi32, #tpu.memory_space<vmem>>, vector<16xi32>,
    %get3A_84 = vector.shape_cast %get3A_83 : vector<16xi32> to vector<16xi32>
    %shift_right_arithmetic3A_85 = arith.constant 15 : i32
    %shift_right_arithmetic3A_86 = vector.broadcast %shift_right_arithmetic3A_85 : i32 to vector<16xi32>
    %shift_right_arithmetic3A_87 = arith.shrsi %get3A_84, %shift_right_arithmetic3A_86 : vector<16xi32>
    %shift_left3A_88 = arith.constant 13 : i32
    %shift_left3A_89 = vector.broadcast %shift_left3A_88 : i32 to vector<16xi32>
    %shift_left3A_90 = arith.shli %shift_right_arithmetic3A_87, %shift_left3A_89 : vector<16xi32>
    %and3A_91 = arith.constant 8191 : i32
    %and3A_92 = vector.broadcast %and3A_91 : i32 to vector<16xi32>
    %and3A_93 = arith.andi %get3A_84, %and3A_92 : vector<16xi32>
    %or3A_94 = arith.ori %shift_left3A_90, %and3A_93 : vector<16xi32>
    %swap3A_95 = arith.constant 80 : index
    %swap3A_96 = tpu.vector_load %arg5[%swap3A_95] {strides = array<i32>} : memref<512xi32, #tpu.memory_space<vmem>>, vector<16xi32>,
    %swap3A_97 = vector.shape_cast %swap3A_96 : vector<16xi32> to vector<16xi32>
    %swap3A_98 = vector.shape_cast %or3A_94 : vector<16xi32> to vector<16xi32>
    tpu.vector_store %arg5[%swap3A_95], %swap3A_98 {strides = array<i32>} : memref<512xi32, #tpu.memory_space<vmem>>, vector<16xi32>,
    %get3A_99 = arith.constant 96 : index
    %get3A_100 = tpu.vector_load %arg5[%get3A_99] {strides = array<i32>} : memref<512xi32, #tpu.memory_space<vmem>>, vector<16xi32>,
    %get3A_101 = vector.shape_cast %get3A_100 : vector<16xi32> to vector<16xi32>
    %shift_right_arithmetic3A_102 = arith.constant 15 : i32
    %shift_right_arithmetic3A_103 = vector.broadcast %shift_right_arithmetic3A_102 : i32 to vector<16xi32>
    %shift_right_arithmetic3A_104 = arith.shrsi %get3A_101, %shift_right_arithmetic3A_103 : vector<16xi32>
    %shift_left3A_105 = arith.constant 13 : i32
    %shift_left3A_106 = vector.broadcast %shift_left3A_105 : i32 to vector<16xi32>
    %shift_left3A_107 = arith.shli %shift_right_arithmetic3A_104, %shift_left3A_106 : vector<16xi32>
    %and3A_108 = arith.constant 8191 : i32
    %and3A_109 = vector.broadcast %and3A_108 : i32 to vector<16xi32>
    %and3A_110 = arith.andi %get3A_101, %and3A_109 : vector<16xi32>
    %or3A_111 = arith.ori %shift_left3A_107, %and3A_110 : vector<16xi32>
    %swap3A_112 = arith.constant 96 : index
    %swap3A_113 = tpu.vector_load %arg5[%swap3A_112] {strides = array<i32>} : memref<512xi32, #tpu.memory_space<vmem>>, vector<16xi32>,
    %swap3A_114 = vector.shape_cast %swap3A_113 : vector<16xi32> to vector<16xi32>
    %swap3A_115 = vector.shape_cast %or3A_111 : vector<16xi32> to vector<16xi32>
    tpu.vector_store %arg5[%swap3A_112], %swap3A_115 {strides = array<i32>} : memref<512xi32, #tpu.memory_space<vmem>>, vector<16xi32>,
    %get3A_116 = arith.constant 112 : index
    %get3A_117 = tpu.vector_load %arg5[%get3A_116] {strides = array<i32>} : memref<512xi32, #tpu.memory_space<vmem>>, vector<16xi32>,
    %get3A_118 = vector.shape_cast %get3A_117 : vector<16xi32> to vector<16xi32>
    %shift_right_arithmetic3A_119 = arith.constant 15 : i32
    %shift_right_arithmetic3A_120 = vector.broadcast %shift_right_arithmetic3A_119 : i32 to vector<16xi32>
    %shift_right_arithmetic3A_121 = arith.shrsi %get3A_118, %shift_right_arithmetic3A_120 : vector<16xi32>
    %shift_left3A_122 = arith.constant 13 : i32
    %shift_left3A_123 = vector.broadcast %shift_left3A_122 : i32 to vector<16xi32>
    %shift_left3A_124 = arith.shli %shift_right_arithmetic3A_121, %shift_left3A_123 : vector<16xi32>
    %and3A_125 = arith.constant 8191 : i32
    %and3A_126 = vector.broadcast %and3A_125 : i32 to vector<16xi32>
    %and3A_127 = arith.andi %get3A_118, %and3A_126 : vector<16xi32>
    %or3A_128 = arith.ori %shift_left3A_124, %and3A_127 : vector<16xi32>
    %swap3A_129 = arith.constant 112 : index
    %swap3A_130 = tpu.vector_load %arg5[%swap3A_129] {strides = array<i32>} : memref<512xi32, #tpu.memory_space<vmem>>, vector<16xi32>,
    %swap3A_131 = vector.shape_cast %swap3A_130 : vector<16xi32> to vector<16xi32>
    %swap3A_132 = vector.shape_cast %or3A_128 : vector<16xi32> to vector<16xi32>
    tpu.vector_store %arg5[%swap3A_129], %swap3A_132 {strides = array<i32>} : memref<512xi32, #tpu.memory_space<vmem>>, vector<16xi32>,
    %get3A_133 = arith.constant 128 : index
    %get3A_134 = tpu.vector_load %arg5[%get3A_133] {strides = array<i32>} : memref<512xi32, #tpu.memory_space<vmem>>, vector<16xi32>,
    %get3A_135 = vector.shape_cast %get3A_134 : vector<16xi32> to vector<16xi32>
    %shift_right_arithmetic3A_136 = arith.constant 15 : i32
    %shift_right_arithmetic3A_137 = vector.broadcast %shift_right_arithmetic3A_136 : i32 to vector<16xi32>
    %shift_right_arithmetic3A_138 = arith.shrsi %get3A_135, %shift_right_arithmetic3A_137 : vector<16xi32>
    %shift_left3A_139 = arith.constant 13 : i32
    %shift_left3A_140 = vector.broadcast %shift_left3A_139 : i32 to vector<16xi32>
    %shift_left3A_141 = arith.shli %shift_right_arithmetic3A_138, %shift_left3A_140 : vector<16xi32>
    %and3A_142 = arith.constant 8191 : i32
    %and3A_143 = vector.broadcast %and3A_142 : i32 to vector<16xi32>
    %and3A_144 = arith.andi %get3A_135, %and3A_143 : vector<16xi32>
    %or3A_145 = arith.ori %shift_left3A_141, %and3A_144 : vector<16xi32>
    %swap3A_146 = arith.constant 128 : index
    %swap3A_147 = tpu.vector_load %arg5[%swap3A_146] {strides = array<i32>} : memref<512xi32, #tpu.memory_space<vmem>>, vector<16xi32>,
    %swap3A_148 = vector.shape_cast %swap3A_147 : vector<16xi32> to vector<16xi32>
    %swap3A_149 = vector.shape_cast %or3A_145 : vector<16xi32> to vector<16xi32>
    tpu.vector_store %arg5[%swap3A_146], %swap3A_149 {strides = array<i32>} : memref<512xi32, #tpu.memory_space<vmem>>, vector<16xi32>,
    %get3A_150 = arith.constant 144 : index
    %get3A_151 = tpu.vector_load %arg5[%get3A_150] {strides = array<i32>} : memref<512xi32, #tpu.memory_space<vmem>>, vector<16xi32>,
    %get3A_152 = vector.shape_cast %get3A_151 : vector<16xi32> to vector<16xi32>
    %shift_right_arithmetic3A_153 = arith.constant 15 : i32
    %shift_right_arithmetic3A_154 = vector.broadcast %shift_right_arithmetic3A_153 : i32 to vector<16xi32>
    %shift_right_arithmetic3A_155 = arith.shrsi %get3A_152, %shift_right_arithmetic3A_154 : vector<16xi32>
    %shift_left3A_156 = arith.constant 13 : i32
    %shift_left3A_157 = vector.broadcast %shift_left3A_156 : i32 to vector<16xi32>
    %shift_left3A_158 = arith.shli %shift_right_arithmetic3A_155, %shift_left3A_157 : vector<16xi32>
    %and3A_159 = arith.constant 8191 : i32
    %and3A_160 = vector.broadcast %and3A_159 : i32 to vector<16xi32>
    %and3A_161 = arith.andi %get3A_152, %and3A_160 : vector<16xi32>
    %or3A_162 = arith.ori %shift_left3A_158, %and3A_161 : vector<16xi32>
    %swap3A_163 = arith.constant 144 : index
    %swap3A_164 = tpu.vector_load %arg5[%swap3A_163] {strides = array<i32>} : memref<512xi32, #tpu.memory_space<vmem>>, vector<16xi32>,
    %swap3A_165 = vector.shape_cast %swap3A_164 : vector<16xi32> to vector<16xi32>
    %swap3A_166 = vector.shape_cast %or3A_162 : vector<16xi32> to vector<16xi32>
    tpu.vector_store %arg5[%swap3A_163], %swap3A_166 {strides = array<i32>} : memref<512xi32, #tpu.memory_space<vmem>>, vector<16xi32>,
    %get3A_167 = arith.constant 160 : index
    %get3A_168 = tpu.vector_load %arg5[%get3A_167] {strides = array<i32>} : memref<512xi32, #tpu.memory_space<vmem>>, vector<16xi32>,
    %get3A_169 = vector.shape_cast %get3A_168 : vector<16xi32> to vector<16xi32>
    %shift_right_arithmetic3A_170 = arith.constant 15 : i32
    %shift_right_arithmetic3A_171 = vector.broadcast %shift_right_arithmetic3A_170 : i32 to vector<16xi32>
    %shift_right_arithmetic3A_172 = arith.shrsi %get3A_169, %shift_right_arithmetic3A_171 : vector<16xi32>
    %shift_left3A_173 = arith.constant 13 : i32
    %shift_left3A_174 = vector.broadcast %shift_left3A_173 : i32 to vector<16xi32>
    %shift_left3A_175 = arith.shli %shift_right_arithmetic3A_172, %shift_left3A_174 : vector<16xi32>
    %and3A_176 = arith.constant 8191 : i32
    %and3A_177 = vector.broadcast %and3A_176 : i32 to vector<16xi32>
    %and3A_178 = arith.andi %get3A_169, %and3A_177 : vector<16xi32>
    %or3A_179 = arith.ori %shift_left3A_175, %and3A_178 : vector<16xi32>
    %swap3A_180 = arith.constant 160 : index
    %swap3A_181 = tpu.vector_load %arg5[%swap3A_180] {strides = array<i32>} : memref<512xi32, #tpu.memory_space<vmem>>, vector<16xi32>,
    %swap3A_182 = vector.shape_cast %swap3A_181 : vector<16xi32> to vector<16xi32>
    %swap3A_183 = vector.shape_cast %or3A_179 : vector<16xi32> to vector<16xi32>
    tpu.vector_store %arg5[%swap3A_180], %swap3A_183 {strides = array<i32>} : memref<512xi32, #tpu.memory_space<vmem>>, vector<16xi32>,
    %get3A_184 = arith.constant 176 : index
    %get3A_185 = tpu.vector_load %arg5[%get3A_184] {strides = array<i32>} : memref<512xi32, #tpu.memory_space<vmem>>, vector<16xi32>,
    %get3A_186 = vector.shape_cast %get3A_185 : vector<16xi32> to vector<16xi32>
    %shift_right_arithmetic3A_187 = arith.constant 15 : i32
    %shift_right_arithmetic3A_188 = vector.broadcast %shift_right_arithmetic3A_187 : i32 to vector<16xi32>
    %shift_right_arithmetic3A_189 = arith.shrsi %get3A_186, %shift_right_arithmetic3A_188 : vector<16xi32>
    %shift_left3A_190 = arith.constant 13 : i32
    %shift_left3A_191 = vector.broadcast %shift_left3A_190 : i32 to vector<16xi32>
    %shift_left3A_192 = arith.shli %shift_right_arithmetic3A_189, %shift_left3A_191 : vector<16xi32>
    %and3A_193 = arith.constant 8191 : i32
    %and3A_194 = vector.broadcast %and3A_193 : i32 to vector<16xi32>
    %and3A_195 = arith.andi %get3A_186, %and3A_194 : vector<16xi32>
    %or3A_196 = arith.ori %shift_left3A_192, %and3A_195 : vector<16xi32>
    %swap3A_197 = arith.constant 176 : index
    %swap3A_198 = tpu.vector_load %arg5[%swap3A_197] {strides = array<i32>} : memref<512xi32, #tpu.memory_space<vmem>>, vector<16xi32>,
    %swap3A_199 = vector.shape_cast %swap3A_198 : vector<16xi32> to vector<16xi32>
    %swap3A_200 = vector.shape_cast %or3A_196 : vector<16xi32> to vector<16xi32>
    tpu.vector_store %arg5[%swap3A_197], %swap3A_200 {strides = array<i32>} : memref<512xi32, #tpu.memory_space<vmem>>, vector<16xi32>,
    %get3A_201 = arith.constant 192 : index
    %get3A_202 = tpu.vector_load %arg5[%get3A_201] {strides = array<i32>} : memref<512xi32, #tpu.memory_space<vmem>>, vector<16xi32>,
    %get3A_203 = vector.shape_cast %get3A_202 : vector<16xi32> to vector<16xi32>
    %shift_right_arithmetic3A_204 = arith.constant 15 : i32
    %shift_right_arithmetic3A_205 = vector.broadcast %shift_right_arithmetic3A_204 : i32 to vector<16xi32>
    %shift_right_arithmetic3A_206 = arith.shrsi %get3A_203, %shift_right_arithmetic3A_205 : vector<16xi32>
    %shift_left3A_207 = arith.constant 13 : i32
    %shift_left3A_208 = vector.broadcast %shift_left3A_207 : i32 to vector<16xi32>
    %shift_left3A_209 = arith.shli %shift_right_arithmetic3A_206, %shift_left3A_208 : vector<16xi32>
    %and3A_210 = arith.constant 8191 : i32
    %and3A_211 = vector.broadcast %and3A_210 : i32 to vector<16xi32>
    %and3A_212 = arith.andi %get3A_203, %and3A_211 : vector<16xi32>
    %or3A_213 = arith.ori %shift_left3A_209, %and3A_212 : vector<16xi32>
    %swap3A_214 = arith.constant 192 : index
    %swap3A_215 = tpu.vector_load %arg5[%swap3A_214] {strides = array<i32>} : memref<512xi32, #tpu.memory_space<vmem>>, vector<16xi32>,
    %swap3A_216 = vector.shape_cast %swap3A_215 : vector<16xi32> to vector<16xi32>
    %swap3A_217 = vector.shape_cast %or3A_213 : vector<16xi32> to vector<16xi32>
    tpu.vector_store %arg5[%swap3A_214], %swap3A_217 {strides = array<i32>} : memref<512xi32, #tpu.memory_space<vmem>>, vector<16xi32>,
    %get3A_218 = arith.constant 208 : index
    %get3A_219 = tpu.vector_load %arg5[%get3A_218] {strides = array<i32>} : memref<512xi32, #tpu.memory_space<vmem>>, vector<16xi32>,
    %get3A_220 = vector.shape_cast %get3A_219 : vector<16xi32> to vector<16xi32>
    %shift_right_arithmetic3A_221 = arith.constant 15 : i32
    %shift_right_arithmetic3A_222 = vector.broadcast %shift_right_arithmetic3A_221 : i32 to vector<16xi32>
    %shift_right_arithmetic3A_223 = arith.shrsi %get3A_220, %shift_right_arithmetic3A_222 : vector<16xi32>
    %shift_left3A_224 = arith.constant 13 : i32
    %shift_left3A_225 = vector.broadcast %shift_left3A_224 : i32 to vector<16xi32>
    %shift_left3A_226 = arith.shli %shift_right_arithmetic3A_223, %shift_left3A_225 : vector<16xi32>
    %and3A_227 = arith.constant 8191 : i32
    %and3A_228 = vector.broadcast %and3A_227 : i32 to vector<16xi32>
    %and3A_229 = arith.andi %get3A_220, %and3A_228 : vector<16xi32>
    %or3A_230 = arith.ori %shift_left3A_226, %and3A_229 : vector<16xi32>
    %swap3A_231 = arith.constant 208 : index
    %swap3A_232 = tpu.vector_load %arg5[%swap3A_231] {strides = array<i32>} : memref<512xi32, #tpu.memory_space<vmem>>, vector<16xi32>,
    %swap3A_233 = vector.shape_cast %swap3A_232 : vector<16xi32> to vector<16xi32>
    %swap3A_234 = vector.shape_cast %or3A_230 : vector<16xi32> to vector<16xi32>
    tpu.vector_store %arg5[%swap3A_231], %swap3A_234 {strides = array<i32>} : memref<512xi32, #tpu.memory_space<vmem>>, vector<16xi32>,
    %get3A_235 = arith.constant 224 : index
    %get3A_236 = tpu.vector_load %arg5[%get3A_235] {strides = array<i32>} : memref<512xi32, #tpu.memory_space<vmem>>, vector<16xi32>,
    %get3A_237 = vector.shape_cast %get3A_236 : vector<16xi32> to vector<16xi32>
    %shift_right_arithmetic3A_238 = arith.constant 15 : i32
    %shift_right_arithmetic3A_239 = vector.broadcast %shift_right_arithmetic3A_238 : i32 to vector<16xi32>
    %shift_right_arithmetic3A_240 = arith.shrsi %get3A_237, %shift_right_arithmetic3A_239 : vector<16xi32>
    %shift_left3A_241 = arith.constant 13 : i32
    %shift_left3A_242 = vector.broadcast %shift_left3A_241 : i32 to vector<16xi32>
    %shift_left3A_243 = arith.shli %shift_right_arithmetic3A_240, %shift_left3A_242 : vector<16xi32>
    %and3A_244 = arith.constant 8191 : i32
    %and3A_245 = vector.broadcast %and3A_244 : i32 to vector<16xi32>
    %and3A_246 = arith.andi %get3A_237, %and3A_245 : vector<16xi32>
    %or3A_247 = arith.ori %shift_left3A_243, %and3A_246 : vector<16xi32>
    %swap3A_248 = arith.constant 224 : index
    %swap3A_249 = tpu.vector_load %arg5[%swap3A_248] {strides = array<i32>} : memref<512xi32, #tpu.memory_space<vmem>>, vector<16xi32>,
    %swap3A_250 = vector.shape_cast %swap3A_249 : vector<16xi32> to vector<16xi32>
    %swap3A_251 = vector.shape_cast %or3A_247 : vector<16xi32> to vector<16xi32>
    tpu.vector_store %arg5[%swap3A_248], %swap3A_251 {strides = array<i32>} : memref<512xi32, #tpu.memory_space<vmem>>, vector<16xi32>,
    %get3A_252 = arith.constant 240 : index
    %get3A_253 = tpu.vector_load %arg5[%get3A_252] {strides = array<i32>} : memref<512xi32, #tpu.memory_space<vmem>>, vector<16xi32>,
    %get3A_254 = vector.shape_cast %get3A_253 : vector<16xi32> to vector<16xi32>
    %shift_right_arithmetic3A_255 = arith.constant 15 : i32
    %shift_right_arithmetic3A_256 = vector.broadcast %shift_right_arithmetic3A_255 : i32 to vector<16xi32>
    %shift_right_arithmetic3A_257 = arith.shrsi %get3A_254, %shift_right_arithmetic3A_256 : vector<16xi32>
    %shift_left3A_258 = arith.constant 13 : i32
    %shift_left3A_259 = vector.broadcast %shift_left3A_258 : i32 to vector<16xi32>
    %shift_left3A_260 = arith.shli %shift_right_arithmetic3A_257, %shift_left3A_259 : vector<16xi32>
    %and3A_261 = arith.constant 8191 : i32
    %and3A_262 = vector.broadcast %and3A_261 : i32 to vector<16xi32>
    %and3A_263 = arith.andi %get3A_254, %and3A_262 : vector<16xi32>
    %or3A_264 = arith.ori %shift_left3A_260, %and3A_263 : vector<16xi32>
    %swap3A_265 = arith.constant 240 : index
    %swap3A_266 = tpu.vector_load %arg5[%swap3A_265] {strides = array<i32>} : memref<512xi32, #tpu.memory_space<vmem>>, vector<16xi32>,
    %swap3A_267 = vector.shape_cast %swap3A_266 : vector<16xi32> to vector<16xi32>
    %swap3A_268 = vector.shape_cast %or3A_264 : vector<16xi32> to vector<16xi32>
    tpu.vector_store %arg5[%swap3A_265], %swap3A_268 {strides = array<i32>} : memref<512xi32, #tpu.memory_space<vmem>>, vector<16xi32>,
    %get3A_269 = arith.constant 256 : index
    %get3A_270 = tpu.vector_load %arg5[%get3A_269] {strides = array<i32>} : memref<512xi32, #tpu.memory_space<vmem>>, vector<16xi32>,
    %get3A_271 = vector.shape_cast %get3A_270 : vector<16xi32> to vector<16xi32>
    %shift_right_arithmetic3A_272 = arith.constant 15 : i32
    %shift_right_arithmetic3A_273 = vector.broadcast %shift_right_arithmetic3A_272 : i32 to vector<16xi32>
    %shift_right_arithmetic3A_274 = arith.shrsi %get3A_271, %shift_right_arithmetic3A_273 : vector<16xi32>
    %shift_left3A_275 = arith.constant 13 : i32
    %shift_left3A_276 = vector.broadcast %shift_left3A_275 : i32 to vector<16xi32>
    %shift_left3A_277 = arith.shli %shift_right_arithmetic3A_274, %shift_left3A_276 : vector<16xi32>
    %and3A_278 = arith.constant 8191 : i32
    %and3A_279 = vector.broadcast %and3A_278 : i32 to vector<16xi32>
    %and3A_280 = arith.andi %get3A_271, %and3A_279 : vector<16xi32>
    %or3A_281 = arith.ori %shift_left3A_277, %and3A_280 : vector<16xi32>
    %swap3A_282 = arith.constant 256 : index
    %swap3A_283 = tpu.vector_load %arg5[%swap3A_282] {strides = array<i32>} : memref<512xi32, #tpu.memory_space<vmem>>, vector<16xi32>,
    %swap3A_284 = vector.shape_cast %swap3A_283 : vector<16xi32> to vector<16xi32>
    %swap3A_285 = vector.shape_cast %or3A_281 : vector<16xi32> to vector<16xi32>
    tpu.vector_store %arg5[%swap3A_282], %swap3A_285 {strides = array<i32>} : memref<512xi32, #tpu.memory_space<vmem>>, vector<16xi32>,
    %get3A_286 = arith.constant 272 : index
    %get3A_287 = tpu.vector_load %arg5[%get3A_286] {strides = array<i32>} : memref<512xi32, #tpu.memory_space<vmem>>, vector<16xi32>,
    %get3A_288 = vector.shape_cast %get3A_287 : vector<16xi32> to vector<16xi32>
    %shift_right_arithmetic3A_289 = arith.constant 15 : i32
    %shift_right_arithmetic3A_290 = vector.broadcast %shift_right_arithmetic3A_289 : i32 to vector<16xi32>
    %shift_right_arithmetic3A_291 = arith.shrsi %get3A_288, %shift_right_arithmetic3A_290 : vector<16xi32>
    %shift_left3A_292 = arith.constant 13 : i32
    %shift_left3A_293 = vector.broadcast %shift_left3A_292 : i32 to vector<16xi32>
    %shift_left3A_294 = arith.shli %shift_right_arithmetic3A_291, %shift_left3A_293 : vector<16xi32>
    %and3A_295 = arith.constant 8191 : i32
    %and3A_296 = vector.broadcast %and3A_295 : i32 to vector<16xi32>
    %and3A_297 = arith.andi %get3A_288, %and3A_296 : vector<16xi32>
    %or3A_298 = arith.ori %shift_left3A_294, %and3A_297 : vector<16xi32>
    %swap3A_299 = arith.constant 272 : index
    %swap3A_300 = tpu.vector_load %arg5[%swap3A_299] {strides = array<i32>} : memref<512xi32, #tpu.memory_space<vmem>>, vector<16xi32>,
    %swap3A_301 = vector.shape_cast %swap3A_300 : vector<16xi32> to vector<16xi32>
    %swap3A_302 = vector.shape_cast %or3A_298 : vector<16xi32> to vector<16xi32>
    tpu.vector_store %arg5[%swap3A_299], %swap3A_302 {strides = array<i32>} : memref<512xi32, #tpu.memory_space<vmem>>, vector<16xi32>,
    %get3A_303 = arith.constant 288 : index
    %get3A_304 = tpu.vector_load %arg5[%get3A_303] {strides = array<i32>} : memref<512xi32, #tpu.memory_space<vmem>>, vector<16xi32>,
    %get3A_305 = vector.shape_cast %get3A_304 : vector<16xi32> to vector<16xi32>
    %shift_right_arithmetic3A_306 = arith.constant 15 : i32
    %shift_right_arithmetic3A_307 = vector.broadcast %shift_right_arithmetic3A_306 : i32 to vector<16xi32>
    %shift_right_arithmetic3A_308 = arith.shrsi %get3A_305, %shift_right_arithmetic3A_307 : vector<16xi32>
    %shift_left3A_309 = arith.constant 13 : i32
    %shift_left3A_310 = vector.broadcast %shift_left3A_309 : i32 to vector<16xi32>
    %shift_left3A_311 = arith.shli %shift_right_arithmetic3A_308, %shift_left3A_310 : vector<16xi32>
    %and3A_312 = arith.constant 8191 : i32
    %and3A_313 = vector.broadcast %and3A_312 : i32 to vector<16xi32>
    %and3A_314 = arith.andi %get3A_305, %and3A_313 : vector<16xi32>
    %or3A_315 = arith.ori %shift_left3A_311, %and3A_314 : vector<16xi32>
    %swap3A_316 = arith.constant 288 : index
    %swap3A_317 = tpu.vector_load %arg5[%swap3A_316] {strides = array<i32>} : memref<512xi32, #tpu.memory_space<vmem>>, vector<16xi32>,
    %swap3A_318 = vector.shape_cast %swap3A_317 : vector<16xi32> to vector<16xi32>
    %swap3A_319 = vector.shape_cast %or3A_315 : vector<16xi32> to vector<16xi32>
    tpu.vector_store %arg5[%swap3A_316], %swap3A_319 {strides = array<i32>} : memref<512xi32, #tpu.memory_space<vmem>>, vector<16xi32>,
    %get3A_320 = arith.constant 304 : index
    %get3A_321 = tpu.vector_load %arg5[%get3A_320] {strides = array<i32>} : memref<512xi32, #tpu.memory_space<vmem>>, vector<16xi32>,
    %get3A_322 = vector.shape_cast %get3A_321 : vector<16xi32> to vector<16xi32>
    %shift_right_arithmetic3A_323 = arith.constant 15 : i32
    %shift_right_arithmetic3A_324 = vector.broadcast %shift_right_arithmetic3A_323 : i32 to vector<16xi32>
    %shift_right_arithmetic3A_325 = arith.shrsi %get3A_322, %shift_right_arithmetic3A_324 : vector<16xi32>
    %shift_left3A_326 = arith.constant 13 : i32
    %shift_left3A_327 = vector.broadcast %shift_left3A_326 : i32 to vector<16xi32>
    %shift_left3A_328 = arith.shli %shift_right_arithmetic3A_325, %shift_left3A_327 : vector<16xi32>
    %and3A_329 = arith.constant 8191 : i32
    %and3A_330 = vector.broadcast %and3A_329 : i32 to vector<16xi32>
    %and3A_331 = arith.andi %get3A_322, %and3A_330 : vector<16xi32>
    %or3A_332 = arith.ori %shift_left3A_328, %and3A_331 : vector<16xi32>
    %swap3A_333 = arith.constant 304 : index
    %swap3A_334 = tpu.vector_load %arg5[%swap3A_333] {strides = array<i32>} : memref<512xi32, #tpu.memory_space<vmem>>, vector<16xi32>,
    %swap3A_335 = vector.shape_cast %swap3A_334 : vector<16xi32> to vector<16xi32>
    %swap3A_336 = vector.shape_cast %or3A_332 : vector<16xi32> to vector<16xi32>
    tpu.vector_store %arg5[%swap3A_333], %swap3A_336 {strides = array<i32>} : memref<512xi32, #tpu.memory_space<vmem>>, vector<16xi32>,
    %get3A_337 = arith.constant 320 : index
    %get3A_338 = tpu.vector_load %arg5[%get3A_337] {strides = array<i32>} : memref<512xi32, #tpu.memory_space<vmem>>, vector<16xi32>,
    %get3A_339 = vector.shape_cast %get3A_338 : vector<16xi32> to vector<16xi32>
    %shift_right_arithmetic3A_340 = arith.constant 15 : i32
    %shift_right_arithmetic3A_341 = vector.broadcast %shift_right_arithmetic3A_340 : i32 to vector<16xi32>
    %shift_right_arithmetic3A_342 = arith.shrsi %get3A_339, %shift_right_arithmetic3A_341 : vector<16xi32>
    %shift_left3A_343 = arith.constant 13 : i32
    %shift_left3A_344 = vector.broadcast %shift_left3A_343 : i32 to vector<16xi32>
    %shift_left3A_345 = arith.shli %shift_right_arithmetic3A_342, %shift_left3A_344 : vector<16xi32>
    %and3A_346 = arith.constant 8191 : i32
    %and3A_347 = vector.broadcast %and3A_346 : i32 to vector<16xi32>
    %and3A_348 = arith.andi %get3A_339, %and3A_347 : vector<16xi32>
    %or3A_349 = arith.ori %shift_left3A_345, %and3A_348 : vector<16xi32>
    %swap3A_350 = arith.constant 320 : index
    %swap3A_351 = tpu.vector_load %arg5[%swap3A_350] {strides = array<i32>} : memref<512xi32, #tpu.memory_space<vmem>>, vector<16xi32>,
    %swap3A_352 = vector.shape_cast %swap3A_351 : vector<16xi32> to vector<16xi32>
    %swap3A_353 = vector.shape_cast %or3A_349 : vector<16xi32> to vector<16xi32>
    tpu.vector_store %arg5[%swap3A_350], %swap3A_353 {strides = array<i32>} : memref<512xi32, #tpu.memory_space<vmem>>, vector<16xi32>,
    %get3A_354 = arith.constant 336 : index
    %get3A_355 = tpu.vector_load %arg5[%get3A_354] {strides = array<i32>} : memref<512xi32, #tpu.memory_space<vmem>>, vector<16xi32>,
    %get3A_356 = vector.shape_cast %get3A_355 : vector<16xi32> to vector<16xi32>
    %shift_right_arithmetic3A_357 = arith.constant 15 : i32
    %shift_right_arithmetic3A_358 = vector.broadcast %shift_right_arithmetic3A_357 : i32 to vector<16xi32>
    %shift_right_arithmetic3A_359 = arith.shrsi %get3A_356, %shift_right_arithmetic3A_358 : vector<16xi32>
    %shift_left3A_360 = arith.constant 13 : i32
    %shift_left3A_361 = vector.broadcast %shift_left3A_360 : i32 to vector<16xi32>
    %shift_left3A_362 = arith.shli %shift_right_arithmetic3A_359, %shift_left3A_361 : vector<16xi32>
    %and3A_363 = arith.constant 8191 : i32
    %and3A_364 = vector.broadcast %and3A_363 : i32 to vector<16xi32>
    %and3A_365 = arith.andi %get3A_356, %and3A_364 : vector<16xi32>
    %or3A_366 = arith.ori %shift_left3A_362, %and3A_365 : vector<16xi32>
    %swap3A_367 = arith.constant 336 : index
    %swap3A_368 = tpu.vector_load %arg5[%swap3A_367] {strides = array<i32>} : memref<512xi32, #tpu.memory_space<vmem>>, vector<16xi32>,
    %swap3A_369 = vector.shape_cast %swap3A_368 : vector<16xi32> to vector<16xi32>
    %swap3A_370 = vector.shape_cast %or3A_366 : vector<16xi32> to vector<16xi32>
    tpu.vector_store %arg5[%swap3A_367], %swap3A_370 {strides = array<i32>} : memref<512xi32, #tpu.memory_space<vmem>>, vector<16xi32>,
    %get3A_371 = arith.constant 352 : index
    %get3A_372 = tpu.vector_load %arg5[%get3A_371] {strides = array<i32>} : memref<512xi32, #tpu.memory_space<vmem>>, vector<16xi32>,
    %get3A_373 = vector.shape_cast %get3A_372 : vector<16xi32> to vector<16xi32>
    %shift_right_arithmetic3A_374 = arith.constant 15 : i32
    %shift_right_arithmetic3A_375 = vector.broadcast %shift_right_arithmetic3A_374 : i32 to vector<16xi32>
    %shift_right_arithmetic3A_376 = arith.shrsi %get3A_373, %shift_right_arithmetic3A_375 : vector<16xi32>
    %shift_left3A_377 = arith.constant 13 : i32
    %shift_left3A_378 = vector.broadcast %shift_left3A_377 : i32 to vector<16xi32>
    %shift_left3A_379 = arith.shli %shift_right_arithmetic3A_376, %shift_left3A_378 : vector<16xi32>
    %and3A_380 = arith.constant 8191 : i32
    %and3A_381 = vector.broadcast %and3A_380 : i32 to vector<16xi32>
    %and3A_382 = arith.andi %get3A_373, %and3A_381 : vector<16xi32>
    %or3A_383 = arith.ori %shift_left3A_379, %and3A_382 : vector<16xi32>
    %swap3A_384 = arith.constant 352 : index
    %swap3A_385 = tpu.vector_load %arg5[%swap3A_384] {strides = array<i32>} : memref<512xi32, #tpu.memory_space<vmem>>, vector<16xi32>,
    %swap3A_386 = vector.shape_cast %swap3A_385 : vector<16xi32> to vector<16xi32>
    %swap3A_387 = vector.shape_cast %or3A_383 : vector<16xi32> to vector<16xi32>
    tpu.vector_store %arg5[%swap3A_384], %swap3A_387 {strides = array<i32>} : memref<512xi32, #tpu.memory_space<vmem>>, vector<16xi32>,
    %get3A_388 = arith.constant 368 : index
    %get3A_389 = tpu.vector_load %arg5[%get3A_388] {strides = array<i32>} : memref<512xi32, #tpu.memory_space<vmem>>, vector<16xi32>,
    %get3A_390 = vector.shape_cast %get3A_389 : vector<16xi32> to vector<16xi32>
    %shift_right_arithmetic3A_391 = arith.constant 15 : i32
    %shift_right_arithmetic3A_392 = vector.broadcast %shift_right_arithmetic3A_391 : i32 to vector<16xi32>
    %shift_right_arithmetic3A_393 = arith.shrsi %get3A_390, %shift_right_arithmetic3A_392 : vector<16xi32>
    %shift_left3A_394 = arith.constant 13 : i32
    %shift_left3A_395 = vector.broadcast %shift_left3A_394 : i32 to vector<16xi32>
    %shift_left3A_396 = arith.shli %shift_right_arithmetic3A_393, %shift_left3A_395 : vector<16xi32>
    %and3A_397 = arith.constant 8191 : i32
    %and3A_398 = vector.broadcast %and3A_397 : i32 to vector<16xi32>
    %and3A_399 = arith.andi %get3A_390, %and3A_398 : vector<16xi32>
    %or3A_400 = arith.ori %shift_left3A_396, %and3A_399 : vector<16xi32>
    %swap3A_401 = arith.constant 368 : index
    %swap3A_402 = tpu.vector_load %arg5[%swap3A_401] {strides = array<i32>} : memref<512xi32, #tpu.memory_space<vmem>>, vector<16xi32>,
    %swap3A_403 = vector.shape_cast %swap3A_402 : vector<16xi32> to vector<16xi32>
    %swap3A_404 = vector.shape_cast %or3A_400 : vector<16xi32> to vector<16xi32>
    tpu.vector_store %arg5[%swap3A_401], %swap3A_404 {strides = array<i32>} : memref<512xi32, #tpu.memory_space<vmem>>, vector<16xi32>,
    %get3A_405 = arith.constant 384 : index
    %get3A_406 = tpu.vector_load %arg5[%get3A_405] {strides = array<i32>} : memref<512xi32, #tpu.memory_space<vmem>>, vector<16xi32>,
    %get3A_407 = vector.shape_cast %get3A_406 : vector<16xi32> to vector<16xi32>
    %shift_right_arithmetic3A_408 = arith.constant 15 : i32
    %shift_right_arithmetic3A_409 = vector.broadcast %shift_right_arithmetic3A_408 : i32 to vector<16xi32>
    %shift_right_arithmetic3A_410 = arith.shrsi %get3A_407, %shift_right_arithmetic3A_409 : vector<16xi32>
    %shift_left3A_411 = arith.constant 13 : i32
    %shift_left3A_412 = vector.broadcast %shift_left3A_411 : i32 to vector<16xi32>
    %shift_left3A_413 = arith.shli %shift_right_arithmetic3A_410, %shift_left3A_412 : vector<16xi32>
    %and3A_414 = arith.constant 8191 : i32
    %and3A_415 = vector.broadcast %and3A_414 : i32 to vector<16xi32>
    %and3A_416 = arith.andi %get3A_407, %and3A_415 : vector<16xi32>
    %or3A_417 = arith.ori %shift_left3A_413, %and3A_416 : vector<16xi32>
    %swap3A_418 = arith.constant 384 : index
    %swap3A_419 = tpu.vector_load %arg5[%swap3A_418] {strides = array<i32>} : memref<512xi32, #tpu.memory_space<vmem>>, vector<16xi32>,
    %swap3A_420 = vector.shape_cast %swap3A_419 : vector<16xi32> to vector<16xi32>
    %swap3A_421 = vector.shape_cast %or3A_417 : vector<16xi32> to vector<16xi32>
    tpu.vector_store %arg5[%swap3A_418], %swap3A_421 {strides = array<i32>} : memref<512xi32, #tpu.memory_space<vmem>>, vector<16xi32>,
    %get3A_422 = arith.constant 400 : index
    %get3A_423 = tpu.vector_load %arg5[%get3A_422] {strides = array<i32>} : memref<512xi32, #tpu.memory_space<vmem>>, vector<16xi32>,
    %get3A_424 = vector.shape_cast %get3A_423 : vector<16xi32> to vector<16xi32>
    %shift_right_arithmetic3A_425 = arith.constant 15 : i32
    %shift_right_arithmetic3A_426 = vector.broadcast %shift_right_arithmetic3A_425 : i32 to vector<16xi32>
    %shift_right_arithmetic3A_427 = arith.shrsi %get3A_424, %shift_right_arithmetic3A_426 : vector<16xi32>
    %shift_left3A_428 = arith.constant 13 : i32
    %shift_left3A_429 = vector.broadcast %shift_left3A_428 : i32 to vector<16xi32>
    %shift_left3A_430 = arith.shli %shift_right_arithmetic3A_427, %shift_left3A_429 : vector<16xi32>
    %and3A_431 = arith.constant 8191 : i32
    %and3A_432 = vector.broadcast %and3A_431 : i32 to vector<16xi32>
    %and3A_433 = arith.andi %get3A_424, %and3A_432 : vector<16xi32>
    %or3A_434 = arith.ori %shift_left3A_430, %and3A_433 : vector<16xi32>
    %swap3A_435 = arith.constant 400 : index
    %swap3A_436 = tpu.vector_load %arg5[%swap3A_435] {strides = array<i32>} : memref<512xi32, #tpu.memory_space<vmem>>, vector<16xi32>,
    %swap3A_437 = vector.shape_cast %swap3A_436 : vector<16xi32> to vector<16xi32>
    %swap3A_438 = vector.shape_cast %or3A_434 : vector<16xi32> to vector<16xi32>
    tpu.vector_store %arg5[%swap3A_435], %swap3A_438 {strides = array<i32>} : memref<512xi32, #tpu.memory_space<vmem>>, vector<16xi32>,
    %get3A_439 = arith.constant 416 : index
    %get3A_440 = tpu.vector_load %arg5[%get3A_439] {strides = array<i32>} : memref<512xi32, #tpu.memory_space<vmem>>, vector<16xi32>,
    %get3A_441 = vector.shape_cast %get3A_440 : vector<16xi32> to vector<16xi32>
    %shift_right_arithmetic3A_442 = arith.constant 15 : i32
    %shift_right_arithmetic3A_443 = vector.broadcast %shift_right_arithmetic3A_442 : i32 to vector<16xi32>
    %shift_right_arithmetic3A_444 = arith.shrsi %get3A_441, %shift_right_arithmetic3A_443 : vector<16xi32>
    %shift_left3A_445 = arith.constant 13 : i32
    %shift_left3A_446 = vector.broadcast %shift_left3A_445 : i32 to vector<16xi32>
    %shift_left3A_447 = arith.shli %shift_right_arithmetic3A_444, %shift_left3A_446 : vector<16xi32>
    %and3A_448 = arith.constant 8191 : i32
    %and3A_449 = vector.broadcast %and3A_448 : i32 to vector<16xi32>
    %and3A_450 = arith.andi %get3A_441, %and3A_449 : vector<16xi32>
    %or3A_451 = arith.ori %shift_left3A_447, %and3A_450 : vector<16xi32>
    %swap3A_452 = arith.constant 416 : index
    %swap3A_453 = tpu.vector_load %arg5[%swap3A_452] {strides = array<i32>} : memref<512xi32, #tpu.memory_space<vmem>>, vector<16xi32>,
    %swap3A_454 = vector.shape_cast %swap3A_453 : vector<16xi32> to vector<16xi32>
    %swap3A_455 = vector.shape_cast %or3A_451 : vector<16xi32> to vector<16xi32>
    tpu.vector_store %arg5[%swap3A_452], %swap3A_455 {strides = array<i32>} : memref<512xi32, #tpu.memory_space<vmem>>, vector<16xi32>,
    %get3A_456 = arith.constant 432 : index
    %get3A_457 = tpu.vector_load %arg5[%get3A_456] {strides = array<i32>} : memref<512xi32, #tpu.memory_space<vmem>>, vector<16xi32>,
    %get3A_458 = vector.shape_cast %get3A_457 : vector<16xi32> to vector<16xi32>
    %shift_right_arithmetic3A_459 = arith.constant 15 : i32
    %shift_right_arithmetic3A_460 = vector.broadcast %shift_right_arithmetic3A_459 : i32 to vector<16xi32>
    %shift_right_arithmetic3A_461 = arith.shrsi %get3A_458, %shift_right_arithmetic3A_460 : vector<16xi32>
    %shift_left3A_462 = arith.constant 13 : i32
    %shift_left3A_463 = vector.broadcast %shift_left3A_462 : i32 to vector<16xi32>
    %shift_left3A_464 = arith.shli %shift_right_arithmetic3A_461, %shift_left3A_463 : vector<16xi32>
    %and3A_465 = arith.constant 8191 : i32
    %and3A_466 = vector.broadcast %and3A_465 : i32 to vector<16xi32>
    %and3A_467 = arith.andi %get3A_458, %and3A_466 : vector<16xi32>
    %or3A_468 = arith.ori %shift_left3A_464, %and3A_467 : vector<16xi32>
    %swap3A_469 = arith.constant 432 : index
    %swap3A_470 = tpu.vector_load %arg5[%swap3A_469] {strides = array<i32>} : memref<512xi32, #tpu.memory_space<vmem>>, vector<16xi32>,
    %swap3A_471 = vector.shape_cast %swap3A_470 : vector<16xi32> to vector<16xi32>
    %swap3A_472 = vector.shape_cast %or3A_468 : vector<16xi32> to vector<16xi32>
    tpu.vector_store %arg5[%swap3A_469], %swap3A_472 {strides = array<i32>} : memref<512xi32, #tpu.memory_space<vmem>>, vector<16xi32>,
    %get3A_473 = arith.constant 448 : index
    %get3A_474 = tpu.vector_load %arg5[%get3A_473] {strides = array<i32>} : memref<512xi32, #tpu.memory_space<vmem>>, vector<16xi32>,
    %get3A_475 = vector.shape_cast %get3A_474 : vector<16xi32> to vector<16xi32>
    %shift_right_arithmetic3A_476 = arith.constant 15 : i32
    %shift_right_arithmetic3A_477 = vector.broadcast %shift_right_arithmetic3A_476 : i32 to vector<16xi32>
    %shift_right_arithmetic3A_478 = arith.shrsi %get3A_475, %shift_right_arithmetic3A_477 : vector<16xi32>
    %shift_left3A_479 = arith.constant 13 : i32
    %shift_left3A_480 = vector.broadcast %shift_left3A_479 : i32 to vector<16xi32>
    %shift_left3A_481 = arith.shli %shift_right_arithmetic3A_478, %shift_left3A_480 : vector<16xi32>
    %and3A_482 = arith.constant 8191 : i32
    %and3A_483 = vector.broadcast %and3A_482 : i32 to vector<16xi32>
    %and3A_484 = arith.andi %get3A_475, %and3A_483 : vector<16xi32>
    %or3A_485 = arith.ori %shift_left3A_481, %and3A_484 : vector<16xi32>
    %swap3A_486 = arith.constant 448 : index
    %swap3A_487 = tpu.vector_load %arg5[%swap3A_486] {strides = array<i32>} : memref<512xi32, #tpu.memory_space<vmem>>, vector<16xi32>,
    %swap3A_488 = vector.shape_cast %swap3A_487 : vector<16xi32> to vector<16xi32>
    %swap3A_489 = vector.shape_cast %or3A_485 : vector<16xi32> to vector<16xi32>
    tpu.vector_store %arg5[%swap3A_486], %swap3A_489 {strides = array<i32>} : memref<512xi32, #tpu.memory_space<vmem>>, vector<16xi32>,
    %get3A_490 = arith.constant 464 : index
    %get3A_491 = tpu.vector_load %arg5[%get3A_490] {strides = array<i32>} : memref<512xi32, #tpu.memory_space<vmem>>, vector<16xi32>,
    %get3A_492 = vector.shape_cast %get3A_491 : vector<16xi32> to vector<16xi32>
    %shift_right_arithmetic3A_493 = arith.constant 15 : i32
    %shift_right_arithmetic3A_494 = vector.broadcast %shift_right_arithmetic3A_493 : i32 to vector<16xi32>
    %shift_right_arithmetic3A_495 = arith.shrsi %get3A_492, %shift_right_arithmetic3A_494 : vector<16xi32>
    %shift_left3A_496 = arith.constant 13 : i32
    %shift_left3A_497 = vector.broadcast %shift_left3A_496 : i32 to vector<16xi32>
    %shift_left3A_498 = arith.shli %shift_right_arithmetic3A_495, %shift_left3A_497 : vector<16xi32>
    %and3A_499 = arith.constant 8191 : i32
    %and3A_500 = vector.broadcast %and3A_499 : i32 to vector<16xi32>
    %and3A_501 = arith.andi %get3A_492, %and3A_500 : vector<16xi32>
    %or3A_502 = arith.ori %shift_left3A_498, %and3A_501 : vector<16xi32>
    %swap3A_503 = arith.constant 464 : index
    %swap3A_504 = tpu.vector_load %arg5[%swap3A_503] {strides = array<i32>} : memref<512xi32, #tpu.memory_space<vmem>>, vector<16xi32>,
    %swap3A_505 = vector.shape_cast %swap3A_504 : vector<16xi32> to vector<16xi32>
    %swap3A_506 = vector.shape_cast %or3A_502 : vector<16xi32> to vector<16xi32>
    tpu.vector_store %arg5[%swap3A_503], %swap3A_506 {strides = array<i32>} : memref<512xi32, #tpu.memory_space<vmem>>, vector<16xi32>,
    %get3A_507 = arith.constant 480 : index
    %get3A_508 = tpu.vector_load %arg5[%get3A_507] {strides = array<i32>} : memref<512xi32, #tpu.memory_space<vmem>>, vector<16xi32>,
    %get3A_509 = vector.shape_cast %get3A_508 : vector<16xi32> to vector<16xi32>
    %shift_right_arithmetic3A_510 = arith.constant 15 : i32
    %shift_right_arithmetic3A_511 = vector.broadcast %shift_right_arithmetic3A_510 : i32 to vector<16xi32>
    %shift_right_arithmetic3A_512 = arith.shrsi %get3A_509, %shift_right_arithmetic3A_511 : vector<16xi32>
    %shift_left3A_513 = arith.constant 13 : i32
    %shift_left3A_514 = vector.broadcast %shift_left3A_513 : i32 to vector<16xi32>
    %shift_left3A_515 = arith.shli %shift_right_arithmetic3A_512, %shift_left3A_514 : vector<16xi32>
    %and3A_516 = arith.constant 8191 : i32
    %and3A_517 = vector.broadcast %and3A_516 : i32 to vector<16xi32>
    %and3A_518 = arith.andi %get3A_509, %and3A_517 : vector<16xi32>
    %or3A_519 = arith.ori %shift_left3A_515, %and3A_518 : vector<16xi32>
    %swap3A_520 = arith.constant 480 : index
    %swap3A_521 = tpu.vector_load %arg5[%swap3A_520] {strides = array<i32>} : memref<512xi32, #tpu.memory_space<vmem>>, vector<16xi32>,
    %swap3A_522 = vector.shape_cast %swap3A_521 : vector<16xi32> to vector<16xi32>
    %swap3A_523 = vector.shape_cast %or3A_519 : vector<16xi32> to vector<16xi32>
    tpu.vector_store %arg5[%swap3A_520], %swap3A_523 {strides = array<i32>} : memref<512xi32, #tpu.memory_space<vmem>>, vector<16xi32>,
    %get3A_524 = arith.constant 496 : index
    %get3A_525 = tpu.vector_load %arg5[%get3A_524] {strides = array<i32>} : memref<512xi32, #tpu.memory_space<vmem>>, vector<16xi32>,
    %get3A_526 = vector.shape_cast %get3A_525 : vector<16xi32> to vector<16xi32>
    %shift_right_arithmetic3A_527 = arith.constant 15 : i32
    %shift_right_arithmetic3A_528 = vector.broadcast %shift_right_arithmetic3A_527 : i32 to vector<16xi32>
    %shift_right_arithmetic3A_529 = arith.shrsi %get3A_526, %shift_right_arithmetic3A_528 : vector<16xi32>
    %shift_left3A_530 = arith.constant 13 : i32
    %shift_left3A_531 = vector.broadcast %shift_left3A_530 : i32 to vector<16xi32>
    %shift_left3A_532 = arith.shli %shift_right_arithmetic3A_529, %shift_left3A_531 : vector<16xi32>
    %and3A_533 = arith.constant 8191 : i32
    %and3A_534 = vector.broadcast %and3A_533 : i32 to vector<16xi32>
    %and3A_535 = arith.andi %get3A_526, %and3A_534 : vector<16xi32>
    %or3A_536 = arith.ori %shift_left3A_532, %and3A_535 : vector<16xi32>
    %swap3A_537 = arith.constant 496 : index
    %swap3A_538 = tpu.vector_load %arg5[%swap3A_537] {strides = array<i32>} : memref<512xi32, #tpu.memory_space<vmem>>, vector<16xi32>,
    %swap3A_539 = vector.shape_cast %swap3A_538 : vector<16xi32> to vector<16xi32>
    %swap3A_540 = vector.shape_cast %or3A_536 : vector<16xi32> to vector<16xi32>
    tpu.vector_store %arg5[%swap3A_537], %swap3A_540 {strides = array<i32>} : memref<512xi32, #tpu.memory_space<vmem>>, vector<16xi32>,
    %dma_start3A = arith.constant 0 : i32
    %dma_start3A_541 = arith.constant 0 : i32
    %dma_start3A_542 = tpu.memref_slice %arg6[%dma_start3A, %dma_start3A_541] : memref<256x128xf32, #tpu.memory_space<vmem>> -> memref<128x128xf32, #tpu.memory_space<vmem>>
    %dma_start3A_543 = arith.constant 0 : i32
    %dma_start3A_544 = tpu.memref_slice %arg5[%dma_start3A_543] : memref<512xi32, #tpu.memory_space<vmem>> -> memref<128xi32, #tpu.memory_space<vmem>>
    %dma_start3A_545 = arith.constant 0 : i32
    %dma_start3A_546 = arith.constant 0 : i32
    %dma_start3A_547 = tpu.memref_slice %arg3[%dma_start3A_545, %dma_start3A_546] : memref<32768x128xf32, #tpu.memory_space<hbm>> -> memref<32768x128xf32, #tpu.memory_space<hbm>>
    tpu.enqueue_indirect_dma source(%dma_start3A_547 : memref<32768x128xf32, #tpu.memory_space<hbm>>) target(%dma_start3A_542 : memref<128x128xf32, #tpu.memory_space<vmem>>) offsets(%dma_start3A_544 : memref<128xi32, #tpu.memory_space<vmem>>) semaphore(%arg7 : memref<!tpu.dma_semaphore, #tpu.memory_space<semaphore_mem>>)
    %dma_start3A_548 = arith.constant 128 : i32
    %dma_start3A_549 = arith.constant 0 : i32
    %dma_start3A_550 = tpu.memref_slice %arg6[%dma_start3A_548, %dma_start3A_549] : memref<256x128xf32, #tpu.memory_space<vmem>> -> memref<128x128xf32, #tpu.memory_space<vmem>>
    %dma_start3A_551 = arith.constant 128 : i32
    %dma_start3A_552 = tpu.memref_slice %arg5[%dma_start3A_551] : memref<512xi32, #tpu.memory_space<vmem>> -> memref<128xi32, #tpu.memory_space<vmem>>
    %dma_start3A_553 = arith.constant 0 : i32
    %dma_start3A_554 = arith.constant 0 : i32
    %dma_start3A_555 = tpu.memref_slice %arg3[%dma_start3A_553, %dma_start3A_554] : memref<32768x128xf32, #tpu.memory_space<hbm>> -> memref<32768x128xf32, #tpu.memory_space<hbm>>
    tpu.enqueue_indirect_dma source(%dma_start3A_555 : memref<32768x128xf32, #tpu.memory_space<hbm>>) target(%dma_start3A_550 : memref<128x128xf32, #tpu.memory_space<vmem>>) offsets(%dma_start3A_552 : memref<128xi32, #tpu.memory_space<vmem>>) semaphore(%arg7 : memref<!tpu.dma_semaphore, #tpu.memory_space<semaphore_mem>>)
    %dma_wait3A = arith.constant 0 : i32
    %dma_wait3A_556 = arith.constant 0 : i32
    %dma_wait3A_557 = tpu.memref_slice %arg6[%dma_wait3A, %dma_wait3A_556] : memref<256x128xf32, #tpu.memory_space<vmem>> -> memref<128x128xf32, #tpu.memory_space<vmem>>
    %dma_wait3A_558 = arith.constant 0 : i32
    %dma_wait3A_559 = tpu.memref_slice %arg5[%dma_wait3A_558] : memref<512xi32, #tpu.memory_space<vmem>> -> memref<128xi32, #tpu.memory_space<vmem>>
    %dma_wait3A_560 = arith.constant 0 : i32
    %dma_wait3A_561 = arith.constant 0 : i32
    %dma_wait3A_562 = tpu.memref_slice %arg3[%dma_wait3A_560, %dma_wait3A_561] : memref<32768x128xf32, #tpu.memory_space<hbm>> -> memref<32768x128xf32, #tpu.memory_space<hbm>>
    tpu.wait_indirect_dma semaphore(%arg7 : memref<!tpu.dma_semaphore, #tpu.memory_space<semaphore_mem>>) src(%dma_wait3A_562 : memref<32768x128xf32, #tpu.memory_space<hbm>>) dst(%dma_wait3A_557 : memref<128x128xf32, #tpu.memory_space<vmem>>)
    %dma_wait3A_563 = arith.constant 128 : i32
    %dma_wait3A_564 = arith.constant 0 : i32
    %dma_wait3A_565 = tpu.memref_slice %arg6[%dma_wait3A_563, %dma_wait3A_564] : memref<256x128xf32, #tpu.memory_space<vmem>> -> memref<128x128xf32, #tpu.memory_space<vmem>>
    %dma_wait3A_566 = arith.constant 128 : i32
    %dma_wait3A_567 = tpu.memref_slice %arg5[%dma_wait3A_566] : memref<512xi32, #tpu.memory_space<vmem>> -> memref<128xi32, #tpu.memory_space<vmem>>
    %dma_wait3A_568 = arith.constant 0 : i32
    %dma_wait3A_569 = arith.constant 0 : i32
    %dma_wait3A_570 = tpu.memref_slice %arg3[%dma_wait3A_568, %dma_wait3A_569] : memref<32768x128xf32, #tpu.memory_space<hbm>> -> memref<32768x128xf32, #tpu.memory_space<hbm>>
    tpu.wait_indirect_dma semaphore(%arg7 : memref<!tpu.dma_semaphore, #tpu.memory_space<semaphore_mem>>) src(%dma_wait3A_570 : memref<32768x128xf32, #tpu.memory_space<hbm>>) dst(%dma_wait3A_565 : memref<128x128xf32, #tpu.memory_space<vmem>>)
    %add3A_571 = arith.constant 0 : i32
    %add3A_572 = arith.addi %mul3A_2, %add3A_571 : i32
    "tpu.region"() ({
      %run_scoped3A = tpu.sem_alloc : memref<!tpu.dma_semaphore, #tpu.memory_space<semaphore_mem>>
      %dma_start3A_607 = arith.constant 0 : i32
      %dma_start3A_608 = tpu.memref_slice %arg4[%add3A_572, %dma_start3A_607] : memref<16384x128xf32, #tpu.memory_space<hbm>> -> memref<256x128xf32, #tpu.memory_space<hbm>>
      %dma_start3A_609 = arith.constant 0 : i32
      %dma_start3A_610 = tpu.memref_slice %arg4[%add3A_572, %dma_start3A_609] : memref<16384x128xf32, #tpu.memory_space<hbm>> -> memref<256x128xf32, #tpu.memory_space<hbm>>
      tpu.enqueue_dma source(%arg6 : memref<256x128xf32, #tpu.memory_space<vmem>>) target(%dma_start3A_610 : memref<256x128xf32, #tpu.memory_space<hbm>>) target_semaphore(%run_scoped3A : memref<!tpu.dma_semaphore, #tpu.memory_space<semaphore_mem>>)
      %dma_wait3A_611 = arith.constant 0 : i32
      %dma_wait3A_612 = tpu.memref_slice %arg4[%add3A_572, %dma_wait3A_611] : memref<16384x128xf32, #tpu.memory_space<hbm>> -> memref<256x128xf32, #tpu.memory_space<hbm>>
      %dma_wait3A_613 = arith.constant 0 : i32
      %dma_wait3A_614 = tpu.memref_slice %arg4[%add3A_572, %dma_wait3A_613] : memref<16384x128xf32, #tpu.memory_space<hbm>> -> memref<256x128xf32, #tpu.memory_space<hbm>>
      tpu.wait_dma2 semaphore(%run_scoped3A : memref<!tpu.dma_semaphore, #tpu.memory_space<semaphore_mem>>) src(%arg6 : memref<256x128xf32, #tpu.memory_space<vmem>>) dst(%dma_wait3A_614 : memref<256x128xf32, #tpu.memory_space<hbm>>)
      tpu.yield
    }) : () -> ()
    %dma_start3A_573 = arith.constant 0 : i32
    %dma_start3A_574 = arith.constant 0 : i32
    %dma_start3A_575 = tpu.memref_slice %arg6[%dma_start3A_573, %dma_start3A_574] : memref<256x128xf32, #tpu.memory_space<vmem>> -> memref<128x128xf32, #tpu.memory_space<vmem>>
    %dma_start3A_576 = arith.constant 256 : i32
    %dma_start3A_577 = tpu.memref_slice %arg5[%dma_start3A_576] : memref<512xi32, #tpu.memory_space<vmem>> -> memref<128xi32, #tpu.memory_space<vmem>>
    %dma_start3A_578 = arith.constant 0 : i32
    %dma_start3A_579 = arith.constant 0 : i32
    %dma_start3A_580 = tpu.memref_slice %arg3[%dma_start3A_578, %dma_start3A_579] : memref<32768x128xf32, #tpu.memory_space<hbm>> -> memref<32768x128xf32, #tpu.memory_space<hbm>>
    tpu.enqueue_indirect_dma source(%dma_start3A_580 : memref<32768x128xf32, #tpu.memory_space<hbm>>) target(%dma_start3A_575 : memref<128x128xf32, #tpu.memory_space<vmem>>) offsets(%dma_start3A_577 : memref<128xi32, #tpu.memory_space<vmem>>) semaphore(%arg7 : memref<!tpu.dma_semaphore, #tpu.memory_space<semaphore_mem>>)
    %dma_start3A_581 = arith.constant 128 : i32
    %dma_start3A_582 = arith.constant 0 : i32
    %dma_start3A_583 = tpu.memref_slice %arg6[%dma_start3A_581, %dma_start3A_582] : memref<256x128xf32, #tpu.memory_space<vmem>> -> memref<128x128xf32, #tpu.memory_space<vmem>>
    %dma_start3A_584 = arith.constant 384 : i32
    %dma_start3A_585 = tpu.memref_slice %arg5[%dma_start3A_584] : memref<512xi32, #tpu.memory_space<vmem>> -> memref<128xi32, #tpu.memory_space<vmem>>
    %dma_start3A_586 = arith.constant 0 : i32
    %dma_start3A_587 = arith.constant 0 : i32
    %dma_start3A_588 = tpu.memref_slice %arg3[%dma_start3A_586, %dma_start3A_587] : memref<32768x128xf32, #tpu.memory_space<hbm>> -> memref<32768x128xf32, #tpu.memory_space<hbm>>
    tpu.enqueue_indirect_dma source(%dma_start3A_588 : memref<32768x128xf32, #tpu.memory_space<hbm>>) target(%dma_start3A_583 : memref<128x128xf32, #tpu.memory_space<vmem>>) offsets(%dma_start3A_585 : memref<128xi32, #tpu.memory_space<vmem>>) semaphore(%arg7 : memref<!tpu.dma_semaphore, #tpu.memory_space<semaphore_mem>>)
    %dma_wait3A_589 = arith.constant 0 : i32
    %dma_wait3A_590 = arith.constant 0 : i32
    %dma_wait3A_591 = tpu.memref_slice %arg6[%dma_wait3A_589, %dma_wait3A_590] : memref<256x128xf32, #tpu.memory_space<vmem>> -> memref<128x128xf32, #tpu.memory_space<vmem>>
    %dma_wait3A_592 = arith.constant 256 : i32
    %dma_wait3A_593 = tpu.memref_slice %arg5[%dma_wait3A_592] : memref<512xi32, #tpu.memory_space<vmem>> -> memref<128xi32, #tpu.memory_space<vmem>>
    %dma_wait3A_594 = arith.constant 0 : i32
    %dma_wait3A_595 = arith.constant 0 : i32
    %dma_wait3A_596 = tpu.memref_slice %arg3[%dma_wait3A_594, %dma_wait3A_595] : memref<32768x128xf32, #tpu.memory_space<hbm>> -> memref<32768x128xf32, #tpu.memory_space<hbm>>
    tpu.wait_indirect_dma semaphore(%arg7 : memref<!tpu.dma_semaphore, #tpu.memory_space<semaphore_mem>>) src(%dma_wait3A_596 : memref<32768x128xf32, #tpu.memory_space<hbm>>) dst(%dma_wait3A_591 : memref<128x128xf32, #tpu.memory_space<vmem>>)
    %dma_wait3A_597 = arith.constant 128 : i32
    %dma_wait3A_598 = arith.constant 0 : i32
    %dma_wait3A_599 = tpu.memref_slice %arg6[%dma_wait3A_597, %dma_wait3A_598] : memref<256x128xf32, #tpu.memory_space<vmem>> -> memref<128x128xf32, #tpu.memory_space<vmem>>
    %dma_wait3A_600 = arith.constant 384 : i32
    %dma_wait3A_601 = tpu.memref_slice %arg5[%dma_wait3A_600] : memref<512xi32, #tpu.memory_space<vmem>> -> memref<128xi32, #tpu.memory_space<vmem>>
    %dma_wait3A_602 = arith.constant 0 : i32
    %dma_wait3A_603 = arith.constant 0 : i32
    %dma_wait3A_604 = tpu.memref_slice %arg3[%dma_wait3A_602, %dma_wait3A_603] : memref<32768x128xf32, #tpu.memory_space<hbm>> -> memref<32768x128xf32, #tpu.memory_space<hbm>>
    tpu.wait_indirect_dma semaphore(%arg7 : memref<!tpu.dma_semaphore, #tpu.memory_space<semaphore_mem>>) src(%dma_wait3A_604 : memref<32768x128xf32, #tpu.memory_space<hbm>>) dst(%dma_wait3A_599 : memref<128x128xf32, #tpu.memory_space<vmem>>)
    %add3A_605 = arith.constant 256 : i32
    %add3A_606 = arith.addi %mul3A_2, %add3A_605 : i32
    "tpu.region"() ({
      %run_scoped3A = tpu.sem_alloc : memref<!tpu.dma_semaphore, #tpu.memory_space<semaphore_mem>>
      %dma_start3A_607 = arith.constant 0 : i32
      %dma_start3A_608 = tpu.memref_slice %arg4[%add3A_606, %dma_start3A_607] : memref<16384x128xf32, #tpu.memory_space<hbm>> -> memref<256x128xf32, #tpu.memory_space<hbm>>
      %dma_start3A_609 = arith.constant 0 : i32
      %dma_start3A_610 = tpu.memref_slice %arg4[%add3A_606, %dma_start3A_609] : memref<16384x128xf32, #tpu.memory_space<hbm>> -> memref<256x128xf32, #tpu.memory_space<hbm>>
      tpu.enqueue_dma source(%arg6 : memref<256x128xf32, #tpu.memory_space<vmem>>) target(%dma_start3A_610 : memref<256x128xf32, #tpu.memory_space<hbm>>) target_semaphore(%run_scoped3A : memref<!tpu.dma_semaphore, #tpu.memory_space<semaphore_mem>>)
      %dma_wait3A_611 = arith.constant 0 : i32
      %dma_wait3A_612 = tpu.memref_slice %arg4[%add3A_606, %dma_wait3A_611] : memref<16384x128xf32, #tpu.memory_space<hbm>> -> memref<256x128xf32, #tpu.memory_space<hbm>>
      %dma_wait3A_613 = arith.constant 0 : i32
      %dma_wait3A_614 = tpu.memref_slice %arg4[%add3A_606, %dma_wait3A_613] : memref<16384x128xf32, #tpu.memory_space<hbm>> -> memref<256x128xf32, #tpu.memory_space<hbm>>
      tpu.wait_dma2 semaphore(%run_scoped3A : memref<!tpu.dma_semaphore, #tpu.memory_space<semaphore_mem>>) src(%arg6 : memref<256x128xf32, #tpu.memory_space<vmem>>) dst(%dma_wait3A_614 : memref<256x128xf32, #tpu.memory_space<hbm>>)
      tpu.yield
    }) : () -> ()
    return
  }
}

#map = affine_map<(d0, d1) -> (0, 0)>
module attributes {stable_mosaic.version = 14 : i64} {
  func.func @k(%arg0: i32, %arg1: i32, %arg2: memref<32x512xi32, #tpu.memory_space<hbm>>, %arg3: memref<253952x128xf32, #tpu.memory_space<hbm>>, %arg4: memref<16384x128xf32, #tpu.memory_space<hbm>>, %arg5: memref<512xi32, #tpu.memory_space<vmem>>, %arg6: memref<256x128xf32, #tpu.memory_space<vmem>>, %arg7: memref<!tpu.dma_semaphore, #tpu.memory_space<semaphore_mem>>) attributes {dimension_semantics = [#tpu.dimension_semantics<core_parallel>, #tpu.dimension_semantics<subcore_parallel>], iteration_bounds = array<i64: 2, 16>, scalar_prefetch = 0 : i64, scratch_operands = 3 : i64, tpu.core_type = #tpu.core_type<sc_vector_subcore>, window_params = [{transform_indices = #map}, {transform_indices = #map}, {transform_indices = #map}]} {
    %mul3A = arith.constant 2 : i32
    %mul3A_0 = arith.muli %arg1, %mul3A : i32
    %add3A = arith.addi %mul3A_0, %arg0 : i32
    %mul3A_1 = arith.constant 512 : i32
    %mul3A_2 = arith.muli %add3A, %mul3A_1 : i32
    "tpu.region"() ({
      %run_scoped3A = tpu.sem_alloc : memref<!tpu.dma_semaphore, #tpu.memory_space<semaphore_mem>>
      %dma_start3A_607 = arith.constant 0 : i32
      %dma_start3A_608 = tpu.memref_slice %arg2[%add3A, %dma_start3A_607] : memref<32x512xi32, #tpu.memory_space<hbm>> -> memref<1x512xi32, #tpu.memory_space<hbm>>
      %dma_start3A_609 = tpu.memref_squeeze %dma_start3A_608 : memref<1x512xi32, #tpu.memory_space<hbm>> -> memref<512xi32, #tpu.memory_space<hbm>>
      %dma_start3A_610 = arith.constant 0 : i32
      %dma_start3A_611 = tpu.memref_slice %arg2[%add3A, %dma_start3A_610] : memref<32x512xi32, #tpu.memory_space<hbm>> -> memref<1x512xi32, #tpu.memory_space<hbm>>
      %dma_start3A_612 = tpu.memref_squeeze %dma_start3A_611 : memref<1x512xi32, #tpu.memory_space<hbm>> -> memref<512xi32, #tpu.memory_space<hbm>>
      tpu.enqueue_dma source(%dma_start3A_612 : memref<512xi32, #tpu.memory_space<hbm>>) target(%arg5 : memref<512xi32, #tpu.memory_space<vmem>>) target_semaphore(%run_scoped3A : memref<!tpu.dma_semaphore, #tpu.memory_space<semaphore_mem>>)
      %dma_wait3A_613 = arith.constant 0 : i32
      %dma_wait3A_614 = tpu.memref_slice %arg2[%add3A, %dma_wait3A_613] : memref<32x512xi32, #tpu.memory_space<hbm>> -> memref<1x512xi32, #tpu.memory_space<hbm>>
      %dma_wait3A_615 = tpu.memref_squeeze %dma_wait3A_614 : memref<1x512xi32, #tpu.memory_space<hbm>> -> memref<512xi32, #tpu.memory_space<hbm>>
      %dma_wait3A_616 = arith.constant 0 : i32
      %dma_wait3A_617 = tpu.memref_slice %arg2[%add3A, %dma_wait3A_616] : memref<32x512xi32, #tpu.memory_space<hbm>> -> memref<1x512xi32, #tpu.memory_space<hbm>>
      %dma_wait3A_618 = tpu.memref_squeeze %dma_wait3A_617 : memref<1x512xi32, #tpu.memory_space<hbm>> -> memref<512xi32, #tpu.memory_space<hbm>>
      tpu.wait_dma2 semaphore(%run_scoped3A : memref<!tpu.dma_semaphore, #tpu.memory_space<semaphore_mem>>) src(%dma_wait3A_618 : memref<512xi32, #tpu.memory_space<hbm>>) dst(%arg5 : memref<512xi32, #tpu.memory_space<vmem>>)
      tpu.yield
    }) : () -> ()
    %get3A = arith.constant 0 : index
    %get3A_3 = tpu.vector_load %arg5[%get3A] {strides = array<i32>} : memref<512xi32, #tpu.memory_space<vmem>>, vector<16xi32>,
    %get3A_4 = vector.shape_cast %get3A_3 : vector<16xi32> to vector<16xi32>
    %shift_right_arithmetic3A = arith.constant 15 : i32
    %shift_right_arithmetic3A_5 = vector.broadcast %shift_right_arithmetic3A : i32 to vector<16xi32>
    %shift_right_arithmetic3A_6 = arith.shrsi %get3A_4, %shift_right_arithmetic3A_5 : vector<16xi32>
    %shift_left3A = arith.constant 13 : i32
    %shift_left3A_7 = vector.broadcast %shift_left3A : i32 to vector<16xi32>
    %shift_left3A_8 = arith.shli %shift_right_arithmetic3A_6, %shift_left3A_7 : vector<16xi32>
    %and3A = arith.constant 8191 : i32
    %and3A_9 = vector.broadcast %and3A : i32 to vector<16xi32>
    %and3A_10 = arith.andi %get3A_4, %and3A_9 : vector<16xi32>
    %or3A = arith.ori %shift_left3A_8, %and3A_10 : vector<16xi32>
    %swap3A = arith.constant 0 : index
    %swap3A_11 = tpu.vector_load %arg5[%swap3A] {strides = array<i32>} : memref<512xi32, #tpu.memory_space<vmem>>, vector<16xi32>,
    %swap3A_12 = vector.shape_cast %swap3A_11 : vector<16xi32> to vector<16xi32>
    %swap3A_13 = vector.shape_cast %or3A : vector<16xi32> to vector<16xi32>
    tpu.vector_store %arg5[%swap3A], %swap3A_13 {strides = array<i32>} : memref<512xi32, #tpu.memory_space<vmem>>, vector<16xi32>,
    %get3A_14 = arith.constant 16 : index
    %get3A_15 = tpu.vector_load %arg5[%get3A_14] {strides = array<i32>} : memref<512xi32, #tpu.memory_space<vmem>>, vector<16xi32>,
    %get3A_16 = vector.shape_cast %get3A_15 : vector<16xi32> to vector<16xi32>
    %shift_right_arithmetic3A_17 = arith.constant 15 : i32
    %shift_right_arithmetic3A_18 = vector.broadcast %shift_right_arithmetic3A_17 : i32 to vector<16xi32>
    %shift_right_arithmetic3A_19 = arith.shrsi %get3A_16, %shift_right_arithmetic3A_18 : vector<16xi32>
    %shift_left3A_20 = arith.constant 13 : i32
    %shift_left3A_21 = vector.broadcast %shift_left3A_20 : i32 to vector<16xi32>
    %shift_left3A_22 = arith.shli %shift_right_arithmetic3A_19, %shift_left3A_21 : vector<16xi32>
    %and3A_23 = arith.constant 8191 : i32
    %and3A_24 = vector.broadcast %and3A_23 : i32 to vector<16xi32>
    %and3A_25 = arith.andi %get3A_16, %and3A_24 : vector<16xi32>
    %or3A_26 = arith.ori %shift_left3A_22, %and3A_25 : vector<16xi32>
    %swap3A_27 = arith.constant 16 : index
    %swap3A_28 = tpu.vector_load %arg5[%swap3A_27] {strides = array<i32>} : memref<512xi32, #tpu.memory_space<vmem>>, vector<16xi32>,
    %swap3A_29 = vector.shape_cast %swap3A_28 : vector<16xi32> to vector<16xi32>
    %swap3A_30 = vector.shape_cast %or3A_26 : vector<16xi32> to vector<16xi32>
    tpu.vector_store %arg5[%swap3A_27], %swap3A_30 {strides = array<i32>} : memref<512xi32, #tpu.memory_space<vmem>>, vector<16xi32>,
    %get3A_31 = arith.constant 32 : index
    %get3A_32 = tpu.vector_load %arg5[%get3A_31] {strides = array<i32>} : memref<512xi32, #tpu.memory_space<vmem>>, vector<16xi32>,
    %get3A_33 = vector.shape_cast %get3A_32 : vector<16xi32> to vector<16xi32>
    %shift_right_arithmetic3A_34 = arith.constant 15 : i32
    %shift_right_arithmetic3A_35 = vector.broadcast %shift_right_arithmetic3A_34 : i32 to vector<16xi32>
    %shift_right_arithmetic3A_36 = arith.shrsi %get3A_33, %shift_right_arithmetic3A_35 : vector<16xi32>
    %shift_left3A_37 = arith.constant 13 : i32
    %shift_left3A_38 = vector.broadcast %shift_left3A_37 : i32 to vector<16xi32>
    %shift_left3A_39 = arith.shli %shift_right_arithmetic3A_36, %shift_left3A_38 : vector<16xi32>
    %and3A_40 = arith.constant 8191 : i32
    %and3A_41 = vector.broadcast %and3A_40 : i32 to vector<16xi32>
    %and3A_42 = arith.andi %get3A_33, %and3A_41 : vector<16xi32>
    %or3A_43 = arith.ori %shift_left3A_39, %and3A_42 : vector<16xi32>
    %swap3A_44 = arith.constant 32 : index
    %swap3A_45 = tpu.vector_load %arg5[%swap3A_44] {strides = array<i32>} : memref<512xi32, #tpu.memory_space<vmem>>, vector<16xi32>,
    %swap3A_46 = vector.shape_cast %swap3A_45 : vector<16xi32> to vector<16xi32>
    %swap3A_47 = vector.shape_cast %or3A_43 : vector<16xi32> to vector<16xi32>
    tpu.vector_store %arg5[%swap3A_44], %swap3A_47 {strides = array<i32>} : memref<512xi32, #tpu.memory_space<vmem>>, vector<16xi32>,
    %get3A_48 = arith.constant 48 : index
    %get3A_49 = tpu.vector_load %arg5[%get3A_48] {strides = array<i32>} : memref<512xi32, #tpu.memory_space<vmem>>, vector<16xi32>,
    %get3A_50 = vector.shape_cast %get3A_49 : vector<16xi32> to vector<16xi32>
    %shift_right_arithmetic3A_51 = arith.constant 15 : i32
    %shift_right_arithmetic3A_52 = vector.broadcast %shift_right_arithmetic3A_51 : i32 to vector<16xi32>
    %shift_right_arithmetic3A_53 = arith.shrsi %get3A_50, %shift_right_arithmetic3A_52 : vector<16xi32>
    %shift_left3A_54 = arith.constant 13 : i32
    %shift_left3A_55 = vector.broadcast %shift_left3A_54 : i32 to vector<16xi32>
    %shift_left3A_56 = arith.shli %shift_right_arithmetic3A_53, %shift_left3A_55 : vector<16xi32>
    %and3A_57 = arith.constant 8191 : i32
    %and3A_58 = vector.broadcast %and3A_57 : i32 to vector<16xi32>
    %and3A_59 = arith.andi %get3A_50, %and3A_58 : vector<16xi32>
    %or3A_60 = arith.ori %shift_left3A_56, %and3A_59 : vector<16xi32>
    %swap3A_61 = arith.constant 48 : index
    %swap3A_62 = tpu.vector_load %arg5[%swap3A_61] {strides = array<i32>} : memref<512xi32, #tpu.memory_space<vmem>>, vector<16xi32>,
    %swap3A_63 = vector.shape_cast %swap3A_62 : vector<16xi32> to vector<16xi32>
    %swap3A_64 = vector.shape_cast %or3A_60 : vector<16xi32> to vector<16xi32>
    tpu.vector_store %arg5[%swap3A_61], %swap3A_64 {strides = array<i32>} : memref<512xi32, #tpu.memory_space<vmem>>, vector<16xi32>,
    %get3A_65 = arith.constant 64 : index
    %get3A_66 = tpu.vector_load %arg5[%get3A_65] {strides = array<i32>} : memref<512xi32, #tpu.memory_space<vmem>>, vector<16xi32>,
    %get3A_67 = vector.shape_cast %get3A_66 : vector<16xi32> to vector<16xi32>
    %shift_right_arithmetic3A_68 = arith.constant 15 : i32
    %shift_right_arithmetic3A_69 = vector.broadcast %shift_right_arithmetic3A_68 : i32 to vector<16xi32>
    %shift_right_arithmetic3A_70 = arith.shrsi %get3A_67, %shift_right_arithmetic3A_69 : vector<16xi32>
    %shift_left3A_71 = arith.constant 13 : i32
    %shift_left3A_72 = vector.broadcast %shift_left3A_71 : i32 to vector<16xi32>
    %shift_left3A_73 = arith.shli %shift_right_arithmetic3A_70, %shift_left3A_72 : vector<16xi32>
    %and3A_74 = arith.constant 8191 : i32
    %and3A_75 = vector.broadcast %and3A_74 : i32 to vector<16xi32>
    %and3A_76 = arith.andi %get3A_67, %and3A_75 : vector<16xi32>
    %or3A_77 = arith.ori %shift_left3A_73, %and3A_76 : vector<16xi32>
    %swap3A_78 = arith.constant 64 : index
    %swap3A_79 = tpu.vector_load %arg5[%swap3A_78] {strides = array<i32>} : memref<512xi32, #tpu.memory_space<vmem>>, vector<16xi32>,
    %swap3A_80 = vector.shape_cast %swap3A_79 : vector<16xi32> to vector<16xi32>
    %swap3A_81 = vector.shape_cast %or3A_77 : vector<16xi32> to vector<16xi32>
    tpu.vector_store %arg5[%swap3A_78], %swap3A_81 {strides = array<i32>} : memref<512xi32, #tpu.memory_space<vmem>>, vector<16xi32>,
    %get3A_82 = arith.constant 80 : index
    %get3A_83 = tpu.vector_load %arg5[%get3A_82] {strides = array<i32>} : memref<512xi32, #tpu.memory_space<vmem>>, vector<16xi32>,
    %get3A_84 = vector.shape_cast %get3A_83 : vector<16xi32> to vector<16xi32>
    %shift_right_arithmetic3A_85 = arith.constant 15 : i32
    %shift_right_arithmetic3A_86 = vector.broadcast %shift_right_arithmetic3A_85 : i32 to vector<16xi32>
    %shift_right_arithmetic3A_87 = arith.shrsi %get3A_84, %shift_right_arithmetic3A_86 : vector<16xi32>
    %shift_left3A_88 = arith.constant 13 : i32
    %shift_left3A_89 = vector.broadcast %shift_left3A_88 : i32 to vector<16xi32>
    %shift_left3A_90 = arith.shli %shift_right_arithmetic3A_87, %shift_left3A_89 : vector<16xi32>
    %and3A_91 = arith.constant 8191 : i32
    %and3A_92 = vector.broadcast %and3A_91 : i32 to vector<16xi32>
    %and3A_93 = arith.andi %get3A_84, %and3A_92 : vector<16xi32>
    %or3A_94 = arith.ori %shift_left3A_90, %and3A_93 : vector<16xi32>
    %swap3A_95 = arith.constant 80 : index
    %swap3A_96 = tpu.vector_load %arg5[%swap3A_95] {strides = array<i32>} : memref<512xi32, #tpu.memory_space<vmem>>, vector<16xi32>,
    %swap3A_97 = vector.shape_cast %swap3A_96 : vector<16xi32> to vector<16xi32>
    %swap3A_98 = vector.shape_cast %or3A_94 : vector<16xi32> to vector<16xi32>
    tpu.vector_store %arg5[%swap3A_95], %swap3A_98 {strides = array<i32>} : memref<512xi32, #tpu.memory_space<vmem>>, vector<16xi32>,
    %get3A_99 = arith.constant 96 : index
    %get3A_100 = tpu.vector_load %arg5[%get3A_99] {strides = array<i32>} : memref<512xi32, #tpu.memory_space<vmem>>, vector<16xi32>,
    %get3A_101 = vector.shape_cast %get3A_100 : vector<16xi32> to vector<16xi32>
    %shift_right_arithmetic3A_102 = arith.constant 15 : i32
    %shift_right_arithmetic3A_103 = vector.broadcast %shift_right_arithmetic3A_102 : i32 to vector<16xi32>
    %shift_right_arithmetic3A_104 = arith.shrsi %get3A_101, %shift_right_arithmetic3A_103 : vector<16xi32>
    %shift_left3A_105 = arith.constant 13 : i32
    %shift_left3A_106 = vector.broadcast %shift_left3A_105 : i32 to vector<16xi32>
    %shift_left3A_107 = arith.shli %shift_right_arithmetic3A_104, %shift_left3A_106 : vector<16xi32>
    %and3A_108 = arith.constant 8191 : i32
    %and3A_109 = vector.broadcast %and3A_108 : i32 to vector<16xi32>
    %and3A_110 = arith.andi %get3A_101, %and3A_109 : vector<16xi32>
    %or3A_111 = arith.ori %shift_left3A_107, %and3A_110 : vector<16xi32>
    %swap3A_112 = arith.constant 96 : index
    %swap3A_113 = tpu.vector_load %arg5[%swap3A_112] {strides = array<i32>} : memref<512xi32, #tpu.memory_space<vmem>>, vector<16xi32>,
    %swap3A_114 = vector.shape_cast %swap3A_113 : vector<16xi32> to vector<16xi32>
    %swap3A_115 = vector.shape_cast %or3A_111 : vector<16xi32> to vector<16xi32>
    tpu.vector_store %arg5[%swap3A_112], %swap3A_115 {strides = array<i32>} : memref<512xi32, #tpu.memory_space<vmem>>, vector<16xi32>,
    %get3A_116 = arith.constant 112 : index
    %get3A_117 = tpu.vector_load %arg5[%get3A_116] {strides = array<i32>} : memref<512xi32, #tpu.memory_space<vmem>>, vector<16xi32>,
    %get3A_118 = vector.shape_cast %get3A_117 : vector<16xi32> to vector<16xi32>
    %shift_right_arithmetic3A_119 = arith.constant 15 : i32
    %shift_right_arithmetic3A_120 = vector.broadcast %shift_right_arithmetic3A_119 : i32 to vector<16xi32>
    %shift_right_arithmetic3A_121 = arith.shrsi %get3A_118, %shift_right_arithmetic3A_120 : vector<16xi32>
    %shift_left3A_122 = arith.constant 13 : i32
    %shift_left3A_123 = vector.broadcast %shift_left3A_122 : i32 to vector<16xi32>
    %shift_left3A_124 = arith.shli %shift_right_arithmetic3A_121, %shift_left3A_123 : vector<16xi32>
    %and3A_125 = arith.constant 8191 : i32
    %and3A_126 = vector.broadcast %and3A_125 : i32 to vector<16xi32>
    %and3A_127 = arith.andi %get3A_118, %and3A_126 : vector<16xi32>
    %or3A_128 = arith.ori %shift_left3A_124, %and3A_127 : vector<16xi32>
    %swap3A_129 = arith.constant 112 : index
    %swap3A_130 = tpu.vector_load %arg5[%swap3A_129] {strides = array<i32>} : memref<512xi32, #tpu.memory_space<vmem>>, vector<16xi32>,
    %swap3A_131 = vector.shape_cast %swap3A_130 : vector<16xi32> to vector<16xi32>
    %swap3A_132 = vector.shape_cast %or3A_128 : vector<16xi32> to vector<16xi32>
    tpu.vector_store %arg5[%swap3A_129], %swap3A_132 {strides = array<i32>} : memref<512xi32, #tpu.memory_space<vmem>>, vector<16xi32>,
    %get3A_133 = arith.constant 128 : index
    %get3A_134 = tpu.vector_load %arg5[%get3A_133] {strides = array<i32>} : memref<512xi32, #tpu.memory_space<vmem>>, vector<16xi32>,
    %get3A_135 = vector.shape_cast %get3A_134 : vector<16xi32> to vector<16xi32>
    %shift_right_arithmetic3A_136 = arith.constant 15 : i32
    %shift_right_arithmetic3A_137 = vector.broadcast %shift_right_arithmetic3A_136 : i32 to vector<16xi32>
    %shift_right_arithmetic3A_138 = arith.shrsi %get3A_135, %shift_right_arithmetic3A_137 : vector<16xi32>
    %shift_left3A_139 = arith.constant 13 : i32
    %shift_left3A_140 = vector.broadcast %shift_left3A_139 : i32 to vector<16xi32>
    %shift_left3A_141 = arith.shli %shift_right_arithmetic3A_138, %shift_left3A_140 : vector<16xi32>
    %and3A_142 = arith.constant 8191 : i32
    %and3A_143 = vector.broadcast %and3A_142 : i32 to vector<16xi32>
    %and3A_144 = arith.andi %get3A_135, %and3A_143 : vector<16xi32>
    %or3A_145 = arith.ori %shift_left3A_141, %and3A_144 : vector<16xi32>
    %swap3A_146 = arith.constant 128 : index
    %swap3A_147 = tpu.vector_load %arg5[%swap3A_146] {strides = array<i32>} : memref<512xi32, #tpu.memory_space<vmem>>, vector<16xi32>,
    %swap3A_148 = vector.shape_cast %swap3A_147 : vector<16xi32> to vector<16xi32>
    %swap3A_149 = vector.shape_cast %or3A_145 : vector<16xi32> to vector<16xi32>
    tpu.vector_store %arg5[%swap3A_146], %swap3A_149 {strides = array<i32>} : memref<512xi32, #tpu.memory_space<vmem>>, vector<16xi32>,
    %get3A_150 = arith.constant 144 : index
    %get3A_151 = tpu.vector_load %arg5[%get3A_150] {strides = array<i32>} : memref<512xi32, #tpu.memory_space<vmem>>, vector<16xi32>,
    %get3A_152 = vector.shape_cast %get3A_151 : vector<16xi32> to vector<16xi32>
    %shift_right_arithmetic3A_153 = arith.constant 15 : i32
    %shift_right_arithmetic3A_154 = vector.broadcast %shift_right_arithmetic3A_153 : i32 to vector<16xi32>
    %shift_right_arithmetic3A_155 = arith.shrsi %get3A_152, %shift_right_arithmetic3A_154 : vector<16xi32>
    %shift_left3A_156 = arith.constant 13 : i32
    %shift_left3A_157 = vector.broadcast %shift_left3A_156 : i32 to vector<16xi32>
    %shift_left3A_158 = arith.shli %shift_right_arithmetic3A_155, %shift_left3A_157 : vector<16xi32>
    %and3A_159 = arith.constant 8191 : i32
    %and3A_160 = vector.broadcast %and3A_159 : i32 to vector<16xi32>
    %and3A_161 = arith.andi %get3A_152, %and3A_160 : vector<16xi32>
    %or3A_162 = arith.ori %shift_left3A_158, %and3A_161 : vector<16xi32>
    %swap3A_163 = arith.constant 144 : index
    %swap3A_164 = tpu.vector_load %arg5[%swap3A_163] {strides = array<i32>} : memref<512xi32, #tpu.memory_space<vmem>>, vector<16xi32>,
    %swap3A_165 = vector.shape_cast %swap3A_164 : vector<16xi32> to vector<16xi32>
    %swap3A_166 = vector.shape_cast %or3A_162 : vector<16xi32> to vector<16xi32>
    tpu.vector_store %arg5[%swap3A_163], %swap3A_166 {strides = array<i32>} : memref<512xi32, #tpu.memory_space<vmem>>, vector<16xi32>,
    %get3A_167 = arith.constant 160 : index
    %get3A_168 = tpu.vector_load %arg5[%get3A_167] {strides = array<i32>} : memref<512xi32, #tpu.memory_space<vmem>>, vector<16xi32>,
    %get3A_169 = vector.shape_cast %get3A_168 : vector<16xi32> to vector<16xi32>
    %shift_right_arithmetic3A_170 = arith.constant 15 : i32
    %shift_right_arithmetic3A_171 = vector.broadcast %shift_right_arithmetic3A_170 : i32 to vector<16xi32>
    %shift_right_arithmetic3A_172 = arith.shrsi %get3A_169, %shift_right_arithmetic3A_171 : vector<16xi32>
    %shift_left3A_173 = arith.constant 13 : i32
    %shift_left3A_174 = vector.broadcast %shift_left3A_173 : i32 to vector<16xi32>
    %shift_left3A_175 = arith.shli %shift_right_arithmetic3A_172, %shift_left3A_174 : vector<16xi32>
    %and3A_176 = arith.constant 8191 : i32
    %and3A_177 = vector.broadcast %and3A_176 : i32 to vector<16xi32>
    %and3A_178 = arith.andi %get3A_169, %and3A_177 : vector<16xi32>
    %or3A_179 = arith.ori %shift_left3A_175, %and3A_178 : vector<16xi32>
    %swap3A_180 = arith.constant 160 : index
    %swap3A_181 = tpu.vector_load %arg5[%swap3A_180] {strides = array<i32>} : memref<512xi32, #tpu.memory_space<vmem>>, vector<16xi32>,
    %swap3A_182 = vector.shape_cast %swap3A_181 : vector<16xi32> to vector<16xi32>
    %swap3A_183 = vector.shape_cast %or3A_179 : vector<16xi32> to vector<16xi32>
    tpu.vector_store %arg5[%swap3A_180], %swap3A_183 {strides = array<i32>} : memref<512xi32, #tpu.memory_space<vmem>>, vector<16xi32>,
    %get3A_184 = arith.constant 176 : index
    %get3A_185 = tpu.vector_load %arg5[%get3A_184] {strides = array<i32>} : memref<512xi32, #tpu.memory_space<vmem>>, vector<16xi32>,
    %get3A_186 = vector.shape_cast %get3A_185 : vector<16xi32> to vector<16xi32>
    %shift_right_arithmetic3A_187 = arith.constant 15 : i32
    %shift_right_arithmetic3A_188 = vector.broadcast %shift_right_arithmetic3A_187 : i32 to vector<16xi32>
    %shift_right_arithmetic3A_189 = arith.shrsi %get3A_186, %shift_right_arithmetic3A_188 : vector<16xi32>
    %shift_left3A_190 = arith.constant 13 : i32
    %shift_left3A_191 = vector.broadcast %shift_left3A_190 : i32 to vector<16xi32>
    %shift_left3A_192 = arith.shli %shift_right_arithmetic3A_189, %shift_left3A_191 : vector<16xi32>
    %and3A_193 = arith.constant 8191 : i32
    %and3A_194 = vector.broadcast %and3A_193 : i32 to vector<16xi32>
    %and3A_195 = arith.andi %get3A_186, %and3A_194 : vector<16xi32>
    %or3A_196 = arith.ori %shift_left3A_192, %and3A_195 : vector<16xi32>
    %swap3A_197 = arith.constant 176 : index
    %swap3A_198 = tpu.vector_load %arg5[%swap3A_197] {strides = array<i32>} : memref<512xi32, #tpu.memory_space<vmem>>, vector<16xi32>,
    %swap3A_199 = vector.shape_cast %swap3A_198 : vector<16xi32> to vector<16xi32>
    %swap3A_200 = vector.shape_cast %or3A_196 : vector<16xi32> to vector<16xi32>
    tpu.vector_store %arg5[%swap3A_197], %swap3A_200 {strides = array<i32>} : memref<512xi32, #tpu.memory_space<vmem>>, vector<16xi32>,
    %get3A_201 = arith.constant 192 : index
    %get3A_202 = tpu.vector_load %arg5[%get3A_201] {strides = array<i32>} : memref<512xi32, #tpu.memory_space<vmem>>, vector<16xi32>,
    %get3A_203 = vector.shape_cast %get3A_202 : vector<16xi32> to vector<16xi32>
    %shift_right_arithmetic3A_204 = arith.constant 15 : i32
    %shift_right_arithmetic3A_205 = vector.broadcast %shift_right_arithmetic3A_204 : i32 to vector<16xi32>
    %shift_right_arithmetic3A_206 = arith.shrsi %get3A_203, %shift_right_arithmetic3A_205 : vector<16xi32>
    %shift_left3A_207 = arith.constant 13 : i32
    %shift_left3A_208 = vector.broadcast %shift_left3A_207 : i32 to vector<16xi32>
    %shift_left3A_209 = arith.shli %shift_right_arithmetic3A_206, %shift_left3A_208 : vector<16xi32>
    %and3A_210 = arith.constant 8191 : i32
    %and3A_211 = vector.broadcast %and3A_210 : i32 to vector<16xi32>
    %and3A_212 = arith.andi %get3A_203, %and3A_211 : vector<16xi32>
    %or3A_213 = arith.ori %shift_left3A_209, %and3A_212 : vector<16xi32>
    %swap3A_214 = arith.constant 192 : index
    %swap3A_215 = tpu.vector_load %arg5[%swap3A_214] {strides = array<i32>} : memref<512xi32, #tpu.memory_space<vmem>>, vector<16xi32>,
    %swap3A_216 = vector.shape_cast %swap3A_215 : vector<16xi32> to vector<16xi32>
    %swap3A_217 = vector.shape_cast %or3A_213 : vector<16xi32> to vector<16xi32>
    tpu.vector_store %arg5[%swap3A_214], %swap3A_217 {strides = array<i32>} : memref<512xi32, #tpu.memory_space<vmem>>, vector<16xi32>,
    %get3A_218 = arith.constant 208 : index
    %get3A_219 = tpu.vector_load %arg5[%get3A_218] {strides = array<i32>} : memref<512xi32, #tpu.memory_space<vmem>>, vector<16xi32>,
    %get3A_220 = vector.shape_cast %get3A_219 : vector<16xi32> to vector<16xi32>
    %shift_right_arithmetic3A_221 = arith.constant 15 : i32
    %shift_right_arithmetic3A_222 = vector.broadcast %shift_right_arithmetic3A_221 : i32 to vector<16xi32>
    %shift_right_arithmetic3A_223 = arith.shrsi %get3A_220, %shift_right_arithmetic3A_222 : vector<16xi32>
    %shift_left3A_224 = arith.constant 13 : i32
    %shift_left3A_225 = vector.broadcast %shift_left3A_224 : i32 to vector<16xi32>
    %shift_left3A_226 = arith.shli %shift_right_arithmetic3A_223, %shift_left3A_225 : vector<16xi32>
    %and3A_227 = arith.constant 8191 : i32
    %and3A_228 = vector.broadcast %and3A_227 : i32 to vector<16xi32>
    %and3A_229 = arith.andi %get3A_220, %and3A_228 : vector<16xi32>
    %or3A_230 = arith.ori %shift_left3A_226, %and3A_229 : vector<16xi32>
    %swap3A_231 = arith.constant 208 : index
    %swap3A_232 = tpu.vector_load %arg5[%swap3A_231] {strides = array<i32>} : memref<512xi32, #tpu.memory_space<vmem>>, vector<16xi32>,
    %swap3A_233 = vector.shape_cast %swap3A_232 : vector<16xi32> to vector<16xi32>
    %swap3A_234 = vector.shape_cast %or3A_230 : vector<16xi32> to vector<16xi32>
    tpu.vector_store %arg5[%swap3A_231], %swap3A_234 {strides = array<i32>} : memref<512xi32, #tpu.memory_space<vmem>>, vector<16xi32>,
    %get3A_235 = arith.constant 224 : index
    %get3A_236 = tpu.vector_load %arg5[%get3A_235] {strides = array<i32>} : memref<512xi32, #tpu.memory_space<vmem>>, vector<16xi32>,
    %get3A_237 = vector.shape_cast %get3A_236 : vector<16xi32> to vector<16xi32>
    %shift_right_arithmetic3A_238 = arith.constant 15 : i32
    %shift_right_arithmetic3A_239 = vector.broadcast %shift_right_arithmetic3A_238 : i32 to vector<16xi32>
    %shift_right_arithmetic3A_240 = arith.shrsi %get3A_237, %shift_right_arithmetic3A_239 : vector<16xi32>
    %shift_left3A_241 = arith.constant 13 : i32
    %shift_left3A_242 = vector.broadcast %shift_left3A_241 : i32 to vector<16xi32>
    %shift_left3A_243 = arith.shli %shift_right_arithmetic3A_240, %shift_left3A_242 : vector<16xi32>
    %and3A_244 = arith.constant 8191 : i32
    %and3A_245 = vector.broadcast %and3A_244 : i32 to vector<16xi32>
    %and3A_246 = arith.andi %get3A_237, %and3A_245 : vector<16xi32>
    %or3A_247 = arith.ori %shift_left3A_243, %and3A_246 : vector<16xi32>
    %swap3A_248 = arith.constant 224 : index
    %swap3A_249 = tpu.vector_load %arg5[%swap3A_248] {strides = array<i32>} : memref<512xi32, #tpu.memory_space<vmem>>, vector<16xi32>,
    %swap3A_250 = vector.shape_cast %swap3A_249 : vector<16xi32> to vector<16xi32>
    %swap3A_251 = vector.shape_cast %or3A_247 : vector<16xi32> to vector<16xi32>
    tpu.vector_store %arg5[%swap3A_248], %swap3A_251 {strides = array<i32>} : memref<512xi32, #tpu.memory_space<vmem>>, vector<16xi32>,
    %get3A_252 = arith.constant 240 : index
    %get3A_253 = tpu.vector_load %arg5[%get3A_252] {strides = array<i32>} : memref<512xi32, #tpu.memory_space<vmem>>, vector<16xi32>,
    %get3A_254 = vector.shape_cast %get3A_253 : vector<16xi32> to vector<16xi32>
    %shift_right_arithmetic3A_255 = arith.constant 15 : i32
    %shift_right_arithmetic3A_256 = vector.broadcast %shift_right_arithmetic3A_255 : i32 to vector<16xi32>
    %shift_right_arithmetic3A_257 = arith.shrsi %get3A_254, %shift_right_arithmetic3A_256 : vector<16xi32>
    %shift_left3A_258 = arith.constant 13 : i32
    %shift_left3A_259 = vector.broadcast %shift_left3A_258 : i32 to vector<16xi32>
    %shift_left3A_260 = arith.shli %shift_right_arithmetic3A_257, %shift_left3A_259 : vector<16xi32>
    %and3A_261 = arith.constant 8191 : i32
    %and3A_262 = vector.broadcast %and3A_261 : i32 to vector<16xi32>
    %and3A_263 = arith.andi %get3A_254, %and3A_262 : vector<16xi32>
    %or3A_264 = arith.ori %shift_left3A_260, %and3A_263 : vector<16xi32>
    %swap3A_265 = arith.constant 240 : index
    %swap3A_266 = tpu.vector_load %arg5[%swap3A_265] {strides = array<i32>} : memref<512xi32, #tpu.memory_space<vmem>>, vector<16xi32>,
    %swap3A_267 = vector.shape_cast %swap3A_266 : vector<16xi32> to vector<16xi32>
    %swap3A_268 = vector.shape_cast %or3A_264 : vector<16xi32> to vector<16xi32>
    tpu.vector_store %arg5[%swap3A_265], %swap3A_268 {strides = array<i32>} : memref<512xi32, #tpu.memory_space<vmem>>, vector<16xi32>,
    %get3A_269 = arith.constant 256 : index
    %get3A_270 = tpu.vector_load %arg5[%get3A_269] {strides = array<i32>} : memref<512xi32, #tpu.memory_space<vmem>>, vector<16xi32>,
    %get3A_271 = vector.shape_cast %get3A_270 : vector<16xi32> to vector<16xi32>
    %shift_right_arithmetic3A_272 = arith.constant 15 : i32
    %shift_right_arithmetic3A_273 = vector.broadcast %shift_right_arithmetic3A_272 : i32 to vector<16xi32>
    %shift_right_arithmetic3A_274 = arith.shrsi %get3A_271, %shift_right_arithmetic3A_273 : vector<16xi32>
    %shift_left3A_275 = arith.constant 13 : i32
    %shift_left3A_276 = vector.broadcast %shift_left3A_275 : i32 to vector<16xi32>
    %shift_left3A_277 = arith.shli %shift_right_arithmetic3A_274, %shift_left3A_276 : vector<16xi32>
    %and3A_278 = arith.constant 8191 : i32
    %and3A_279 = vector.broadcast %and3A_278 : i32 to vector<16xi32>
    %and3A_280 = arith.andi %get3A_271, %and3A_279 : vector<16xi32>
    %or3A_281 = arith.ori %shift_left3A_277, %and3A_280 : vector<16xi32>
    %swap3A_282 = arith.constant 256 : index
    %swap3A_283 = tpu.vector_load %arg5[%swap3A_282] {strides = array<i32>} : memref<512xi32, #tpu.memory_space<vmem>>, vector<16xi32>,
    %swap3A_284 = vector.shape_cast %swap3A_283 : vector<16xi32> to vector<16xi32>
    %swap3A_285 = vector.shape_cast %or3A_281 : vector<16xi32> to vector<16xi32>
    tpu.vector_store %arg5[%swap3A_282], %swap3A_285 {strides = array<i32>} : memref<512xi32, #tpu.memory_space<vmem>>, vector<16xi32>,
    %get3A_286 = arith.constant 272 : index
    %get3A_287 = tpu.vector_load %arg5[%get3A_286] {strides = array<i32>} : memref<512xi32, #tpu.memory_space<vmem>>, vector<16xi32>,
    %get3A_288 = vector.shape_cast %get3A_287 : vector<16xi32> to vector<16xi32>
    %shift_right_arithmetic3A_289 = arith.constant 15 : i32
    %shift_right_arithmetic3A_290 = vector.broadcast %shift_right_arithmetic3A_289 : i32 to vector<16xi32>
    %shift_right_arithmetic3A_291 = arith.shrsi %get3A_288, %shift_right_arithmetic3A_290 : vector<16xi32>
    %shift_left3A_292 = arith.constant 13 : i32
    %shift_left3A_293 = vector.broadcast %shift_left3A_292 : i32 to vector<16xi32>
    %shift_left3A_294 = arith.shli %shift_right_arithmetic3A_291, %shift_left3A_293 : vector<16xi32>
    %and3A_295 = arith.constant 8191 : i32
    %and3A_296 = vector.broadcast %and3A_295 : i32 to vector<16xi32>
    %and3A_297 = arith.andi %get3A_288, %and3A_296 : vector<16xi32>
    %or3A_298 = arith.ori %shift_left3A_294, %and3A_297 : vector<16xi32>
    %swap3A_299 = arith.constant 272 : index
    %swap3A_300 = tpu.vector_load %arg5[%swap3A_299] {strides = array<i32>} : memref<512xi32, #tpu.memory_space<vmem>>, vector<16xi32>,
    %swap3A_301 = vector.shape_cast %swap3A_300 : vector<16xi32> to vector<16xi32>
    %swap3A_302 = vector.shape_cast %or3A_298 : vector<16xi32> to vector<16xi32>
    tpu.vector_store %arg5[%swap3A_299], %swap3A_302 {strides = array<i32>} : memref<512xi32, #tpu.memory_space<vmem>>, vector<16xi32>,
    %get3A_303 = arith.constant 288 : index
    %get3A_304 = tpu.vector_load %arg5[%get3A_303] {strides = array<i32>} : memref<512xi32, #tpu.memory_space<vmem>>, vector<16xi32>,
    %get3A_305 = vector.shape_cast %get3A_304 : vector<16xi32> to vector<16xi32>
    %shift_right_arithmetic3A_306 = arith.constant 15 : i32
    %shift_right_arithmetic3A_307 = vector.broadcast %shift_right_arithmetic3A_306 : i32 to vector<16xi32>
    %shift_right_arithmetic3A_308 = arith.shrsi %get3A_305, %shift_right_arithmetic3A_307 : vector<16xi32>
    %shift_left3A_309 = arith.constant 13 : i32
    %shift_left3A_310 = vector.broadcast %shift_left3A_309 : i32 to vector<16xi32>
    %shift_left3A_311 = arith.shli %shift_right_arithmetic3A_308, %shift_left3A_310 : vector<16xi32>
    %and3A_312 = arith.constant 8191 : i32
    %and3A_313 = vector.broadcast %and3A_312 : i32 to vector<16xi32>
    %and3A_314 = arith.andi %get3A_305, %and3A_313 : vector<16xi32>
    %or3A_315 = arith.ori %shift_left3A_311, %and3A_314 : vector<16xi32>
    %swap3A_316 = arith.constant 288 : index
    %swap3A_317 = tpu.vector_load %arg5[%swap3A_316] {strides = array<i32>} : memref<512xi32, #tpu.memory_space<vmem>>, vector<16xi32>,
    %swap3A_318 = vector.shape_cast %swap3A_317 : vector<16xi32> to vector<16xi32>
    %swap3A_319 = vector.shape_cast %or3A_315 : vector<16xi32> to vector<16xi32>
    tpu.vector_store %arg5[%swap3A_316], %swap3A_319 {strides = array<i32>} : memref<512xi32, #tpu.memory_space<vmem>>, vector<16xi32>,
    %get3A_320 = arith.constant 304 : index
    %get3A_321 = tpu.vector_load %arg5[%get3A_320] {strides = array<i32>} : memref<512xi32, #tpu.memory_space<vmem>>, vector<16xi32>,
    %get3A_322 = vector.shape_cast %get3A_321 : vector<16xi32> to vector<16xi32>
    %shift_right_arithmetic3A_323 = arith.constant 15 : i32
    %shift_right_arithmetic3A_324 = vector.broadcast %shift_right_arithmetic3A_323 : i32 to vector<16xi32>
    %shift_right_arithmetic3A_325 = arith.shrsi %get3A_322, %shift_right_arithmetic3A_324 : vector<16xi32>
    %shift_left3A_326 = arith.constant 13 : i32
    %shift_left3A_327 = vector.broadcast %shift_left3A_326 : i32 to vector<16xi32>
    %shift_left3A_328 = arith.shli %shift_right_arithmetic3A_325, %shift_left3A_327 : vector<16xi32>
    %and3A_329 = arith.constant 8191 : i32
    %and3A_330 = vector.broadcast %and3A_329 : i32 to vector<16xi32>
    %and3A_331 = arith.andi %get3A_322, %and3A_330 : vector<16xi32>
    %or3A_332 = arith.ori %shift_left3A_328, %and3A_331 : vector<16xi32>
    %swap3A_333 = arith.constant 304 : index
    %swap3A_334 = tpu.vector_load %arg5[%swap3A_333] {strides = array<i32>} : memref<512xi32, #tpu.memory_space<vmem>>, vector<16xi32>,
    %swap3A_335 = vector.shape_cast %swap3A_334 : vector<16xi32> to vector<16xi32>
    %swap3A_336 = vector.shape_cast %or3A_332 : vector<16xi32> to vector<16xi32>
    tpu.vector_store %arg5[%swap3A_333], %swap3A_336 {strides = array<i32>} : memref<512xi32, #tpu.memory_space<vmem>>, vector<16xi32>,
    %get3A_337 = arith.constant 320 : index
    %get3A_338 = tpu.vector_load %arg5[%get3A_337] {strides = array<i32>} : memref<512xi32, #tpu.memory_space<vmem>>, vector<16xi32>,
    %get3A_339 = vector.shape_cast %get3A_338 : vector<16xi32> to vector<16xi32>
    %shift_right_arithmetic3A_340 = arith.constant 15 : i32
    %shift_right_arithmetic3A_341 = vector.broadcast %shift_right_arithmetic3A_340 : i32 to vector<16xi32>
    %shift_right_arithmetic3A_342 = arith.shrsi %get3A_339, %shift_right_arithmetic3A_341 : vector<16xi32>
    %shift_left3A_343 = arith.constant 13 : i32
    %shift_left3A_344 = vector.broadcast %shift_left3A_343 : i32 to vector<16xi32>
    %shift_left3A_345 = arith.shli %shift_right_arithmetic3A_342, %shift_left3A_344 : vector<16xi32>
    %and3A_346 = arith.constant 8191 : i32
    %and3A_347 = vector.broadcast %and3A_346 : i32 to vector<16xi32>
    %and3A_348 = arith.andi %get3A_339, %and3A_347 : vector<16xi32>
    %or3A_349 = arith.ori %shift_left3A_345, %and3A_348 : vector<16xi32>
    %swap3A_350 = arith.constant 320 : index
    %swap3A_351 = tpu.vector_load %arg5[%swap3A_350] {strides = array<i32>} : memref<512xi32, #tpu.memory_space<vmem>>, vector<16xi32>,
    %swap3A_352 = vector.shape_cast %swap3A_351 : vector<16xi32> to vector<16xi32>
    %swap3A_353 = vector.shape_cast %or3A_349 : vector<16xi32> to vector<16xi32>
    tpu.vector_store %arg5[%swap3A_350], %swap3A_353 {strides = array<i32>} : memref<512xi32, #tpu.memory_space<vmem>>, vector<16xi32>,
    %get3A_354 = arith.constant 336 : index
    %get3A_355 = tpu.vector_load %arg5[%get3A_354] {strides = array<i32>} : memref<512xi32, #tpu.memory_space<vmem>>, vector<16xi32>,
    %get3A_356 = vector.shape_cast %get3A_355 : vector<16xi32> to vector<16xi32>
    %shift_right_arithmetic3A_357 = arith.constant 15 : i32
    %shift_right_arithmetic3A_358 = vector.broadcast %shift_right_arithmetic3A_357 : i32 to vector<16xi32>
    %shift_right_arithmetic3A_359 = arith.shrsi %get3A_356, %shift_right_arithmetic3A_358 : vector<16xi32>
    %shift_left3A_360 = arith.constant 13 : i32
    %shift_left3A_361 = vector.broadcast %shift_left3A_360 : i32 to vector<16xi32>
    %shift_left3A_362 = arith.shli %shift_right_arithmetic3A_359, %shift_left3A_361 : vector<16xi32>
    %and3A_363 = arith.constant 8191 : i32
    %and3A_364 = vector.broadcast %and3A_363 : i32 to vector<16xi32>
    %and3A_365 = arith.andi %get3A_356, %and3A_364 : vector<16xi32>
    %or3A_366 = arith.ori %shift_left3A_362, %and3A_365 : vector<16xi32>
    %swap3A_367 = arith.constant 336 : index
    %swap3A_368 = tpu.vector_load %arg5[%swap3A_367] {strides = array<i32>} : memref<512xi32, #tpu.memory_space<vmem>>, vector<16xi32>,
    %swap3A_369 = vector.shape_cast %swap3A_368 : vector<16xi32> to vector<16xi32>
    %swap3A_370 = vector.shape_cast %or3A_366 : vector<16xi32> to vector<16xi32>
    tpu.vector_store %arg5[%swap3A_367], %swap3A_370 {strides = array<i32>} : memref<512xi32, #tpu.memory_space<vmem>>, vector<16xi32>,
    %get3A_371 = arith.constant 352 : index
    %get3A_372 = tpu.vector_load %arg5[%get3A_371] {strides = array<i32>} : memref<512xi32, #tpu.memory_space<vmem>>, vector<16xi32>,
    %get3A_373 = vector.shape_cast %get3A_372 : vector<16xi32> to vector<16xi32>
    %shift_right_arithmetic3A_374 = arith.constant 15 : i32
    %shift_right_arithmetic3A_375 = vector.broadcast %shift_right_arithmetic3A_374 : i32 to vector<16xi32>
    %shift_right_arithmetic3A_376 = arith.shrsi %get3A_373, %shift_right_arithmetic3A_375 : vector<16xi32>
    %shift_left3A_377 = arith.constant 13 : i32
    %shift_left3A_378 = vector.broadcast %shift_left3A_377 : i32 to vector<16xi32>
    %shift_left3A_379 = arith.shli %shift_right_arithmetic3A_376, %shift_left3A_378 : vector<16xi32>
    %and3A_380 = arith.constant 8191 : i32
    %and3A_381 = vector.broadcast %and3A_380 : i32 to vector<16xi32>
    %and3A_382 = arith.andi %get3A_373, %and3A_381 : vector<16xi32>
    %or3A_383 = arith.ori %shift_left3A_379, %and3A_382 : vector<16xi32>
    %swap3A_384 = arith.constant 352 : index
    %swap3A_385 = tpu.vector_load %arg5[%swap3A_384] {strides = array<i32>} : memref<512xi32, #tpu.memory_space<vmem>>, vector<16xi32>,
    %swap3A_386 = vector.shape_cast %swap3A_385 : vector<16xi32> to vector<16xi32>
    %swap3A_387 = vector.shape_cast %or3A_383 : vector<16xi32> to vector<16xi32>
    tpu.vector_store %arg5[%swap3A_384], %swap3A_387 {strides = array<i32>} : memref<512xi32, #tpu.memory_space<vmem>>, vector<16xi32>,
    %get3A_388 = arith.constant 368 : index
    %get3A_389 = tpu.vector_load %arg5[%get3A_388] {strides = array<i32>} : memref<512xi32, #tpu.memory_space<vmem>>, vector<16xi32>,
    %get3A_390 = vector.shape_cast %get3A_389 : vector<16xi32> to vector<16xi32>
    %shift_right_arithmetic3A_391 = arith.constant 15 : i32
    %shift_right_arithmetic3A_392 = vector.broadcast %shift_right_arithmetic3A_391 : i32 to vector<16xi32>
    %shift_right_arithmetic3A_393 = arith.shrsi %get3A_390, %shift_right_arithmetic3A_392 : vector<16xi32>
    %shift_left3A_394 = arith.constant 13 : i32
    %shift_left3A_395 = vector.broadcast %shift_left3A_394 : i32 to vector<16xi32>
    %shift_left3A_396 = arith.shli %shift_right_arithmetic3A_393, %shift_left3A_395 : vector<16xi32>
    %and3A_397 = arith.constant 8191 : i32
    %and3A_398 = vector.broadcast %and3A_397 : i32 to vector<16xi32>
    %and3A_399 = arith.andi %get3A_390, %and3A_398 : vector<16xi32>
    %or3A_400 = arith.ori %shift_left3A_396, %and3A_399 : vector<16xi32>
    %swap3A_401 = arith.constant 368 : index
    %swap3A_402 = tpu.vector_load %arg5[%swap3A_401] {strides = array<i32>} : memref<512xi32, #tpu.memory_space<vmem>>, vector<16xi32>,
    %swap3A_403 = vector.shape_cast %swap3A_402 : vector<16xi32> to vector<16xi32>
    %swap3A_404 = vector.shape_cast %or3A_400 : vector<16xi32> to vector<16xi32>
    tpu.vector_store %arg5[%swap3A_401], %swap3A_404 {strides = array<i32>} : memref<512xi32, #tpu.memory_space<vmem>>, vector<16xi32>,
    %get3A_405 = arith.constant 384 : index
    %get3A_406 = tpu.vector_load %arg5[%get3A_405] {strides = array<i32>} : memref<512xi32, #tpu.memory_space<vmem>>, vector<16xi32>,
    %get3A_407 = vector.shape_cast %get3A_406 : vector<16xi32> to vector<16xi32>
    %shift_right_arithmetic3A_408 = arith.constant 15 : i32
    %shift_right_arithmetic3A_409 = vector.broadcast %shift_right_arithmetic3A_408 : i32 to vector<16xi32>
    %shift_right_arithmetic3A_410 = arith.shrsi %get3A_407, %shift_right_arithmetic3A_409 : vector<16xi32>
    %shift_left3A_411 = arith.constant 13 : i32
    %shift_left3A_412 = vector.broadcast %shift_left3A_411 : i32 to vector<16xi32>
    %shift_left3A_413 = arith.shli %shift_right_arithmetic3A_410, %shift_left3A_412 : vector<16xi32>
    %and3A_414 = arith.constant 8191 : i32
    %and3A_415 = vector.broadcast %and3A_414 : i32 to vector<16xi32>
    %and3A_416 = arith.andi %get3A_407, %and3A_415 : vector<16xi32>
    %or3A_417 = arith.ori %shift_left3A_413, %and3A_416 : vector<16xi32>
    %swap3A_418 = arith.constant 384 : index
    %swap3A_419 = tpu.vector_load %arg5[%swap3A_418] {strides = array<i32>} : memref<512xi32, #tpu.memory_space<vmem>>, vector<16xi32>,
    %swap3A_420 = vector.shape_cast %swap3A_419 : vector<16xi32> to vector<16xi32>
    %swap3A_421 = vector.shape_cast %or3A_417 : vector<16xi32> to vector<16xi32>
    tpu.vector_store %arg5[%swap3A_418], %swap3A_421 {strides = array<i32>} : memref<512xi32, #tpu.memory_space<vmem>>, vector<16xi32>,
    %get3A_422 = arith.constant 400 : index
    %get3A_423 = tpu.vector_load %arg5[%get3A_422] {strides = array<i32>} : memref<512xi32, #tpu.memory_space<vmem>>, vector<16xi32>,
    %get3A_424 = vector.shape_cast %get3A_423 : vector<16xi32> to vector<16xi32>
    %shift_right_arithmetic3A_425 = arith.constant 15 : i32
    %shift_right_arithmetic3A_426 = vector.broadcast %shift_right_arithmetic3A_425 : i32 to vector<16xi32>
    %shift_right_arithmetic3A_427 = arith.shrsi %get3A_424, %shift_right_arithmetic3A_426 : vector<16xi32>
    %shift_left3A_428 = arith.constant 13 : i32
    %shift_left3A_429 = vector.broadcast %shift_left3A_428 : i32 to vector<16xi32>
    %shift_left3A_430 = arith.shli %shift_right_arithmetic3A_427, %shift_left3A_429 : vector<16xi32>
    %and3A_431 = arith.constant 8191 : i32
    %and3A_432 = vector.broadcast %and3A_431 : i32 to vector<16xi32>
    %and3A_433 = arith.andi %get3A_424, %and3A_432 : vector<16xi32>
    %or3A_434 = arith.ori %shift_left3A_430, %and3A_433 : vector<16xi32>
    %swap3A_435 = arith.constant 400 : index
    %swap3A_436 = tpu.vector_load %arg5[%swap3A_435] {strides = array<i32>} : memref<512xi32, #tpu.memory_space<vmem>>, vector<16xi32>,
    %swap3A_437 = vector.shape_cast %swap3A_436 : vector<16xi32> to vector<16xi32>
    %swap3A_438 = vector.shape_cast %or3A_434 : vector<16xi32> to vector<16xi32>
    tpu.vector_store %arg5[%swap3A_435], %swap3A_438 {strides = array<i32>} : memref<512xi32, #tpu.memory_space<vmem>>, vector<16xi32>,
    %get3A_439 = arith.constant 416 : index
    %get3A_440 = tpu.vector_load %arg5[%get3A_439] {strides = array<i32>} : memref<512xi32, #tpu.memory_space<vmem>>, vector<16xi32>,
    %get3A_441 = vector.shape_cast %get3A_440 : vector<16xi32> to vector<16xi32>
    %shift_right_arithmetic3A_442 = arith.constant 15 : i32
    %shift_right_arithmetic3A_443 = vector.broadcast %shift_right_arithmetic3A_442 : i32 to vector<16xi32>
    %shift_right_arithmetic3A_444 = arith.shrsi %get3A_441, %shift_right_arithmetic3A_443 : vector<16xi32>
    %shift_left3A_445 = arith.constant 13 : i32
    %shift_left3A_446 = vector.broadcast %shift_left3A_445 : i32 to vector<16xi32>
    %shift_left3A_447 = arith.shli %shift_right_arithmetic3A_444, %shift_left3A_446 : vector<16xi32>
    %and3A_448 = arith.constant 8191 : i32
    %and3A_449 = vector.broadcast %and3A_448 : i32 to vector<16xi32>
    %and3A_450 = arith.andi %get3A_441, %and3A_449 : vector<16xi32>
    %or3A_451 = arith.ori %shift_left3A_447, %and3A_450 : vector<16xi32>
    %swap3A_452 = arith.constant 416 : index
    %swap3A_453 = tpu.vector_load %arg5[%swap3A_452] {strides = array<i32>} : memref<512xi32, #tpu.memory_space<vmem>>, vector<16xi32>,
    %swap3A_454 = vector.shape_cast %swap3A_453 : vector<16xi32> to vector<16xi32>
    %swap3A_455 = vector.shape_cast %or3A_451 : vector<16xi32> to vector<16xi32>
    tpu.vector_store %arg5[%swap3A_452], %swap3A_455 {strides = array<i32>} : memref<512xi32, #tpu.memory_space<vmem>>, vector<16xi32>,
    %get3A_456 = arith.constant 432 : index
    %get3A_457 = tpu.vector_load %arg5[%get3A_456] {strides = array<i32>} : memref<512xi32, #tpu.memory_space<vmem>>, vector<16xi32>,
    %get3A_458 = vector.shape_cast %get3A_457 : vector<16xi32> to vector<16xi32>
    %shift_right_arithmetic3A_459 = arith.constant 15 : i32
    %shift_right_arithmetic3A_460 = vector.broadcast %shift_right_arithmetic3A_459 : i32 to vector<16xi32>
    %shift_right_arithmetic3A_461 = arith.shrsi %get3A_458, %shift_right_arithmetic3A_460 : vector<16xi32>
    %shift_left3A_462 = arith.constant 13 : i32
    %shift_left3A_463 = vector.broadcast %shift_left3A_462 : i32 to vector<16xi32>
    %shift_left3A_464 = arith.shli %shift_right_arithmetic3A_461, %shift_left3A_463 : vector<16xi32>
    %and3A_465 = arith.constant 8191 : i32
    %and3A_466 = vector.broadcast %and3A_465 : i32 to vector<16xi32>
    %and3A_467 = arith.andi %get3A_458, %and3A_466 : vector<16xi32>
    %or3A_468 = arith.ori %shift_left3A_464, %and3A_467 : vector<16xi32>
    %swap3A_469 = arith.constant 432 : index
    %swap3A_470 = tpu.vector_load %arg5[%swap3A_469] {strides = array<i32>} : memref<512xi32, #tpu.memory_space<vmem>>, vector<16xi32>,
    %swap3A_471 = vector.shape_cast %swap3A_470 : vector<16xi32> to vector<16xi32>
    %swap3A_472 = vector.shape_cast %or3A_468 : vector<16xi32> to vector<16xi32>
    tpu.vector_store %arg5[%swap3A_469], %swap3A_472 {strides = array<i32>} : memref<512xi32, #tpu.memory_space<vmem>>, vector<16xi32>,
    %get3A_473 = arith.constant 448 : index
    %get3A_474 = tpu.vector_load %arg5[%get3A_473] {strides = array<i32>} : memref<512xi32, #tpu.memory_space<vmem>>, vector<16xi32>,
    %get3A_475 = vector.shape_cast %get3A_474 : vector<16xi32> to vector<16xi32>
    %shift_right_arithmetic3A_476 = arith.constant 15 : i32
    %shift_right_arithmetic3A_477 = vector.broadcast %shift_right_arithmetic3A_476 : i32 to vector<16xi32>
    %shift_right_arithmetic3A_478 = arith.shrsi %get3A_475, %shift_right_arithmetic3A_477 : vector<16xi32>
    %shift_left3A_479 = arith.constant 13 : i32
    %shift_left3A_480 = vector.broadcast %shift_left3A_479 : i32 to vector<16xi32>
    %shift_left3A_481 = arith.shli %shift_right_arithmetic3A_478, %shift_left3A_480 : vector<16xi32>
    %and3A_482 = arith.constant 8191 : i32
    %and3A_483 = vector.broadcast %and3A_482 : i32 to vector<16xi32>
    %and3A_484 = arith.andi %get3A_475, %and3A_483 : vector<16xi32>
    %or3A_485 = arith.ori %shift_left3A_481, %and3A_484 : vector<16xi32>
    %swap3A_486 = arith.constant 448 : index
    %swap3A_487 = tpu.vector_load %arg5[%swap3A_486] {strides = array<i32>} : memref<512xi32, #tpu.memory_space<vmem>>, vector<16xi32>,
    %swap3A_488 = vector.shape_cast %swap3A_487 : vector<16xi32> to vector<16xi32>
    %swap3A_489 = vector.shape_cast %or3A_485 : vector<16xi32> to vector<16xi32>
    tpu.vector_store %arg5[%swap3A_486], %swap3A_489 {strides = array<i32>} : memref<512xi32, #tpu.memory_space<vmem>>, vector<16xi32>,
    %get3A_490 = arith.constant 464 : index
    %get3A_491 = tpu.vector_load %arg5[%get3A_490] {strides = array<i32>} : memref<512xi32, #tpu.memory_space<vmem>>, vector<16xi32>,
    %get3A_492 = vector.shape_cast %get3A_491 : vector<16xi32> to vector<16xi32>
    %shift_right_arithmetic3A_493 = arith.constant 15 : i32
    %shift_right_arithmetic3A_494 = vector.broadcast %shift_right_arithmetic3A_493 : i32 to vector<16xi32>
    %shift_right_arithmetic3A_495 = arith.shrsi %get3A_492, %shift_right_arithmetic3A_494 : vector<16xi32>
    %shift_left3A_496 = arith.constant 13 : i32
    %shift_left3A_497 = vector.broadcast %shift_left3A_496 : i32 to vector<16xi32>
    %shift_left3A_498 = arith.shli %shift_right_arithmetic3A_495, %shift_left3A_497 : vector<16xi32>
    %and3A_499 = arith.constant 8191 : i32
    %and3A_500 = vector.broadcast %and3A_499 : i32 to vector<16xi32>
    %and3A_501 = arith.andi %get3A_492, %and3A_500 : vector<16xi32>
    %or3A_502 = arith.ori %shift_left3A_498, %and3A_501 : vector<16xi32>
    %swap3A_503 = arith.constant 464 : index
    %swap3A_504 = tpu.vector_load %arg5[%swap3A_503] {strides = array<i32>} : memref<512xi32, #tpu.memory_space<vmem>>, vector<16xi32>,
    %swap3A_505 = vector.shape_cast %swap3A_504 : vector<16xi32> to vector<16xi32>
    %swap3A_506 = vector.shape_cast %or3A_502 : vector<16xi32> to vector<16xi32>
    tpu.vector_store %arg5[%swap3A_503], %swap3A_506 {strides = array<i32>} : memref<512xi32, #tpu.memory_space<vmem>>, vector<16xi32>,
    %get3A_507 = arith.constant 480 : index
    %get3A_508 = tpu.vector_load %arg5[%get3A_507] {strides = array<i32>} : memref<512xi32, #tpu.memory_space<vmem>>, vector<16xi32>,
    %get3A_509 = vector.shape_cast %get3A_508 : vector<16xi32> to vector<16xi32>
    %shift_right_arithmetic3A_510 = arith.constant 15 : i32
    %shift_right_arithmetic3A_511 = vector.broadcast %shift_right_arithmetic3A_510 : i32 to vector<16xi32>
    %shift_right_arithmetic3A_512 = arith.shrsi %get3A_509, %shift_right_arithmetic3A_511 : vector<16xi32>
    %shift_left3A_513 = arith.constant 13 : i32
    %shift_left3A_514 = vector.broadcast %shift_left3A_513 : i32 to vector<16xi32>
    %shift_left3A_515 = arith.shli %shift_right_arithmetic3A_512, %shift_left3A_514 : vector<16xi32>
    %and3A_516 = arith.constant 8191 : i32
    %and3A_517 = vector.broadcast %and3A_516 : i32 to vector<16xi32>
    %and3A_518 = arith.andi %get3A_509, %and3A_517 : vector<16xi32>
    %or3A_519 = arith.ori %shift_left3A_515, %and3A_518 : vector<16xi32>
    %swap3A_520 = arith.constant 480 : index
    %swap3A_521 = tpu.vector_load %arg5[%swap3A_520] {strides = array<i32>} : memref<512xi32, #tpu.memory_space<vmem>>, vector<16xi32>,
    %swap3A_522 = vector.shape_cast %swap3A_521 : vector<16xi32> to vector<16xi32>
    %swap3A_523 = vector.shape_cast %or3A_519 : vector<16xi32> to vector<16xi32>
    tpu.vector_store %arg5[%swap3A_520], %swap3A_523 {strides = array<i32>} : memref<512xi32, #tpu.memory_space<vmem>>, vector<16xi32>,
    %get3A_524 = arith.constant 496 : index
    %get3A_525 = tpu.vector_load %arg5[%get3A_524] {strides = array<i32>} : memref<512xi32, #tpu.memory_space<vmem>>, vector<16xi32>,
    %get3A_526 = vector.shape_cast %get3A_525 : vector<16xi32> to vector<16xi32>
    %shift_right_arithmetic3A_527 = arith.constant 15 : i32
    %shift_right_arithmetic3A_528 = vector.broadcast %shift_right_arithmetic3A_527 : i32 to vector<16xi32>
    %shift_right_arithmetic3A_529 = arith.shrsi %get3A_526, %shift_right_arithmetic3A_528 : vector<16xi32>
    %shift_left3A_530 = arith.constant 13 : i32
    %shift_left3A_531 = vector.broadcast %shift_left3A_530 : i32 to vector<16xi32>
    %shift_left3A_532 = arith.shli %shift_right_arithmetic3A_529, %shift_left3A_531 : vector<16xi32>
    %and3A_533 = arith.constant 8191 : i32
    %and3A_534 = vector.broadcast %and3A_533 : i32 to vector<16xi32>
    %and3A_535 = arith.andi %get3A_526, %and3A_534 : vector<16xi32>
    %or3A_536 = arith.ori %shift_left3A_532, %and3A_535 : vector<16xi32>
    %swap3A_537 = arith.constant 496 : index
    %swap3A_538 = tpu.vector_load %arg5[%swap3A_537] {strides = array<i32>} : memref<512xi32, #tpu.memory_space<vmem>>, vector<16xi32>,
    %swap3A_539 = vector.shape_cast %swap3A_538 : vector<16xi32> to vector<16xi32>
    %swap3A_540 = vector.shape_cast %or3A_536 : vector<16xi32> to vector<16xi32>
    tpu.vector_store %arg5[%swap3A_537], %swap3A_540 {strides = array<i32>} : memref<512xi32, #tpu.memory_space<vmem>>, vector<16xi32>,
    %dma_start3A = arith.constant 0 : i32
    %dma_start3A_541 = arith.constant 0 : i32
    %dma_start3A_542 = tpu.memref_slice %arg6[%dma_start3A, %dma_start3A_541] : memref<256x128xf32, #tpu.memory_space<vmem>> -> memref<128x128xf32, #tpu.memory_space<vmem>>
    %dma_start3A_543 = arith.constant 0 : i32
    %dma_start3A_544 = tpu.memref_slice %arg5[%dma_start3A_543] : memref<512xi32, #tpu.memory_space<vmem>> -> memref<128xi32, #tpu.memory_space<vmem>>
    %dma_start3A_545 = arith.constant 0 : i32
    %dma_start3A_546 = arith.constant 0 : i32
    %dma_start3A_547 = tpu.memref_slice %arg3[%dma_start3A_545, %dma_start3A_546] : memref<253952x128xf32, #tpu.memory_space<hbm>> -> memref<253952x128xf32, #tpu.memory_space<hbm>>
    tpu.enqueue_indirect_dma source(%dma_start3A_547 : memref<253952x128xf32, #tpu.memory_space<hbm>>) target(%dma_start3A_542 : memref<128x128xf32, #tpu.memory_space<vmem>>) offsets(%dma_start3A_544 : memref<128xi32, #tpu.memory_space<vmem>>) semaphore(%arg7 : memref<!tpu.dma_semaphore, #tpu.memory_space<semaphore_mem>>)
    %dma_start3A_548 = arith.constant 128 : i32
    %dma_start3A_549 = arith.constant 0 : i32
    %dma_start3A_550 = tpu.memref_slice %arg6[%dma_start3A_548, %dma_start3A_549] : memref<256x128xf32, #tpu.memory_space<vmem>> -> memref<128x128xf32, #tpu.memory_space<vmem>>
    %dma_start3A_551 = arith.constant 128 : i32
    %dma_start3A_552 = tpu.memref_slice %arg5[%dma_start3A_551] : memref<512xi32, #tpu.memory_space<vmem>> -> memref<128xi32, #tpu.memory_space<vmem>>
    %dma_start3A_553 = arith.constant 0 : i32
    %dma_start3A_554 = arith.constant 0 : i32
    %dma_start3A_555 = tpu.memref_slice %arg3[%dma_start3A_553, %dma_start3A_554] : memref<253952x128xf32, #tpu.memory_space<hbm>> -> memref<253952x128xf32, #tpu.memory_space<hbm>>
    tpu.enqueue_indirect_dma source(%dma_start3A_555 : memref<253952x128xf32, #tpu.memory_space<hbm>>) target(%dma_start3A_550 : memref<128x128xf32, #tpu.memory_space<vmem>>) offsets(%dma_start3A_552 : memref<128xi32, #tpu.memory_space<vmem>>) semaphore(%arg7 : memref<!tpu.dma_semaphore, #tpu.memory_space<semaphore_mem>>)
    %dma_wait3A = arith.constant 0 : i32
    %dma_wait3A_556 = arith.constant 0 : i32
    %dma_wait3A_557 = tpu.memref_slice %arg6[%dma_wait3A, %dma_wait3A_556] : memref<256x128xf32, #tpu.memory_space<vmem>> -> memref<128x128xf32, #tpu.memory_space<vmem>>
    %dma_wait3A_558 = arith.constant 0 : i32
    %dma_wait3A_559 = tpu.memref_slice %arg5[%dma_wait3A_558] : memref<512xi32, #tpu.memory_space<vmem>> -> memref<128xi32, #tpu.memory_space<vmem>>
    %dma_wait3A_560 = arith.constant 0 : i32
    %dma_wait3A_561 = arith.constant 0 : i32
    %dma_wait3A_562 = tpu.memref_slice %arg3[%dma_wait3A_560, %dma_wait3A_561] : memref<253952x128xf32, #tpu.memory_space<hbm>> -> memref<253952x128xf32, #tpu.memory_space<hbm>>
    tpu.wait_indirect_dma semaphore(%arg7 : memref<!tpu.dma_semaphore, #tpu.memory_space<semaphore_mem>>) src(%dma_wait3A_562 : memref<253952x128xf32, #tpu.memory_space<hbm>>) dst(%dma_wait3A_557 : memref<128x128xf32, #tpu.memory_space<vmem>>)
    %dma_wait3A_563 = arith.constant 128 : i32
    %dma_wait3A_564 = arith.constant 0 : i32
    %dma_wait3A_565 = tpu.memref_slice %arg6[%dma_wait3A_563, %dma_wait3A_564] : memref<256x128xf32, #tpu.memory_space<vmem>> -> memref<128x128xf32, #tpu.memory_space<vmem>>
    %dma_wait3A_566 = arith.constant 128 : i32
    %dma_wait3A_567 = tpu.memref_slice %arg5[%dma_wait3A_566] : memref<512xi32, #tpu.memory_space<vmem>> -> memref<128xi32, #tpu.memory_space<vmem>>
    %dma_wait3A_568 = arith.constant 0 : i32
    %dma_wait3A_569 = arith.constant 0 : i32
    %dma_wait3A_570 = tpu.memref_slice %arg3[%dma_wait3A_568, %dma_wait3A_569] : memref<253952x128xf32, #tpu.memory_space<hbm>> -> memref<253952x128xf32, #tpu.memory_space<hbm>>
    tpu.wait_indirect_dma semaphore(%arg7 : memref<!tpu.dma_semaphore, #tpu.memory_space<semaphore_mem>>) src(%dma_wait3A_570 : memref<253952x128xf32, #tpu.memory_space<hbm>>) dst(%dma_wait3A_565 : memref<128x128xf32, #tpu.memory_space<vmem>>)
    %add3A_571 = arith.constant 0 : i32
    %add3A_572 = arith.addi %mul3A_2, %add3A_571 : i32
    "tpu.region"() ({
      %run_scoped3A = tpu.sem_alloc : memref<!tpu.dma_semaphore, #tpu.memory_space<semaphore_mem>>
      %dma_start3A_607 = arith.constant 0 : i32
      %dma_start3A_608 = tpu.memref_slice %arg4[%add3A_572, %dma_start3A_607] : memref<16384x128xf32, #tpu.memory_space<hbm>> -> memref<256x128xf32, #tpu.memory_space<hbm>>
      %dma_start3A_609 = arith.constant 0 : i32
      %dma_start3A_610 = tpu.memref_slice %arg4[%add3A_572, %dma_start3A_609] : memref<16384x128xf32, #tpu.memory_space<hbm>> -> memref<256x128xf32, #tpu.memory_space<hbm>>
      tpu.enqueue_dma source(%arg6 : memref<256x128xf32, #tpu.memory_space<vmem>>) target(%dma_start3A_610 : memref<256x128xf32, #tpu.memory_space<hbm>>) target_semaphore(%run_scoped3A : memref<!tpu.dma_semaphore, #tpu.memory_space<semaphore_mem>>)
      %dma_wait3A_611 = arith.constant 0 : i32
      %dma_wait3A_612 = tpu.memref_slice %arg4[%add3A_572, %dma_wait3A_611] : memref<16384x128xf32, #tpu.memory_space<hbm>> -> memref<256x128xf32, #tpu.memory_space<hbm>>
      %dma_wait3A_613 = arith.constant 0 : i32
      %dma_wait3A_614 = tpu.memref_slice %arg4[%add3A_572, %dma_wait3A_613] : memref<16384x128xf32, #tpu.memory_space<hbm>> -> memref<256x128xf32, #tpu.memory_space<hbm>>
      tpu.wait_dma2 semaphore(%run_scoped3A : memref<!tpu.dma_semaphore, #tpu.memory_space<semaphore_mem>>) src(%arg6 : memref<256x128xf32, #tpu.memory_space<vmem>>) dst(%dma_wait3A_614 : memref<256x128xf32, #tpu.memory_space<hbm>>)
      tpu.yield
    }) : () -> ()
    %dma_start3A_573 = arith.constant 0 : i32
    %dma_start3A_574 = arith.constant 0 : i32
    %dma_start3A_575 = tpu.memref_slice %arg6[%dma_start3A_573, %dma_start3A_574] : memref<256x128xf32, #tpu.memory_space<vmem>> -> memref<128x128xf32, #tpu.memory_space<vmem>>
    %dma_start3A_576 = arith.constant 256 : i32
    %dma_start3A_577 = tpu.memref_slice %arg5[%dma_start3A_576] : memref<512xi32, #tpu.memory_space<vmem>> -> memref<128xi32, #tpu.memory_space<vmem>>
    %dma_start3A_578 = arith.constant 0 : i32
    %dma_start3A_579 = arith.constant 0 : i32
    %dma_start3A_580 = tpu.memref_slice %arg3[%dma_start3A_578, %dma_start3A_579] : memref<253952x128xf32, #tpu.memory_space<hbm>> -> memref<253952x128xf32, #tpu.memory_space<hbm>>
    tpu.enqueue_indirect_dma source(%dma_start3A_580 : memref<253952x128xf32, #tpu.memory_space<hbm>>) target(%dma_start3A_575 : memref<128x128xf32, #tpu.memory_space<vmem>>) offsets(%dma_start3A_577 : memref<128xi32, #tpu.memory_space<vmem>>) semaphore(%arg7 : memref<!tpu.dma_semaphore, #tpu.memory_space<semaphore_mem>>)
    %dma_start3A_581 = arith.constant 128 : i32
    %dma_start3A_582 = arith.constant 0 : i32
    %dma_start3A_583 = tpu.memref_slice %arg6[%dma_start3A_581, %dma_start3A_582] : memref<256x128xf32, #tpu.memory_space<vmem>> -> memref<128x128xf32, #tpu.memory_space<vmem>>
    %dma_start3A_584 = arith.constant 384 : i32
    %dma_start3A_585 = tpu.memref_slice %arg5[%dma_start3A_584] : memref<512xi32, #tpu.memory_space<vmem>> -> memref<128xi32, #tpu.memory_space<vmem>>
    %dma_start3A_586 = arith.constant 0 : i32
    %dma_start3A_587 = arith.constant 0 : i32
    %dma_start3A_588 = tpu.memref_slice %arg3[%dma_start3A_586, %dma_start3A_587] : memref<253952x128xf32, #tpu.memory_space<hbm>> -> memref<253952x128xf32, #tpu.memory_space<hbm>>
    tpu.enqueue_indirect_dma source(%dma_start3A_588 : memref<253952x128xf32, #tpu.memory_space<hbm>>) target(%dma_start3A_583 : memref<128x128xf32, #tpu.memory_space<vmem>>) offsets(%dma_start3A_585 : memref<128xi32, #tpu.memory_space<vmem>>) semaphore(%arg7 : memref<!tpu.dma_semaphore, #tpu.memory_space<semaphore_mem>>)
    %dma_wait3A_589 = arith.constant 0 : i32
    %dma_wait3A_590 = arith.constant 0 : i32
    %dma_wait3A_591 = tpu.memref_slice %arg6[%dma_wait3A_589, %dma_wait3A_590] : memref<256x128xf32, #tpu.memory_space<vmem>> -> memref<128x128xf32, #tpu.memory_space<vmem>>
    %dma_wait3A_592 = arith.constant 256 : i32
    %dma_wait3A_593 = tpu.memref_slice %arg5[%dma_wait3A_592] : memref<512xi32, #tpu.memory_space<vmem>> -> memref<128xi32, #tpu.memory_space<vmem>>
    %dma_wait3A_594 = arith.constant 0 : i32
    %dma_wait3A_595 = arith.constant 0 : i32
    %dma_wait3A_596 = tpu.memref_slice %arg3[%dma_wait3A_594, %dma_wait3A_595] : memref<253952x128xf32, #tpu.memory_space<hbm>> -> memref<253952x128xf32, #tpu.memory_space<hbm>>
    tpu.wait_indirect_dma semaphore(%arg7 : memref<!tpu.dma_semaphore, #tpu.memory_space<semaphore_mem>>) src(%dma_wait3A_596 : memref<253952x128xf32, #tpu.memory_space<hbm>>) dst(%dma_wait3A_591 : memref<128x128xf32, #tpu.memory_space<vmem>>)
    %dma_wait3A_597 = arith.constant 128 : i32
    %dma_wait3A_598 = arith.constant 0 : i32
    %dma_wait3A_599 = tpu.memref_slice %arg6[%dma_wait3A_597, %dma_wait3A_598] : memref<256x128xf32, #tpu.memory_space<vmem>> -> memref<128x128xf32, #tpu.memory_space<vmem>>
    %dma_wait3A_600 = arith.constant 384 : i32
    %dma_wait3A_601 = tpu.memref_slice %arg5[%dma_wait3A_600] : memref<512xi32, #tpu.memory_space<vmem>> -> memref<128xi32, #tpu.memory_space<vmem>>
    %dma_wait3A_602 = arith.constant 0 : i32
    %dma_wait3A_603 = arith.constant 0 : i32
    %dma_wait3A_604 = tpu.memref_slice %arg3[%dma_wait3A_602, %dma_wait3A_603] : memref<253952x128xf32, #tpu.memory_space<hbm>> -> memref<253952x128xf32, #tpu.memory_space<hbm>>
    tpu.wait_indirect_dma semaphore(%arg7 : memref<!tpu.dma_semaphore, #tpu.memory_space<semaphore_mem>>) src(%dma_wait3A_604 : memref<253952x128xf32, #tpu.memory_space<hbm>>) dst(%dma_wait3A_599 : memref<128x128xf32, #tpu.memory_space<vmem>>)
    %add3A_605 = arith.constant 256 : i32
    %add3A_606 = arith.addi %mul3A_2, %add3A_605 : i32
    "tpu.region"() ({
      %run_scoped3A = tpu.sem_alloc : memref<!tpu.dma_semaphore, #tpu.memory_space<semaphore_mem>>
      %dma_start3A_607 = arith.constant 0 : i32
      %dma_start3A_608 = tpu.memref_slice %arg4[%add3A_606, %dma_start3A_607] : memref<16384x128xf32, #tpu.memory_space<hbm>> -> memref<256x128xf32, #tpu.memory_space<hbm>>
      %dma_start3A_609 = arith.constant 0 : i32
      %dma_start3A_610 = tpu.memref_slice %arg4[%add3A_606, %dma_start3A_609] : memref<16384x128xf32, #tpu.memory_space<hbm>> -> memref<256x128xf32, #tpu.memory_space<hbm>>
      tpu.enqueue_dma source(%arg6 : memref<256x128xf32, #tpu.memory_space<vmem>>) target(%dma_start3A_610 : memref<256x128xf32, #tpu.memory_space<hbm>>) target_semaphore(%run_scoped3A : memref<!tpu.dma_semaphore, #tpu.memory_space<semaphore_mem>>)
      %dma_wait3A_611 = arith.constant 0 : i32
      %dma_wait3A_612 = tpu.memref_slice %arg4[%add3A_606, %dma_wait3A_611] : memref<16384x128xf32, #tpu.memory_space<hbm>> -> memref<256x128xf32, #tpu.memory_space<hbm>>
      %dma_wait3A_613 = arith.constant 0 : i32
      %dma_wait3A_614 = tpu.memref_slice %arg4[%add3A_606, %dma_wait3A_613] : memref<16384x128xf32, #tpu.memory_space<hbm>> -> memref<256x128xf32, #tpu.memory_space<hbm>>
      tpu.wait_dma2 semaphore(%run_scoped3A : memref<!tpu.dma_semaphore, #tpu.memory_space<semaphore_mem>>) src(%arg6 : memref<256x128xf32, #tpu.memory_space<vmem>>) dst(%dma_wait3A_614 : memref<256x128xf32, #tpu.memory_space<hbm>>)
      tpu.yield
    }) : () -> ()
    return
  }
}

#map = affine_map<(d0, d1) -> (0, 0)>
module attributes {stable_mosaic.version = 14 : i64} {
  func.func @k(%arg0: i32, %arg1: i32, %arg2: memref<32x512xi32, #tpu.memory_space<hbm>>, %arg3: memref<253952x128xf32, #tpu.memory_space<hbm>>, %arg4: memref<16384x128xf32, #tpu.memory_space<hbm>>, %arg5: memref<512xi32, #tpu.memory_space<vmem>>, %arg6: memref<256x128xf32, #tpu.memory_space<vmem>>, %arg7: memref<!tpu.dma_semaphore, #tpu.memory_space<semaphore_mem>>) attributes {dimension_semantics = [#tpu.dimension_semantics<core_parallel>, #tpu.dimension_semantics<subcore_parallel>], iteration_bounds = array<i64: 2, 16>, scalar_prefetch = 0 : i64, scratch_operands = 3 : i64, tpu.core_type = #tpu.core_type<sc_vector_subcore>, window_params = [{transform_indices = #map}, {transform_indices = #map}, {transform_indices = #map}]} {
    %mul3A = arith.constant 2 : i32
    %mul3A_0 = arith.muli %arg1, %mul3A : i32
    %add3A = arith.addi %mul3A_0, %arg0 : i32
    %mul3A_1 = arith.constant 512 : i32
    %mul3A_2 = arith.muli %add3A, %mul3A_1 : i32
    "tpu.region"() ({
      %run_scoped3A = tpu.sem_alloc : memref<!tpu.dma_semaphore, #tpu.memory_space<semaphore_mem>>
      %dma_start3A_607 = arith.constant 0 : i32
      %dma_start3A_608 = tpu.memref_slice %arg2[%add3A, %dma_start3A_607] : memref<32x512xi32, #tpu.memory_space<hbm>> -> memref<1x512xi32, #tpu.memory_space<hbm>>
      %dma_start3A_609 = tpu.memref_squeeze %dma_start3A_608 : memref<1x512xi32, #tpu.memory_space<hbm>> -> memref<512xi32, #tpu.memory_space<hbm>>
      %dma_start3A_610 = arith.constant 0 : i32
      %dma_start3A_611 = tpu.memref_slice %arg2[%add3A, %dma_start3A_610] : memref<32x512xi32, #tpu.memory_space<hbm>> -> memref<1x512xi32, #tpu.memory_space<hbm>>
      %dma_start3A_612 = tpu.memref_squeeze %dma_start3A_611 : memref<1x512xi32, #tpu.memory_space<hbm>> -> memref<512xi32, #tpu.memory_space<hbm>>
      tpu.enqueue_dma source(%dma_start3A_612 : memref<512xi32, #tpu.memory_space<hbm>>) target(%arg5 : memref<512xi32, #tpu.memory_space<vmem>>) target_semaphore(%run_scoped3A : memref<!tpu.dma_semaphore, #tpu.memory_space<semaphore_mem>>)
      %dma_wait3A_613 = arith.constant 0 : i32
      %dma_wait3A_614 = tpu.memref_slice %arg2[%add3A, %dma_wait3A_613] : memref<32x512xi32, #tpu.memory_space<hbm>> -> memref<1x512xi32, #tpu.memory_space<hbm>>
      %dma_wait3A_615 = tpu.memref_squeeze %dma_wait3A_614 : memref<1x512xi32, #tpu.memory_space<hbm>> -> memref<512xi32, #tpu.memory_space<hbm>>
      %dma_wait3A_616 = arith.constant 0 : i32
      %dma_wait3A_617 = tpu.memref_slice %arg2[%add3A, %dma_wait3A_616] : memref<32x512xi32, #tpu.memory_space<hbm>> -> memref<1x512xi32, #tpu.memory_space<hbm>>
      %dma_wait3A_618 = tpu.memref_squeeze %dma_wait3A_617 : memref<1x512xi32, #tpu.memory_space<hbm>> -> memref<512xi32, #tpu.memory_space<hbm>>
      tpu.wait_dma2 semaphore(%run_scoped3A : memref<!tpu.dma_semaphore, #tpu.memory_space<semaphore_mem>>) src(%dma_wait3A_618 : memref<512xi32, #tpu.memory_space<hbm>>) dst(%arg5 : memref<512xi32, #tpu.memory_space<vmem>>)
      tpu.yield
    }) : () -> ()
    %get3A = arith.constant 0 : index
    %get3A_3 = tpu.vector_load %arg5[%get3A] {strides = array<i32>} : memref<512xi32, #tpu.memory_space<vmem>>, vector<16xi32>,
    %get3A_4 = vector.shape_cast %get3A_3 : vector<16xi32> to vector<16xi32>
    %shift_right_arithmetic3A = arith.constant 15 : i32
    %shift_right_arithmetic3A_5 = vector.broadcast %shift_right_arithmetic3A : i32 to vector<16xi32>
    %shift_right_arithmetic3A_6 = arith.shrsi %get3A_4, %shift_right_arithmetic3A_5 : vector<16xi32>
    %shift_left3A = arith.constant 13 : i32
    %shift_left3A_7 = vector.broadcast %shift_left3A : i32 to vector<16xi32>
    %shift_left3A_8 = arith.shli %shift_right_arithmetic3A_6, %shift_left3A_7 : vector<16xi32>
    %and3A = arith.constant 8191 : i32
    %and3A_9 = vector.broadcast %and3A : i32 to vector<16xi32>
    %and3A_10 = arith.andi %get3A_4, %and3A_9 : vector<16xi32>
    %or3A = arith.ori %shift_left3A_8, %and3A_10 : vector<16xi32>
    %swap3A = arith.constant 0 : index
    %swap3A_11 = tpu.vector_load %arg5[%swap3A] {strides = array<i32>} : memref<512xi32, #tpu.memory_space<vmem>>, vector<16xi32>,
    %swap3A_12 = vector.shape_cast %swap3A_11 : vector<16xi32> to vector<16xi32>
    %swap3A_13 = vector.shape_cast %or3A : vector<16xi32> to vector<16xi32>
    tpu.vector_store %arg5[%swap3A], %swap3A_13 {strides = array<i32>} : memref<512xi32, #tpu.memory_space<vmem>>, vector<16xi32>,
    %get3A_14 = arith.constant 16 : index
    %get3A_15 = tpu.vector_load %arg5[%get3A_14] {strides = array<i32>} : memref<512xi32, #tpu.memory_space<vmem>>, vector<16xi32>,
    %get3A_16 = vector.shape_cast %get3A_15 : vector<16xi32> to vector<16xi32>
    %shift_right_arithmetic3A_17 = arith.constant 15 : i32
    %shift_right_arithmetic3A_18 = vector.broadcast %shift_right_arithmetic3A_17 : i32 to vector<16xi32>
    %shift_right_arithmetic3A_19 = arith.shrsi %get3A_16, %shift_right_arithmetic3A_18 : vector<16xi32>
    %shift_left3A_20 = arith.constant 13 : i32
    %shift_left3A_21 = vector.broadcast %shift_left3A_20 : i32 to vector<16xi32>
    %shift_left3A_22 = arith.shli %shift_right_arithmetic3A_19, %shift_left3A_21 : vector<16xi32>
    %and3A_23 = arith.constant 8191 : i32
    %and3A_24 = vector.broadcast %and3A_23 : i32 to vector<16xi32>
    %and3A_25 = arith.andi %get3A_16, %and3A_24 : vector<16xi32>
    %or3A_26 = arith.ori %shift_left3A_22, %and3A_25 : vector<16xi32>
    %swap3A_27 = arith.constant 16 : index
    %swap3A_28 = tpu.vector_load %arg5[%swap3A_27] {strides = array<i32>} : memref<512xi32, #tpu.memory_space<vmem>>, vector<16xi32>,
    %swap3A_29 = vector.shape_cast %swap3A_28 : vector<16xi32> to vector<16xi32>
    %swap3A_30 = vector.shape_cast %or3A_26 : vector<16xi32> to vector<16xi32>
    tpu.vector_store %arg5[%swap3A_27], %swap3A_30 {strides = array<i32>} : memref<512xi32, #tpu.memory_space<vmem>>, vector<16xi32>,
    %get3A_31 = arith.constant 32 : index
    %get3A_32 = tpu.vector_load %arg5[%get3A_31] {strides = array<i32>} : memref<512xi32, #tpu.memory_space<vmem>>, vector<16xi32>,
    %get3A_33 = vector.shape_cast %get3A_32 : vector<16xi32> to vector<16xi32>
    %shift_right_arithmetic3A_34 = arith.constant 15 : i32
    %shift_right_arithmetic3A_35 = vector.broadcast %shift_right_arithmetic3A_34 : i32 to vector<16xi32>
    %shift_right_arithmetic3A_36 = arith.shrsi %get3A_33, %shift_right_arithmetic3A_35 : vector<16xi32>
    %shift_left3A_37 = arith.constant 13 : i32
    %shift_left3A_38 = vector.broadcast %shift_left3A_37 : i32 to vector<16xi32>
    %shift_left3A_39 = arith.shli %shift_right_arithmetic3A_36, %shift_left3A_38 : vector<16xi32>
    %and3A_40 = arith.constant 8191 : i32
    %and3A_41 = vector.broadcast %and3A_40 : i32 to vector<16xi32>
    %and3A_42 = arith.andi %get3A_33, %and3A_41 : vector<16xi32>
    %or3A_43 = arith.ori %shift_left3A_39, %and3A_42 : vector<16xi32>
    %swap3A_44 = arith.constant 32 : index
    %swap3A_45 = tpu.vector_load %arg5[%swap3A_44] {strides = array<i32>} : memref<512xi32, #tpu.memory_space<vmem>>, vector<16xi32>,
    %swap3A_46 = vector.shape_cast %swap3A_45 : vector<16xi32> to vector<16xi32>
    %swap3A_47 = vector.shape_cast %or3A_43 : vector<16xi32> to vector<16xi32>
    tpu.vector_store %arg5[%swap3A_44], %swap3A_47 {strides = array<i32>} : memref<512xi32, #tpu.memory_space<vmem>>, vector<16xi32>,
    %get3A_48 = arith.constant 48 : index
    %get3A_49 = tpu.vector_load %arg5[%get3A_48] {strides = array<i32>} : memref<512xi32, #tpu.memory_space<vmem>>, vector<16xi32>,
    %get3A_50 = vector.shape_cast %get3A_49 : vector<16xi32> to vector<16xi32>
    %shift_right_arithmetic3A_51 = arith.constant 15 : i32
    %shift_right_arithmetic3A_52 = vector.broadcast %shift_right_arithmetic3A_51 : i32 to vector<16xi32>
    %shift_right_arithmetic3A_53 = arith.shrsi %get3A_50, %shift_right_arithmetic3A_52 : vector<16xi32>
    %shift_left3A_54 = arith.constant 13 : i32
    %shift_left3A_55 = vector.broadcast %shift_left3A_54 : i32 to vector<16xi32>
    %shift_left3A_56 = arith.shli %shift_right_arithmetic3A_53, %shift_left3A_55 : vector<16xi32>
    %and3A_57 = arith.constant 8191 : i32
    %and3A_58 = vector.broadcast %and3A_57 : i32 to vector<16xi32>
    %and3A_59 = arith.andi %get3A_50, %and3A_58 : vector<16xi32>
    %or3A_60 = arith.ori %shift_left3A_56, %and3A_59 : vector<16xi32>
    %swap3A_61 = arith.constant 48 : index
    %swap3A_62 = tpu.vector_load %arg5[%swap3A_61] {strides = array<i32>} : memref<512xi32, #tpu.memory_space<vmem>>, vector<16xi32>,
    %swap3A_63 = vector.shape_cast %swap3A_62 : vector<16xi32> to vector<16xi32>
    %swap3A_64 = vector.shape_cast %or3A_60 : vector<16xi32> to vector<16xi32>
    tpu.vector_store %arg5[%swap3A_61], %swap3A_64 {strides = array<i32>} : memref<512xi32, #tpu.memory_space<vmem>>, vector<16xi32>,
    %get3A_65 = arith.constant 64 : index
    %get3A_66 = tpu.vector_load %arg5[%get3A_65] {strides = array<i32>} : memref<512xi32, #tpu.memory_space<vmem>>, vector<16xi32>,
    %get3A_67 = vector.shape_cast %get3A_66 : vector<16xi32> to vector<16xi32>
    %shift_right_arithmetic3A_68 = arith.constant 15 : i32
    %shift_right_arithmetic3A_69 = vector.broadcast %shift_right_arithmetic3A_68 : i32 to vector<16xi32>
    %shift_right_arithmetic3A_70 = arith.shrsi %get3A_67, %shift_right_arithmetic3A_69 : vector<16xi32>
    %shift_left3A_71 = arith.constant 13 : i32
    %shift_left3A_72 = vector.broadcast %shift_left3A_71 : i32 to vector<16xi32>
    %shift_left3A_73 = arith.shli %shift_right_arithmetic3A_70, %shift_left3A_72 : vector<16xi32>
    %and3A_74 = arith.constant 8191 : i32
    %and3A_75 = vector.broadcast %and3A_74 : i32 to vector<16xi32>
    %and3A_76 = arith.andi %get3A_67, %and3A_75 : vector<16xi32>
    %or3A_77 = arith.ori %shift_left3A_73, %and3A_76 : vector<16xi32>
    %swap3A_78 = arith.constant 64 : index
    %swap3A_79 = tpu.vector_load %arg5[%swap3A_78] {strides = array<i32>} : memref<512xi32, #tpu.memory_space<vmem>>, vector<16xi32>,
    %swap3A_80 = vector.shape_cast %swap3A_79 : vector<16xi32> to vector<16xi32>
    %swap3A_81 = vector.shape_cast %or3A_77 : vector<16xi32> to vector<16xi32>
    tpu.vector_store %arg5[%swap3A_78], %swap3A_81 {strides = array<i32>} : memref<512xi32, #tpu.memory_space<vmem>>, vector<16xi32>,
    %get3A_82 = arith.constant 80 : index
    %get3A_83 = tpu.vector_load %arg5[%get3A_82] {strides = array<i32>} : memref<512xi32, #tpu.memory_space<vmem>>, vector<16xi32>,
    %get3A_84 = vector.shape_cast %get3A_83 : vector<16xi32> to vector<16xi32>
    %shift_right_arithmetic3A_85 = arith.constant 15 : i32
    %shift_right_arithmetic3A_86 = vector.broadcast %shift_right_arithmetic3A_85 : i32 to vector<16xi32>
    %shift_right_arithmetic3A_87 = arith.shrsi %get3A_84, %shift_right_arithmetic3A_86 : vector<16xi32>
    %shift_left3A_88 = arith.constant 13 : i32
    %shift_left3A_89 = vector.broadcast %shift_left3A_88 : i32 to vector<16xi32>
    %shift_left3A_90 = arith.shli %shift_right_arithmetic3A_87, %shift_left3A_89 : vector<16xi32>
    %and3A_91 = arith.constant 8191 : i32
    %and3A_92 = vector.broadcast %and3A_91 : i32 to vector<16xi32>
    %and3A_93 = arith.andi %get3A_84, %and3A_92 : vector<16xi32>
    %or3A_94 = arith.ori %shift_left3A_90, %and3A_93 : vector<16xi32>
    %swap3A_95 = arith.constant 80 : index
    %swap3A_96 = tpu.vector_load %arg5[%swap3A_95] {strides = array<i32>} : memref<512xi32, #tpu.memory_space<vmem>>, vector<16xi32>,
    %swap3A_97 = vector.shape_cast %swap3A_96 : vector<16xi32> to vector<16xi32>
    %swap3A_98 = vector.shape_cast %or3A_94 : vector<16xi32> to vector<16xi32>
    tpu.vector_store %arg5[%swap3A_95], %swap3A_98 {strides = array<i32>} : memref<512xi32, #tpu.memory_space<vmem>>, vector<16xi32>,
    %get3A_99 = arith.constant 96 : index
    %get3A_100 = tpu.vector_load %arg5[%get3A_99] {strides = array<i32>} : memref<512xi32, #tpu.memory_space<vmem>>, vector<16xi32>,
    %get3A_101 = vector.shape_cast %get3A_100 : vector<16xi32> to vector<16xi32>
    %shift_right_arithmetic3A_102 = arith.constant 15 : i32
    %shift_right_arithmetic3A_103 = vector.broadcast %shift_right_arithmetic3A_102 : i32 to vector<16xi32>
    %shift_right_arithmetic3A_104 = arith.shrsi %get3A_101, %shift_right_arithmetic3A_103 : vector<16xi32>
    %shift_left3A_105 = arith.constant 13 : i32
    %shift_left3A_106 = vector.broadcast %shift_left3A_105 : i32 to vector<16xi32>
    %shift_left3A_107 = arith.shli %shift_right_arithmetic3A_104, %shift_left3A_106 : vector<16xi32>
    %and3A_108 = arith.constant 8191 : i32
    %and3A_109 = vector.broadcast %and3A_108 : i32 to vector<16xi32>
    %and3A_110 = arith.andi %get3A_101, %and3A_109 : vector<16xi32>
    %or3A_111 = arith.ori %shift_left3A_107, %and3A_110 : vector<16xi32>
    %swap3A_112 = arith.constant 96 : index
    %swap3A_113 = tpu.vector_load %arg5[%swap3A_112] {strides = array<i32>} : memref<512xi32, #tpu.memory_space<vmem>>, vector<16xi32>,
    %swap3A_114 = vector.shape_cast %swap3A_113 : vector<16xi32> to vector<16xi32>
    %swap3A_115 = vector.shape_cast %or3A_111 : vector<16xi32> to vector<16xi32>
    tpu.vector_store %arg5[%swap3A_112], %swap3A_115 {strides = array<i32>} : memref<512xi32, #tpu.memory_space<vmem>>, vector<16xi32>,
    %get3A_116 = arith.constant 112 : index
    %get3A_117 = tpu.vector_load %arg5[%get3A_116] {strides = array<i32>} : memref<512xi32, #tpu.memory_space<vmem>>, vector<16xi32>,
    %get3A_118 = vector.shape_cast %get3A_117 : vector<16xi32> to vector<16xi32>
    %shift_right_arithmetic3A_119 = arith.constant 15 : i32
    %shift_right_arithmetic3A_120 = vector.broadcast %shift_right_arithmetic3A_119 : i32 to vector<16xi32>
    %shift_right_arithmetic3A_121 = arith.shrsi %get3A_118, %shift_right_arithmetic3A_120 : vector<16xi32>
    %shift_left3A_122 = arith.constant 13 : i32
    %shift_left3A_123 = vector.broadcast %shift_left3A_122 : i32 to vector<16xi32>
    %shift_left3A_124 = arith.shli %shift_right_arithmetic3A_121, %shift_left3A_123 : vector<16xi32>
    %and3A_125 = arith.constant 8191 : i32
    %and3A_126 = vector.broadcast %and3A_125 : i32 to vector<16xi32>
    %and3A_127 = arith.andi %get3A_118, %and3A_126 : vector<16xi32>
    %or3A_128 = arith.ori %shift_left3A_124, %and3A_127 : vector<16xi32>
    %swap3A_129 = arith.constant 112 : index
    %swap3A_130 = tpu.vector_load %arg5[%swap3A_129] {strides = array<i32>} : memref<512xi32, #tpu.memory_space<vmem>>, vector<16xi32>,
    %swap3A_131 = vector.shape_cast %swap3A_130 : vector<16xi32> to vector<16xi32>
    %swap3A_132 = vector.shape_cast %or3A_128 : vector<16xi32> to vector<16xi32>
    tpu.vector_store %arg5[%swap3A_129], %swap3A_132 {strides = array<i32>} : memref<512xi32, #tpu.memory_space<vmem>>, vector<16xi32>,
    %get3A_133 = arith.constant 128 : index
    %get3A_134 = tpu.vector_load %arg5[%get3A_133] {strides = array<i32>} : memref<512xi32, #tpu.memory_space<vmem>>, vector<16xi32>,
    %get3A_135 = vector.shape_cast %get3A_134 : vector<16xi32> to vector<16xi32>
    %shift_right_arithmetic3A_136 = arith.constant 15 : i32
    %shift_right_arithmetic3A_137 = vector.broadcast %shift_right_arithmetic3A_136 : i32 to vector<16xi32>
    %shift_right_arithmetic3A_138 = arith.shrsi %get3A_135, %shift_right_arithmetic3A_137 : vector<16xi32>
    %shift_left3A_139 = arith.constant 13 : i32
    %shift_left3A_140 = vector.broadcast %shift_left3A_139 : i32 to vector<16xi32>
    %shift_left3A_141 = arith.shli %shift_right_arithmetic3A_138, %shift_left3A_140 : vector<16xi32>
    %and3A_142 = arith.constant 8191 : i32
    %and3A_143 = vector.broadcast %and3A_142 : i32 to vector<16xi32>
    %and3A_144 = arith.andi %get3A_135, %and3A_143 : vector<16xi32>
    %or3A_145 = arith.ori %shift_left3A_141, %and3A_144 : vector<16xi32>
    %swap3A_146 = arith.constant 128 : index
    %swap3A_147 = tpu.vector_load %arg5[%swap3A_146] {strides = array<i32>} : memref<512xi32, #tpu.memory_space<vmem>>, vector<16xi32>,
    %swap3A_148 = vector.shape_cast %swap3A_147 : vector<16xi32> to vector<16xi32>
    %swap3A_149 = vector.shape_cast %or3A_145 : vector<16xi32> to vector<16xi32>
    tpu.vector_store %arg5[%swap3A_146], %swap3A_149 {strides = array<i32>} : memref<512xi32, #tpu.memory_space<vmem>>, vector<16xi32>,
    %get3A_150 = arith.constant 144 : index
    %get3A_151 = tpu.vector_load %arg5[%get3A_150] {strides = array<i32>} : memref<512xi32, #tpu.memory_space<vmem>>, vector<16xi32>,
    %get3A_152 = vector.shape_cast %get3A_151 : vector<16xi32> to vector<16xi32>
    %shift_right_arithmetic3A_153 = arith.constant 15 : i32
    %shift_right_arithmetic3A_154 = vector.broadcast %shift_right_arithmetic3A_153 : i32 to vector<16xi32>
    %shift_right_arithmetic3A_155 = arith.shrsi %get3A_152, %shift_right_arithmetic3A_154 : vector<16xi32>
    %shift_left3A_156 = arith.constant 13 : i32
    %shift_left3A_157 = vector.broadcast %shift_left3A_156 : i32 to vector<16xi32>
    %shift_left3A_158 = arith.shli %shift_right_arithmetic3A_155, %shift_left3A_157 : vector<16xi32>
    %and3A_159 = arith.constant 8191 : i32
    %and3A_160 = vector.broadcast %and3A_159 : i32 to vector<16xi32>
    %and3A_161 = arith.andi %get3A_152, %and3A_160 : vector<16xi32>
    %or3A_162 = arith.ori %shift_left3A_158, %and3A_161 : vector<16xi32>
    %swap3A_163 = arith.constant 144 : index
    %swap3A_164 = tpu.vector_load %arg5[%swap3A_163] {strides = array<i32>} : memref<512xi32, #tpu.memory_space<vmem>>, vector<16xi32>,
    %swap3A_165 = vector.shape_cast %swap3A_164 : vector<16xi32> to vector<16xi32>
    %swap3A_166 = vector.shape_cast %or3A_162 : vector<16xi32> to vector<16xi32>
    tpu.vector_store %arg5[%swap3A_163], %swap3A_166 {strides = array<i32>} : memref<512xi32, #tpu.memory_space<vmem>>, vector<16xi32>,
    %get3A_167 = arith.constant 160 : index
    %get3A_168 = tpu.vector_load %arg5[%get3A_167] {strides = array<i32>} : memref<512xi32, #tpu.memory_space<vmem>>, vector<16xi32>,
    %get3A_169 = vector.shape_cast %get3A_168 : vector<16xi32> to vector<16xi32>
    %shift_right_arithmetic3A_170 = arith.constant 15 : i32
    %shift_right_arithmetic3A_171 = vector.broadcast %shift_right_arithmetic3A_170 : i32 to vector<16xi32>
    %shift_right_arithmetic3A_172 = arith.shrsi %get3A_169, %shift_right_arithmetic3A_171 : vector<16xi32>
    %shift_left3A_173 = arith.constant 13 : i32
    %shift_left3A_174 = vector.broadcast %shift_left3A_173 : i32 to vector<16xi32>
    %shift_left3A_175 = arith.shli %shift_right_arithmetic3A_172, %shift_left3A_174 : vector<16xi32>
    %and3A_176 = arith.constant 8191 : i32
    %and3A_177 = vector.broadcast %and3A_176 : i32 to vector<16xi32>
    %and3A_178 = arith.andi %get3A_169, %and3A_177 : vector<16xi32>
    %or3A_179 = arith.ori %shift_left3A_175, %and3A_178 : vector<16xi32>
    %swap3A_180 = arith.constant 160 : index
    %swap3A_181 = tpu.vector_load %arg5[%swap3A_180] {strides = array<i32>} : memref<512xi32, #tpu.memory_space<vmem>>, vector<16xi32>,
    %swap3A_182 = vector.shape_cast %swap3A_181 : vector<16xi32> to vector<16xi32>
    %swap3A_183 = vector.shape_cast %or3A_179 : vector<16xi32> to vector<16xi32>
    tpu.vector_store %arg5[%swap3A_180], %swap3A_183 {strides = array<i32>} : memref<512xi32, #tpu.memory_space<vmem>>, vector<16xi32>,
    %get3A_184 = arith.constant 176 : index
    %get3A_185 = tpu.vector_load %arg5[%get3A_184] {strides = array<i32>} : memref<512xi32, #tpu.memory_space<vmem>>, vector<16xi32>,
    %get3A_186 = vector.shape_cast %get3A_185 : vector<16xi32> to vector<16xi32>
    %shift_right_arithmetic3A_187 = arith.constant 15 : i32
    %shift_right_arithmetic3A_188 = vector.broadcast %shift_right_arithmetic3A_187 : i32 to vector<16xi32>
    %shift_right_arithmetic3A_189 = arith.shrsi %get3A_186, %shift_right_arithmetic3A_188 : vector<16xi32>
    %shift_left3A_190 = arith.constant 13 : i32
    %shift_left3A_191 = vector.broadcast %shift_left3A_190 : i32 to vector<16xi32>
    %shift_left3A_192 = arith.shli %shift_right_arithmetic3A_189, %shift_left3A_191 : vector<16xi32>
    %and3A_193 = arith.constant 8191 : i32
    %and3A_194 = vector.broadcast %and3A_193 : i32 to vector<16xi32>
    %and3A_195 = arith.andi %get3A_186, %and3A_194 : vector<16xi32>
    %or3A_196 = arith.ori %shift_left3A_192, %and3A_195 : vector<16xi32>
    %swap3A_197 = arith.constant 176 : index
    %swap3A_198 = tpu.vector_load %arg5[%swap3A_197] {strides = array<i32>} : memref<512xi32, #tpu.memory_space<vmem>>, vector<16xi32>,
    %swap3A_199 = vector.shape_cast %swap3A_198 : vector<16xi32> to vector<16xi32>
    %swap3A_200 = vector.shape_cast %or3A_196 : vector<16xi32> to vector<16xi32>
    tpu.vector_store %arg5[%swap3A_197], %swap3A_200 {strides = array<i32>} : memref<512xi32, #tpu.memory_space<vmem>>, vector<16xi32>,
    %get3A_201 = arith.constant 192 : index
    %get3A_202 = tpu.vector_load %arg5[%get3A_201] {strides = array<i32>} : memref<512xi32, #tpu.memory_space<vmem>>, vector<16xi32>,
    %get3A_203 = vector.shape_cast %get3A_202 : vector<16xi32> to vector<16xi32>
    %shift_right_arithmetic3A_204 = arith.constant 15 : i32
    %shift_right_arithmetic3A_205 = vector.broadcast %shift_right_arithmetic3A_204 : i32 to vector<16xi32>
    %shift_right_arithmetic3A_206 = arith.shrsi %get3A_203, %shift_right_arithmetic3A_205 : vector<16xi32>
    %shift_left3A_207 = arith.constant 13 : i32
    %shift_left3A_208 = vector.broadcast %shift_left3A_207 : i32 to vector<16xi32>
    %shift_left3A_209 = arith.shli %shift_right_arithmetic3A_206, %shift_left3A_208 : vector<16xi32>
    %and3A_210 = arith.constant 8191 : i32
    %and3A_211 = vector.broadcast %and3A_210 : i32 to vector<16xi32>
    %and3A_212 = arith.andi %get3A_203, %and3A_211 : vector<16xi32>
    %or3A_213 = arith.ori %shift_left3A_209, %and3A_212 : vector<16xi32>
    %swap3A_214 = arith.constant 192 : index
    %swap3A_215 = tpu.vector_load %arg5[%swap3A_214] {strides = array<i32>} : memref<512xi32, #tpu.memory_space<vmem>>, vector<16xi32>,
    %swap3A_216 = vector.shape_cast %swap3A_215 : vector<16xi32> to vector<16xi32>
    %swap3A_217 = vector.shape_cast %or3A_213 : vector<16xi32> to vector<16xi32>
    tpu.vector_store %arg5[%swap3A_214], %swap3A_217 {strides = array<i32>} : memref<512xi32, #tpu.memory_space<vmem>>, vector<16xi32>,
    %get3A_218 = arith.constant 208 : index
    %get3A_219 = tpu.vector_load %arg5[%get3A_218] {strides = array<i32>} : memref<512xi32, #tpu.memory_space<vmem>>, vector<16xi32>,
    %get3A_220 = vector.shape_cast %get3A_219 : vector<16xi32> to vector<16xi32>
    %shift_right_arithmetic3A_221 = arith.constant 15 : i32
    %shift_right_arithmetic3A_222 = vector.broadcast %shift_right_arithmetic3A_221 : i32 to vector<16xi32>
    %shift_right_arithmetic3A_223 = arith.shrsi %get3A_220, %shift_right_arithmetic3A_222 : vector<16xi32>
    %shift_left3A_224 = arith.constant 13 : i32
    %shift_left3A_225 = vector.broadcast %shift_left3A_224 : i32 to vector<16xi32>
    %shift_left3A_226 = arith.shli %shift_right_arithmetic3A_223, %shift_left3A_225 : vector<16xi32>
    %and3A_227 = arith.constant 8191 : i32
    %and3A_228 = vector.broadcast %and3A_227 : i32 to vector<16xi32>
    %and3A_229 = arith.andi %get3A_220, %and3A_228 : vector<16xi32>
    %or3A_230 = arith.ori %shift_left3A_226, %and3A_229 : vector<16xi32>
    %swap3A_231 = arith.constant 208 : index
    %swap3A_232 = tpu.vector_load %arg5[%swap3A_231] {strides = array<i32>} : memref<512xi32, #tpu.memory_space<vmem>>, vector<16xi32>,
    %swap3A_233 = vector.shape_cast %swap3A_232 : vector<16xi32> to vector<16xi32>
    %swap3A_234 = vector.shape_cast %or3A_230 : vector<16xi32> to vector<16xi32>
    tpu.vector_store %arg5[%swap3A_231], %swap3A_234 {strides = array<i32>} : memref<512xi32, #tpu.memory_space<vmem>>, vector<16xi32>,
    %get3A_235 = arith.constant 224 : index
    %get3A_236 = tpu.vector_load %arg5[%get3A_235] {strides = array<i32>} : memref<512xi32, #tpu.memory_space<vmem>>, vector<16xi32>,
    %get3A_237 = vector.shape_cast %get3A_236 : vector<16xi32> to vector<16xi32>
    %shift_right_arithmetic3A_238 = arith.constant 15 : i32
    %shift_right_arithmetic3A_239 = vector.broadcast %shift_right_arithmetic3A_238 : i32 to vector<16xi32>
    %shift_right_arithmetic3A_240 = arith.shrsi %get3A_237, %shift_right_arithmetic3A_239 : vector<16xi32>
    %shift_left3A_241 = arith.constant 13 : i32
    %shift_left3A_242 = vector.broadcast %shift_left3A_241 : i32 to vector<16xi32>
    %shift_left3A_243 = arith.shli %shift_right_arithmetic3A_240, %shift_left3A_242 : vector<16xi32>
    %and3A_244 = arith.constant 8191 : i32
    %and3A_245 = vector.broadcast %and3A_244 : i32 to vector<16xi32>
    %and3A_246 = arith.andi %get3A_237, %and3A_245 : vector<16xi32>
    %or3A_247 = arith.ori %shift_left3A_243, %and3A_246 : vector<16xi32>
    %swap3A_248 = arith.constant 224 : index
    %swap3A_249 = tpu.vector_load %arg5[%swap3A_248] {strides = array<i32>} : memref<512xi32, #tpu.memory_space<vmem>>, vector<16xi32>,
    %swap3A_250 = vector.shape_cast %swap3A_249 : vector<16xi32> to vector<16xi32>
    %swap3A_251 = vector.shape_cast %or3A_247 : vector<16xi32> to vector<16xi32>
    tpu.vector_store %arg5[%swap3A_248], %swap3A_251 {strides = array<i32>} : memref<512xi32, #tpu.memory_space<vmem>>, vector<16xi32>,
    %get3A_252 = arith.constant 240 : index
    %get3A_253 = tpu.vector_load %arg5[%get3A_252] {strides = array<i32>} : memref<512xi32, #tpu.memory_space<vmem>>, vector<16xi32>,
    %get3A_254 = vector.shape_cast %get3A_253 : vector<16xi32> to vector<16xi32>
    %shift_right_arithmetic3A_255 = arith.constant 15 : i32
    %shift_right_arithmetic3A_256 = vector.broadcast %shift_right_arithmetic3A_255 : i32 to vector<16xi32>
    %shift_right_arithmetic3A_257 = arith.shrsi %get3A_254, %shift_right_arithmetic3A_256 : vector<16xi32>
    %shift_left3A_258 = arith.constant 13 : i32
    %shift_left3A_259 = vector.broadcast %shift_left3A_258 : i32 to vector<16xi32>
    %shift_left3A_260 = arith.shli %shift_right_arithmetic3A_257, %shift_left3A_259 : vector<16xi32>
    %and3A_261 = arith.constant 8191 : i32
    %and3A_262 = vector.broadcast %and3A_261 : i32 to vector<16xi32>
    %and3A_263 = arith.andi %get3A_254, %and3A_262 : vector<16xi32>
    %or3A_264 = arith.ori %shift_left3A_260, %and3A_263 : vector<16xi32>
    %swap3A_265 = arith.constant 240 : index
    %swap3A_266 = tpu.vector_load %arg5[%swap3A_265] {strides = array<i32>} : memref<512xi32, #tpu.memory_space<vmem>>, vector<16xi32>,
    %swap3A_267 = vector.shape_cast %swap3A_266 : vector<16xi32> to vector<16xi32>
    %swap3A_268 = vector.shape_cast %or3A_264 : vector<16xi32> to vector<16xi32>
    tpu.vector_store %arg5[%swap3A_265], %swap3A_268 {strides = array<i32>} : memref<512xi32, #tpu.memory_space<vmem>>, vector<16xi32>,
    %get3A_269 = arith.constant 256 : index
    %get3A_270 = tpu.vector_load %arg5[%get3A_269] {strides = array<i32>} : memref<512xi32, #tpu.memory_space<vmem>>, vector<16xi32>,
    %get3A_271 = vector.shape_cast %get3A_270 : vector<16xi32> to vector<16xi32>
    %shift_right_arithmetic3A_272 = arith.constant 15 : i32
    %shift_right_arithmetic3A_273 = vector.broadcast %shift_right_arithmetic3A_272 : i32 to vector<16xi32>
    %shift_right_arithmetic3A_274 = arith.shrsi %get3A_271, %shift_right_arithmetic3A_273 : vector<16xi32>
    %shift_left3A_275 = arith.constant 13 : i32
    %shift_left3A_276 = vector.broadcast %shift_left3A_275 : i32 to vector<16xi32>
    %shift_left3A_277 = arith.shli %shift_right_arithmetic3A_274, %shift_left3A_276 : vector<16xi32>
    %and3A_278 = arith.constant 8191 : i32
    %and3A_279 = vector.broadcast %and3A_278 : i32 to vector<16xi32>
    %and3A_280 = arith.andi %get3A_271, %and3A_279 : vector<16xi32>
    %or3A_281 = arith.ori %shift_left3A_277, %and3A_280 : vector<16xi32>
    %swap3A_282 = arith.constant 256 : index
    %swap3A_283 = tpu.vector_load %arg5[%swap3A_282] {strides = array<i32>} : memref<512xi32, #tpu.memory_space<vmem>>, vector<16xi32>,
    %swap3A_284 = vector.shape_cast %swap3A_283 : vector<16xi32> to vector<16xi32>
    %swap3A_285 = vector.shape_cast %or3A_281 : vector<16xi32> to vector<16xi32>
    tpu.vector_store %arg5[%swap3A_282], %swap3A_285 {strides = array<i32>} : memref<512xi32, #tpu.memory_space<vmem>>, vector<16xi32>,
    %get3A_286 = arith.constant 272 : index
    %get3A_287 = tpu.vector_load %arg5[%get3A_286] {strides = array<i32>} : memref<512xi32, #tpu.memory_space<vmem>>, vector<16xi32>,
    %get3A_288 = vector.shape_cast %get3A_287 : vector<16xi32> to vector<16xi32>
    %shift_right_arithmetic3A_289 = arith.constant 15 : i32
    %shift_right_arithmetic3A_290 = vector.broadcast %shift_right_arithmetic3A_289 : i32 to vector<16xi32>
    %shift_right_arithmetic3A_291 = arith.shrsi %get3A_288, %shift_right_arithmetic3A_290 : vector<16xi32>
    %shift_left3A_292 = arith.constant 13 : i32
    %shift_left3A_293 = vector.broadcast %shift_left3A_292 : i32 to vector<16xi32>
    %shift_left3A_294 = arith.shli %shift_right_arithmetic3A_291, %shift_left3A_293 : vector<16xi32>
    %and3A_295 = arith.constant 8191 : i32
    %and3A_296 = vector.broadcast %and3A_295 : i32 to vector<16xi32>
    %and3A_297 = arith.andi %get3A_288, %and3A_296 : vector<16xi32>
    %or3A_298 = arith.ori %shift_left3A_294, %and3A_297 : vector<16xi32>
    %swap3A_299 = arith.constant 272 : index
    %swap3A_300 = tpu.vector_load %arg5[%swap3A_299] {strides = array<i32>} : memref<512xi32, #tpu.memory_space<vmem>>, vector<16xi32>,
    %swap3A_301 = vector.shape_cast %swap3A_300 : vector<16xi32> to vector<16xi32>
    %swap3A_302 = vector.shape_cast %or3A_298 : vector<16xi32> to vector<16xi32>
    tpu.vector_store %arg5[%swap3A_299], %swap3A_302 {strides = array<i32>} : memref<512xi32, #tpu.memory_space<vmem>>, vector<16xi32>,
    %get3A_303 = arith.constant 288 : index
    %get3A_304 = tpu.vector_load %arg5[%get3A_303] {strides = array<i32>} : memref<512xi32, #tpu.memory_space<vmem>>, vector<16xi32>,
    %get3A_305 = vector.shape_cast %get3A_304 : vector<16xi32> to vector<16xi32>
    %shift_right_arithmetic3A_306 = arith.constant 15 : i32
    %shift_right_arithmetic3A_307 = vector.broadcast %shift_right_arithmetic3A_306 : i32 to vector<16xi32>
    %shift_right_arithmetic3A_308 = arith.shrsi %get3A_305, %shift_right_arithmetic3A_307 : vector<16xi32>
    %shift_left3A_309 = arith.constant 13 : i32
    %shift_left3A_310 = vector.broadcast %shift_left3A_309 : i32 to vector<16xi32>
    %shift_left3A_311 = arith.shli %shift_right_arithmetic3A_308, %shift_left3A_310 : vector<16xi32>
    %and3A_312 = arith.constant 8191 : i32
    %and3A_313 = vector.broadcast %and3A_312 : i32 to vector<16xi32>
    %and3A_314 = arith.andi %get3A_305, %and3A_313 : vector<16xi32>
    %or3A_315 = arith.ori %shift_left3A_311, %and3A_314 : vector<16xi32>
    %swap3A_316 = arith.constant 288 : index
    %swap3A_317 = tpu.vector_load %arg5[%swap3A_316] {strides = array<i32>} : memref<512xi32, #tpu.memory_space<vmem>>, vector<16xi32>,
    %swap3A_318 = vector.shape_cast %swap3A_317 : vector<16xi32> to vector<16xi32>
    %swap3A_319 = vector.shape_cast %or3A_315 : vector<16xi32> to vector<16xi32>
    tpu.vector_store %arg5[%swap3A_316], %swap3A_319 {strides = array<i32>} : memref<512xi32, #tpu.memory_space<vmem>>, vector<16xi32>,
    %get3A_320 = arith.constant 304 : index
    %get3A_321 = tpu.vector_load %arg5[%get3A_320] {strides = array<i32>} : memref<512xi32, #tpu.memory_space<vmem>>, vector<16xi32>,
    %get3A_322 = vector.shape_cast %get3A_321 : vector<16xi32> to vector<16xi32>
    %shift_right_arithmetic3A_323 = arith.constant 15 : i32
    %shift_right_arithmetic3A_324 = vector.broadcast %shift_right_arithmetic3A_323 : i32 to vector<16xi32>
    %shift_right_arithmetic3A_325 = arith.shrsi %get3A_322, %shift_right_arithmetic3A_324 : vector<16xi32>
    %shift_left3A_326 = arith.constant 13 : i32
    %shift_left3A_327 = vector.broadcast %shift_left3A_326 : i32 to vector<16xi32>
    %shift_left3A_328 = arith.shli %shift_right_arithmetic3A_325, %shift_left3A_327 : vector<16xi32>
    %and3A_329 = arith.constant 8191 : i32
    %and3A_330 = vector.broadcast %and3A_329 : i32 to vector<16xi32>
    %and3A_331 = arith.andi %get3A_322, %and3A_330 : vector<16xi32>
    %or3A_332 = arith.ori %shift_left3A_328, %and3A_331 : vector<16xi32>
    %swap3A_333 = arith.constant 304 : index
    %swap3A_334 = tpu.vector_load %arg5[%swap3A_333] {strides = array<i32>} : memref<512xi32, #tpu.memory_space<vmem>>, vector<16xi32>,
    %swap3A_335 = vector.shape_cast %swap3A_334 : vector<16xi32> to vector<16xi32>
    %swap3A_336 = vector.shape_cast %or3A_332 : vector<16xi32> to vector<16xi32>
    tpu.vector_store %arg5[%swap3A_333], %swap3A_336 {strides = array<i32>} : memref<512xi32, #tpu.memory_space<vmem>>, vector<16xi32>,
    %get3A_337 = arith.constant 320 : index
    %get3A_338 = tpu.vector_load %arg5[%get3A_337] {strides = array<i32>} : memref<512xi32, #tpu.memory_space<vmem>>, vector<16xi32>,
    %get3A_339 = vector.shape_cast %get3A_338 : vector<16xi32> to vector<16xi32>
    %shift_right_arithmetic3A_340 = arith.constant 15 : i32
    %shift_right_arithmetic3A_341 = vector.broadcast %shift_right_arithmetic3A_340 : i32 to vector<16xi32>
    %shift_right_arithmetic3A_342 = arith.shrsi %get3A_339, %shift_right_arithmetic3A_341 : vector<16xi32>
    %shift_left3A_343 = arith.constant 13 : i32
    %shift_left3A_344 = vector.broadcast %shift_left3A_343 : i32 to vector<16xi32>
    %shift_left3A_345 = arith.shli %shift_right_arithmetic3A_342, %shift_left3A_344 : vector<16xi32>
    %and3A_346 = arith.constant 8191 : i32
    %and3A_347 = vector.broadcast %and3A_346 : i32 to vector<16xi32>
    %and3A_348 = arith.andi %get3A_339, %and3A_347 : vector<16xi32>
    %or3A_349 = arith.ori %shift_left3A_345, %and3A_348 : vector<16xi32>
    %swap3A_350 = arith.constant 320 : index
    %swap3A_351 = tpu.vector_load %arg5[%swap3A_350] {strides = array<i32>} : memref<512xi32, #tpu.memory_space<vmem>>, vector<16xi32>,
    %swap3A_352 = vector.shape_cast %swap3A_351 : vector<16xi32> to vector<16xi32>
    %swap3A_353 = vector.shape_cast %or3A_349 : vector<16xi32> to vector<16xi32>
    tpu.vector_store %arg5[%swap3A_350], %swap3A_353 {strides = array<i32>} : memref<512xi32, #tpu.memory_space<vmem>>, vector<16xi32>,
    %get3A_354 = arith.constant 336 : index
    %get3A_355 = tpu.vector_load %arg5[%get3A_354] {strides = array<i32>} : memref<512xi32, #tpu.memory_space<vmem>>, vector<16xi32>,
    %get3A_356 = vector.shape_cast %get3A_355 : vector<16xi32> to vector<16xi32>
    %shift_right_arithmetic3A_357 = arith.constant 15 : i32
    %shift_right_arithmetic3A_358 = vector.broadcast %shift_right_arithmetic3A_357 : i32 to vector<16xi32>
    %shift_right_arithmetic3A_359 = arith.shrsi %get3A_356, %shift_right_arithmetic3A_358 : vector<16xi32>
    %shift_left3A_360 = arith.constant 13 : i32
    %shift_left3A_361 = vector.broadcast %shift_left3A_360 : i32 to vector<16xi32>
    %shift_left3A_362 = arith.shli %shift_right_arithmetic3A_359, %shift_left3A_361 : vector<16xi32>
    %and3A_363 = arith.constant 8191 : i32
    %and3A_364 = vector.broadcast %and3A_363 : i32 to vector<16xi32>
    %and3A_365 = arith.andi %get3A_356, %and3A_364 : vector<16xi32>
    %or3A_366 = arith.ori %shift_left3A_362, %and3A_365 : vector<16xi32>
    %swap3A_367 = arith.constant 336 : index
    %swap3A_368 = tpu.vector_load %arg5[%swap3A_367] {strides = array<i32>} : memref<512xi32, #tpu.memory_space<vmem>>, vector<16xi32>,
    %swap3A_369 = vector.shape_cast %swap3A_368 : vector<16xi32> to vector<16xi32>
    %swap3A_370 = vector.shape_cast %or3A_366 : vector<16xi32> to vector<16xi32>
    tpu.vector_store %arg5[%swap3A_367], %swap3A_370 {strides = array<i32>} : memref<512xi32, #tpu.memory_space<vmem>>, vector<16xi32>,
    %get3A_371 = arith.constant 352 : index
    %get3A_372 = tpu.vector_load %arg5[%get3A_371] {strides = array<i32>} : memref<512xi32, #tpu.memory_space<vmem>>, vector<16xi32>,
    %get3A_373 = vector.shape_cast %get3A_372 : vector<16xi32> to vector<16xi32>
    %shift_right_arithmetic3A_374 = arith.constant 15 : i32
    %shift_right_arithmetic3A_375 = vector.broadcast %shift_right_arithmetic3A_374 : i32 to vector<16xi32>
    %shift_right_arithmetic3A_376 = arith.shrsi %get3A_373, %shift_right_arithmetic3A_375 : vector<16xi32>
    %shift_left3A_377 = arith.constant 13 : i32
    %shift_left3A_378 = vector.broadcast %shift_left3A_377 : i32 to vector<16xi32>
    %shift_left3A_379 = arith.shli %shift_right_arithmetic3A_376, %shift_left3A_378 : vector<16xi32>
    %and3A_380 = arith.constant 8191 : i32
    %and3A_381 = vector.broadcast %and3A_380 : i32 to vector<16xi32>
    %and3A_382 = arith.andi %get3A_373, %and3A_381 : vector<16xi32>
    %or3A_383 = arith.ori %shift_left3A_379, %and3A_382 : vector<16xi32>
    %swap3A_384 = arith.constant 352 : index
    %swap3A_385 = tpu.vector_load %arg5[%swap3A_384] {strides = array<i32>} : memref<512xi32, #tpu.memory_space<vmem>>, vector<16xi32>,
    %swap3A_386 = vector.shape_cast %swap3A_385 : vector<16xi32> to vector<16xi32>
    %swap3A_387 = vector.shape_cast %or3A_383 : vector<16xi32> to vector<16xi32>
    tpu.vector_store %arg5[%swap3A_384], %swap3A_387 {strides = array<i32>} : memref<512xi32, #tpu.memory_space<vmem>>, vector<16xi32>,
    %get3A_388 = arith.constant 368 : index
    %get3A_389 = tpu.vector_load %arg5[%get3A_388] {strides = array<i32>} : memref<512xi32, #tpu.memory_space<vmem>>, vector<16xi32>,
    %get3A_390 = vector.shape_cast %get3A_389 : vector<16xi32> to vector<16xi32>
    %shift_right_arithmetic3A_391 = arith.constant 15 : i32
    %shift_right_arithmetic3A_392 = vector.broadcast %shift_right_arithmetic3A_391 : i32 to vector<16xi32>
    %shift_right_arithmetic3A_393 = arith.shrsi %get3A_390, %shift_right_arithmetic3A_392 : vector<16xi32>
    %shift_left3A_394 = arith.constant 13 : i32
    %shift_left3A_395 = vector.broadcast %shift_left3A_394 : i32 to vector<16xi32>
    %shift_left3A_396 = arith.shli %shift_right_arithmetic3A_393, %shift_left3A_395 : vector<16xi32>
    %and3A_397 = arith.constant 8191 : i32
    %and3A_398 = vector.broadcast %and3A_397 : i32 to vector<16xi32>
    %and3A_399 = arith.andi %get3A_390, %and3A_398 : vector<16xi32>
    %or3A_400 = arith.ori %shift_left3A_396, %and3A_399 : vector<16xi32>
    %swap3A_401 = arith.constant 368 : index
    %swap3A_402 = tpu.vector_load %arg5[%swap3A_401] {strides = array<i32>} : memref<512xi32, #tpu.memory_space<vmem>>, vector<16xi32>,
    %swap3A_403 = vector.shape_cast %swap3A_402 : vector<16xi32> to vector<16xi32>
    %swap3A_404 = vector.shape_cast %or3A_400 : vector<16xi32> to vector<16xi32>
    tpu.vector_store %arg5[%swap3A_401], %swap3A_404 {strides = array<i32>} : memref<512xi32, #tpu.memory_space<vmem>>, vector<16xi32>,
    %get3A_405 = arith.constant 384 : index
    %get3A_406 = tpu.vector_load %arg5[%get3A_405] {strides = array<i32>} : memref<512xi32, #tpu.memory_space<vmem>>, vector<16xi32>,
    %get3A_407 = vector.shape_cast %get3A_406 : vector<16xi32> to vector<16xi32>
    %shift_right_arithmetic3A_408 = arith.constant 15 : i32
    %shift_right_arithmetic3A_409 = vector.broadcast %shift_right_arithmetic3A_408 : i32 to vector<16xi32>
    %shift_right_arithmetic3A_410 = arith.shrsi %get3A_407, %shift_right_arithmetic3A_409 : vector<16xi32>
    %shift_left3A_411 = arith.constant 13 : i32
    %shift_left3A_412 = vector.broadcast %shift_left3A_411 : i32 to vector<16xi32>
    %shift_left3A_413 = arith.shli %shift_right_arithmetic3A_410, %shift_left3A_412 : vector<16xi32>
    %and3A_414 = arith.constant 8191 : i32
    %and3A_415 = vector.broadcast %and3A_414 : i32 to vector<16xi32>
    %and3A_416 = arith.andi %get3A_407, %and3A_415 : vector<16xi32>
    %or3A_417 = arith.ori %shift_left3A_413, %and3A_416 : vector<16xi32>
    %swap3A_418 = arith.constant 384 : index
    %swap3A_419 = tpu.vector_load %arg5[%swap3A_418] {strides = array<i32>} : memref<512xi32, #tpu.memory_space<vmem>>, vector<16xi32>,
    %swap3A_420 = vector.shape_cast %swap3A_419 : vector<16xi32> to vector<16xi32>
    %swap3A_421 = vector.shape_cast %or3A_417 : vector<16xi32> to vector<16xi32>
    tpu.vector_store %arg5[%swap3A_418], %swap3A_421 {strides = array<i32>} : memref<512xi32, #tpu.memory_space<vmem>>, vector<16xi32>,
    %get3A_422 = arith.constant 400 : index
    %get3A_423 = tpu.vector_load %arg5[%get3A_422] {strides = array<i32>} : memref<512xi32, #tpu.memory_space<vmem>>, vector<16xi32>,
    %get3A_424 = vector.shape_cast %get3A_423 : vector<16xi32> to vector<16xi32>
    %shift_right_arithmetic3A_425 = arith.constant 15 : i32
    %shift_right_arithmetic3A_426 = vector.broadcast %shift_right_arithmetic3A_425 : i32 to vector<16xi32>
    %shift_right_arithmetic3A_427 = arith.shrsi %get3A_424, %shift_right_arithmetic3A_426 : vector<16xi32>
    %shift_left3A_428 = arith.constant 13 : i32
    %shift_left3A_429 = vector.broadcast %shift_left3A_428 : i32 to vector<16xi32>
    %shift_left3A_430 = arith.shli %shift_right_arithmetic3A_427, %shift_left3A_429 : vector<16xi32>
    %and3A_431 = arith.constant 8191 : i32
    %and3A_432 = vector.broadcast %and3A_431 : i32 to vector<16xi32>
    %and3A_433 = arith.andi %get3A_424, %and3A_432 : vector<16xi32>
    %or3A_434 = arith.ori %shift_left3A_430, %and3A_433 : vector<16xi32>
    %swap3A_435 = arith.constant 400 : index
    %swap3A_436 = tpu.vector_load %arg5[%swap3A_435] {strides = array<i32>} : memref<512xi32, #tpu.memory_space<vmem>>, vector<16xi32>,
    %swap3A_437 = vector.shape_cast %swap3A_436 : vector<16xi32> to vector<16xi32>
    %swap3A_438 = vector.shape_cast %or3A_434 : vector<16xi32> to vector<16xi32>
    tpu.vector_store %arg5[%swap3A_435], %swap3A_438 {strides = array<i32>} : memref<512xi32, #tpu.memory_space<vmem>>, vector<16xi32>,
    %get3A_439 = arith.constant 416 : index
    %get3A_440 = tpu.vector_load %arg5[%get3A_439] {strides = array<i32>} : memref<512xi32, #tpu.memory_space<vmem>>, vector<16xi32>,
    %get3A_441 = vector.shape_cast %get3A_440 : vector<16xi32> to vector<16xi32>
    %shift_right_arithmetic3A_442 = arith.constant 15 : i32
    %shift_right_arithmetic3A_443 = vector.broadcast %shift_right_arithmetic3A_442 : i32 to vector<16xi32>
    %shift_right_arithmetic3A_444 = arith.shrsi %get3A_441, %shift_right_arithmetic3A_443 : vector<16xi32>
    %shift_left3A_445 = arith.constant 13 : i32
    %shift_left3A_446 = vector.broadcast %shift_left3A_445 : i32 to vector<16xi32>
    %shift_left3A_447 = arith.shli %shift_right_arithmetic3A_444, %shift_left3A_446 : vector<16xi32>
    %and3A_448 = arith.constant 8191 : i32
    %and3A_449 = vector.broadcast %and3A_448 : i32 to vector<16xi32>
    %and3A_450 = arith.andi %get3A_441, %and3A_449 : vector<16xi32>
    %or3A_451 = arith.ori %shift_left3A_447, %and3A_450 : vector<16xi32>
    %swap3A_452 = arith.constant 416 : index
    %swap3A_453 = tpu.vector_load %arg5[%swap3A_452] {strides = array<i32>} : memref<512xi32, #tpu.memory_space<vmem>>, vector<16xi32>,
    %swap3A_454 = vector.shape_cast %swap3A_453 : vector<16xi32> to vector<16xi32>
    %swap3A_455 = vector.shape_cast %or3A_451 : vector<16xi32> to vector<16xi32>
    tpu.vector_store %arg5[%swap3A_452], %swap3A_455 {strides = array<i32>} : memref<512xi32, #tpu.memory_space<vmem>>, vector<16xi32>,
    %get3A_456 = arith.constant 432 : index
    %get3A_457 = tpu.vector_load %arg5[%get3A_456] {strides = array<i32>} : memref<512xi32, #tpu.memory_space<vmem>>, vector<16xi32>,
    %get3A_458 = vector.shape_cast %get3A_457 : vector<16xi32> to vector<16xi32>
    %shift_right_arithmetic3A_459 = arith.constant 15 : i32
    %shift_right_arithmetic3A_460 = vector.broadcast %shift_right_arithmetic3A_459 : i32 to vector<16xi32>
    %shift_right_arithmetic3A_461 = arith.shrsi %get3A_458, %shift_right_arithmetic3A_460 : vector<16xi32>
    %shift_left3A_462 = arith.constant 13 : i32
    %shift_left3A_463 = vector.broadcast %shift_left3A_462 : i32 to vector<16xi32>
    %shift_left3A_464 = arith.shli %shift_right_arithmetic3A_461, %shift_left3A_463 : vector<16xi32>
    %and3A_465 = arith.constant 8191 : i32
    %and3A_466 = vector.broadcast %and3A_465 : i32 to vector<16xi32>
    %and3A_467 = arith.andi %get3A_458, %and3A_466 : vector<16xi32>
    %or3A_468 = arith.ori %shift_left3A_464, %and3A_467 : vector<16xi32>
    %swap3A_469 = arith.constant 432 : index
    %swap3A_470 = tpu.vector_load %arg5[%swap3A_469] {strides = array<i32>} : memref<512xi32, #tpu.memory_space<vmem>>, vector<16xi32>,
    %swap3A_471 = vector.shape_cast %swap3A_470 : vector<16xi32> to vector<16xi32>
    %swap3A_472 = vector.shape_cast %or3A_468 : vector<16xi32> to vector<16xi32>
    tpu.vector_store %arg5[%swap3A_469], %swap3A_472 {strides = array<i32>} : memref<512xi32, #tpu.memory_space<vmem>>, vector<16xi32>,
    %get3A_473 = arith.constant 448 : index
    %get3A_474 = tpu.vector_load %arg5[%get3A_473] {strides = array<i32>} : memref<512xi32, #tpu.memory_space<vmem>>, vector<16xi32>,
    %get3A_475 = vector.shape_cast %get3A_474 : vector<16xi32> to vector<16xi32>
    %shift_right_arithmetic3A_476 = arith.constant 15 : i32
    %shift_right_arithmetic3A_477 = vector.broadcast %shift_right_arithmetic3A_476 : i32 to vector<16xi32>
    %shift_right_arithmetic3A_478 = arith.shrsi %get3A_475, %shift_right_arithmetic3A_477 : vector<16xi32>
    %shift_left3A_479 = arith.constant 13 : i32
    %shift_left3A_480 = vector.broadcast %shift_left3A_479 : i32 to vector<16xi32>
    %shift_left3A_481 = arith.shli %shift_right_arithmetic3A_478, %shift_left3A_480 : vector<16xi32>
    %and3A_482 = arith.constant 8191 : i32
    %and3A_483 = vector.broadcast %and3A_482 : i32 to vector<16xi32>
    %and3A_484 = arith.andi %get3A_475, %and3A_483 : vector<16xi32>
    %or3A_485 = arith.ori %shift_left3A_481, %and3A_484 : vector<16xi32>
    %swap3A_486 = arith.constant 448 : index
    %swap3A_487 = tpu.vector_load %arg5[%swap3A_486] {strides = array<i32>} : memref<512xi32, #tpu.memory_space<vmem>>, vector<16xi32>,
    %swap3A_488 = vector.shape_cast %swap3A_487 : vector<16xi32> to vector<16xi32>
    %swap3A_489 = vector.shape_cast %or3A_485 : vector<16xi32> to vector<16xi32>
    tpu.vector_store %arg5[%swap3A_486], %swap3A_489 {strides = array<i32>} : memref<512xi32, #tpu.memory_space<vmem>>, vector<16xi32>,
    %get3A_490 = arith.constant 464 : index
    %get3A_491 = tpu.vector_load %arg5[%get3A_490] {strides = array<i32>} : memref<512xi32, #tpu.memory_space<vmem>>, vector<16xi32>,
    %get3A_492 = vector.shape_cast %get3A_491 : vector<16xi32> to vector<16xi32>
    %shift_right_arithmetic3A_493 = arith.constant 15 : i32
    %shift_right_arithmetic3A_494 = vector.broadcast %shift_right_arithmetic3A_493 : i32 to vector<16xi32>
    %shift_right_arithmetic3A_495 = arith.shrsi %get3A_492, %shift_right_arithmetic3A_494 : vector<16xi32>
    %shift_left3A_496 = arith.constant 13 : i32
    %shift_left3A_497 = vector.broadcast %shift_left3A_496 : i32 to vector<16xi32>
    %shift_left3A_498 = arith.shli %shift_right_arithmetic3A_495, %shift_left3A_497 : vector<16xi32>
    %and3A_499 = arith.constant 8191 : i32
    %and3A_500 = vector.broadcast %and3A_499 : i32 to vector<16xi32>
    %and3A_501 = arith.andi %get3A_492, %and3A_500 : vector<16xi32>
    %or3A_502 = arith.ori %shift_left3A_498, %and3A_501 : vector<16xi32>
    %swap3A_503 = arith.constant 464 : index
    %swap3A_504 = tpu.vector_load %arg5[%swap3A_503] {strides = array<i32>} : memref<512xi32, #tpu.memory_space<vmem>>, vector<16xi32>,
    %swap3A_505 = vector.shape_cast %swap3A_504 : vector<16xi32> to vector<16xi32>
    %swap3A_506 = vector.shape_cast %or3A_502 : vector<16xi32> to vector<16xi32>
    tpu.vector_store %arg5[%swap3A_503], %swap3A_506 {strides = array<i32>} : memref<512xi32, #tpu.memory_space<vmem>>, vector<16xi32>,
    %get3A_507 = arith.constant 480 : index
    %get3A_508 = tpu.vector_load %arg5[%get3A_507] {strides = array<i32>} : memref<512xi32, #tpu.memory_space<vmem>>, vector<16xi32>,
    %get3A_509 = vector.shape_cast %get3A_508 : vector<16xi32> to vector<16xi32>
    %shift_right_arithmetic3A_510 = arith.constant 15 : i32
    %shift_right_arithmetic3A_511 = vector.broadcast %shift_right_arithmetic3A_510 : i32 to vector<16xi32>
    %shift_right_arithmetic3A_512 = arith.shrsi %get3A_509, %shift_right_arithmetic3A_511 : vector<16xi32>
    %shift_left3A_513 = arith.constant 13 : i32
    %shift_left3A_514 = vector.broadcast %shift_left3A_513 : i32 to vector<16xi32>
    %shift_left3A_515 = arith.shli %shift_right_arithmetic3A_512, %shift_left3A_514 : vector<16xi32>
    %and3A_516 = arith.constant 8191 : i32
    %and3A_517 = vector.broadcast %and3A_516 : i32 to vector<16xi32>
    %and3A_518 = arith.andi %get3A_509, %and3A_517 : vector<16xi32>
    %or3A_519 = arith.ori %shift_left3A_515, %and3A_518 : vector<16xi32>
    %swap3A_520 = arith.constant 480 : index
    %swap3A_521 = tpu.vector_load %arg5[%swap3A_520] {strides = array<i32>} : memref<512xi32, #tpu.memory_space<vmem>>, vector<16xi32>,
    %swap3A_522 = vector.shape_cast %swap3A_521 : vector<16xi32> to vector<16xi32>
    %swap3A_523 = vector.shape_cast %or3A_519 : vector<16xi32> to vector<16xi32>
    tpu.vector_store %arg5[%swap3A_520], %swap3A_523 {strides = array<i32>} : memref<512xi32, #tpu.memory_space<vmem>>, vector<16xi32>,
    %get3A_524 = arith.constant 496 : index
    %get3A_525 = tpu.vector_load %arg5[%get3A_524] {strides = array<i32>} : memref<512xi32, #tpu.memory_space<vmem>>, vector<16xi32>,
    %get3A_526 = vector.shape_cast %get3A_525 : vector<16xi32> to vector<16xi32>
    %shift_right_arithmetic3A_527 = arith.constant 15 : i32
    %shift_right_arithmetic3A_528 = vector.broadcast %shift_right_arithmetic3A_527 : i32 to vector<16xi32>
    %shift_right_arithmetic3A_529 = arith.shrsi %get3A_526, %shift_right_arithmetic3A_528 : vector<16xi32>
    %shift_left3A_530 = arith.constant 13 : i32
    %shift_left3A_531 = vector.broadcast %shift_left3A_530 : i32 to vector<16xi32>
    %shift_left3A_532 = arith.shli %shift_right_arithmetic3A_529, %shift_left3A_531 : vector<16xi32>
    %and3A_533 = arith.constant 8191 : i32
    %and3A_534 = vector.broadcast %and3A_533 : i32 to vector<16xi32>
    %and3A_535 = arith.andi %get3A_526, %and3A_534 : vector<16xi32>
    %or3A_536 = arith.ori %shift_left3A_532, %and3A_535 : vector<16xi32>
    %swap3A_537 = arith.constant 496 : index
    %swap3A_538 = tpu.vector_load %arg5[%swap3A_537] {strides = array<i32>} : memref<512xi32, #tpu.memory_space<vmem>>, vector<16xi32>,
    %swap3A_539 = vector.shape_cast %swap3A_538 : vector<16xi32> to vector<16xi32>
    %swap3A_540 = vector.shape_cast %or3A_536 : vector<16xi32> to vector<16xi32>
    tpu.vector_store %arg5[%swap3A_537], %swap3A_540 {strides = array<i32>} : memref<512xi32, #tpu.memory_space<vmem>>, vector<16xi32>,
    %dma_start3A = arith.constant 0 : i32
    %dma_start3A_541 = arith.constant 0 : i32
    %dma_start3A_542 = tpu.memref_slice %arg6[%dma_start3A, %dma_start3A_541] : memref<256x128xf32, #tpu.memory_space<vmem>> -> memref<128x128xf32, #tpu.memory_space<vmem>>
    %dma_start3A_543 = arith.constant 0 : i32
    %dma_start3A_544 = tpu.memref_slice %arg5[%dma_start3A_543] : memref<512xi32, #tpu.memory_space<vmem>> -> memref<128xi32, #tpu.memory_space<vmem>>
    %dma_start3A_545 = arith.constant 0 : i32
    %dma_start3A_546 = arith.constant 0 : i32
    %dma_start3A_547 = tpu.memref_slice %arg3[%dma_start3A_545, %dma_start3A_546] : memref<253952x128xf32, #tpu.memory_space<hbm>> -> memref<253952x128xf32, #tpu.memory_space<hbm>>
    tpu.enqueue_indirect_dma source(%dma_start3A_547 : memref<253952x128xf32, #tpu.memory_space<hbm>>) target(%dma_start3A_542 : memref<128x128xf32, #tpu.memory_space<vmem>>) offsets(%dma_start3A_544 : memref<128xi32, #tpu.memory_space<vmem>>) semaphore(%arg7 : memref<!tpu.dma_semaphore, #tpu.memory_space<semaphore_mem>>)
    %dma_start3A_548 = arith.constant 128 : i32
    %dma_start3A_549 = arith.constant 0 : i32
    %dma_start3A_550 = tpu.memref_slice %arg6[%dma_start3A_548, %dma_start3A_549] : memref<256x128xf32, #tpu.memory_space<vmem>> -> memref<128x128xf32, #tpu.memory_space<vmem>>
    %dma_start3A_551 = arith.constant 128 : i32
    %dma_start3A_552 = tpu.memref_slice %arg5[%dma_start3A_551] : memref<512xi32, #tpu.memory_space<vmem>> -> memref<128xi32, #tpu.memory_space<vmem>>
    %dma_start3A_553 = arith.constant 0 : i32
    %dma_start3A_554 = arith.constant 0 : i32
    %dma_start3A_555 = tpu.memref_slice %arg3[%dma_start3A_553, %dma_start3A_554] : memref<253952x128xf32, #tpu.memory_space<hbm>> -> memref<253952x128xf32, #tpu.memory_space<hbm>>
    tpu.enqueue_indirect_dma source(%dma_start3A_555 : memref<253952x128xf32, #tpu.memory_space<hbm>>) target(%dma_start3A_550 : memref<128x128xf32, #tpu.memory_space<vmem>>) offsets(%dma_start3A_552 : memref<128xi32, #tpu.memory_space<vmem>>) semaphore(%arg7 : memref<!tpu.dma_semaphore, #tpu.memory_space<semaphore_mem>>)
    %dma_wait3A = arith.constant 0 : i32
    %dma_wait3A_556 = arith.constant 0 : i32
    %dma_wait3A_557 = tpu.memref_slice %arg6[%dma_wait3A, %dma_wait3A_556] : memref<256x128xf32, #tpu.memory_space<vmem>> -> memref<128x128xf32, #tpu.memory_space<vmem>>
    %dma_wait3A_558 = arith.constant 0 : i32
    %dma_wait3A_559 = tpu.memref_slice %arg5[%dma_wait3A_558] : memref<512xi32, #tpu.memory_space<vmem>> -> memref<128xi32, #tpu.memory_space<vmem>>
    %dma_wait3A_560 = arith.constant 0 : i32
    %dma_wait3A_561 = arith.constant 0 : i32
    %dma_wait3A_562 = tpu.memref_slice %arg3[%dma_wait3A_560, %dma_wait3A_561] : memref<253952x128xf32, #tpu.memory_space<hbm>> -> memref<253952x128xf32, #tpu.memory_space<hbm>>
    tpu.wait_indirect_dma semaphore(%arg7 : memref<!tpu.dma_semaphore, #tpu.memory_space<semaphore_mem>>) src(%dma_wait3A_562 : memref<253952x128xf32, #tpu.memory_space<hbm>>) dst(%dma_wait3A_557 : memref<128x128xf32, #tpu.memory_space<vmem>>)
    %dma_wait3A_563 = arith.constant 128 : i32
    %dma_wait3A_564 = arith.constant 0 : i32
    %dma_wait3A_565 = tpu.memref_slice %arg6[%dma_wait3A_563, %dma_wait3A_564] : memref<256x128xf32, #tpu.memory_space<vmem>> -> memref<128x128xf32, #tpu.memory_space<vmem>>
    %dma_wait3A_566 = arith.constant 128 : i32
    %dma_wait3A_567 = tpu.memref_slice %arg5[%dma_wait3A_566] : memref<512xi32, #tpu.memory_space<vmem>> -> memref<128xi32, #tpu.memory_space<vmem>>
    %dma_wait3A_568 = arith.constant 0 : i32
    %dma_wait3A_569 = arith.constant 0 : i32
    %dma_wait3A_570 = tpu.memref_slice %arg3[%dma_wait3A_568, %dma_wait3A_569] : memref<253952x128xf32, #tpu.memory_space<hbm>> -> memref<253952x128xf32, #tpu.memory_space<hbm>>
    tpu.wait_indirect_dma semaphore(%arg7 : memref<!tpu.dma_semaphore, #tpu.memory_space<semaphore_mem>>) src(%dma_wait3A_570 : memref<253952x128xf32, #tpu.memory_space<hbm>>) dst(%dma_wait3A_565 : memref<128x128xf32, #tpu.memory_space<vmem>>)
    %add3A_571 = arith.constant 0 : i32
    %add3A_572 = arith.addi %mul3A_2, %add3A_571 : i32
    "tpu.region"() ({
      %run_scoped3A = tpu.sem_alloc : memref<!tpu.dma_semaphore, #tpu.memory_space<semaphore_mem>>
      %dma_start3A_607 = arith.constant 0 : i32
      %dma_start3A_608 = tpu.memref_slice %arg4[%add3A_572, %dma_start3A_607] : memref<16384x128xf32, #tpu.memory_space<hbm>> -> memref<256x128xf32, #tpu.memory_space<hbm>>
      %dma_start3A_609 = arith.constant 0 : i32
      %dma_start3A_610 = tpu.memref_slice %arg4[%add3A_572, %dma_start3A_609] : memref<16384x128xf32, #tpu.memory_space<hbm>> -> memref<256x128xf32, #tpu.memory_space<hbm>>
      tpu.enqueue_dma source(%arg6 : memref<256x128xf32, #tpu.memory_space<vmem>>) target(%dma_start3A_610 : memref<256x128xf32, #tpu.memory_space<hbm>>) target_semaphore(%run_scoped3A : memref<!tpu.dma_semaphore, #tpu.memory_space<semaphore_mem>>)
      %dma_wait3A_611 = arith.constant 0 : i32
      %dma_wait3A_612 = tpu.memref_slice %arg4[%add3A_572, %dma_wait3A_611] : memref<16384x128xf32, #tpu.memory_space<hbm>> -> memref<256x128xf32, #tpu.memory_space<hbm>>
      %dma_wait3A_613 = arith.constant 0 : i32
      %dma_wait3A_614 = tpu.memref_slice %arg4[%add3A_572, %dma_wait3A_613] : memref<16384x128xf32, #tpu.memory_space<hbm>> -> memref<256x128xf32, #tpu.memory_space<hbm>>
      tpu.wait_dma2 semaphore(%run_scoped3A : memref<!tpu.dma_semaphore, #tpu.memory_space<semaphore_mem>>) src(%arg6 : memref<256x128xf32, #tpu.memory_space<vmem>>) dst(%dma_wait3A_614 : memref<256x128xf32, #tpu.memory_space<hbm>>)
      tpu.yield
    }) : () -> ()
    %dma_start3A_573 = arith.constant 0 : i32
    %dma_start3A_574 = arith.constant 0 : i32
    %dma_start3A_575 = tpu.memref_slice %arg6[%dma_start3A_573, %dma_start3A_574] : memref<256x128xf32, #tpu.memory_space<vmem>> -> memref<128x128xf32, #tpu.memory_space<vmem>>
    %dma_start3A_576 = arith.constant 256 : i32
    %dma_start3A_577 = tpu.memref_slice %arg5[%dma_start3A_576] : memref<512xi32, #tpu.memory_space<vmem>> -> memref<128xi32, #tpu.memory_space<vmem>>
    %dma_start3A_578 = arith.constant 0 : i32
    %dma_start3A_579 = arith.constant 0 : i32
    %dma_start3A_580 = tpu.memref_slice %arg3[%dma_start3A_578, %dma_start3A_579] : memref<253952x128xf32, #tpu.memory_space<hbm>> -> memref<253952x128xf32, #tpu.memory_space<hbm>>
    tpu.enqueue_indirect_dma source(%dma_start3A_580 : memref<253952x128xf32, #tpu.memory_space<hbm>>) target(%dma_start3A_575 : memref<128x128xf32, #tpu.memory_space<vmem>>) offsets(%dma_start3A_577 : memref<128xi32, #tpu.memory_space<vmem>>) semaphore(%arg7 : memref<!tpu.dma_semaphore, #tpu.memory_space<semaphore_mem>>)
    %dma_start3A_581 = arith.constant 128 : i32
    %dma_start3A_582 = arith.constant 0 : i32
    %dma_start3A_583 = tpu.memref_slice %arg6[%dma_start3A_581, %dma_start3A_582] : memref<256x128xf32, #tpu.memory_space<vmem>> -> memref<128x128xf32, #tpu.memory_space<vmem>>
    %dma_start3A_584 = arith.constant 384 : i32
    %dma_start3A_585 = tpu.memref_slice %arg5[%dma_start3A_584] : memref<512xi32, #tpu.memory_space<vmem>> -> memref<128xi32, #tpu.memory_space<vmem>>
    %dma_start3A_586 = arith.constant 0 : i32
    %dma_start3A_587 = arith.constant 0 : i32
    %dma_start3A_588 = tpu.memref_slice %arg3[%dma_start3A_586, %dma_start3A_587] : memref<253952x128xf32, #tpu.memory_space<hbm>> -> memref<253952x128xf32, #tpu.memory_space<hbm>>
    tpu.enqueue_indirect_dma source(%dma_start3A_588 : memref<253952x128xf32, #tpu.memory_space<hbm>>) target(%dma_start3A_583 : memref<128x128xf32, #tpu.memory_space<vmem>>) offsets(%dma_start3A_585 : memref<128xi32, #tpu.memory_space<vmem>>) semaphore(%arg7 : memref<!tpu.dma_semaphore, #tpu.memory_space<semaphore_mem>>)
    %dma_wait3A_589 = arith.constant 0 : i32
    %dma_wait3A_590 = arith.constant 0 : i32
    %dma_wait3A_591 = tpu.memref_slice %arg6[%dma_wait3A_589, %dma_wait3A_590] : memref<256x128xf32, #tpu.memory_space<vmem>> -> memref<128x128xf32, #tpu.memory_space<vmem>>
    %dma_wait3A_592 = arith.constant 256 : i32
    %dma_wait3A_593 = tpu.memref_slice %arg5[%dma_wait3A_592] : memref<512xi32, #tpu.memory_space<vmem>> -> memref<128xi32, #tpu.memory_space<vmem>>
    %dma_wait3A_594 = arith.constant 0 : i32
    %dma_wait3A_595 = arith.constant 0 : i32
    %dma_wait3A_596 = tpu.memref_slice %arg3[%dma_wait3A_594, %dma_wait3A_595] : memref<253952x128xf32, #tpu.memory_space<hbm>> -> memref<253952x128xf32, #tpu.memory_space<hbm>>
    tpu.wait_indirect_dma semaphore(%arg7 : memref<!tpu.dma_semaphore, #tpu.memory_space<semaphore_mem>>) src(%dma_wait3A_596 : memref<253952x128xf32, #tpu.memory_space<hbm>>) dst(%dma_wait3A_591 : memref<128x128xf32, #tpu.memory_space<vmem>>)
    %dma_wait3A_597 = arith.constant 128 : i32
    %dma_wait3A_598 = arith.constant 0 : i32
    %dma_wait3A_599 = tpu.memref_slice %arg6[%dma_wait3A_597, %dma_wait3A_598] : memref<256x128xf32, #tpu.memory_space<vmem>> -> memref<128x128xf32, #tpu.memory_space<vmem>>
    %dma_wait3A_600 = arith.constant 384 : i32
    %dma_wait3A_601 = tpu.memref_slice %arg5[%dma_wait3A_600] : memref<512xi32, #tpu.memory_space<vmem>> -> memref<128xi32, #tpu.memory_space<vmem>>
    %dma_wait3A_602 = arith.constant 0 : i32
    %dma_wait3A_603 = arith.constant 0 : i32
    %dma_wait3A_604 = tpu.memref_slice %arg3[%dma_wait3A_602, %dma_wait3A_603] : memref<253952x128xf32, #tpu.memory_space<hbm>> -> memref<253952x128xf32, #tpu.memory_space<hbm>>
    tpu.wait_indirect_dma semaphore(%arg7 : memref<!tpu.dma_semaphore, #tpu.memory_space<semaphore_mem>>) src(%dma_wait3A_604 : memref<253952x128xf32, #tpu.memory_space<hbm>>) dst(%dma_wait3A_599 : memref<128x128xf32, #tpu.memory_space<vmem>>)
    %add3A_605 = arith.constant 256 : i32
    %add3A_606 = arith.addi %mul3A_2, %add3A_605 : i32
    "tpu.region"() ({
      %run_scoped3A = tpu.sem_alloc : memref<!tpu.dma_semaphore, #tpu.memory_space<semaphore_mem>>
      %dma_start3A_607 = arith.constant 0 : i32
      %dma_start3A_608 = tpu.memref_slice %arg4[%add3A_606, %dma_start3A_607] : memref<16384x128xf32, #tpu.memory_space<hbm>> -> memref<256x128xf32, #tpu.memory_space<hbm>>
      %dma_start3A_609 = arith.constant 0 : i32
      %dma_start3A_610 = tpu.memref_slice %arg4[%add3A_606, %dma_start3A_609] : memref<16384x128xf32, #tpu.memory_space<hbm>> -> memref<256x128xf32, #tpu.memory_space<hbm>>
      tpu.enqueue_dma source(%arg6 : memref<256x128xf32, #tpu.memory_space<vmem>>) target(%dma_start3A_610 : memref<256x128xf32, #tpu.memory_space<hbm>>) target_semaphore(%run_scoped3A : memref<!tpu.dma_semaphore, #tpu.memory_space<semaphore_mem>>)
      %dma_wait3A_611 = arith.constant 0 : i32
      %dma_wait3A_612 = tpu.memref_slice %arg4[%add3A_606, %dma_wait3A_611] : memref<16384x128xf32, #tpu.memory_space<hbm>> -> memref<256x128xf32, #tpu.memory_space<hbm>>
      %dma_wait3A_613 = arith.constant 0 : i32
      %dma_wait3A_614 = tpu.memref_slice %arg4[%add3A_606, %dma_wait3A_613] : memref<16384x128xf32, #tpu.memory_space<hbm>> -> memref<256x128xf32, #tpu.memory_space<hbm>>
      tpu.wait_dma2 semaphore(%run_scoped3A : memref<!tpu.dma_semaphore, #tpu.memory_space<semaphore_mem>>) src(%arg6 : memref<256x128xf32, #tpu.memory_space<vmem>>) dst(%dma_wait3A_614 : memref<256x128xf32, #tpu.memory_space<hbm>>)
      tpu.yield
    }) : () -> ()
    return
  }
}

module attributes {stable_mosaic.version = 14 : i64} {
  func.func @body(%arg0: i32, %arg1: memref<32x32768xf32, #tpu.memory_space<vmem>>, %arg2: memref<32x32xf32, #tpu.memory_space<vmem>>, %arg3: memref<8192x128xf32, #tpu.memory_space<vmem>>) attributes {dimension_semantics = [#tpu.dimension_semantics<arbitrary>], iteration_bounds = array<i64: 4>, scalar_prefetch = 0 : i64, scratch_operands = 0 : i64, tpu.core_type = #tpu.core_type<tc>, window_params = [{transform_indices = @transform_0, window_bounds = array<i64: 32, 32768>}, {pipeline_mode = #tpu.pipeline_mode<synchronous>, transform_indices = @transform_1, window_bounds = array<i64: 32, 32>}, {transform_indices = @transform_2, window_bounds = array<i64: 8192, 128>}]} {
    %get3A = arith.constant 0 : index
    %get3A_0 = arith.constant 0 : index
    %get3A_1 = vector.load %arg1[%get3A, %get3A_0] : memref<32x32768xf32, #tpu.memory_space<vmem>>, vector<32x32768xf32>
    %slice3A = vector.extract_strided_slice %get3A_1 {offsets = [0, 0], sizes = [32, 8192], strides = [1, 1]} : vector<32x32768xf32> to vector<32x8192xf32>
    %get3A_2 = arith.constant 0 : index
    %get3A_3 = arith.constant 0 : index
    %get3A_4 = vector.load %arg2[%get3A_2, %get3A_3] : memref<32x32xf32, #tpu.memory_space<vmem>>, vector<32x32xf32>
    %dot_general3A = arith.constant dense<0.000000e+00> : vector<8192x32xf32>
    %dot_general3A_5 = tpu.matmul %slice3A, %get3A_4, %dot_general3A {dimension_numbers = #tpu.dot_dimension_numbers<[0], [0], [1], [1], [0, 1, 1, 1], [], []>, transpose_lhs_hint = false} : vector<32x8192xf32>, vector<32x32xf32>, vector<8192x32xf32> -> vector<8192x32xf32>
    %slice3A_6 = vector.extract_strided_slice %get3A_1 {offsets = [0, 8192], sizes = [32, 8192], strides = [1, 1]} : vector<32x32768xf32> to vector<32x8192xf32>
    %get3A_7 = arith.constant 0 : index
    %get3A_8 = arith.constant 0 : index
    %get3A_9 = vector.load %arg2[%get3A_7, %get3A_8] : memref<32x32xf32, #tpu.memory_space<vmem>>, vector<32x32xf32>
    %dot_general3A_10 = arith.constant dense<0.000000e+00> : vector<8192x32xf32>
    %dot_general3A_11 = tpu.matmul %slice3A_6, %get3A_9, %dot_general3A_10 {dimension_numbers = #tpu.dot_dimension_numbers<[0], [0], [1], [1], [0, 1, 1, 1], [], []>, transpose_lhs_hint = false} : vector<32x8192xf32>, vector<32x32xf32>, vector<8192x32xf32> -> vector<8192x32xf32>
    %slice3A_12 = vector.extract_strided_slice %get3A_1 {offsets = [0, 16384], sizes = [32, 8192], strides = [1, 1]} : vector<32x32768xf32> to vector<32x8192xf32>
    %get3A_13 = arith.constant 0 : index
    %get3A_14 = arith.constant 0 : index
    %get3A_15 = vector.load %arg2[%get3A_13, %get3A_14] : memref<32x32xf32, #tpu.memory_space<vmem>>, vector<32x32xf32>
    %dot_general3A_16 = arith.constant dense<0.000000e+00> : vector<8192x32xf32>
    %dot_general3A_17 = tpu.matmul %slice3A_12, %get3A_15, %dot_general3A_16 {dimension_numbers = #tpu.dot_dimension_numbers<[0], [0], [1], [1], [0, 1, 1, 1], [], []>, transpose_lhs_hint = false} : vector<32x8192xf32>, vector<32x32xf32>, vector<8192x32xf32> -> vector<8192x32xf32>
    %slice3A_18 = vector.extract_strided_slice %get3A_1 {offsets = [0, 24576], sizes = [32, 8192], strides = [1, 1]} : vector<32x32768xf32> to vector<32x8192xf32>
    %get3A_19 = arith.constant 0 : index
    %get3A_20 = arith.constant 0 : index
    %get3A_21 = vector.load %arg2[%get3A_19, %get3A_20] : memref<32x32xf32, #tpu.memory_space<vmem>>, vector<32x32xf32>
    %dot_general3A_22 = arith.constant dense<0.000000e+00> : vector<8192x32xf32>
    %dot_general3A_23 = tpu.matmul %slice3A_18, %get3A_21, %dot_general3A_22 {dimension_numbers = #tpu.dot_dimension_numbers<[0], [0], [1], [1], [0, 1, 1, 1], [], []>, transpose_lhs_hint = false} : vector<32x8192xf32>, vector<32x32xf32>, vector<8192x32xf32> -> vector<8192x32xf32>
    %concatenate3A = tpu.concatenate %dot_general3A_5, %dot_general3A_11, %dot_general3A_17, %dot_general3A_23 in 1 : vector<8192x32xf32>, vector<8192x32xf32>, vector<8192x32xf32>, vector<8192x32xf32> -> vector<8192x128xf32>
    %swap3A = arith.constant 0 : index
    %swap3A_24 = arith.constant 0 : index
    %swap3A_25 = vector.load %arg3[%swap3A, %swap3A_24] : memref<8192x128xf32, #tpu.memory_space<vmem>>, vector<8192x128xf32>
    tpu.vector_store %arg3[%swap3A, %swap3A_24], %concatenate3A {strides = array<i32>} : memref<8192x128xf32, #tpu.memory_space<vmem>>, vector<8192x128xf32>,
    return
  }
  func.func @transform_0(%arg0: i32) -> (i32, i32) {
    %c0_i32 = arith.constant 0 : i32
    %c0_i32_0 = arith.constant 0 : i32
    return %c0_i32, %arg0 : i32, i32
  }
  func.func @transform_1(%arg0: i32) -> (i32, i32) {
    %c0_i32 = arith.constant 0 : i32
    %c0_i32_0 = arith.constant 0 : i32
    %c0_i32_1 = arith.constant 0 : i32
    return %c0_i32, %c0_i32_0 : i32, i32
  }
  func.func @transform_2(%arg0: i32) -> (i32, i32) {
    %c0_i32 = arith.constant 0 : i32
    %c0_i32_0 = arith.constant 0 : i32
    return %arg0, %c0_i32 : i32, i32
  }
}

module attributes {stable_mosaic.version = 14 : i64} {
  func.func @body(%arg0: i32, %arg1: memref<32x32768xf32, #tpu.memory_space<vmem>>, %arg2: memref<32x32xf32, #tpu.memory_space<vmem>>, %arg3: memref<8192x128xf32, #tpu.memory_space<vmem>>) attributes {dimension_semantics = [#tpu.dimension_semantics<arbitrary>], iteration_bounds = array<i64: 31>, scalar_prefetch = 0 : i64, scratch_operands = 0 : i64, tpu.core_type = #tpu.core_type<tc>, window_params = [{transform_indices = @transform_0, window_bounds = array<i64: 32, 32768>}, {pipeline_mode = #tpu.pipeline_mode<synchronous>, transform_indices = @transform_1, window_bounds = array<i64: 32, 32>}, {transform_indices = @transform_2, window_bounds = array<i64: 8192, 128>}]} {
    %get3A = arith.constant 0 : index
    %get3A_0 = arith.constant 0 : index
    %get3A_1 = vector.load %arg1[%get3A, %get3A_0] : memref<32x32768xf32, #tpu.memory_space<vmem>>, vector<32x32768xf32>
    %slice3A = vector.extract_strided_slice %get3A_1 {offsets = [0, 0], sizes = [32, 8192], strides = [1, 1]} : vector<32x32768xf32> to vector<32x8192xf32>
    %get3A_2 = arith.constant 0 : index
    %get3A_3 = arith.constant 0 : index
    %get3A_4 = vector.load %arg2[%get3A_2, %get3A_3] : memref<32x32xf32, #tpu.memory_space<vmem>>, vector<32x32xf32>
    %dot_general3A = arith.constant dense<0.000000e+00> : vector<8192x32xf32>
    %dot_general3A_5 = tpu.matmul %slice3A, %get3A_4, %dot_general3A {dimension_numbers = #tpu.dot_dimension_numbers<[0], [0], [1], [1], [0, 1, 1, 1], [], []>, transpose_lhs_hint = false} : vector<32x8192xf32>, vector<32x32xf32>, vector<8192x32xf32> -> vector<8192x32xf32>
    %slice3A_6 = vector.extract_strided_slice %get3A_1 {offsets = [0, 8192], sizes = [32, 8192], strides = [1, 1]} : vector<32x32768xf32> to vector<32x8192xf32>
    %get3A_7 = arith.constant 0 : index
    %get3A_8 = arith.constant 0 : index
    %get3A_9 = vector.load %arg2[%get3A_7, %get3A_8] : memref<32x32xf32, #tpu.memory_space<vmem>>, vector<32x32xf32>
    %dot_general3A_10 = arith.constant dense<0.000000e+00> : vector<8192x32xf32>
    %dot_general3A_11 = tpu.matmul %slice3A_6, %get3A_9, %dot_general3A_10 {dimension_numbers = #tpu.dot_dimension_numbers<[0], [0], [1], [1], [0, 1, 1, 1], [], []>, transpose_lhs_hint = false} : vector<32x8192xf32>, vector<32x32xf32>, vector<8192x32xf32> -> vector<8192x32xf32>
    %slice3A_12 = vector.extract_strided_slice %get3A_1 {offsets = [0, 16384], sizes = [32, 8192], strides = [1, 1]} : vector<32x32768xf32> to vector<32x8192xf32>
    %get3A_13 = arith.constant 0 : index
    %get3A_14 = arith.constant 0 : index
    %get3A_15 = vector.load %arg2[%get3A_13, %get3A_14] : memref<32x32xf32, #tpu.memory_space<vmem>>, vector<32x32xf32>
    %dot_general3A_16 = arith.constant dense<0.000000e+00> : vector<8192x32xf32>
    %dot_general3A_17 = tpu.matmul %slice3A_12, %get3A_15, %dot_general3A_16 {dimension_numbers = #tpu.dot_dimension_numbers<[0], [0], [1], [1], [0, 1, 1, 1], [], []>, transpose_lhs_hint = false} : vector<32x8192xf32>, vector<32x32xf32>, vector<8192x32xf32> -> vector<8192x32xf32>
    %slice3A_18 = vector.extract_strided_slice %get3A_1 {offsets = [0, 24576], sizes = [32, 8192], strides = [1, 1]} : vector<32x32768xf32> to vector<32x8192xf32>
    %get3A_19 = arith.constant 0 : index
    %get3A_20 = arith.constant 0 : index
    %get3A_21 = vector.load %arg2[%get3A_19, %get3A_20] : memref<32x32xf32, #tpu.memory_space<vmem>>, vector<32x32xf32>
    %dot_general3A_22 = arith.constant dense<0.000000e+00> : vector<8192x32xf32>
    %dot_general3A_23 = tpu.matmul %slice3A_18, %get3A_21, %dot_general3A_22 {dimension_numbers = #tpu.dot_dimension_numbers<[0], [0], [1], [1], [0, 1, 1, 1], [], []>, transpose_lhs_hint = false} : vector<32x8192xf32>, vector<32x32xf32>, vector<8192x32xf32> -> vector<8192x32xf32>
    %concatenate3A = tpu.concatenate %dot_general3A_5, %dot_general3A_11, %dot_general3A_17, %dot_general3A_23 in 1 : vector<8192x32xf32>, vector<8192x32xf32>, vector<8192x32xf32>, vector<8192x32xf32> -> vector<8192x128xf32>
    %swap3A = arith.constant 0 : index
    %swap3A_24 = arith.constant 0 : index
    %swap3A_25 = vector.load %arg3[%swap3A, %swap3A_24] : memref<8192x128xf32, #tpu.memory_space<vmem>>, vector<8192x128xf32>
    tpu.vector_store %arg3[%swap3A, %swap3A_24], %concatenate3A {strides = array<i32>} : memref<8192x128xf32, #tpu.memory_space<vmem>>, vector<8192x128xf32>,
    return
  }
  func.func @transform_0(%arg0: i32) -> (i32, i32) {
    %c0_i32 = arith.constant 0 : i32
    %c0_i32_0 = arith.constant 0 : i32
    return %c0_i32, %arg0 : i32, i32
  }
  func.func @transform_1(%arg0: i32) -> (i32, i32) {
    %c0_i32 = arith.constant 0 : i32
    %c0_i32_0 = arith.constant 0 : i32
    %c0_i32_1 = arith.constant 0 : i32
    return %c0_i32, %c0_i32_0 : i32, i32
  }
  func.func @transform_2(%arg0: i32) -> (i32, i32) {
    %c0_i32 = arith.constant 0 : i32
    %c0_i32_0 = arith.constant 0 : i32
    return %arg0, %c0_i32 : i32, i32
  }
}

module attributes {stable_mosaic.version = 14 : i64} {
  func.func @_tc_body(%arg0: i32, %arg1: memref<2048x128xf32, #tpu.memory_space<vmem>>, %arg2: memref<2048x128xf32, #tpu.memory_space<vmem>>, %arg3: memref<2048x128xf32, #tpu.memory_space<vmem>>, %arg4: memref<2048x16xf32, #tpu.memory_space<vmem>>, %arg5: memref<64x32xf32, #tpu.memory_space<vmem>>, %arg6: memref<8x32xf32, #tpu.memory_space<vmem>>, %arg7: memref<16x32xf32, #tpu.memory_space<vmem>>, %arg8: memref<24x32xf32, #tpu.memory_space<vmem>>, %arg9: memref<128x32xf32, #tpu.memory_space<vmem>>, %arg10: memref<1x32xf32, #tpu.memory_space<vmem>>, %arg11: memref<32x32xf32, #tpu.memory_space<vmem>>, %arg12: memref<1x32xf32, #tpu.memory_space<vmem>>, %arg13: memref<128x32xf32, #tpu.memory_space<vmem>>, %arg14: memref<32x32xf32, #tpu.memory_space<vmem>>, %arg15: memref<32x32xf32, #tpu.memory_space<vmem>>, %arg16: memref<32x32xf32, #tpu.memory_space<vmem>>, %arg17: memref<128x32xf32, #tpu.memory_space<vmem>>, %arg18: memref<32x32xf32, #tpu.memory_space<vmem>>, %arg19: memref<1x32xf32, #tpu.memory_space<vmem>>, %arg20: memref<1x32xf32, #tpu.memory_space<vmem>>, %arg21: memref<1x32xf32, #tpu.memory_space<vmem>>, %arg22: memref<32x32xf32, #tpu.memory_space<vmem>>, %arg23: memref<1x32xf32, #tpu.memory_space<vmem>>, %arg24: memref<2048x1xf32, #tpu.memory_space<vmem>>) attributes {dimension_semantics = [#tpu.dimension_semantics<arbitrary>], iteration_bounds = array<i64: 8>, scalar_prefetch = 0 : i64, scratch_operands = 0 : i64, tpu.core_type = #tpu.core_type<tc>, window_params = [{transform_indices = @transform_0, window_bounds = array<i64: 2048, 128>}, {transform_indices = @transform_1, window_bounds = array<i64: 2048, 128>}, {transform_indices = @transform_2, window_bounds = array<i64: 2048, 128>}, {transform_indices = @transform_3, window_bounds = array<i64: 2048, 16>}, {pipeline_mode = #tpu.pipeline_mode<synchronous>, transform_indices = @transform_4, window_bounds = array<i64: 64, 32>}, {pipeline_mode = #tpu.pipeline_mode<synchronous>, transform_indices = @transform_5, window_bounds = array<i64: 8, 32>}, {pipeline_mode = #tpu.pipeline_mode<synchronous>, transform_indices = @transform_6, window_bounds = array<i64: 16, 32>}, {pipeline_mode = #tpu.pipeline_mode<synchronous>, transform_indices = @transform_7, window_bounds = array<i64: 24, 32>}, {pipeline_mode = #tpu.pipeline_mode<synchronous>, transform_indices = @transform_8, window_bounds = array<i64: 128, 32>}, {pipeline_mode = #tpu.pipeline_mode<synchronous>, transform_indices = @transform_9, window_bounds = array<i64: 1, 32>}, {pipeline_mode = #tpu.pipeline_mode<synchronous>, transform_indices = @transform_10, window_bounds = array<i64: 32, 32>}, {pipeline_mode = #tpu.pipeline_mode<synchronous>, transform_indices = @transform_11, window_bounds = array<i64: 1, 32>}, {pipeline_mode = #tpu.pipeline_mode<synchronous>, transform_indices = @transform_12, window_bounds = array<i64: 128, 32>}, {pipeline_mode = #tpu.pipeline_mode<synchronous>, transform_indices = @transform_13, window_bounds = array<i64: 32, 32>}, {pipeline_mode = #tpu.pipeline_mode<synchronous>, transform_indices = @transform_14, window_bounds = array<i64: 32, 32>}, {pipeline_mode = #tpu.pipeline_mode<synchronous>, transform_indices = @transform_15, window_bounds = array<i64: 32, 32>}, {pipeline_mode = #tpu.pipeline_mode<synchronous>, transform_indices = @transform_16, window_bounds = array<i64: 128, 32>}, {pipeline_mode = #tpu.pipeline_mode<synchronous>, transform_indices = @transform_17, window_bounds = array<i64: 32, 32>}, {pipeline_mode = #tpu.pipeline_mode<synchronous>, transform_indices = @transform_18, window_bounds = array<i64: 1, 32>}, {pipeline_mode = #tpu.pipeline_mode<synchronous>, transform_indices = @transform_19, window_bounds = array<i64: 1, 32>}, {pipeline_mode = #tpu.pipeline_mode<synchronous>, transform_indices = @transform_20, window_bounds = array<i64: 1, 32>}, {pipeline_mode = #tpu.pipeline_mode<synchronous>, transform_indices = @transform_21, window_bounds = array<i64: 32, 32>}, {pipeline_mode = #tpu.pipeline_mode<synchronous>, transform_indices = @transform_22, window_bounds = array<i64: 1, 32>}, {transform_indices = @transform_23, window_bounds = array<i64: 2048, 1>}]} {
    %get3A = arith.constant 0 : index
    %get3A_0 = arith.constant 0 : index
    %get3A_1 = vector.load %arg4[%get3A, %get3A_0] : memref<2048x16xf32, #tpu.memory_space<vmem>>, vector<2048x16xf32>
    %iota3A = tpu.iota {dimensions = array<i32: 1>} : vector<2048x128xi32>
    %shift_right_arithmetic3A = arith.constant 5 : i32
    %shift_right_arithmetic3A_2 = vector.broadcast %shift_right_arithmetic3A : i32 to vector<2048x128xi32>
    %shift_right_arithmetic3A_3 = arith.shrsi %iota3A, %shift_right_arithmetic3A_2 : vector<2048x128xi32>
    %slice3A = vector.extract_strided_slice %get3A_1 {offsets = [0, 1], sizes = [2048, 1], strides = [1, 1]} : vector<2048x16xf32> to vector<2048x1xf32>
    %convert_element_type3A = arith.fptosi %slice3A : vector<2048x1xf32> to vector<2048x1xi32>
    %shift_right_arithmetic3A_4 = arith.constant 13 : i32
    %shift_right_arithmetic3A_5 = vector.broadcast %shift_right_arithmetic3A_4 : i32 to vector<2048x1xi32>
    %shift_right_arithmetic3A_6 = arith.shrsi %convert_element_type3A, %shift_right_arithmetic3A_5 : vector<2048x1xi32>
    %and3A = arith.constant 3 : i32
    %and3A_7 = vector.broadcast %and3A : i32 to vector<2048x1xi32>
    %and3A_8 = arith.andi %shift_right_arithmetic3A_6, %and3A_7 : vector<2048x1xi32>
    %eq3A = vector.broadcast %and3A_8 : vector<2048x1xi32> to vector<2048x128xi32>
    %eq3A_9 = arith.cmpi eq, %shift_right_arithmetic3A_3, %eq3A : vector<2048x128xi32>
    %get3A_10 = arith.constant 0 : index
    %get3A_11 = arith.constant 0 : index
    %get3A_12 = vector.load %arg2[%get3A_10, %get3A_11] : memref<2048x128xf32, #tpu.memory_space<vmem>>, vector<2048x128xf32>
    %jit3A = arith.constant 0.000000e+00 : f32
    %broadcast_in_dim3A = vector.broadcast %jit3A : f32 to vector<2048x128xf32>
    %select_n3A = arith.select %eq3A_9, %get3A_12, %broadcast_in_dim3A : vector<2048x128xi1>, vector<2048x128xf32>
    %get3A_13 = arith.constant 0 : index
    %get3A_14 = arith.constant 0 : index
    %get3A_15 = vector.load %arg13[%get3A_13, %get3A_14] : memref<128x32xf32, #tpu.memory_space<vmem>>, vector<128x32xf32>
    %dot_general3A = arith.constant dense<0.000000e+00> : vector<2048x32xf32>
    %dot_general3A_16 = tpu.matmul %select_n3A, %get3A_15, %dot_general3A {dimension_numbers = #tpu.dot_dimension_numbers<[1], [0], [0], [1], [0, 0, 1, 1], [], []>, transpose_lhs_hint = false} : vector<2048x128xf32>, vector<128x32xf32>, vector<2048x32xf32> -> vector<2048x32xf32>
    %slice3A_17 = vector.extract_strided_slice %get3A_1 {offsets = [0, 2], sizes = [2048, 1], strides = [1, 1]} : vector<2048x16xf32> to vector<2048x1xf32>
    %convert_element_type3A_18 = arith.fptosi %slice3A_17 : vector<2048x1xf32> to vector<2048x1xi32>
    %shift_right_arithmetic3A_19 = arith.constant 13 : i32
    %shift_right_arithmetic3A_20 = vector.broadcast %shift_right_arithmetic3A_19 : i32 to vector<2048x1xi32>
    %shift_right_arithmetic3A_21 = arith.shrsi %convert_element_type3A_18, %shift_right_arithmetic3A_20 : vector<2048x1xi32>
    %and3A_22 = arith.constant 3 : i32
    %and3A_23 = vector.broadcast %and3A_22 : i32 to vector<2048x1xi32>
    %and3A_24 = arith.andi %shift_right_arithmetic3A_21, %and3A_23 : vector<2048x1xi32>
    %eq3A_25 = vector.broadcast %and3A_24 : vector<2048x1xi32> to vector<2048x128xi32>
    %eq3A_26 = arith.cmpi eq, %shift_right_arithmetic3A_3, %eq3A_25 : vector<2048x128xi32>
    %get3A_27 = arith.constant 0 : index
    %get3A_28 = arith.constant 0 : index
    %get3A_29 = vector.load %arg3[%get3A_27, %get3A_28] : memref<2048x128xf32, #tpu.memory_space<vmem>>, vector<2048x128xf32>
    %jit3A_30 = arith.constant 0.000000e+00 : f32
    %broadcast_in_dim3A_31 = vector.broadcast %jit3A_30 : f32 to vector<2048x128xf32>
    %select_n3A_32 = arith.select %eq3A_26, %get3A_29, %broadcast_in_dim3A_31 : vector<2048x128xi1>, vector<2048x128xf32>
    %get3A_33 = arith.constant 0 : index
    %get3A_34 = arith.constant 0 : index
    %get3A_35 = vector.load %arg17[%get3A_33, %get3A_34] : memref<128x32xf32, #tpu.memory_space<vmem>>, vector<128x32xf32>
    %dot_general3A_36 = arith.constant dense<0.000000e+00> : vector<2048x32xf32>
    %dot_general3A_37 = tpu.matmul %select_n3A_32, %get3A_35, %dot_general3A_36 {dimension_numbers = #tpu.dot_dimension_numbers<[1], [0], [0], [1], [0, 0, 1, 1], [], []>, transpose_lhs_hint = false} : vector<2048x128xf32>, vector<128x32xf32>, vector<2048x32xf32> -> vector<2048x32xf32>
    %add3A = arith.addf %dot_general3A_16, %dot_general3A_37 : vector<2048x32xf32>
    %slice3A_38 = vector.extract_strided_slice %get3A_1 {offsets = [0, 3], sizes = [2048, 1], strides = [1, 1]} : vector<2048x16xf32> to vector<2048x1xf32>
    %convert_element_type3A_39 = arith.fptosi %slice3A_38 : vector<2048x1xf32> to vector<2048x1xi32>
    %get3A_40 = arith.constant 0 : index
    %get3A_41 = arith.constant 0 : index
    %get3A_42 = vector.load %arg5[%get3A_40, %get3A_41] : memref<64x32xf32, #tpu.memory_space<vmem>>, vector<64x32xf32>
    %get3A_43 = arith.constant 0 : index
    %get3A_44 = arith.constant 0 : index
    %get3A_45 = vector.load %arg14[%get3A_43, %get3A_44] : memref<32x32xf32, #tpu.memory_space<vmem>>, vector<32x32xf32>
    %iota3A_46 = tpu.iota {dimensions = array<i32: 1>} : vector<2048x64xi32>
    %eq3A_47 = vector.broadcast %convert_element_type3A_39 : vector<2048x1xi32> to vector<2048x64xi32>
    %eq3A_48 = arith.cmpi eq, %iota3A_46, %eq3A_47 : vector<2048x64xi32>
    %jit3A_49 = arith.constant 1.000000e+00 : f32
    %jit3A_50 = arith.constant 0.000000e+00 : f32
    %broadcast_in_dim3A_51 = vector.broadcast %jit3A_49 : f32 to vector<2048x64xf32>
    %broadcast_in_dim3A_52 = vector.broadcast %jit3A_50 : f32 to vector<2048x64xf32>
    %select_n3A_53 = arith.select %eq3A_48, %broadcast_in_dim3A_51, %broadcast_in_dim3A_52 : vector<2048x64xi1>, vector<2048x64xf32>
    %dot_general3A_54 = arith.constant dense<0.000000e+00> : vector<64x32xf32>
    %dot_general3A_55 = tpu.matmul %get3A_42, %get3A_45, %dot_general3A_54 {dimension_numbers = #tpu.dot_dimension_numbers<[1], [0], [0], [1], [0, 0, 1, 1], [], []>, transpose_lhs_hint = false} : vector<64x32xf32>, vector<32x32xf32>, vector<64x32xf32> -> vector<64x32xf32>
    %dot_general3A_56 = arith.constant dense<0.000000e+00> : vector<2048x32xf32>
    %dot_general3A_57 = tpu.matmul %select_n3A_53, %dot_general3A_55, %dot_general3A_56 {dimension_numbers = #tpu.dot_dimension_numbers<[1], [0], [0], [1], [0, 0, 1, 1], [], []>, transpose_lhs_hint = false} : vector<2048x64xf32>, vector<64x32xf32>, vector<2048x32xf32> -> vector<2048x32xf32>
    %add3A_58 = arith.addf %add3A, %dot_general3A_57 : vector<2048x32xf32>
    %slice3A_59 = vector.extract_strided_slice %get3A_1 {offsets = [0, 4], sizes = [2048, 1], strides = [1, 1]} : vector<2048x16xf32> to vector<2048x1xf32>
    %convert_element_type3A_60 = arith.fptosi %slice3A_59 : vector<2048x1xf32> to vector<2048x1xi32>
    %get3A_61 = arith.constant 0 : index
    %get3A_62 = arith.constant 0 : index
    %get3A_63 = vector.load %arg6[%get3A_61, %get3A_62] : memref<8x32xf32, #tpu.memory_space<vmem>>, vector<8x32xf32>
    %get3A_64 = arith.constant 0 : index
    %get3A_65 = arith.constant 0 : index
    %get3A_66 = vector.load %arg15[%get3A_64, %get3A_65] : memref<32x32xf32, #tpu.memory_space<vmem>>, vector<32x32xf32>
    %iota3A_67 = tpu.iota {dimensions = array<i32: 1>} : vector<2048x8xi32>
    %eq3A_68 = vector.broadcast %convert_element_type3A_60 : vector<2048x1xi32> to vector<2048x8xi32>
    %eq3A_69 = arith.cmpi eq, %iota3A_67, %eq3A_68 : vector<2048x8xi32>
    %jit3A_70 = arith.constant 1.000000e+00 : f32
    %jit3A_71 = arith.constant 0.000000e+00 : f32
    %broadcast_in_dim3A_72 = vector.broadcast %jit3A_70 : f32 to vector<2048x8xf32>
    %broadcast_in_dim3A_73 = vector.broadcast %jit3A_71 : f32 to vector<2048x8xf32>
    %select_n3A_74 = arith.select %eq3A_69, %broadcast_in_dim3A_72, %broadcast_in_dim3A_73 : vector<2048x8xi1>, vector<2048x8xf32>
    %dot_general3A_75 = arith.constant dense<0.000000e+00> : vector<8x32xf32>
    %dot_general3A_76 = tpu.matmul %get3A_63, %get3A_66, %dot_general3A_75 {dimension_numbers = #tpu.dot_dimension_numbers<[1], [0], [0], [1], [0, 0, 1, 1], [], []>, transpose_lhs_hint = false} : vector<8x32xf32>, vector<32x32xf32>, vector<8x32xf32> -> vector<8x32xf32>
    %dot_general3A_77 = arith.constant dense<0.000000e+00> : vector<2048x32xf32>
    %dot_general3A_78 = tpu.matmul %select_n3A_74, %dot_general3A_76, %dot_general3A_77 {dimension_numbers = #tpu.dot_dimension_numbers<[1], [0], [0], [1], [0, 0, 1, 1], [], []>, transpose_lhs_hint = false} : vector<2048x8xf32>, vector<8x32xf32>, vector<2048x32xf32> -> vector<2048x32xf32>
    %add3A_79 = arith.addf %add3A_58, %dot_general3A_78 : vector<2048x32xf32>
    %slice3A_80 = vector.extract_strided_slice %get3A_1 {offsets = [0, 5], sizes = [2048, 1], strides = [1, 1]} : vector<2048x16xf32> to vector<2048x1xf32>
    %convert_element_type3A_81 = arith.fptosi %slice3A_80 : vector<2048x1xf32> to vector<2048x1xi32>
    %get3A_82 = arith.constant 0 : index
    %get3A_83 = arith.constant 0 : index
    %get3A_84 = vector.load %arg7[%get3A_82, %get3A_83] : memref<16x32xf32, #tpu.memory_space<vmem>>, vector<16x32xf32>
    %get3A_85 = arith.constant 0 : index
    %get3A_86 = arith.constant 0 : index
    %get3A_87 = vector.load %arg16[%get3A_85, %get3A_86] : memref<32x32xf32, #tpu.memory_space<vmem>>, vector<32x32xf32>
    %iota3A_88 = tpu.iota {dimensions = array<i32: 1>} : vector<2048x16xi32>
    %eq3A_89 = vector.broadcast %convert_element_type3A_81 : vector<2048x1xi32> to vector<2048x16xi32>
    %eq3A_90 = arith.cmpi eq, %iota3A_88, %eq3A_89 : vector<2048x16xi32>
    %jit3A_91 = arith.constant 1.000000e+00 : f32
    %jit3A_92 = arith.constant 0.000000e+00 : f32
    %broadcast_in_dim3A_93 = vector.broadcast %jit3A_91 : f32 to vector<2048x16xf32>
    %broadcast_in_dim3A_94 = vector.broadcast %jit3A_92 : f32 to vector<2048x16xf32>
    %select_n3A_95 = arith.select %eq3A_90, %broadcast_in_dim3A_93, %broadcast_in_dim3A_94 : vector<2048x16xi1>, vector<2048x16xf32>
    %dot_general3A_96 = arith.constant dense<0.000000e+00> : vector<16x32xf32>
    %dot_general3A_97 = tpu.matmul %get3A_84, %get3A_87, %dot_general3A_96 {dimension_numbers = #tpu.dot_dimension_numbers<[1], [0], [0], [1], [0, 0, 1, 1], [], []>, transpose_lhs_hint = false} : vector<16x32xf32>, vector<32x32xf32>, vector<16x32xf32> -> vector<16x32xf32>
    %dot_general3A_98 = arith.constant dense<0.000000e+00> : vector<2048x32xf32>
    %dot_general3A_99 = tpu.matmul %select_n3A_95, %dot_general3A_97, %dot_general3A_98 {dimension_numbers = #tpu.dot_dimension_numbers<[1], [0], [0], [1], [0, 0, 1, 1], [], []>, transpose_lhs_hint = false} : vector<2048x16xf32>, vector<16x32xf32>, vector<2048x32xf32> -> vector<2048x32xf32>
    %add3A_100 = arith.addf %add3A_79, %dot_general3A_99 : vector<2048x32xf32>
    %slice3A_101 = vector.extract_strided_slice %get3A_1 {offsets = [0, 6], sizes = [2048, 1], strides = [1, 1]} : vector<2048x16xf32> to vector<2048x1xf32>
    %convert_element_type3A_102 = arith.fptosi %slice3A_101 : vector<2048x1xf32> to vector<2048x1xi32>
    %get3A_103 = arith.constant 0 : index
    %get3A_104 = arith.constant 0 : index
    %get3A_105 = vector.load %arg8[%get3A_103, %get3A_104] : memref<24x32xf32, #tpu.memory_space<vmem>>, vector<24x32xf32>
    %get3A_106 = arith.constant 0 : index
    %get3A_107 = arith.constant 0 : index
    %get3A_108 = vector.load %arg18[%get3A_106, %get3A_107] : memref<32x32xf32, #tpu.memory_space<vmem>>, vector<32x32xf32>
    %iota3A_109 = tpu.iota {dimensions = array<i32: 1>} : vector<2048x24xi32>
    %eq3A_110 = vector.broadcast %convert_element_type3A_102 : vector<2048x1xi32> to vector<2048x24xi32>
    %eq3A_111 = arith.cmpi eq, %iota3A_109, %eq3A_110 : vector<2048x24xi32>
    %jit3A_112 = arith.constant 1.000000e+00 : f32
    %jit3A_113 = arith.constant 0.000000e+00 : f32
    %broadcast_in_dim3A_114 = vector.broadcast %jit3A_112 : f32 to vector<2048x24xf32>
    %broadcast_in_dim3A_115 = vector.broadcast %jit3A_113 : f32 to vector<2048x24xf32>
    %select_n3A_116 = arith.select %eq3A_111, %broadcast_in_dim3A_114, %broadcast_in_dim3A_115 : vector<2048x24xi1>, vector<2048x24xf32>
    %dot_general3A_117 = arith.constant dense<0.000000e+00> : vector<24x32xf32>
    %dot_general3A_118 = tpu.matmul %get3A_105, %get3A_108, %dot_general3A_117 {dimension_numbers = #tpu.dot_dimension_numbers<[1], [0], [0], [1], [0, 0, 1, 1], [], []>, transpose_lhs_hint = false} : vector<24x32xf32>, vector<32x32xf32>, vector<24x32xf32> -> vector<24x32xf32>
    %dot_general3A_119 = arith.constant dense<0.000000e+00> : vector<2048x32xf32>
    %dot_general3A_120 = tpu.matmul %select_n3A_116, %dot_general3A_118, %dot_general3A_119 {dimension_numbers = #tpu.dot_dimension_numbers<[1], [0], [0], [1], [0, 0, 1, 1], [], []>, transpose_lhs_hint = false} : vector<2048x24xf32>, vector<24x32xf32>, vector<2048x32xf32> -> vector<2048x32xf32>
    %add3A_121 = arith.addf %add3A_100, %dot_general3A_120 : vector<2048x32xf32>
    %slice3A_122 = vector.extract_strided_slice %get3A_1 {offsets = [0, 7], sizes = [2048, 1], strides = [1, 1]} : vector<2048x16xf32> to vector<2048x1xf32>
    %get3A_123 = arith.constant 0 : index
    %get3A_124 = arith.constant 0 : index
    %get3A_125 = vector.load %arg19[%get3A_123, %get3A_124] : memref<1x32xf32, #tpu.memory_space<vmem>>, vector<1x32xf32>
    %mul3A = vector.broadcast %slice3A_122 : vector<2048x1xf32> to vector<2048x32xf32>
    %mul3A_126 = vector.broadcast %get3A_125 : vector<1x32xf32> to vector<2048x32xf32>
    %mul3A_127 = arith.mulf %mul3A, %mul3A_126 : vector<2048x32xf32>
    %add3A_128 = arith.addf %add3A_121, %mul3A_127 : vector<2048x32xf32>
    %slice3A_129 = vector.extract_strided_slice %get3A_1 {offsets = [0, 8], sizes = [2048, 1], strides = [1, 1]} : vector<2048x16xf32> to vector<2048x1xf32>
    %get3A_130 = arith.constant 0 : index
    %get3A_131 = arith.constant 0 : index
    %get3A_132 = vector.load %arg20[%get3A_130, %get3A_131] : memref<1x32xf32, #tpu.memory_space<vmem>>, vector<1x32xf32>
    %mul3A_133 = vector.broadcast %slice3A_129 : vector<2048x1xf32> to vector<2048x32xf32>
    %mul3A_134 = vector.broadcast %get3A_132 : vector<1x32xf32> to vector<2048x32xf32>
    %mul3A_135 = arith.mulf %mul3A_133, %mul3A_134 : vector<2048x32xf32>
    %add3A_136 = arith.addf %add3A_128, %mul3A_135 : vector<2048x32xf32>
    %get3A_137 = arith.constant 0 : index
    %get3A_138 = arith.constant 0 : index
    %get3A_139 = vector.load %arg21[%get3A_137, %get3A_138] : memref<1x32xf32, #tpu.memory_space<vmem>>, vector<1x32xf32>
    %add3A_140 = vector.broadcast %get3A_139 : vector<1x32xf32> to vector<2048x32xf32>
    %add3A_141 = arith.addf %add3A_136, %add3A_140 : vector<2048x32xf32>
    %logistic3A = arith.negf %add3A_141 : vector<2048x32xf32>
    %logistic3A_142 = math.exp %logistic3A : vector<2048x32xf32>
    %logistic3A_143 = arith.constant 1.000000e+00 : f32
    %logistic3A_144 = vector.broadcast %logistic3A_143 : f32 to vector<2048x32xf32>
    %logistic3A_145 = arith.addf %logistic3A_144, %logistic3A_142 : vector<2048x32xf32>
    %logistic3A_146 = arith.divf %logistic3A_144, %logistic3A_145 : vector<2048x32xf32>
    %mul3A_147 = arith.mulf %add3A_141, %logistic3A_146 : vector<2048x32xf32>
    %get3A_148 = arith.constant 0 : index
    %get3A_149 = arith.constant 0 : index
    %get3A_150 = vector.load %arg22[%get3A_148, %get3A_149] : memref<32x32xf32, #tpu.memory_space<vmem>>, vector<32x32xf32>
    %dot_general3A_151 = arith.constant dense<0.000000e+00> : vector<2048x32xf32>
    %dot_general3A_152 = tpu.matmul %mul3A_147, %get3A_150, %dot_general3A_151 {dimension_numbers = #tpu.dot_dimension_numbers<[1], [0], [0], [1], [0, 0, 1, 1], [], []>, transpose_lhs_hint = false} : vector<2048x32xf32>, vector<32x32xf32>, vector<2048x32xf32> -> vector<2048x32xf32>
    %get3A_153 = arith.constant 0 : index
    %get3A_154 = arith.constant 0 : index
    %get3A_155 = vector.load %arg23[%get3A_153, %get3A_154] : memref<1x32xf32, #tpu.memory_space<vmem>>, vector<1x32xf32>
    %add3A_156 = vector.broadcast %get3A_155 : vector<1x32xf32> to vector<2048x32xf32>
    %add3A_157 = arith.addf %dot_general3A_152, %add3A_156 : vector<2048x32xf32>
    %slice3A_158 = vector.extract_strided_slice %get3A_1 {offsets = [0, 0], sizes = [2048, 1], strides = [1, 1]} : vector<2048x16xf32> to vector<2048x1xf32>
    %convert_element_type3A_159 = arith.fptosi %slice3A_158 : vector<2048x1xf32> to vector<2048x1xi32>
    %shift_right_arithmetic3A_160 = arith.constant 13 : i32
    %shift_right_arithmetic3A_161 = vector.broadcast %shift_right_arithmetic3A_160 : i32 to vector<2048x1xi32>
    %shift_right_arithmetic3A_162 = arith.shrsi %convert_element_type3A_159, %shift_right_arithmetic3A_161 : vector<2048x1xi32>
    %and3A_163 = arith.constant 3 : i32
    %and3A_164 = vector.broadcast %and3A_163 : i32 to vector<2048x1xi32>
    %and3A_165 = arith.andi %shift_right_arithmetic3A_162, %and3A_164 : vector<2048x1xi32>
    %eq3A_166 = vector.broadcast %and3A_165 : vector<2048x1xi32> to vector<2048x128xi32>
    %eq3A_167 = arith.cmpi eq, %shift_right_arithmetic3A_3, %eq3A_166 : vector<2048x128xi32>
    %get3A_168 = arith.constant 0 : index
    %get3A_169 = arith.constant 0 : index
    %get3A_170 = vector.load %arg1[%get3A_168, %get3A_169] : memref<2048x128xf32, #tpu.memory_space<vmem>>, vector<2048x128xf32>
    %jit3A_171 = arith.constant 0.000000e+00 : f32
    %broadcast_in_dim3A_172 = vector.broadcast %jit3A_171 : f32 to vector<2048x128xf32>
    %select_n3A_173 = arith.select %eq3A_167, %get3A_170, %broadcast_in_dim3A_172 : vector<2048x128xi1>, vector<2048x128xf32>
    %get3A_174 = arith.constant 0 : index
    %get3A_175 = arith.constant 0 : index
    %get3A_176 = vector.load %arg9[%get3A_174, %get3A_175] : memref<128x32xf32, #tpu.memory_space<vmem>>, vector<128x32xf32>
    %dot_general3A_177 = arith.constant dense<0.000000e+00> : vector<2048x32xf32>
    %dot_general3A_178 = tpu.matmul %select_n3A_173, %get3A_176, %dot_general3A_177 {dimension_numbers = #tpu.dot_dimension_numbers<[1], [0], [0], [1], [0, 0, 1, 1], [], []>, transpose_lhs_hint = false} : vector<2048x128xf32>, vector<128x32xf32>, vector<2048x32xf32> -> vector<2048x32xf32>
    %get3A_179 = arith.constant 0 : index
    %get3A_180 = arith.constant 0 : index
    %get3A_181 = vector.load %arg10[%get3A_179, %get3A_180] : memref<1x32xf32, #tpu.memory_space<vmem>>, vector<1x32xf32>
    %add3A_182 = vector.broadcast %get3A_181 : vector<1x32xf32> to vector<2048x32xf32>
    %add3A_183 = arith.addf %dot_general3A_178, %add3A_182 : vector<2048x32xf32>
    %logistic3A_184 = arith.negf %add3A_183 : vector<2048x32xf32>
    %logistic3A_185 = math.exp %logistic3A_184 : vector<2048x32xf32>
    %logistic3A_186 = arith.constant 1.000000e+00 : f32
    %logistic3A_187 = vector.broadcast %logistic3A_186 : f32 to vector<2048x32xf32>
    %logistic3A_188 = arith.addf %logistic3A_187, %logistic3A_185 : vector<2048x32xf32>
    %logistic3A_189 = arith.divf %logistic3A_187, %logistic3A_188 : vector<2048x32xf32>
    %mul3A_190 = arith.mulf %add3A_183, %logistic3A_189 : vector<2048x32xf32>
    %get3A_191 = arith.constant 0 : index
    %get3A_192 = arith.constant 0 : index
    %get3A_193 = vector.load %arg11[%get3A_191, %get3A_192] : memref<32x32xf32, #tpu.memory_space<vmem>>, vector<32x32xf32>
    %dot_general3A_194 = arith.constant dense<0.000000e+00> : vector<2048x32xf32>
    %dot_general3A_195 = tpu.matmul %mul3A_190, %get3A_193, %dot_general3A_194 {dimension_numbers = #tpu.dot_dimension_numbers<[1], [0], [0], [1], [0, 0, 1, 1], [], []>, transpose_lhs_hint = false} : vector<2048x32xf32>, vector<32x32xf32>, vector<2048x32xf32> -> vector<2048x32xf32>
    %get3A_196 = arith.constant 0 : index
    %get3A_197 = arith.constant 0 : index
    %get3A_198 = vector.load %arg12[%get3A_196, %get3A_197] : memref<1x32xf32, #tpu.memory_space<vmem>>, vector<1x32xf32>
    %add3A_199 = vector.broadcast %get3A_198 : vector<1x32xf32> to vector<2048x32xf32>
    %add3A_200 = arith.addf %dot_general3A_195, %add3A_199 : vector<2048x32xf32>
    %mul3A_201 = arith.mulf %add3A_200, %add3A_157 : vector<2048x32xf32>
    %reduce_sum3A = arith.constant dense<0.000000e+00> : vector<2048xf32>
    %reduce_sum3A_202 = vector.multi_reduction <add>, %mul3A_201, %reduce_sum3A [1] : vector<2048x32xf32> to vector<2048xf32>
    %broadcast_in_dim3A_203 = vector.shape_cast %reduce_sum3A_202 : vector<2048xf32> to vector<2048x1xf32>
    %swap3A = arith.constant 0 : index
    %swap3A_204 = arith.constant 0 : index
    %swap3A_205 = vector.load %arg24[%swap3A, %swap3A_204] : memref<2048x1xf32, #tpu.memory_space<vmem>>, vector<2048x1xf32>
    tpu.vector_store %arg24[%swap3A, %swap3A_204], %broadcast_in_dim3A_203 {strides = array<i32>} : memref<2048x1xf32, #tpu.memory_space<vmem>>, vector<2048x1xf32>,
    return
  }
  func.func @transform_0(%arg0: i32) -> (i32, i32) {
    %c0_i32 = arith.constant 0 : i32
    %c0_i32_0 = arith.constant 0 : i32
    return %arg0, %c0_i32 : i32, i32
  }
  func.func @transform_1(%arg0: i32) -> (i32, i32) {
    %c0_i32 = arith.constant 0 : i32
    %c0_i32_0 = arith.constant 0 : i32
    return %arg0, %c0_i32 : i32, i32
  }
  func.func @transform_2(%arg0: i32) -> (i32, i32) {
    %c0_i32 = arith.constant 0 : i32
    %c0_i32_0 = arith.constant 0 : i32
    return %arg0, %c0_i32 : i32, i32
  }
  func.func @transform_3(%arg0: i32) -> (i32, i32) {
    %c0_i32 = arith.constant 0 : i32
    %c0_i32_0 = arith.constant 0 : i32
    return %arg0, %c0_i32 : i32, i32
  }
  func.func @transform_4(%arg0: i32) -> (i32, i32) {
    %c0_i32 = arith.constant 0 : i32
    %c0_i32_0 = arith.constant 0 : i32
    %c0_i32_1 = arith.constant 0 : i32
    return %c0_i32, %c0_i32_0 : i32, i32
  }
  func.func @transform_5(%arg0: i32) -> (i32, i32) {
    %c0_i32 = arith.constant 0 : i32
    %c0_i32_0 = arith.constant 0 : i32
    %c0_i32_1 = arith.constant 0 : i32
    return %c0_i32, %c0_i32_0 : i32, i32
  }
  func.func @transform_6(%arg0: i32) -> (i32, i32) {
    %c0_i32 = arith.constant 0 : i32
    %c0_i32_0 = arith.constant 0 : i32
    %c0_i32_1 = arith.constant 0 : i32
    return %c0_i32, %c0_i32_0 : i32, i32
  }
  func.func @transform_7(%arg0: i32) -> (i32, i32) {
    %c0_i32 = arith.constant 0 : i32
    %c0_i32_0 = arith.constant 0 : i32
    %c0_i32_1 = arith.constant 0 : i32
    return %c0_i32, %c0_i32_0 : i32, i32
  }
  func.func @transform_8(%arg0: i32) -> (i32, i32) {
    %c0_i32 = arith.constant 0 : i32
    %c0_i32_0 = arith.constant 0 : i32
    %c0_i32_1 = arith.constant 0 : i32
    return %c0_i32, %c0_i32_0 : i32, i32
  }
  func.func @transform_9(%arg0: i32) -> (i32, i32) {
    %c0_i32 = arith.constant 0 : i32
    %c0_i32_0 = arith.constant 0 : i32
    %c0_i32_1 = arith.constant 0 : i32
    return %c0_i32, %c0_i32_0 : i32, i32
  }
  func.func @transform_10(%arg0: i32) -> (i32, i32) {
    %c0_i32 = arith.constant 0 : i32
    %c0_i32_0 = arith.constant 0 : i32
    %c0_i32_1 = arith.constant 0 : i32
    return %c0_i32, %c0_i32_0 : i32, i32
  }
  func.func @transform_11(%arg0: i32) -> (i32, i32) {
    %c0_i32 = arith.constant 0 : i32
    %c0_i32_0 = arith.constant 0 : i32
    %c0_i32_1 = arith.constant 0 : i32
    return %c0_i32, %c0_i32_0 : i32, i32
  }
  func.func @transform_12(%arg0: i32) -> (i32, i32) {
    %c0_i32 = arith.constant 0 : i32
    %c0_i32_0 = arith.constant 0 : i32
    %c0_i32_1 = arith.constant 0 : i32
    return %c0_i32, %c0_i32_0 : i32, i32
  }
  func.func @transform_13(%arg0: i32) -> (i32, i32) {
    %c0_i32 = arith.constant 0 : i32
    %c0_i32_0 = arith.constant 0 : i32
    %c0_i32_1 = arith.constant 0 : i32
    return %c0_i32, %c0_i32_0 : i32, i32
  }
  func.func @transform_14(%arg0: i32) -> (i32, i32) {
    %c0_i32 = arith.constant 0 : i32
    %c0_i32_0 = arith.constant 0 : i32
    %c0_i32_1 = arith.constant 0 : i32
    return %c0_i32, %c0_i32_0 : i32, i32
  }
  func.func @transform_15(%arg0: i32) -> (i32, i32) {
    %c0_i32 = arith.constant 0 : i32
    %c0_i32_0 = arith.constant 0 : i32
    %c0_i32_1 = arith.constant 0 : i32
    return %c0_i32, %c0_i32_0 : i32, i32
  }
  func.func @transform_16(%arg0: i32) -> (i32, i32) {
    %c0_i32 = arith.constant 0 : i32
    %c0_i32_0 = arith.constant 0 : i32
    %c0_i32_1 = arith.constant 0 : i32
    return %c0_i32, %c0_i32_0 : i32, i32
  }
  func.func @transform_17(%arg0: i32) -> (i32, i32) {
    %c0_i32 = arith.constant 0 : i32
    %c0_i32_0 = arith.constant 0 : i32
    %c0_i32_1 = arith.constant 0 : i32
    return %c0_i32, %c0_i32_0 : i32, i32
  }
  func.func @transform_18(%arg0: i32) -> (i32, i32) {
    %c0_i32 = arith.constant 0 : i32
    %c0_i32_0 = arith.constant 0 : i32
    %c0_i32_1 = arith.constant 0 : i32
    return %c0_i32, %c0_i32_0 : i32, i32
  }
  func.func @transform_19(%arg0: i32) -> (i32, i32) {
    %c0_i32 = arith.constant 0 : i32
    %c0_i32_0 = arith.constant 0 : i32
    %c0_i32_1 = arith.constant 0 : i32
    return %c0_i32, %c0_i32_0 : i32, i32
  }
  func.func @transform_20(%arg0: i32) -> (i32, i32) {
    %c0_i32 = arith.constant 0 : i32
    %c0_i32_0 = arith.constant 0 : i32
    %c0_i32_1 = arith.constant 0 : i32
    return %c0_i32, %c0_i32_0 : i32, i32
  }
  func.func @transform_21(%arg0: i32) -> (i32, i32) {
    %c0_i32 = arith.constant 0 : i32
    %c0_i32_0 = arith.constant 0 : i32
    %c0_i32_1 = arith.constant 0 : i32
    return %c0_i32, %c0_i32_0 : i32, i32
  }
  func.func @transform_22(%arg0: i32) -> (i32, i32) {
    %c0_i32 = arith.constant 0 : i32
    %c0_i32_0 = arith.constant 0 : i32
    %c0_i32_1 = arith.constant 0 : i32
    return %c0_i32, %c0_i32_0 : i32, i32
  }
  func.func @transform_23(%arg0: i32) -> (i32, i32) {
    %c0_i32 = arith.constant 0 : i32
    %c0_i32_0 = arith.constant 0 : i32
    return %arg0, %c0_i32 : i32, i32
  }
}

</mosaic_0001>

<sc_bundles>
// kernel: kernel.12.cloned.1.call-start
scs
__scs_entry_jumppad:
0x0: {  	(pc) =	sbr.rel $0x88, $3  }
0x1: {  	(tag) =	ssettag $0x0;
	lr =	simm.s32 $0x1  }
0x2: {  	[smem:$0x3F89] =	sst lr;
	_ =	strace $0xD0000000  }
0x3: {  	_ = 	snop  }
0x4: {  	_ = 	snop  }
0x5: {  	_ = 	snop  }
0x6: {  	_ = 	snop  }
0x7: {  	_ = 	snop  }
__scs_overlays_trampoline_lowered:
0x8: {  	[smem:$0x3F98] =	sst s0  }
0x9: {  	[smem:$0x3F99] =	sst s1  }
0xa: {  	[smem:$0x3F9A] =	sst s2  }
0xb: {  	[smem:$0x3F9B] =	sst s3  }
0xc: {  	[smem:$0x3F9C] =	sst s4  }
0xd: {  	[smem:$0x3F9D] =	sst s5  }
0xe: {  	[smem:$0x3F9E] =	sst s6  }
0xf: {  	[smem:$0x3F9F] =	sst s7  }
0x10: {  	[smem:$0x3FA0] =	sst s8  }
0x11: {  	[smem:$0x3FA1] =	sst s9;
	s0 =	simm.s32 @!p0 $0x0  }
0x12: {  	s1 =	sld [smem:$0x3F87];
	s0 =	simm.s32 @p0 $0x1  }
0x13: {  	[smem:$0x3FA2] =	sst s0;
	s0 =	simm.s32 @!p1 $0x0  }
0x14: {  	s2 =	sld [smem:$0x3F86];
	s0 =	simm.s32 @p1 $0x1  }
0x15: {  	[smem:$0x3FA3] =	sst s0;
	s0 =	simm.s32 @!p2 $0x0  }
0x16: {  	s3 =	sld [smem:$0x3FDB];
	s0 =	simm.s32 @p2 $0x1  }
0x17: {  	s4 =	simm.s32 $0x1BF5;
	[smem:$0x3FA5] =	sst s0  }
0x18: {  	s0 =	sld [smem:$0x3F88];
	_ =	swait.ge [sflag:s4], $0x0  }
0x19: {  	s7 =	sld [smem:$0x3F89]  }
0x1a: {  	s8 =	sadd.s32 $0xFFFFE003, lr  }
0x1b: {  	s9 =	sadd.s32 $0xFFFFFEF7, lr;
	s5 =	simm.s32 $0xFFFFFFFF;
	p2 =	slt.u32 s8, $0xFFFFF086  }
0x1c: {  	p1 =	slt.u32 s9, $0xF7A;
	s5 =	simm.s32 @!p2 $0x0  }
0x1d: {  	s5 =	simm.s32 @p1 $0x1;
	p0 =	seq.s32 s7, s2  }
0x1e: {  	s7 =	smul.u32 @!p0 $0xF7A, s2;
	p2 =	seq.s32 @!p0 s5, $0x0  }
0x1f: {  	s9 =	smul.u32 $0xF7A, s1;
	s8 =	simm.s32 @!p0 $0x1BF5;
	p2 =	por !p2, p0  }
0x20: {  	[sflag:s8] =	ssyncset.s32 @!p0 $0xFFFFF086;
	s6 =	sadd.s32 @!p0 s3, s7;
	s7 =	simm.s32 @!p0 $0x108  }
0x21: {  	s3 =	sadd.s32 s3, s9;
	s6 =	sadd.s32 @!p0 $0x88, s6;
	s7 =	simm.s32 @p2 $0x1082  }
0x22: {  	[simem:s7], [sflag:s8] =	dma.local @!p0 [hbm:s6], $0xF7A  }
0x23: {  	s9 =	sor.u32 $0xD0000000, s2;
	s6 =	simm.s32 $0x108;
	_ =	swait.ge @!p0 [sflag:s8], $0x0  }
0x24: {  	s3 =	sadd.s32 $0x88, s3;
	s6 =	simm.s32 @!p1 $0x1082;
	[sflag:s4] =	ssyncset.s32 $0xFFFFF086  }
0x25: {  	[simem:s6], [sflag:s4] =	dma.local [hbm:s3], $0xF7A  }
0x26: {  	[smem:$0x3F89] =	sst s1;
	(tag) =	ssettag s2;
	_ =	strace s9  }
0x27: {  	s1 =	sld [smem:$0x3F99]  }
0x28: {  	s2 =	sld [smem:$0x3F9A]  }
0x29: {  	s4 =	sld [smem:$0x3F9C]  }
0x2a: {  	p0 =	seq.s32 s5, $0x0;
	s5 =	sld [smem:$0x3F9D]  }
0x2b: {  	s6 =	sld [smem:$0x3F9E]  }
0x2c: {  	s7 =	sld [smem:$0x3F9F]  }
0x2d: {  	s3 =	simm.s32 $0x108;
	s8 =	sld [smem:$0x3FA0]  }
0x2e: {  	s3 =	simm.s32 @!p0 $0x1082;
	s9 =	sld [smem:$0x3FA1]  }
0x2f: {  	lr =	sadd.s32 s0, s3;
	s0 =	sld [smem:$0x3F98]  }
0x30: {  	s3 =	sld [smem:$0x3F9B]  }
0x31: {  	[smem:$0x3FA4] =	sst s10  }
0x32: {  	s10 =	sld [smem:$0x3FA2];
	_ =	sdelay $0x3  }
0x33: {  	p0 =	seq.s32 s10, $0x1;
	s10 =	sld [smem:$0x3FA4];
	_ =	sdelay $0x3  }
0x34: {  	[smem:$0x3FA4] =	sst s10  }
0x35: {  	s10 =	sld [smem:$0x3FA3];
	_ =	sdelay $0x3  }
0x36: {  	p1 =	seq.s32 s10, $0x1;
	s10 =	sld [smem:$0x3FA4];
	_ =	sdelay $0x3  }
0x37: {  	[smem:$0x3FA4] =	sst s10  }
0x38: {  	s10 =	sld [smem:$0x3FA5]  }
0x39: {  	_ = 	snop;
	(pc) =	sbr.ind lr, $3  }
0x3a: {  	_ = 	snop  }
0x3b: {  	_ = 	snop  }
0x3c: {  	p2 =	seq.s32 s10, $0x1;
	s10 =	sld [smem:$0x3FA4]  }
0x3d: {  	_ =	shalt  }
0x3e: {  	_ =	shalt  }
0x3f: {  	_ =	shalt  }
0x40: {  	_ =	shalt  }
0x41: {  	_ =	shalt  }
0x42: {  	_ =	shalt  }
0x43: {  	_ =	shalt  }
0x44: {  	_ =	shalt  }
0x45: {  	_ =	shalt  }
0x46: {  	_ =	shalt  }
0x47: {  	_ =	shalt  }
0x48: {  	_ =	shalt  }
0x49: {  	_ =	shalt  }
0x4a: {  	_ =	shalt  }
0x4b: {  	_ =	shalt  }
0x4c: {  	_ =	shalt  }
0x4d: {  	_ =	shalt  }
0x4e: {  	_ =	shalt  }
0x4f: {  	_ =	shalt  }
0x50: {  	_ =	shalt  }
0x51: {  	_ =	shalt  }
0x52: {  	_ =	shalt  }
0x53: {  	_ =	shalt  }
0x54: {  	_ =	shalt  }
0x55: {  	_ =	shalt  }
0x56: {  	_ =	shalt  }
0x57: {  	_ =	shalt  }
0x58: {  	_ =	shalt  }
0x59: {  	_ =	shalt  }
0x5a: {  	_ =	shalt  }
0x5b: {  	_ =	shalt  }
0x5c: {  	_ =	shalt  }
0x5d: {  	_ =	shalt  }
0x5e: {  	_ =	shalt  }
0x5f: {  	_ =	shalt  }
0x60: {  	_ =	shalt  }
0x61: {  	_ =	shalt  }
0x62: {  	_ =	shalt  }
0x63: {  	_ =	shalt  }
0x64: {  	_ =	shalt  }
0x65: {  	_ =	shalt  }
0x66: {  	_ =	shalt  }
0x67: {  	_ =	shalt  }
0x68: {  	_ =	shalt  }
0x69: {  	_ =	shalt  }
0x6a: {  	_ =	shalt  }
0x6b: {  	_ =	shalt  }
0x6c: {  	_ =	shalt  }
0x6d: {  	_ =	shalt  }
0x6e: {  	_ =	shalt  }
0x6f: {  	_ =	shalt  }
0x70: {  	_ =	shalt  }
0x71: {  	_ =	shalt  }
0x72: {  	_ =	shalt  }
0x73: {  	_ =	shalt  }
0x74: {  	_ =	shalt  }
0x75: {  	_ =	shalt  }
0x76: {  	_ =	shalt  }
0x77: {  	_ =	shalt  }
0x78: {  	_ =	shalt  }
0x79: {  	_ =	shalt  }
0x7a: {  	_ =	shalt  }
0x7b: {  	_ =	shalt  }
0x7c: {  	_ =	shalt  }
0x7d: {  	_ =	shalt  }
0x7e: {  	_ =	shalt  }
0x7f: {  	_ =	shalt  }
0x80: {  	_ =	shalt  }
0x81: {  	_ =	shalt  }
0x82: {  	_ =	shalt  }
0x83: {  	_ =	shalt  }
0x84: {  	_ =	shalt  }
0x85: {  	_ =	shalt  }
0x86: {  	_ =	shalt  }
0x87: {  	_ =	shalt  }
.Lfunc_end0:
.L_simem_size_0:
called_computation.1_lowered:
.L_overlay_start_0:
0x88: {  	s2 =	sld [smem:$0x3FD9]  }
0x89: {  	s3 =	sld [smem:$0x3FFE];
	_ =	sdelay $0x1  }
0x8a: {  	s1 =	srdreg.scid  }
0x8b: {  	s0 =	sand.u32 $0x1, s1  }
0x8c: {  	s17 =	sshll.u32 s0, $0xA;
	s2 =	sadd.s32 s3, s2  }
0x8d: {  	s2 =	sadd.s32 s2, s17  }
0x8e: {  	[smem:$0x3FB0] =	sst s2  }
0x8f: {  	_ = 	snop  }
0x90: {  	(tm) =	ssettm $0x1  }
0x91: {  	s18 =	sld [smem:$0x3FFB];
	_ =	sdelay $0x3  }
0x92: {  	_ =	strace s18  }
0x93: {  	s2 =	sld [smem:$0x3FFC];
	_ =	sdelay $0x3  }
0x94: {  	_ =	strace s2  }
0x95: {  	s2 =	sld [smem:$0x3FFD];
	_ =	sdelay $0x3  }
0x96: {  	_ =	strace s2  }
0x97: {  	_ =	strace $0x8FFFFFFF  }
0x98: {  	s19 =	sld [smem:$0x3FDB];
	_ =	sdelay $0x1  }
0x99: {  	s20 =	simm.s32 $_scs_section_size  }
0x9a: {  	s4 =	simm.s32 $_size__tile_overlayer_lowered;
	s5 =	simm.s32 $_tile_overlayer_lowered  }
0x9b: {  	s6 =	simm.s32 $0x1BFF;
	s21 =	sshll.u32 s5, $0x1;
	s3 =	sadd.s32 s20, s19  }
0x9c: {  	s22 =	simm.s32 $0x0;
	s4 =	sshll.u32 s4, $0x1;
	s5 =	sadd.s32 s21, s3  }
0x9d: {  	[timem:s22], [sflag:s6] =	dma.local [hbm:s5], s4  }
0x9e: {  	_ =	swait.ge [sflag:s6], s4  }
0x9f: {  	s4 =	ssub.s32 $0x0, s4;
	[sflag:s6] =	ssyncset.done $0x0  }
0xa0: {  	[sflag:s6] =	ssyncadd.s32 s4;
	_ =	sdelay $0x1  }
0xa1: {  	s23 =	simm.s32 $0x1B8B  }
0xa2: {  	_ =	swait.ge [sflag:s23], $0x1  }
0xa3: {  	[sflag:s23] =	ssyncset.done $0x0  }
0xa4: {  	[sflag:s23] =	ssyncadd.s32 $0xFFFFFFFF  }
0xa5: {  	s4 =	sld [smem:$0x0]  }
0xa6: {  	s5 =	sand.u32 $0xFFFFFFFE, s1  }
0xa7: {  	p0 =	sne.s32 s1, s5  }
0xa8: {  	s5 =	sshll.u32 @p0 s5, $0xE  }
0xa9: {  	s5 =	sadd.s32 @p0 $0x11B8D, s5;
	s6 =	sshll.u32 @p0 s4, $0x11  }
0xaa: {  	s5 =	sor.u32 @p0 s6, s5  }
0xab: {  	[sflag:s5] =	ssyncadd.remote.s32 @p0 $0x1;
	_ =	sdelay $0x1  }
0xac: {  	s5 =	simm.s32 @p0 $0x1B8D  }
0xad: {  	_ =	swait.eq @p0 [sflag:s5], $0x1  }
0xae: {  	[sflag:s5] =	ssyncadd.s32 @p0 $0xFFFFFFFF  }
0xaf: {  	s6 =	sshll.u32 @!p0 s1, $0xE  }
0xb0: {  	s6 =	sor.u32 @!p0 $0x4000, s6;
	s5 =	simm.s32 @!p0 $0x1B8D  }
0xb1: {  	s4 =	sshll.u32 @!p0 s4, $0x11;
	s6 =	sadd.s32 @!p0 $0x11B8D, s6;
	_ =	swait.eq @!p0 [sflag:s5], $0x1  }
0xb2: {  	s4 =	sor.u32 @!p0 s4, s6;
	[sflag:s5] =	ssyncadd.s32 @!p0 $0xFFFFFFFF  }
0xb3: {  	s25 =	simm.s32 $0x1B8E;
	s24 =	sld [smem:$0x3FFE];
	[sflag:s4] =	ssyncadd.remote.s32 @!p0 $0x1  }
0xb4: {  	s26 =	simm.s32 $execute0_lowered;
	[smem:$0x3FD2] =	sst s25  }
0xb5: {  	s5 =	sshll.u32 s26, $0x1;
	_ =	strace $0x80000049;
	[dreg:$0x1] =	wrdreg $0xFFFFFFFF  }
0xb6: {  	s28 =	simm.s32 $_size_execute0_lowered;
	s3 =	sadd.s32 s3, s5;
	[dreg:$0x0] =	wrdreg $0x0  }
0xb7: {  	s5 =	sshll.u32 s28, $0x1;
	[dreg:$0x2] =	wrdreg s3  }
0xb8: {  	[dreg:$0x3] =	wrdreg s5  }
0xb9: {  	[dreg:$0x4] =	wrdreg $0xC0  }
0xba: {  	_ =	task [dreg:s22], $0x5FFFF  }
0xbb: {  	[dreg:$0x1] =	wrdreg $0xFFFFFFFF  }
0xbc: {  	[dreg:$0x0] =	wrdreg $0x60  }
0xbd: {  	[dreg:$0x2] =	wrdreg s24  }
0xbe: {  	[dreg:$0x3] =	wrdreg $0xA  }
0xbf: {  	_ =	task.clear_ibuf [dreg:s22], $0x4FFFF;
	_ =	strace $0x90000049  }
0xc0: {  	s29 =	simm.s32 $0xA;
	_ =	strace $0x8000004B  }
0xc1: {  	_ =	swait.ge [sflag:s29], $0x1  }
0xc2: {  	[sflag:s29] =	ssyncadd.s32 $0xFFFFFFFF  }
0xc3: {  	_ =	strace $0x9000004B  }
0xc4: {  	_ =	sfence  }
0xc5: {  	s30 =	sld [smem:$0x0];
	_ =	sdelay $0x2  }
0xc6: {  	s31 =	sshll.u32 s1, $0xD;
	s1 =	sshrl.u32 s1, $0x2  }
0xc7: {  	s4 =	sand.u32 $0x4000, s31;
	s1 =	sadd.s32 s1, s30  }
0xc8: {  	s0 =	sor.u32 s4, s0;
	s1 =	sshll.u32 s1, $0x11  }
0xc9: {  	s0 =	sor.u32 s1, s0  }
0xca: {  	s0 =	sadd.s32 $0x8F2B, s0  }
0xcb: {  	[sflag:s0] =	ssyncadd.remote.s32 $0x1  }
0xcc: {  	_ =	sfence.sel $0xFFFF  }
0xcd: {  	[dreg:$0x0] =	wrdreg $0xFFFFFFFF;
	(pc) =	sbr.abs _section_cstart, $3  }
0xce: {  	[dreg:$0x1] =	wrdreg $0xFFFFFFFF  }
0xcf: {  	_ =	task.clear_ibuf [dreg:s22], $0x2FFFF;
	_ =	strace $0x9FFFFFFF  }
0xd0: {  	(tm) =	ssettm $0x7FFFFFFF  }
0xd1: {  	_ =	shalt  }
tec
execute0_lowered:
.L_overlay_start_1:
0x0: {  	(tag) =	ssettag $0x1  }
0x1: {  	s4 =	rddreg [dreg:$0x0]  }
0x2: {  	s0 =	rddreg [dreg:$0x1]  }
0x3: {  	s1 =	stileid.u32;
	s3 =	srdreg.scid;
	s2 =	simm.s32 $0x0  }
0x4: {  	s14 =	simm.s32 $0x400;
	s5 =	sand.u32 $0x1, s3;
	s28 =	sshll.u32 s1, $0x1  }
0x5: {  	s10 =	simm.s32 $0x4200;
	s7 =	sor.u32 s5, s28;
	s5 =	ssub.s32 $0x2, s5  }
0x6: {  	s11 =	simm.s32 $0x100;
	s12 =	simm.s32 $0x180;
	s31 =	sshrl.u32 s5, $0x1  }
0x7: {  	p0 =	por $0x0, $0x0;
	[smem:$0x7FF] =	sst s2;
	s5 =	ssub.s32 s5, s31  }
0x8: {  	s6 =	sshll.u32 s1, $0x7;
	s3 =	sadd.s32 $0x424600, s4;
	s15 =	smax.u32 s5, $0x1  }
0x9: {  	_ =	strace $0x8000004A;
	s29 =	sand.u32 $0x600, s6;
	p1 =	sne.s32 s15, $0x1  }
.Ltmp0:
0xa: {  	s30 =	sshll.u32 s7, $0x4;
	s7 =	sshll.u32 s7, $0xD;
	(pc) =	sbr.rel @!p1 .LBB2_3-.Ltmp0, $4  }
0xb: {  	s8 =	sadd.s32 s29, s4;
	s6 =	sand.u32 $0x70, s30;
	s4 =	sadd.s32 s7, s4  }
0xc: {  	s7 =	simm.s32 $0x1;
	s6 =	sadd.s32 s6, s8;
	s9 =	sadd.s32 $0x804600, s4  }
0xd: {  	s4 =	sadd.s32 $0x805600, s4;
	s8 =	simm.s32 $0x80;
	s5 =	simm.s32 $0x2  }
0xe: {  	s13 =	sadd.s32 $0x423E00, s6;
	s6 =	simm.s32 $0x200;
	s15 =	sadd.s32 $0xFFFFFFFF, s15  }
0xf: {  	[tilespmem:s2], [sflag:$0x2] =	stream.strided.gather [hbm4b:s13+s8], $0x200, s14, s8, $0x38;
	[tilespmem:$0x8200] =	vst v63  }
0x10: {  	_ =	swait.ge [sflag:s5], $0x200  }
0x11: {  	[sflag:s5] =	ssyncset.done $0x0  }
0x12: {  	[sflag:s5] =	ssyncadd.s32 $0xFFFFFE00  }
0x13: {  	v0 =	vld [tilespmem:$0x1A0]  }
0x14: {  	v1 =	vld [tilespmem:$0x1E0]  }
0x15: {  	v2 =	vld [tilespmem:$0x1B0]  }
0x16: {  	v3 =	vld [tilespmem:$0x80]  }
0x17: {  	v4 =	vld [tilespmem:$0x30]  }
0x18: {  	v6 =	vld [tilespmem:$0x70]  }
0x19: {  	v36 =	vld [tilespmem:$0x20]  }
0x1a: {  	v37 =	vld [tilespmem:$0x10]  }
0x1b: {  	v11 =	vld [tilespmem:$0xC0]  }
0x1c: {  	v38 =	vld [tilespmem:$0x0]  }
0x1d: {  	v39 =	vld [tilespmem:$0x60]  }
0x1e: {  	v14 =	vld [tilespmem:$0x50]  }
0x1f: {  	v41 =	vld [tilespmem:$0xA0]  }
0x20: {  	v16 =	vld [tilespmem:$0x40]  }
0x21: {  	v42 =	vld [tilespmem:$0x90]  }
0x22: {  	v45 =	vld [tilespmem:$0x120]  }
0x23: {  	v46 =	vld [tilespmem:$0x110];
	v5 =	vshra.s32 v0, $0x2  }
0x24: {  	v48 =	vld [tilespmem:$0xB0];
	v0 =	vand.u32 $0x1FFF, v0;
	v7 =	vshra.s32 v1, $0x2;
	v1 =	vand.u32 $0x1FFF, v1  }
0x25: {  	v49 =	vld [tilespmem:$0x100];
	v8 =	vshra.s32 v2, $0x2;
	v2 =	vand.u32 $0x1FFF, v2;
	v9 =	vshra.s32 v3, $0x2  }
0x26: {  	v52 =	vld [tilespmem:$0x180];
	v3 =	vand.u32 $0x1FFF, v3;
	v10 =	vshra.s32 v4, $0x2;
	v4 =	vand.u32 $0x1FFF, v4  }
0x27: {  	v55 =	vld [tilespmem:$0xF0];
	v12 =	vshra.s32 v6, $0x2;
	v6 =	vand.u32 $0x1FFF, v6;
	v13 =	vand.u32 $0x1FFF, v36  }
0x28: {  	v58 =	vld [tilespmem:$0xE0];
	v40 =	vshra.s32 v37, $0x2;
	v15 =	vand.u32 $0x1FFF, v11;
	v17 =	vshra.s32 v38, $0x2  }
0x29: {  	v59 =	vld [tilespmem:$0xD0];
	v44 =	vshra.s32 v39, $0x2;
	v11 =	vshra.s32 v11, $0x2;
	v47 =	vshra.s32 v14, $0x2  }
0x2a: {  	v22 =	vld [tilespmem:$0x1F0];
	v18 =	vshra.s32 v41, $0x2;
	v50 =	vand.u32 $0x1FFF, v16;
	v14 =	vand.u32 $0x1FFF, v14  }
0x2b: {  	v34 =	vld [tilespmem:$0x160];
	v51 =	vshra.s32 v16, $0x2;
	v53 =	vshra.s32 v42, $0x2;
	v54 =	vand.u32 $0x1FFF, v45  }
0x2c: {  	v57 =	vshra.s32 v46, $0x2;
	v60 =	vshra.s32 v48, $0x2;
	v62 =	vshra.s32 v49, $0x2  }
0x2d: {  	v63 =	vand.u32 $0x1FFF, v52;
	v24 =	vshra.s32 v52, $0x2;
	v25 =	vand.u32 $0x1FFF, v58  }
0x2e: {  	v26 =	vand.u32 $0x1FFF, v55;
	v27 =	vshra.s32 v59, $0x2;
	v5 =	vand.u32 $0xFFFFE000, v5  }
0x2f: {  	v32 =	vand.u32 $0x1FFF, v22;
	v35 =	vand.u32 $0xFFFFE000, v7;
	v0 =	vor.u32 v0, v5  }
0x30: {  	v52 =	vand.u32 $0x1FFF, v34;
	v10 =	vand.u32 $0xFFFFE000, v10;
	v1 =	vor.u32 v1, v35;
	[tilespmem:$0x1A0] =	vst v0  }
0x31: {  	v8 =	vand.u32 $0xFFFFE000, v8;
	v9 =	vand.u32 $0xFFFFE000, v9;
	v4 =	vor.u32 v4, v10;
	[tilespmem:$0x1E0] =	vst v1  }
0x32: {  	v12 =	vand.u32 $0xFFFFE000, v12;
	v7 =	vshra.s32 v36, $0x2;
	v2 =	vor.u32 v2, v8;
	[tilespmem:$0x30] =	vst v4  }
0x33: {  	v43 =	vand.u32 $0xFFFFE000, v17;
	v17 =	vand.u32 $0xFFFFE000, v44;
	v3 =	vor.u32 v3, v9;
	[tilespmem:$0x1B0] =	vst v2  }
0x34: {  	v29 =	vld [tilespmem:$0x190];
	v11 =	vand.u32 $0xFFFFE000, v11;
	v56 =	vand.u32 $0xFFFFE000, v18;
	v6 =	vor.u32 v6, v12;
	[tilespmem:$0x80] =	vst v3  }
0x35: {  	v61 =	vand.u32 $0xFFFFE000, v60;
	v7 =	vand.u32 $0xFFFFE000, v7;
	v11 =	vor.u32 v15, v11;
	[tilespmem:$0x70] =	vst v6  }
0x36: {  	v21 =	vand.u32 $0xFFFFE000, v57;
	v8 =	vand.u32 $0x1FFF, v38;
	v7 =	vor.u32 v13, v7;
	[tilespmem:$0xC0] =	vst v11  }
0x37: {  	v28 =	vld [tilespmem:$0x130];
	v5 =	vand.u32 $0x1FFF, v37;
	v9 =	vand.u32 $0xFFFFE000, v40;
	v8 =	vor.u32 v8, v43;
	[tilespmem:$0x20] =	vst v7  }
0x38: {  	v23 =	vand.u32 $0xFFFFE000, v62;
	v10 =	vand.u32 $0x1FFF, v39;
	v5 =	vor.u32 v5, v9;
	[tilespmem:$0x0] =	vst v8  }
0x39: {  	v44 =	vshra.s32 v29, $0x2;
	v12 =	vand.u32 $0x1FFF, v41;
	v10 =	vor.u32 v10, v17;
	[tilespmem:$0x10] =	vst v5  }
0x3a: {  	v35 =	vand.u32 $0xFFFFE000, v24;
	v13 =	vand.u32 $0xFFFFE000, v47;
	v12 =	vor.u32 v12, v56;
	[tilespmem:$0x60] =	vst v10  }
0x3b: {  	v37 =	vshra.s32 v22, $0x2;
	v3 =	vand.u32 $0xFFFFE000, v51;
	v13 =	vor.u32 v14, v13;
	[tilespmem:$0xA0] =	vst v12  }
0x3c: {  	v38 =	vshra.s32 v28, $0x2;
	v1 =	vand.u32 $0x1FFF, v46;
	v3 =	vor.u32 v50, v3;
	[tilespmem:$0x50] =	vst v13  }
0x3d: {  	v41 =	vand.u32 $0x1FFF, v28;
	v2 =	vand.u32 $0x1FFF, v49;
	v1 =	vor.u32 v1, v21;
	[tilespmem:$0x40] =	vst v3  }
0x3e: {  	v30 =	vld [tilespmem:$0x170];
	v0 =	vshra.s32 v45, $0x2;
	v4 =	vand.u32 $0x1FFF, v48;
	v2 =	vor.u32 v2, v23;
	[tilespmem:$0x110] =	vst v1  }
0x3f: {  	v9 =	vand.u32 $0x1FFF, v42;
	v7 =	vand.u32 $0xFFFFE000, v53;
	v4 =	vor.u32 v4, v61;
	[tilespmem:$0x100] =	vst v2  }
0x40: {  	v6 =	vshra.s32 v55, $0x2;
	v0 =	vand.u32 $0xFFFFE000, v0;
	v7 =	vor.u32 v9, v7;
	[tilespmem:$0xB0] =	vst v4  }
0x41: {  	v40 =	vand.u32 $0xFFFFE000, v38;
	v31 =	vand.u32 $0xFFFFE000, v6;
	v0 =	vor.u32 v54, v0;
	[tilespmem:$0x90] =	vst v7  }
0x42: {  	v36 =	vld [tilespmem:$0x140];
	v5 =	vand.u32 $0x1FFF, v59;
	v1 =	vand.u32 $0xFFFFE000, v27;
	v33 =	vor.u32 v26, v31;
	[tilespmem:$0x120] =	vst v0  }
0x43: {  	v42 =	vand.u32 $0x1FFF, v29;
	v43 =	vand.u32 $0x1FFF, v30;
	v1 =	vor.u32 v5, v1;
	[tilespmem:$0xF0] =	vst v33  }
0x44: {  	v39 =	vld [tilespmem:$0x150];
	v46 =	vshra.s32 v30, $0x2;
	v8 =	vshra.s32 v58, $0x2;
	v5 =	vor.u32 v63, v35;
	[tilespmem:$0xD0] =	vst v1  }
0x45: {  	v45 =	vld [tilespmem:$0x1D0];
	v47 =	vshra.s32 v34, $0x2;
	v49 =	vand.u32 $0xFFFFE000, v8;
	v0 =	vor.u32 v41, v40;
	[tilespmem:$0x180] =	vst v5  }
0x46: {  	v55 =	vand.u32 $0xFFFFE000, v47;
	v7 =	vand.u32 $0xFFFFE000, v37;
	v6 =	vor.u32 v25, v49;
	[tilespmem:$0x130] =	vst v0  }
0x47: {  	v51 =	vld [tilespmem:$0x1C0];
	v50 =	vshra.s32 v36, $0x2;
	v2 =	vand.u32 $0x1FFF, v36;
	v48 =	vor.u32 v32, v7;
	[tilespmem:$0xE0] =	vst v6  }
0x48: {  	v5 =	vand.u32 $0xFFFFE000, v44;
	v7 =	vand.u32 $0xFFFFE000, v50;
	v1 =	vor.u32 v52, v55;
	[tilespmem:$0x1F0] =	vst v48  }
0x49: {  	v54 =	vshra.s32 v39, $0x2;
	v0 =	vand.u32 $0xFFFFE000, v46;
	v2 =	vor.u32 v2, v7;
	[tilespmem:$0x160] =	vst v1  }
0x4a: {  	v61 =	vand.u32 $0x1FFF, v39;
	v53 =	vor.u32 v42, v5;
	v56 =	vand.u32 $0x1FFF, v45;
	[tilespmem:$0x140] =	vst v2  }
0x4b: {  	v57 =	vshra.s32 v45, $0x2;
	v0 =	vor.u32 v43, v0;
	v62 =	vand.u32 $0xFFFFE000, v54;
	[tilespmem:$0x190] =	vst v53  }
0x4c: {  	v58 =	vshra.s32 v51, $0x2;
	v2 =	vand.u32 $0xFFFFE000, v57;
	[tilespmem:$0x170] =	vst v0;
	v63 =	vor.u32 v61, v62  }
0x4d: {  	v60 =	vand.u32 $0x1FFF, v51;
	v59 =	vand.u32 $0xFFFFE000, v58;
	v2 =	vor.u32 v56, v2;
	[tilespmem:$0x150] =	vst v63  }
0x4e: {  	v0 =	vor.u32 v60, v59;
	[tilespmem:$0x1D0] =	vst v2  }
0x4f: {  	[tilespmem:$0x1C0] =	vst v0  }
0x50: {  	[tilespmem:s6], [sflag:$0x1] =	stream.indirect.gather [hbm4b:s3+s8], $0x80, s2, s8, $0xb8;
	[tilespmem:$0x8200] =	vst v63  }
0x51: {  	_ = 	snop  }
0x52: {  	[tilespmem:s10], [sflag:$0x1] =	stream.indirect.gather [hbm4b:s3+s8], $0x80, s8, s8, $0xb8;
	[tilespmem:$0x8200] =	vst v63  }
0x53: {  	_ =	swait.ge [sflag:s7], $0x4000  }
0x54: {  	[sflag:s7] =	ssyncset.done $0x0  }
0x55: {  	[sflag:s7] =	ssyncadd.s32 $0xFFFFC000  }
0x56: {  	_ =	swait.ge [sflag:s7], $0x4000  }
0x57: {  	[sflag:s7] =	ssyncset.done $0x0  }
0x58: {  	[sflag:s7] =	ssyncadd.s32 $0xFFFFC000  }
0x59: {  	[hbm4b:s9+s2] =	stream.linear.scatter [tilespmem:s6], [sflag:$0x2], $0x8000, $0x38;
	[tilespmem:$0x8200] =	vst v63  }
0x5a: {  	_ =	swait.ge [sflag:s5], $0x8000  }
0x5b: {  	[sflag:s5] =	ssyncset.done $0x0  }
0x5c: {  	[sflag:s5] =	ssyncadd.s32 $0xFFFF8000  }
0x5d: {  	[tilespmem:s6], [sflag:$0x1] =	stream.indirect.gather [hbm4b:s3+s8], $0x80, s11, s8, $0xb8;
	[tilespmem:$0x8200] =	vst v63  }
0x5e: {  	_ = 	snop  }
0x5f: {  	[tilespmem:s10], [sflag:$0x1] =	stream.indirect.gather [hbm4b:s3+s8], $0x80, s12, s8, $0xb8;
	[tilespmem:$0x8200] =	vst v63  }
0x60: {  	_ =	swait.ge [sflag:s7], $0x4000  }
0x61: {  	p1 =	sne.s32 s15, $0x1;
	[sflag:s7] =	ssyncset.done $0x0  }
.Ltmp1:
0x62: {  	[sflag:s7] =	ssyncadd.s32 $0xFFFFC000;
	(pc) =	sbr.rel @!p1 .LBB2_3-.Ltmp1, $4  }
0x63: {  	_ =	swait.ge [sflag:s7], $0x4000  }
0x64: {  	[sflag:s7] =	ssyncset.done $0x0  }
0x65: {  	s15 =	sadd.s32 $0xFFFFFFFF, s15;
	p0 =	por $0x1, $0x1;
	[sflag:s7] =	ssyncadd.s32 $0xFFFFC000  }
0x66: {  	[hbm4b:s4+s2] =	stream.linear.scatter [tilespmem:s6], [sflag:$0x2], $0x8000, $0x38;
	[tilespmem:$0x8200] =	vst v63  }
.LBB2_2:
0x67: {  	p1 =	sne.s32 s15, $0x1;
	s15 =	sadd.s32 $0xFFFFFFFF, s15;
	_ =	swait.ge [sflag:s5], $0x8000  }
0x68: {  	[sflag:s5] =	ssyncset.done $0x0  }
0x69: {  	[sflag:s5] =	ssyncadd.s32 $0xFFFF8000  }
0x6a: {  	[tilespmem:s2], [sflag:$0x2] =	stream.strided.gather [hbm4b:s13+s8], $0x200, s14, s8, $0x38;
	[tilespmem:$0x8200] =	vst v63  }
0x6b: {  	_ =	swait.ge [sflag:s5], $0x200  }
0x6c: {  	[sflag:s5] =	ssyncset.done $0x0  }
0x6d: {  	[sflag:s5] =	ssyncadd.s32 $0xFFFFFE00  }
0x6e: {  	v0 =	vld [tilespmem:$0x1A0]  }
0x6f: {  	v1 =	vld [tilespmem:$0x1E0];
	_ =	sdelay $0x1  }
0x70: {  	v2 =	vld [tilespmem:$0x1B0]  }
0x71: {  	v3 =	vld [tilespmem:$0x80]  }
0x72: {  	v4 =	vld [tilespmem:$0x30];
	v5 =	vshra.s32 v0, $0x2  }
0x73: {  	v0 =	vand.u32 $0x1FFF, v0;
	v6 =	vld [tilespmem:$0x70];
	v5 =	vand.u32 $0xFFFFE000, v5;
	v7 =	vshra.s32 v1, $0x2  }
0x74: {  	v1 =	vand.u32 $0x1FFF, v1;
	v0 =	vor.u32 v0, v5;
	v5 =	vand.u32 $0xFFFFE000, v7  }
0x75: {  	v7 =	vld [tilespmem:$0x20];
	[tilespmem:$0x1A0] =	vst v0;
	v0 =	vshra.s32 v2, $0x2;
	v2 =	vand.u32 $0x1FFF, v2;
	v1 =	vor.u32 v1, v5  }
0x76: {  	v5 =	vld [tilespmem:$0x10];
	v8 =	vshra.s32 v3, $0x2;
	v3 =	vand.u32 $0x1FFF, v3;
	v0 =	vand.u32 $0xFFFFE000, v0;
	[tilespmem:$0x1E0] =	vst v1  }
0x77: {  	v1 =	vshra.s32 v4, $0x2;
	v8 =	vand.u32 $0xFFFFE000, v8;
	v9 =	vld [tilespmem:$0xC0];
	v0 =	vor.u32 v2, v0  }
0x78: {  	v4 =	vand.u32 $0x1FFF, v4;
	v2 =	vld [tilespmem:$0x0];
	v1 =	vand.u32 $0xFFFFE000, v1;
	v10 =	vshra.s32 v6, $0x2  }
0x79: {  	v6 =	vand.u32 $0x1FFF, v6;
	v1 =	vor.u32 v4, v1;
	v4 =	vld [tilespmem:$0x60];
	v10 =	vand.u32 $0xFFFFE000, v10  }
0x7a: {  	v3 =	vor.u32 v3, v8;
	v11 =	vand.u32 $0x1FFF, v7;
	v12 =	vld [tilespmem:$0x50];
	v6 =	vor.u32 v6, v10  }
0x7b: {  	v7 =	vshra.s32 v7, $0x2;
	v8 =	vshra.s32 v5, $0x2;
	v5 =	vand.u32 $0x1FFF, v5;
	[tilespmem:$0x30] =	vst v1;
	v1 =	vld [tilespmem:$0xA0]  }
0x7c: {  	v7 =	vand.u32 $0xFFFFE000, v7;
	v8 =	vand.u32 $0xFFFFE000, v8;
	v10 =	vld [tilespmem:$0x40];
	v13 =	vand.u32 $0x1FFF, v9;
	[tilespmem:$0x1B0] =	vst v0  }
0x7d: {  	v7 =	vor.u32 v11, v7;
	v0 =	vshra.s32 v2, $0x2;
	v5 =	vor.u32 v5, v8;
	[tilespmem:$0x80] =	vst v3;
	v3 =	vld [tilespmem:$0x90]  }
0x7e: {  	v2 =	vand.u32 $0x1FFF, v2;
	v0 =	vand.u32 $0xFFFFE000, v0;
	[tilespmem:$0x20] =	vst v7;
	v7 =	vshra.s32 v4, $0x2;
	v8 =	vld [tilespmem:$0x120]  }
0x7f: {  	v0 =	vor.u32 v2, v0;
	v2 =	vand.u32 $0x1FFF, v4;
	[tilespmem:$0x70] =	vst v6;
	v4 =	vshra.s32 v9, $0x2;
	v6 =	vld [tilespmem:$0x110]  }
0x80: {  	v7 =	vand.u32 $0xFFFFE000, v7;
	[tilespmem:$0x0] =	vst v0;
	v0 =	vshra.s32 v12, $0x2;
	v9 =	vshra.s32 v1, $0x2;
	v11 =	vld [tilespmem:$0xB0]  }
0x81: {  	v2 =	vor.u32 v2, v7;
	v1 =	vand.u32 $0x1FFF, v1;
	[tilespmem:$0x10] =	vst v5;
	v0 =	vand.u32 $0xFFFFE000, v0;
	v5 =	vld [tilespmem:$0x100]  }
0x82: {  	v12 =	vand.u32 $0x1FFF, v12;
	v7 =	vand.u32 $0x1FFF, v10;
	[tilespmem:$0x60] =	vst v2;
	v2 =	vand.u32 $0xFFFFE000, v4  }
0x83: {  	v4 =	vshra.s32 v10, $0x2;
	v0 =	vor.u32 v12, v0;
	v2 =	vor.u32 v13, v2;
	v10 =	vld [tilespmem:$0x180]  }
0x84: {  	v4 =	vand.u32 $0xFFFFE000, v4;
	v13 =	vand.u32 $0x1FFF, v8;
	[tilespmem:$0x50] =	vst v0;
	v0 =	vshra.s32 v3, $0x2;
	v12 =	vld [tilespmem:$0xF0]  }
0x85: {  	v4 =	vor.u32 v7, v4;
	v7 =	vand.u32 $0xFFFFE000, v9;
	v14 =	vshra.s32 v6, $0x2;
	v9 =	vld [tilespmem:$0xE0]  }
0x86: {  	v0 =	vand.u32 $0xFFFFE000, v0;
	v1 =	vor.u32 v1, v7;
	v7 =	vshra.s32 v8, $0x2;
	[tilespmem:$0x40] =	vst v4;
	v4 =	vld [tilespmem:$0xD0]  }
0x87: {  	v3 =	vand.u32 $0x1FFF, v3;
	v6 =	vand.u32 $0x1FFF, v6;
	[tilespmem:$0xA0] =	vst v1;
	v1 =	vshra.s32 v11, $0x2  }
0x88: {  	v8 =	vshra.s32 v5, $0x2;
	v1 =	vand.u32 $0xFFFFE000, v1;
	v15 =	vand.u32 $0x1FFF, v10  }
0x89: {  	v14 =	vand.u32 $0xFFFFE000, v14;
	v5 =	vand.u32 $0x1FFF, v5;
	v11 =	vand.u32 $0x1FFF, v11;
	v16 =	vld [tilespmem:$0x1F0]  }
0x8a: {  	v6 =	vor.u32 v6, v14;
	v8 =	vand.u32 $0xFFFFE000, v8;
	v10 =	vshra.s32 v10, $0x2;
	v14 =	vld [tilespmem:$0x190]  }
0x8b: {  	v0 =	vor.u32 v3, v0;
	v17 =	vand.u32 $0x1FFF, v12;
	v3 =	vand.u32 $0x1FFF, v9;
	[tilespmem:$0x110] =	vst v6;
	v6 =	vld [tilespmem:$0x170]  }
0x8c: {  	v12 =	vshra.s32 v12, $0x2;
	[tilespmem:$0xC0] =	vst v2;
	v2 =	vshra.s32 v4, $0x2;
	v4 =	vand.u32 $0x1FFF, v4;
	v18 =	vld [tilespmem:$0x130]  }
0x8d: {  	v7 =	vand.u32 $0xFFFFE000, v7;
	[tilespmem:$0x90] =	vst v0;
	v0 =	vand.u32 $0xFFFFE000, v2;
	v2 =	vshra.s32 v9, $0x2  }
0x8e: {  	v0 =	vor.u32 v4, v0;
	v4 =	vand.u32 $0xFFFFE000, v12;
	v9 =	vand.u32 $0x1FFF, v16  }
0x8f: {  	[tilespmem:$0xD0] =	vst v0;
	v0 =	vor.u32 v17, v4;
	v4 =	vor.u32 v5, v8;
	v5 =	vld [tilespmem:$0x160];
	v8 =	vand.u32 $0xFFFFE000, v10  }
0x90: {  	v1 =	vor.u32 v11, v1;
	v10 =	vshra.s32 v16, $0x2;
	[tilespmem:$0x100] =	vst v4;
	v4 =	vld [tilespmem:$0x140];
	v8 =	vor.u32 v15, v8  }
0x91: {  	v10 =	vand.u32 $0xFFFFE000, v10;
	[tilespmem:$0xB0] =	vst v1;
	v1 =	vor.u32 v13, v7;
	v7 =	vshra.s32 v18, $0x2;
	v11 =	vld [tilespmem:$0x150]  }
0x92: {  	v12 =	vand.u32 $0x1FFF, v14;
	[tilespmem:$0x120] =	vst v1;
	v1 =	vand.u32 $0xFFFFE000, v7;
	v7 =	vand.u32 $0x1FFF, v18  }
0x93: {  	v1 =	vor.u32 v7, v1;
	v7 =	vand.u32 $0x1FFF, v6;
	[tilespmem:$0x180] =	vst v8;
	v8 =	vshra.s32 v14, $0x2  }
0x94: {  	[tilespmem:$0x130] =	vst v1;
	v1 =	vshra.s32 v6, $0x2;
	v6 =	vand.u32 $0xFFFFE000, v8;
	v8 =	vld [tilespmem:$0x1D0]  }
0x95: {  	v9 =	vor.u32 v9, v10;
	[tilespmem:$0xF0] =	vst v0;
	v0 =	vshra.s32 v5, $0x2;
	v5 =	vand.u32 $0x1FFF, v5  }
0x96: {  	v2 =	vand.u32 $0xFFFFE000, v2;
	v10 =	vshra.s32 v4, $0x2;
	v4 =	vand.u32 $0x1FFF, v4;
	v13 =	vld [tilespmem:$0x1C0]  }
0x97: {  	v2 =	vor.u32 v3, v2;
	v6 =	vor.u32 v12, v6;
	v3 =	vand.u32 $0xFFFFE000, v10;
	[tilespmem:$0x1F0] =	vst v9  }
0x98: {  	[tilespmem:$0xE0] =	vst v2;
	v2 =	vor.u32 v4, v3;
	v3 =	vshra.s32 v11, $0x2;
	v4 =	vand.u32 $0x1FFF, v11  }
0x99: {  	v0 =	vand.u32 $0xFFFFE000, v0;
	[tilespmem:$0x140] =	vst v2;
	v2 =	vand.u32 $0xFFFFE000, v3;
	v3 =	vand.u32 $0x1FFF, v8  }
0x9a: {  	v1 =	vand.u32 $0xFFFFE000, v1;
	v0 =	vor.u32 v5, v0;
	v5 =	vshra.s32 v8, $0x2;
	[tilespmem:$0x190] =	vst v6  }
0x9b: {  	v5 =	vand.u32 $0xFFFFE000, v5;
	[tilespmem:$0x160] =	vst v0;
	v0 =	vor.u32 v7, v1;
	v1 =	vshra.s32 v13, $0x2  }
0x9c: {  	v3 =	vor.u32 v3, v5;
	[tilespmem:$0x170] =	vst v0;
	v0 =	vand.u32 $0xFFFFE000, v1;
	v1 =	vand.u32 $0x1FFF, v13  }
0x9d: {  	v2 =	vor.u32 v4, v2;
	v0 =	vor.u32 v1, v0;
	[tilespmem:$0x1D0] =	vst v3  }
0x9e: {  	[tilespmem:$0x1C0] =	vst v0  }
0x9f: {  	[tilespmem:$0x150] =	vst v2  }
0xa0: {  	[tilespmem:s6], [sflag:$0x1] =	stream.indirect.gather [hbm4b:s3+s8], $0x80, s2, s8, $0xb8;
	[tilespmem:$0x8200] =	vst v63  }
0xa1: {  	_ = 	snop  }
0xa2: {  	[tilespmem:s10], [sflag:$0x1] =	stream.indirect.gather [hbm4b:s3+s8], $0x80, s8, s8, $0xb8;
	[tilespmem:$0x8200] =	vst v63  }
0xa3: {  	_ =	swait.ge [sflag:s7], $0x4000  }
0xa4: {  	[sflag:s7] =	ssyncset.done $0x0  }
0xa5: {  	[sflag:s7] =	ssyncadd.s32 $0xFFFFC000  }
0xa6: {  	_ =	swait.ge [sflag:s7], $0x4000  }
0xa7: {  	[sflag:s7] =	ssyncset.done $0x0  }
0xa8: {  	[sflag:s7] =	ssyncadd.s32 $0xFFFFC000  }
0xa9: {  	[hbm4b:s9+s2] =	stream.linear.scatter [tilespmem:s6], [sflag:$0x2], $0x8000, $0x38;
	[tilespmem:$0x8200] =	vst v63  }
0xaa: {  	_ =	swait.ge [sflag:s5], $0x8000  }
0xab: {  	[sflag:s5] =	ssyncset.done $0x0  }
0xac: {  	[sflag:s5] =	ssyncadd.s32 $0xFFFF8000  }
0xad: {  	[tilespmem:s6], [sflag:$0x1] =	stream.indirect.gather [hbm4b:s3+s8], $0x80, s11, s8, $0xb8;
	[tilespmem:$0x8200] =	vst v63  }
0xae: {  	_ = 	snop  }
0xaf: {  	[tilespmem:s10], [sflag:$0x1] =	stream.indirect.gather [hbm4b:s3+s8], $0x80, s12, s8, $0xb8;
	[tilespmem:$0x8200] =	vst v63  }
0xb0: {  	_ =	swait.ge [sflag:s7], $0x4000  }
0xb1: {  	[sflag:s7] =	ssyncset.done $0x0  }
.Ltmp2:
0xb2: {  	[sflag:s7] =	ssyncadd.s32 $0xFFFFC000;
	(pc) =	sbr.rel @p1 .LBB2_2-.Ltmp2, $4  }
0xb3: {  	_ =	swait.ge [sflag:s7], $0x4000  }
0xb4: {  	[sflag:s7] =	ssyncset.done $0x0  }
0xb5: {  	[sflag:s7] =	ssyncadd.s32 $0xFFFFC000  }
0xb6: {  	[hbm4b:s4+s2] =	stream.linear.scatter [tilespmem:s6], [sflag:$0x2], $0x8000, $0x38;
	[tilespmem:$0x8200] =	vst v63  }
.LBB2_3:
0xb7: {  	_ =	swait.ge @p0 [sflag:s5], $0x8000  }
0xb8: {  	[sflag:s5] =	ssyncset.done @p0 $0x0  }
0xb9: {  	[sflag:s5] =	ssyncadd.s32 @p0 $0xFFFF8000  }
0xba: {  	[tilespmem:s2], [sflag:$0x2] =	stream.strided.gather [hbm4b:s13+s8], $0x200, s14, s8, $0x38;
	[tilespmem:$0x8200] =	vst v63  }
0xbb: {  	_ =	swait.ge [sflag:s5], $0x200  }
0xbc: {  	[sflag:s5] =	ssyncset.done $0x0  }
0xbd: {  	[sflag:s5] =	ssyncadd.s32 $0xFFFFFE00  }
0xbe: {  	v0 =	vld [tilespmem:$0x1A0]  }
0xbf: {  	v1 =	vld [tilespmem:$0x1E0]  }
0xc0: {  	v2 =	vld [tilespmem:$0x1B0]  }
0xc1: {  	v3 =	vld [tilespmem:$0x80]  }
0xc2: {  	v4 =	vld [tilespmem:$0x30]  }
0xc3: {  	v6 =	vld [tilespmem:$0x70]  }
0xc4: {  	v36 =	vld [tilespmem:$0x20]  }
0xc5: {  	v37 =	vld [tilespmem:$0x10]  }
0xc6: {  	v11 =	vld [tilespmem:$0xC0]  }
0xc7: {  	v38 =	vld [tilespmem:$0x0]  }
0xc8: {  	v39 =	vld [tilespmem:$0x60]  }
0xc9: {  	v14 =	vld [tilespmem:$0x50]  }
0xca: {  	v41 =	vld [tilespmem:$0xA0]  }
0xcb: {  	v16 =	vld [tilespmem:$0x40]  }
0xcc: {  	v42 =	vld [tilespmem:$0x90]  }
0xcd: {  	v45 =	vld [tilespmem:$0x120]  }
0xce: {  	v46 =	vld [tilespmem:$0x110];
	v5 =	vshra.s32 v0, $0x2  }
0xcf: {  	v48 =	vld [tilespmem:$0xB0];
	v0 =	vand.u32 $0x1FFF, v0;
	v7 =	vshra.s32 v1, $0x2;
	v1 =	vand.u32 $0x1FFF, v1  }
0xd0: {  	v49 =	vld [tilespmem:$0x100];
	v8 =	vshra.s32 v2, $0x2;
	v2 =	vand.u32 $0x1FFF, v2;
	v9 =	vshra.s32 v3, $0x2  }
0xd1: {  	v52 =	vld [tilespmem:$0x180];
	v3 =	vand.u32 $0x1FFF, v3;
	v10 =	vshra.s32 v4, $0x2;
	v4 =	vand.u32 $0x1FFF, v4  }
0xd2: {  	v55 =	vld [tilespmem:$0xF0];
	v12 =	vshra.s32 v6, $0x2;
	v6 =	vand.u32 $0x1FFF, v6;
	v13 =	vand.u32 $0x1FFF, v36  }
0xd3: {  	v58 =	vld [tilespmem:$0xE0];
	v40 =	vshra.s32 v37, $0x2;
	v15 =	vand.u32 $0x1FFF, v11;
	v17 =	vshra.s32 v38, $0x2  }
0xd4: {  	v59 =	vld [tilespmem:$0xD0];
	v44 =	vshra.s32 v39, $0x2;
	v11 =	vshra.s32 v11, $0x2;
	v47 =	vshra.s32 v14, $0x2  }
0xd5: {  	v22 =	vld [tilespmem:$0x1F0];
	v18 =	vshra.s32 v41, $0x2;
	v50 =	vand.u32 $0x1FFF, v16;
	v14 =	vand.u32 $0x1FFF, v14  }
0xd6: {  	v34 =	vld [tilespmem:$0x160];
	v51 =	vshra.s32 v16, $0x2;
	v53 =	vshra.s32 v42, $0x2;
	v54 =	vand.u32 $0x1FFF, v45  }
0xd7: {  	v57 =	vshra.s32 v46, $0x2;
	v60 =	vshra.s32 v48, $0x2;
	v62 =	vshra.s32 v49, $0x2  }
0xd8: {  	v63 =	vand.u32 $0x1FFF, v52;
	v24 =	vshra.s32 v52, $0x2;
	v25 =	vand.u32 $0x1FFF, v58  }
0xd9: {  	v26 =	vand.u32 $0x1FFF, v55;
	v27 =	vshra.s32 v59, $0x2;
	v5 =	vand.u32 $0xFFFFE000, v5  }
0xda: {  	v32 =	vand.u32 $0x1FFF, v22;
	v35 =	vand.u32 $0xFFFFE000, v7;
	v0 =	vor.u32 v0, v5  }
0xdb: {  	v52 =	vand.u32 $0x1FFF, v34;
	v10 =	vand.u32 $0xFFFFE000, v10;
	v1 =	vor.u32 v1, v35;
	[tilespmem:$0x1A0] =	vst v0  }
0xdc: {  	v8 =	vand.u32 $0xFFFFE000, v8;
	v9 =	vand.u32 $0xFFFFE000, v9;
	v4 =	vor.u32 v4, v10;
	[tilespmem:$0x1E0] =	vst v1  }
0xdd: {  	v12 =	vand.u32 $0xFFFFE000, v12;
	v7 =	vshra.s32 v36, $0x2;
	v2 =	vor.u32 v2, v8;
	[tilespmem:$0x30] =	vst v4  }
0xde: {  	v43 =	vand.u32 $0xFFFFE000, v17;
	v17 =	vand.u32 $0xFFFFE000, v44;
	v3 =	vor.u32 v3, v9;
	[tilespmem:$0x1B0] =	vst v2  }
0xdf: {  	v29 =	vld [tilespmem:$0x190];
	v11 =	vand.u32 $0xFFFFE000, v11;
	v56 =	vand.u32 $0xFFFFE000, v18;
	v6 =	vor.u32 v6, v12;
	[tilespmem:$0x80] =	vst v3  }
0xe0: {  	v61 =	vand.u32 $0xFFFFE000, v60;
	v7 =	vand.u32 $0xFFFFE000, v7;
	v11 =	vor.u32 v15, v11;
	[tilespmem:$0x70] =	vst v6  }
0xe1: {  	v21 =	vand.u32 $0xFFFFE000, v57;
	v8 =	vand.u32 $0x1FFF, v38;
	v7 =	vor.u32 v13, v7;
	[tilespmem:$0xC0] =	vst v11  }
0xe2: {  	v28 =	vld [tilespmem:$0x130];
	v5 =	vand.u32 $0x1FFF, v37;
	v9 =	vand.u32 $0xFFFFE000, v40;
	v8 =	vor.u32 v8, v43;
	[tilespmem:$0x20] =	vst v7  }
0xe3: {  	v23 =	vand.u32 $0xFFFFE000, v62;
	v10 =	vand.u32 $0x1FFF, v39;
	v5 =	vor.u32 v5, v9;
	[tilespmem:$0x0] =	vst v8  }
0xe4: {  	v44 =	vshra.s32 v29, $0x2;
	v12 =	vand.u32 $0x1FFF, v41;
	v10 =	vor.u32 v10, v17;
	[tilespmem:$0x10] =	vst v5  }
0xe5: {  	v35 =	vand.u32 $0xFFFFE000, v24;
	v13 =	vand.u32 $0xFFFFE000, v47;
	v12 =	vor.u32 v12, v56;
	[tilespmem:$0x60] =	vst v10  }
0xe6: {  	v37 =	vshra.s32 v22, $0x2;
	v3 =	vand.u32 $0xFFFFE000, v51;
	v13 =	vor.u32 v14, v13;
	[tilespmem:$0xA0] =	vst v12  }
0xe7: {  	v38 =	vshra.s32 v28, $0x2;
	v1 =	vand.u32 $0x1FFF, v46;
	v3 =	vor.u32 v50, v3;
	[tilespmem:$0x50] =	vst v13  }
0xe8: {  	v41 =	vand.u32 $0x1FFF, v28;
	v2 =	vand.u32 $0x1FFF, v49;
	v1 =	vor.u32 v1, v21;
	[tilespmem:$0x40] =	vst v3  }
0xe9: {  	v30 =	vld [tilespmem:$0x170];
	v0 =	vshra.s32 v45, $0x2;
	v4 =	vand.u32 $0x1FFF, v48;
	v2 =	vor.u32 v2, v23;
	[tilespmem:$0x110] =	vst v1  }
0xea: {  	v9 =	vand.u32 $0x1FFF, v42;
	v7 =	vand.u32 $0xFFFFE000, v53;
	v4 =	vor.u32 v4, v61;
	[tilespmem:$0x100] =	vst v2  }
0xeb: {  	v6 =	vshra.s32 v55, $0x2;
	v0 =	vand.u32 $0xFFFFE000, v0;
	v7 =	vor.u32 v9, v7;
	[tilespmem:$0xB0] =	vst v4  }
0xec: {  	v40 =	vand.u32 $0xFFFFE000, v38;
	v31 =	vand.u32 $0xFFFFE000, v6;
	v0 =	vor.u32 v54, v0;
	[tilespmem:$0x90] =	vst v7  }
0xed: {  	v36 =	vld [tilespmem:$0x140];
	v5 =	vand.u32 $0x1FFF, v59;
	v1 =	vand.u32 $0xFFFFE000, v27;
	v33 =	vor.u32 v26, v31;
	[tilespmem:$0x120] =	vst v0  }
0xee: {  	v42 =	vand.u32 $0x1FFF, v29;
	v43 =	vand.u32 $0x1FFF, v30;
	v1 =	vor.u32 v5, v1;
	[tilespmem:$0xF0] =	vst v33  }
0xef: {  	v39 =	vld [tilespmem:$0x150];
	v46 =	vshra.s32 v30, $0x2;
	v8 =	vshra.s32 v58, $0x2;
	v5 =	vor.u32 v63, v35;
	[tilespmem:$0xD0] =	vst v1  }
0xf0: {  	v45 =	vld [tilespmem:$0x1D0];
	v47 =	vshra.s32 v34, $0x2;
	v49 =	vand.u32 $0xFFFFE000, v8;
	v0 =	vor.u32 v41, v40;
	[tilespmem:$0x180] =	vst v5  }
0xf1: {  	v55 =	vand.u32 $0xFFFFE000, v47;
	v7 =	vand.u32 $0xFFFFE000, v37;
	v6 =	vor.u32 v25, v49;
	[tilespmem:$0x130] =	vst v0  }
0xf2: {  	v51 =	vld [tilespmem:$0x1C0];
	v50 =	vshra.s32 v36, $0x2;
	v2 =	vand.u32 $0x1FFF, v36;
	v48 =	vor.u32 v32, v7;
	[tilespmem:$0xE0] =	vst v6  }
0xf3: {  	v5 =	vand.u32 $0xFFFFE000, v44;
	v7 =	vand.u32 $0xFFFFE000, v50;
	v1 =	vor.u32 v52, v55;
	[tilespmem:$0x1F0] =	vst v48  }
0xf4: {  	v54 =	vshra.s32 v39, $0x2;
	v0 =	vand.u32 $0xFFFFE000, v46;
	v2 =	vor.u32 v2, v7;
	[tilespmem:$0x160] =	vst v1  }
0xf5: {  	v61 =	vand.u32 $0x1FFF, v39;
	v53 =	vor.u32 v42, v5;
	v56 =	vand.u32 $0x1FFF, v45;
	[tilespmem:$0x140] =	vst v2  }
0xf6: {  	v57 =	vshra.s32 v45, $0x2;
	v0 =	vor.u32 v43, v0;
	v62 =	vand.u32 $0xFFFFE000, v54;
	[tilespmem:$0x190] =	vst v53  }
0xf7: {  	v58 =	vshra.s32 v51, $0x2;
	v2 =	vand.u32 $0xFFFFE000, v57;
	[tilespmem:$0x170] =	vst v0;
	v63 =	vor.u32 v61, v62  }
0xf8: {  	v60 =	vand.u32 $0x1FFF, v51;
	v59 =	vand.u32 $0xFFFFE000, v58;
	v2 =	vor.u32 v56, v2;
	[tilespmem:$0x150] =	vst v63  }
0xf9: {  	v0 =	vor.u32 v60, v59;
	[tilespmem:$0x1D0] =	vst v2  }
0xfa: {  	[tilespmem:$0x1C0] =	vst v0  }
0xfb: {  	[tilespmem:s6], [sflag:$0x1] =	stream.indirect.gather [hbm4b:s3+s8], $0x80, s2, s8, $0xb8;
	[tilespmem:$0x8200] =	vst v63  }
0xfc: {  	_ = 	snop  }
0xfd: {  	[tilespmem:s10], [sflag:$0x1] =	stream.indirect.gather [hbm4b:s3+s8], $0x80, s8, s8, $0xb8;
	[tilespmem:$0x8200] =	vst v63  }
0xfe: {  	_ =	swait.ge [sflag:s7], $0x4000  }
0xff: {  	[sflag:s7] =	ssyncset.done $0x0  }
0x100: {  	[sflag:s7] =	ssyncadd.s32 $0xFFFFC000  }
0x101: {  	_ =	swait.ge [sflag:s7], $0x4000  }
0x102: {  	[sflag:s7] =	ssyncset.done $0x0  }
0x103: {  	[sflag:s7] =	ssyncadd.s32 $0xFFFFC000  }
0x104: {  	[hbm4b:s9+s2] =	stream.linear.scatter [tilespmem:s6], [sflag:$0x2], $0x8000, $0x38;
	[tilespmem:$0x8200] =	vst v63  }
0x105: {  	_ =	swait.ge [sflag:s5], $0x8000  }
0x106: {  	[sflag:s5] =	ssyncset.done $0x0  }
0x107: {  	[sflag:s5] =	ssyncadd.s32 $0xFFFF8000  }
0x108: {  	[tilespmem:s6], [sflag:$0x1] =	stream.indirect.gather [hbm4b:s3+s8], $0x80, s11, s8, $0xb8;
	[tilespmem:$0x8200] =	vst v63  }
0x109: {  	_ = 	snop  }
0x10a: {  	[tilespmem:s10], [sflag:$0x1] =	stream.indirect.gather [hbm4b:s3+s8], $0x80, s12, s8, $0xb8;
	[tilespmem:$0x8200] =	vst v63  }
0x10b: {  	_ =	swait.ge [sflag:s7], $0x4000  }
0x10c: {  	[sflag:s7] =	ssyncset.done $0x0  }
0x10d: {  	[sflag:s7] =	ssyncadd.s32 $0xFFFFC000  }
0x10e: {  	_ =	swait.ge [sflag:s7], $0x4000  }
0x10f: {  	[sflag:s7] =	ssyncset.done $0x0  }
0x110: {  	[sflag:s7] =	ssyncadd.s32 $0xFFFFC000  }
0x111: {  	[hbm4b:s4+s2] =	stream.linear.scatter [tilespmem:s6], [sflag:$0x2], $0x8000, $0x38;
	[tilespmem:$0x8200] =	vst v63  }
0x112: {  	_ =	swait.ge [sflag:s5], $0x8000  }
0x113: {  	[sflag:s5] =	ssyncset.done $0x0  }
0x114: {  	[sflag:s5] =	ssyncadd.s32 $0xFFFF8000  }
0x115: {  	_ =	sfence.sel $0x180000  }
0x116: {  	[bflag:$0x0] =	sbarrier.arrive $0xFFFF  }
0x117: {  	p0 =	sne.s32 s1, $0x0;
	_ =	strace $0x9000004A  }
0x118: {  	s0 =	sadd.s32 @!p0 $0x100000, s0;
	[bflag:$0x2] =	sbarrier.arrive $0xFFFF  }
0x119: {  	[sflag:s0] =	ssyncadd.tile.s32 @!p0 $0x1;
	_ =	shalt  }
.Lfunc_end2:
_tile_overlayer_lowered:
.L_overlay_start_2:
0x11a: {  	(tag) =	ssettag $0x2  }
0x11b: {  	s0 =	rddreg [dreg:$0x0];
	s2 =	stileid.u32  }
0x11c: {  	s1 =	rddreg [dreg:$0x1];
	p0 =	sne.s32 s2, $0x0  }
0x11d: {  	s3 =	rddreg [dreg:$0x2];
	[bflag:$0x3] =	sbarrier.arrive $0xFFFF;
	s2 =	simm.s32 @!p0 $0x1C02  }
0x11e: {  	[timem:s3], [sflag:s2] =	dma.local @!p0 [hbm:s0], s1  }
0x11f: {  	s0 =	simm.s32 @!p0 $0x2  }
0x120: {  	_ =	swait.ge @!p0 [sflag:s0], s1  }
0x121: {  	s1 =	ssub.s32 @!p0 $0x0, s1;
	[sflag:s0] =	ssyncset.done @!p0 $0x0  }
0x122: {  	[sflag:s0] =	ssyncadd.s32 @!p0 s1  }
0x123: {  	[bflag:$0x3] =	sbarrier.arrive $0xFFFF  }
0x124: {  	_ =	shalt  }

// kernel: kernel.15.cloned.1.call-start
scs
__scs_entry_jumppad:
0x0: {  	(pc) =	sbr.rel $0x88, $3  }
0x1: {  	(tag) =	ssettag $0x0;
	lr =	simm.s32 $0x1  }
0x2: {  	[smem:$0x3F89] =	sst lr;
	_ =	strace $0xD0000000  }
0x3: {  	_ = 	snop  }
0x4: {  	_ = 	snop  }
0x5: {  	_ = 	snop  }
0x6: {  	_ = 	snop  }
0x7: {  	_ = 	snop  }
__scs_overlays_trampoline_lowered:
0x8: {  	[smem:$0x3F98] =	sst s0  }
0x9: {  	[smem:$0x3F99] =	sst s1  }
0xa: {  	[smem:$0x3F9A] =	sst s2  }
0xb: {  	[smem:$0x3F9B] =	sst s3  }
0xc: {  	[smem:$0x3F9C] =	sst s4  }
0xd: {  	[smem:$0x3F9D] =	sst s5  }
0xe: {  	[smem:$0x3F9E] =	sst s6  }
0xf: {  	[smem:$0x3F9F] =	sst s7  }
0x10: {  	[smem:$0x3FA0] =	sst s8  }
0x11: {  	[smem:$0x3FA1] =	sst s9;
	s0 =	simm.s32 @!p0 $0x0  }
0x12: {  	s1 =	sld [smem:$0x3F87];
	s0 =	simm.s32 @p0 $0x1  }
0x13: {  	[smem:$0x3FA2] =	sst s0;
	s0 =	simm.s32 @!p1 $0x0  }
0x14: {  	s2 =	sld [smem:$0x3F86];
	s0 =	simm.s32 @p1 $0x1  }
0x15: {  	[smem:$0x3FA3] =	sst s0;
	s0 =	simm.s32 @!p2 $0x0  }
0x16: {  	s3 =	sld [smem:$0x3FDB];
	s0 =	simm.s32 @p2 $0x1  }
0x17: {  	s4 =	simm.s32 $0x1BF5;
	[smem:$0x3FA5] =	sst s0  }
0x18: {  	s0 =	sld [smem:$0x3F88];
	_ =	swait.ge [sflag:s4], $0x0  }
0x19: {  	s7 =	sld [smem:$0x3F89]  }
0x1a: {  	s8 =	sadd.s32 $0xFFFFE003, lr  }
0x1b: {  	s9 =	sadd.s32 $0xFFFFFEF7, lr;
	s5 =	simm.s32 $0xFFFFFFFF;
	p2 =	slt.u32 s8, $0xFFFFF086  }
0x1c: {  	p1 =	slt.u32 s9, $0xF7A;
	s5 =	simm.s32 @!p2 $0x0  }
0x1d: {  	s5 =	simm.s32 @p1 $0x1;
	p0 =	seq.s32 s7, s2  }
0x1e: {  	s7 =	smul.u32 @!p0 $0xF7A, s2;
	p2 =	seq.s32 @!p0 s5, $0x0  }
0x1f: {  	s9 =	smul.u32 $0xF7A, s1;
	s8 =	simm.s32 @!p0 $0x1BF5;
	p2 =	por !p2, p0  }
0x20: {  	[sflag:s8] =	ssyncset.s32 @!p0 $0xFFFFF086;
	s6 =	sadd.s32 @!p0 s3, s7;
	s7 =	simm.s32 @!p0 $0x108  }
0x21: {  	s3 =	sadd.s32 s3, s9;
	s6 =	sadd.s32 @!p0 $0x88, s6;
	s7 =	simm.s32 @p2 $0x1082  }
0x22: {  	[simem:s7], [sflag:s8] =	dma.local @!p0 [hbm:s6], $0xF7A  }
0x23: {  	s9 =	sor.u32 $0xD0000000, s2;
	s6 =	simm.s32 $0x108;
	_ =	swait.ge @!p0 [sflag:s8], $0x0  }
0x24: {  	s3 =	sadd.s32 $0x88, s3;
	s6 =	simm.s32 @!p1 $0x1082;
	[sflag:s4] =	ssyncset.s32 $0xFFFFF086  }
0x25: {  	[simem:s6], [sflag:s4] =	dma.local [hbm:s3], $0xF7A  }
0x26: {  	[smem:$0x3F89] =	sst s1;
	(tag) =	ssettag s2;
	_ =	strace s9  }
0x27: {  	s1 =	sld [smem:$0x3F99]  }
0x28: {  	s2 =	sld [smem:$0x3F9A]  }
0x29: {  	s4 =	sld [smem:$0x3F9C]  }
0x2a: {  	p0 =	seq.s32 s5, $0x0;
	s5 =	sld [smem:$0x3F9D]  }
0x2b: {  	s6 =	sld [smem:$0x3F9E]  }
0x2c: {  	s7 =	sld [smem:$0x3F9F]  }
0x2d: {  	s3 =	simm.s32 $0x108;
	s8 =	sld [smem:$0x3FA0]  }
0x2e: {  	s3 =	simm.s32 @!p0 $0x1082;
	s9 =	sld [smem:$0x3FA1]  }
0x2f: {  	lr =	sadd.s32 s0, s3;
	s0 =	sld [smem:$0x3F98]  }
0x30: {  	s3 =	sld [smem:$0x3F9B]  }
0x31: {  	[smem:$0x3FA4] =	sst s10  }
0x32: {  	s10 =	sld [smem:$0x3FA2];
	_ =	sdelay $0x3  }
0x33: {  	p0 =	seq.s32 s10, $0x1;
	s10 =	sld [smem:$0x3FA4];
	_ =	sdelay $0x3  }
0x34: {  	[smem:$0x3FA4] =	sst s10  }
0x35: {  	s10 =	sld [smem:$0x3FA3];
	_ =	sdelay $0x3  }
0x36: {  	p1 =	seq.s32 s10, $0x1;
	s10 =	sld [smem:$0x3FA4];
	_ =	sdelay $0x3  }
0x37: {  	[smem:$0x3FA4] =	sst s10  }
0x38: {  	s10 =	sld [smem:$0x3FA5]  }
0x39: {  	_ = 	snop;
	(pc) =	sbr.ind lr, $3  }
0x3a: {  	_ = 	snop  }
0x3b: {  	_ = 	snop  }
0x3c: {  	p2 =	seq.s32 s10, $0x1;
	s10 =	sld [smem:$0x3FA4]  }
0x3d: {  	_ =	shalt  }
0x3e: {  	_ =	shalt  }
0x3f: {  	_ =	shalt  }
0x40: {  	_ =	shalt  }
0x41: {  	_ =	shalt  }
0x42: {  	_ =	shalt  }
0x43: {  	_ =	shalt  }
0x44: {  	_ =	shalt  }
0x45: {  	_ =	shalt  }
0x46: {  	_ =	shalt  }
0x47: {  	_ =	shalt  }
0x48: {  	_ =	shalt  }
0x49: {  	_ =	shalt  }
0x4a: {  	_ =	shalt  }
0x4b: {  	_ =	shalt  }
0x4c: {  	_ =	shalt  }
0x4d: {  	_ =	shalt  }
0x4e: {  	_ =	shalt  }
0x4f: {  	_ =	shalt  }
0x50: {  	_ =	shalt  }
0x51: {  	_ =	shalt  }
0x52: {  	_ =	shalt  }
0x53: {  	_ =	shalt  }
0x54: {  	_ =	shalt  }
0x55: {  	_ =	shalt  }
0x56: {  	_ =	shalt  }
0x57: {  	_ =	shalt  }
0x58: {  	_ =	shalt  }
0x59: {  	_ =	shalt  }
0x5a: {  	_ =	shalt  }
0x5b: {  	_ =	shalt  }
0x5c: {  	_ =	shalt  }
0x5d: {  	_ =	shalt  }
0x5e: {  	_ =	shalt  }
0x5f: {  	_ =	shalt  }
0x60: {  	_ =	shalt  }
0x61: {  	_ =	shalt  }
0x62: {  	_ =	shalt  }
0x63: {  	_ =	shalt  }
0x64: {  	_ =	shalt  }
0x65: {  	_ =	shalt  }
0x66: {  	_ =	shalt  }
0x67: {  	_ =	shalt  }
0x68: {  	_ =	shalt  }
0x69: {  	_ =	shalt  }
0x6a: {  	_ =	shalt  }
0x6b: {  	_ =	shalt  }
0x6c: {  	_ =	shalt  }
0x6d: {  	_ =	shalt  }
0x6e: {  	_ =	shalt  }
0x6f: {  	_ =	shalt  }
0x70: {  	_ =	shalt  }
0x71: {  	_ =	shalt  }
0x72: {  	_ =	shalt  }
0x73: {  	_ =	shalt  }
0x74: {  	_ =	shalt  }
0x75: {  	_ =	shalt  }
0x76: {  	_ =	shalt  }
0x77: {  	_ =	shalt  }
0x78: {  	_ =	shalt  }
0x79: {  	_ =	shalt  }
0x7a: {  	_ =	shalt  }
0x7b: {  	_ =	shalt  }
0x7c: {  	_ =	shalt  }
0x7d: {  	_ =	shalt  }
0x7e: {  	_ =	shalt  }
0x7f: {  	_ =	shalt  }
0x80: {  	_ =	shalt  }
0x81: {  	_ =	shalt  }
0x82: {  	_ =	shalt  }
0x83: {  	_ =	shalt  }
0x84: {  	_ =	shalt  }
0x85: {  	_ =	shalt  }
0x86: {  	_ =	shalt  }
0x87: {  	_ =	shalt  }
.Lfunc_end0:
.L_simem_size_0:
called_computation.2_lowered:
.L_overlay_start_0:
0x88: {  	s2 =	sld [smem:$0x3FD9]  }
0x89: {  	s3 =	sld [smem:$0x3FFE];
	_ =	sdelay $0x1  }
0x8a: {  	s1 =	srdreg.scid  }
0x8b: {  	s0 =	sand.u32 $0x1, s1  }
0x8c: {  	s17 =	sshll.u32 s0, $0xA;
	s2 =	sadd.s32 s3, s2  }
0x8d: {  	s2 =	sadd.s32 s2, s17  }
0x8e: {  	[smem:$0x3FB0] =	sst s2  }
0x8f: {  	_ = 	snop  }
0x90: {  	(tm) =	ssettm $0x1  }
0x91: {  	s18 =	sld [smem:$0x3FFB];
	_ =	sdelay $0x3  }
0x92: {  	_ =	strace s18  }
0x93: {  	s2 =	sld [smem:$0x3FFC];
	_ =	sdelay $0x3  }
0x94: {  	_ =	strace s2  }
0x95: {  	s2 =	sld [smem:$0x3FFD];
	_ =	sdelay $0x3  }
0x96: {  	_ =	strace s2  }
0x97: {  	_ =	strace $0x8FFFFFFF  }
0x98: {  	s19 =	sld [smem:$0x3FDB];
	_ =	sdelay $0x1  }
0x99: {  	s20 =	simm.s32 $_scs_section_size  }
0x9a: {  	s4 =	simm.s32 $_size__tile_overlayer_lowered;
	s5 =	simm.s32 $_tile_overlayer_lowered  }
0x9b: {  	s6 =	simm.s32 $0x1BFF;
	s21 =	sshll.u32 s5, $0x1;
	s3 =	sadd.s32 s20, s19  }
0x9c: {  	s22 =	simm.s32 $0x0;
	s4 =	sshll.u32 s4, $0x1;
	s5 =	sadd.s32 s21, s3  }
0x9d: {  	[timem:s22], [sflag:s6] =	dma.local [hbm:s5], s4  }
0x9e: {  	_ =	swait.ge [sflag:s6], s4  }
0x9f: {  	s4 =	ssub.s32 $0x0, s4;
	[sflag:s6] =	ssyncset.done $0x0  }
0xa0: {  	[sflag:s6] =	ssyncadd.s32 s4;
	_ =	sdelay $0x1  }
0xa1: {  	s23 =	simm.s32 $0x1B8B  }
0xa2: {  	_ =	swait.ge [sflag:s23], $0x1  }
0xa3: {  	[sflag:s23] =	ssyncset.done $0x0  }
0xa4: {  	[sflag:s23] =	ssyncadd.s32 $0xFFFFFFFF  }
0xa5: {  	s4 =	sld [smem:$0x0]  }
0xa6: {  	s5 =	sand.u32 $0xFFFFFFFE, s1  }
0xa7: {  	p0 =	sne.s32 s1, s5  }
0xa8: {  	s5 =	sshll.u32 @p0 s5, $0xE  }
0xa9: {  	s5 =	sadd.s32 @p0 $0x11B8D, s5;
	s6 =	sshll.u32 @p0 s4, $0x11  }
0xaa: {  	s5 =	sor.u32 @p0 s6, s5  }
0xab: {  	[sflag:s5] =	ssyncadd.remote.s32 @p0 $0x1;
	_ =	sdelay $0x1  }
0xac: {  	s5 =	simm.s32 @p0 $0x1B8D  }
0xad: {  	_ =	swait.eq @p0 [sflag:s5], $0x1  }
0xae: {  	[sflag:s5] =	ssyncadd.s32 @p0 $0xFFFFFFFF  }
0xaf: {  	s6 =	sshll.u32 @!p0 s1, $0xE  }
0xb0: {  	s6 =	sor.u32 @!p0 $0x4000, s6;
	s5 =	simm.s32 @!p0 $0x1B8D  }
0xb1: {  	s4 =	sshll.u32 @!p0 s4, $0x11;
	s6 =	sadd.s32 @!p0 $0x11B8D, s6;
	_ =	swait.eq @!p0 [sflag:s5], $0x1  }
0xb2: {  	s4 =	sor.u32 @!p0 s4, s6;
	[sflag:s5] =	ssyncadd.s32 @!p0 $0xFFFFFFFF  }
0xb3: {  	s25 =	simm.s32 $0x1B8E;
	s24 =	sld [smem:$0x3FFE];
	[sflag:s4] =	ssyncadd.remote.s32 @!p0 $0x1  }
0xb4: {  	s26 =	simm.s32 $execute0_lowered;
	[smem:$0x3FD2] =	sst s25  }
0xb5: {  	s5 =	sshll.u32 s26, $0x1;
	_ =	strace $0x8000004C;
	[dreg:$0x1] =	wrdreg $0xFFFFFFFF  }
0xb6: {  	s28 =	simm.s32 $_size_execute0_lowered;
	s3 =	sadd.s32 s3, s5;
	[dreg:$0x0] =	wrdreg $0x0  }
0xb7: {  	s5 =	sshll.u32 s28, $0x1;
	[dreg:$0x2] =	wrdreg s3  }
0xb8: {  	[dreg:$0x3] =	wrdreg s5  }
0xb9: {  	[dreg:$0x4] =	wrdreg $0xC0  }
0xba: {  	_ =	task [dreg:s22], $0x5FFFF  }
0xbb: {  	[dreg:$0x1] =	wrdreg $0xFFFFFFFF  }
0xbc: {  	[dreg:$0x0] =	wrdreg $0x60  }
0xbd: {  	[dreg:$0x2] =	wrdreg s24  }
0xbe: {  	[dreg:$0x3] =	wrdreg $0xB  }
0xbf: {  	_ =	task.clear_ibuf [dreg:s22], $0x4FFFF;
	_ =	strace $0x9000004C  }
0xc0: {  	s29 =	simm.s32 $0xB;
	_ =	strace $0x8000004E  }
0xc1: {  	_ =	swait.ge [sflag:s29], $0x1  }
0xc2: {  	[sflag:s29] =	ssyncadd.s32 $0xFFFFFFFF  }
0xc3: {  	_ =	strace $0x9000004E  }
0xc4: {  	_ =	sfence  }
0xc5: {  	s30 =	sld [smem:$0x0];
	_ =	sdelay $0x2  }
0xc6: {  	s31 =	sshll.u32 s1, $0xD;
	s1 =	sshrl.u32 s1, $0x2  }
0xc7: {  	s4 =	sand.u32 $0x4000, s31;
	s1 =	sadd.s32 s1, s30  }
0xc8: {  	s0 =	sor.u32 s4, s0;
	s1 =	sshll.u32 s1, $0x11  }
0xc9: {  	s0 =	sor.u32 s1, s0  }
0xca: {  	s0 =	sadd.s32 $0x8F2B, s0  }
0xcb: {  	[sflag:s0] =	ssyncadd.remote.s32 $0x1  }
0xcc: {  	_ =	sfence.sel $0xFFFF  }
0xcd: {  	[dreg:$0x0] =	wrdreg $0xFFFFFFFF;
	(pc) =	sbr.abs _section_cstart, $3  }
0xce: {  	[dreg:$0x1] =	wrdreg $0xFFFFFFFF  }
0xcf: {  	_ =	task.clear_ibuf [dreg:s22], $0x2FFFF;
	_ =	strace $0x9FFFFFFF  }
0xd0: {  	(tm) =	ssettm $0x7FFFFFFF  }
0xd1: {  	_ =	shalt  }
tec
execute0_lowered:
.L_overlay_start_1:
0x0: {  	(tag) =	ssettag $0x1  }
0x1: {  	s4 =	rddreg [dreg:$0x0]  }
0x2: {  	s0 =	rddreg [dreg:$0x1]  }
0x3: {  	s1 =	stileid.u32;
	s3 =	srdreg.scid;
	s2 =	simm.s32 $0x0  }
0x4: {  	s14 =	simm.s32 $0x400;
	s5 =	sand.u32 $0x1, s3;
	s28 =	sshll.u32 s1, $0x1  }
0x5: {  	s10 =	simm.s32 $0x4200;
	s7 =	sor.u32 s5, s28;
	s5 =	ssub.s32 $0x2, s5  }
0x6: {  	s11 =	simm.s32 $0x100;
	s12 =	simm.s32 $0x180;
	s31 =	sshrl.u32 s5, $0x1  }
0x7: {  	p0 =	por $0x0, $0x0;
	[smem:$0x7FF] =	sst s2;
	s5 =	ssub.s32 s5, s31  }
0x8: {  	s6 =	sshll.u32 s1, $0x7;
	s3 =	sadd.s32 $0x844E00, s4;
	s15 =	smax.u32 s5, $0x1  }
0x9: {  	_ =	strace $0x8000004D;
	s29 =	sand.u32 $0x600, s6;
	p1 =	sne.s32 s15, $0x1  }
.Ltmp0:
0xa: {  	s30 =	sshll.u32 s7, $0x4;
	s7 =	sshll.u32 s7, $0xD;
	(pc) =	sbr.rel @!p1 .LBB2_3-.Ltmp0, $4  }
0xb: {  	s8 =	sadd.s32 s29, s4;
	s6 =	sand.u32 $0x70, s30;
	s4 =	sadd.s32 s7, s4  }
0xc: {  	s7 =	simm.s32 $0x1;
	s6 =	sadd.s32 s6, s8;
	s9 =	sadd.s32 $0x8C4E00, s4  }
0xd: {  	s4 =	sadd.s32 $0x8C5E00, s4;
	s8 =	simm.s32 $0x80;
	s5 =	simm.s32 $0x2  }
0xe: {  	s13 =	sadd.s32 $0x844600, s6;
	s6 =	simm.s32 $0x200;
	s15 =	sadd.s32 $0xFFFFFFFF, s15  }
0xf: {  	[tilespmem:s2], [sflag:$0x2] =	stream.strided.gather [hbm4b:s13+s8], $0x200, s14, s8, $0x38;
	[tilespmem:$0x8200] =	vst v63  }
0x10: {  	_ =	swait.ge [sflag:s5], $0x200  }
0x11: {  	[sflag:s5] =	ssyncset.done $0x0  }
0x12: {  	[sflag:s5] =	ssyncadd.s32 $0xFFFFFE00  }
0x13: {  	v0 =	vld [tilespmem:$0x1A0]  }
0x14: {  	v1 =	vld [tilespmem:$0x1E0]  }
0x15: {  	v2 =	vld [tilespmem:$0x1B0]  }
0x16: {  	v3 =	vld [tilespmem:$0x80]  }
0x17: {  	v4 =	vld [tilespmem:$0x30]  }
0x18: {  	v6 =	vld [tilespmem:$0x70]  }
0x19: {  	v36 =	vld [tilespmem:$0x20]  }
0x1a: {  	v37 =	vld [tilespmem:$0x10]  }
0x1b: {  	v11 =	vld [tilespmem:$0xC0]  }
0x1c: {  	v38 =	vld [tilespmem:$0x0]  }
0x1d: {  	v39 =	vld [tilespmem:$0x60]  }
0x1e: {  	v14 =	vld [tilespmem:$0x50]  }
0x1f: {  	v41 =	vld [tilespmem:$0xA0]  }
0x20: {  	v16 =	vld [tilespmem:$0x40]  }
0x21: {  	v42 =	vld [tilespmem:$0x90]  }
0x22: {  	v45 =	vld [tilespmem:$0x120]  }
0x23: {  	v46 =	vld [tilespmem:$0x110];
	v5 =	vshra.s32 v0, $0x2  }
0x24: {  	v48 =	vld [tilespmem:$0xB0];
	v0 =	vand.u32 $0x1FFF, v0;
	v7 =	vshra.s32 v1, $0x2;
	v1 =	vand.u32 $0x1FFF, v1  }
0x25: {  	v49 =	vld [tilespmem:$0x100];
	v8 =	vshra.s32 v2, $0x2;
	v2 =	vand.u32 $0x1FFF, v2;
	v9 =	vshra.s32 v3, $0x2  }
0x26: {  	v52 =	vld [tilespmem:$0x180];
	v3 =	vand.u32 $0x1FFF, v3;
	v10 =	vshra.s32 v4, $0x2;
	v4 =	vand.u32 $0x1FFF, v4  }
0x27: {  	v55 =	vld [tilespmem:$0xF0];
	v12 =	vshra.s32 v6, $0x2;
	v6 =	vand.u32 $0x1FFF, v6;
	v13 =	vand.u32 $0x1FFF, v36  }
0x28: {  	v58 =	vld [tilespmem:$0xE0];
	v40 =	vshra.s32 v37, $0x2;
	v15 =	vand.u32 $0x1FFF, v11;
	v17 =	vshra.s32 v38, $0x2  }
0x29: {  	v59 =	vld [tilespmem:$0xD0];
	v44 =	vshra.s32 v39, $0x2;
	v11 =	vshra.s32 v11, $0x2;
	v47 =	vshra.s32 v14, $0x2  }
0x2a: {  	v22 =	vld [tilespmem:$0x1F0];
	v18 =	vshra.s32 v41, $0x2;
	v50 =	vand.u32 $0x1FFF, v16;
	v14 =	vand.u32 $0x1FFF, v14  }
0x2b: {  	v34 =	vld [tilespmem:$0x160];
	v51 =	vshra.s32 v16, $0x2;
	v53 =	vshra.s32 v42, $0x2;
	v54 =	vand.u32 $0x1FFF, v45  }
0x2c: {  	v57 =	vshra.s32 v46, $0x2;
	v60 =	vshra.s32 v48, $0x2;
	v62 =	vshra.s32 v49, $0x2  }
0x2d: {  	v63 =	vand.u32 $0x1FFF, v52;
	v24 =	vshra.s32 v52, $0x2;
	v25 =	vand.u32 $0x1FFF, v58  }
0x2e: {  	v26 =	vand.u32 $0x1FFF, v55;
	v27 =	vshra.s32 v59, $0x2;
	v5 =	vand.u32 $0xFFFFE000, v5  }
0x2f: {  	v32 =	vand.u32 $0x1FFF, v22;
	v35 =	vand.u32 $0xFFFFE000, v7;
	v0 =	vor.u32 v0, v5  }
0x30: {  	v52 =	vand.u32 $0x1FFF, v34;
	v10 =	vand.u32 $0xFFFFE000, v10;
	v1 =	vor.u32 v1, v35;
	[tilespmem:$0x1A0] =	vst v0  }
0x31: {  	v8 =	vand.u32 $0xFFFFE000, v8;
	v9 =	vand.u32 $0xFFFFE000, v9;
	v4 =	vor.u32 v4, v10;
	[tilespmem:$0x1E0] =	vst v1  }
0x32: {  	v12 =	vand.u32 $0xFFFFE000, v12;
	v7 =	vshra.s32 v36, $0x2;
	v2 =	vor.u32 v2, v8;
	[tilespmem:$0x30] =	vst v4  }
0x33: {  	v43 =	vand.u32 $0xFFFFE000, v17;
	v17 =	vand.u32 $0xFFFFE000, v44;
	v3 =	vor.u32 v3, v9;
	[tilespmem:$0x1B0] =	vst v2  }
0x34: {  	v29 =	vld [tilespmem:$0x190];
	v11 =	vand.u32 $0xFFFFE000, v11;
	v56 =	vand.u32 $0xFFFFE000, v18;
	v6 =	vor.u32 v6, v12;
	[tilespmem:$0x80] =	vst v3  }
0x35: {  	v61 =	vand.u32 $0xFFFFE000, v60;
	v7 =	vand.u32 $0xFFFFE000, v7;
	v11 =	vor.u32 v15, v11;
	[tilespmem:$0x70] =	vst v6  }
0x36: {  	v21 =	vand.u32 $0xFFFFE000, v57;
	v8 =	vand.u32 $0x1FFF, v38;
	v7 =	vor.u32 v13, v7;
	[tilespmem:$0xC0] =	vst v11  }
0x37: {  	v28 =	vld [tilespmem:$0x130];
	v5 =	vand.u32 $0x1FFF, v37;
	v9 =	vand.u32 $0xFFFFE000, v40;
	v8 =	vor.u32 v8, v43;
	[tilespmem:$0x20] =	vst v7  }
0x38: {  	v23 =	vand.u32 $0xFFFFE000, v62;
	v10 =	vand.u32 $0x1FFF, v39;
	v5 =	vor.u32 v5, v9;
	[tilespmem:$0x0] =	vst v8  }
0x39: {  	v44 =	vshra.s32 v29, $0x2;
	v12 =	vand.u32 $0x1FFF, v41;
	v10 =	vor.u32 v10, v17;
	[tilespmem:$0x10] =	vst v5  }
0x3a: {  	v35 =	vand.u32 $0xFFFFE000, v24;
	v13 =	vand.u32 $0xFFFFE000, v47;
	v12 =	vor.u32 v12, v56;
	[tilespmem:$0x60] =	vst v10  }
0x3b: {  	v37 =	vshra.s32 v22, $0x2;
	v3 =	vand.u32 $0xFFFFE000, v51;
	v13 =	vor.u32 v14, v13;
	[tilespmem:$0xA0] =	vst v12  }
0x3c: {  	v38 =	vshra.s32 v28, $0x2;
	v1 =	vand.u32 $0x1FFF, v46;
	v3 =	vor.u32 v50, v3;
	[tilespmem:$0x50] =	vst v13  }
0x3d: {  	v41 =	vand.u32 $0x1FFF, v28;
	v2 =	vand.u32 $0x1FFF, v49;
	v1 =	vor.u32 v1, v21;
	[tilespmem:$0x40] =	vst v3  }
0x3e: {  	v30 =	vld [tilespmem:$0x170];
	v0 =	vshra.s32 v45, $0x2;
	v4 =	vand.u32 $0x1FFF, v48;
	v2 =	vor.u32 v2, v23;
	[tilespmem:$0x110] =	vst v1  }
0x3f: {  	v9 =	vand.u32 $0x1FFF, v42;
	v7 =	vand.u32 $0xFFFFE000, v53;
	v4 =	vor.u32 v4, v61;
	[tilespmem:$0x100] =	vst v2  }
0x40: {  	v6 =	vshra.s32 v55, $0x2;
	v0 =	vand.u32 $0xFFFFE000, v0;
	v7 =	vor.u32 v9, v7;
	[tilespmem:$0xB0] =	vst v4  }
0x41: {  	v40 =	vand.u32 $0xFFFFE000, v38;
	v31 =	vand.u32 $0xFFFFE000, v6;
	v0 =	vor.u32 v54, v0;
	[tilespmem:$0x90] =	vst v7  }
0x42: {  	v36 =	vld [tilespmem:$0x140];
	v5 =	vand.u32 $0x1FFF, v59;
	v1 =	vand.u32 $0xFFFFE000, v27;
	v33 =	vor.u32 v26, v31;
	[tilespmem:$0x120] =	vst v0  }
0x43: {  	v42 =	vand.u32 $0x1FFF, v29;
	v43 =	vand.u32 $0x1FFF, v30;
	v1 =	vor.u32 v5, v1;
	[tilespmem:$0xF0] =	vst v33  }
0x44: {  	v39 =	vld [tilespmem:$0x150];
	v46 =	vshra.s32 v30, $0x2;
	v8 =	vshra.s32 v58, $0x2;
	v5 =	vor.u32 v63, v35;
	[tilespmem:$0xD0] =	vst v1  }
0x45: {  	v45 =	vld [tilespmem:$0x1D0];
	v47 =	vshra.s32 v34, $0x2;
	v49 =	vand.u32 $0xFFFFE000, v8;
	v0 =	vor.u32 v41, v40;
	[tilespmem:$0x180] =	vst v5  }
0x46: {  	v55 =	vand.u32 $0xFFFFE000, v47;
	v7 =	vand.u32 $0xFFFFE000, v37;
	v6 =	vor.u32 v25, v49;
	[tilespmem:$0x130] =	vst v0  }
0x47: {  	v51 =	vld [tilespmem:$0x1C0];
	v50 =	vshra.s32 v36, $0x2;
	v2 =	vand.u32 $0x1FFF, v36;
	v48 =	vor.u32 v32, v7;
	[tilespmem:$0xE0] =	vst v6  }
0x48: {  	v5 =	vand.u32 $0xFFFFE000, v44;
	v7 =	vand.u32 $0xFFFFE000, v50;
	v1 =	vor.u32 v52, v55;
	[tilespmem:$0x1F0] =	vst v48  }
0x49: {  	v54 =	vshra.s32 v39, $0x2;
	v0 =	vand.u32 $0xFFFFE000, v46;
	v2 =	vor.u32 v2, v7;
	[tilespmem:$0x160] =	vst v1  }
0x4a: {  	v61 =	vand.u32 $0x1FFF, v39;
	v53 =	vor.u32 v42, v5;
	v56 =	vand.u32 $0x1FFF, v45;
	[tilespmem:$0x140] =	vst v2  }
0x4b: {  	v57 =	vshra.s32 v45, $0x2;
	v0 =	vor.u32 v43, v0;
	v62 =	vand.u32 $0xFFFFE000, v54;
	[tilespmem:$0x190] =	vst v53  }
0x4c: {  	v58 =	vshra.s32 v51, $0x2;
	v2 =	vand.u32 $0xFFFFE000, v57;
	[tilespmem:$0x170] =	vst v0;
	v63 =	vor.u32 v61, v62  }
0x4d: {  	v60 =	vand.u32 $0x1FFF, v51;
	v59 =	vand.u32 $0xFFFFE000, v58;
	v2 =	vor.u32 v56, v2;
	[tilespmem:$0x150] =	vst v63  }
0x4e: {  	v0 =	vor.u32 v60, v59;
	[tilespmem:$0x1D0] =	vst v2  }
0x4f: {  	[tilespmem:$0x1C0] =	vst v0  }
0x50: {  	[tilespmem:s6], [sflag:$0x1] =	stream.indirect.gather [hbm4b:s3+s8], $0x80, s2, s8, $0xb8;
	[tilespmem:$0x8200] =	vst v63  }
0x51: {  	_ = 	snop  }
0x52: {  	[tilespmem:s10], [sflag:$0x1] =	stream.indirect.gather [hbm4b:s3+s8], $0x80, s8, s8, $0xb8;
	[tilespmem:$0x8200] =	vst v63  }
0x53: {  	_ =	swait.ge [sflag:s7], $0x4000  }
0x54: {  	[sflag:s7] =	ssyncset.done $0x0  }
0x55: {  	[sflag:s7] =	ssyncadd.s32 $0xFFFFC000  }
0x56: {  	_ =	swait.ge [sflag:s7], $0x4000  }
0x57: {  	[sflag:s7] =	ssyncset.done $0x0  }
0x58: {  	[sflag:s7] =	ssyncadd.s32 $0xFFFFC000  }
0x59: {  	[hbm4b:s9+s2] =	stream.linear.scatter [tilespmem:s6], [sflag:$0x2], $0x8000, $0x38;
	[tilespmem:$0x8200] =	vst v63  }
0x5a: {  	_ =	swait.ge [sflag:s5], $0x8000  }
0x5b: {  	[sflag:s5] =	ssyncset.done $0x0  }
0x5c: {  	[sflag:s5] =	ssyncadd.s32 $0xFFFF8000  }
0x5d: {  	[tilespmem:s6], [sflag:$0x1] =	stream.indirect.gather [hbm4b:s3+s8], $0x80, s11, s8, $0xb8;
	[tilespmem:$0x8200] =	vst v63  }
0x5e: {  	_ = 	snop  }
0x5f: {  	[tilespmem:s10], [sflag:$0x1] =	stream.indirect.gather [hbm4b:s3+s8], $0x80, s12, s8, $0xb8;
	[tilespmem:$0x8200] =	vst v63  }
0x60: {  	_ =	swait.ge [sflag:s7], $0x4000  }
0x61: {  	p1 =	sne.s32 s15, $0x1;
	[sflag:s7] =	ssyncset.done $0x0  }
.Ltmp1:
0x62: {  	[sflag:s7] =	ssyncadd.s32 $0xFFFFC000;
	(pc) =	sbr.rel @!p1 .LBB2_3-.Ltmp1, $4  }
0x63: {  	_ =	swait.ge [sflag:s7], $0x4000  }
0x64: {  	[sflag:s7] =	ssyncset.done $0x0  }
0x65: {  	s15 =	sadd.s32 $0xFFFFFFFF, s15;
	p0 =	por $0x1, $0x1;
	[sflag:s7] =	ssyncadd.s32 $0xFFFFC000  }
0x66: {  	[hbm4b:s4+s2] =	stream.linear.scatter [tilespmem:s6], [sflag:$0x2], $0x8000, $0x38;
	[tilespmem:$0x8200] =	vst v63  }
.LBB2_2:
0x67: {  	p1 =	sne.s32 s15, $0x1;
	s15 =	sadd.s32 $0xFFFFFFFF, s15;
	_ =	swait.ge [sflag:s5], $0x8000  }
0x68: {  	[sflag:s5] =	ssyncset.done $0x0  }
0x69: {  	[sflag:s5] =	ssyncadd.s32 $0xFFFF8000  }
0x6a: {  	[tilespmem:s2], [sflag:$0x2] =	stream.strided.gather [hbm4b:s13+s8], $0x200, s14, s8, $0x38;
	[tilespmem:$0x8200] =	vst v63  }
0x6b: {  	_ =	swait.ge [sflag:s5], $0x200  }
0x6c: {  	[sflag:s5] =	ssyncset.done $0x0  }
0x6d: {  	[sflag:s5] =	ssyncadd.s32 $0xFFFFFE00  }
0x6e: {  	v0 =	vld [tilespmem:$0x1A0]  }
0x6f: {  	v1 =	vld [tilespmem:$0x1E0];
	_ =	sdelay $0x1  }
0x70: {  	v2 =	vld [tilespmem:$0x1B0]  }
0x71: {  	v3 =	vld [tilespmem:$0x80]  }
0x72: {  	v4 =	vld [tilespmem:$0x30];
	v5 =	vshra.s32 v0, $0x2  }
0x73: {  	v0 =	vand.u32 $0x1FFF, v0;
	v6 =	vld [tilespmem:$0x70];
	v5 =	vand.u32 $0xFFFFE000, v5;
	v7 =	vshra.s32 v1, $0x2  }
0x74: {  	v1 =	vand.u32 $0x1FFF, v1;
	v0 =	vor.u32 v0, v5;
	v5 =	vand.u32 $0xFFFFE000, v7  }
0x75: {  	v7 =	vld [tilespmem:$0x20];
	[tilespmem:$0x1A0] =	vst v0;
	v0 =	vshra.s32 v2, $0x2;
	v2 =	vand.u32 $0x1FFF, v2;
	v1 =	vor.u32 v1, v5  }
0x76: {  	v5 =	vld [tilespmem:$0x10];
	v8 =	vshra.s32 v3, $0x2;
	v3 =	vand.u32 $0x1FFF, v3;
	v0 =	vand.u32 $0xFFFFE000, v0;
	[tilespmem:$0x1E0] =	vst v1  }
0x77: {  	v1 =	vshra.s32 v4, $0x2;
	v8 =	vand.u32 $0xFFFFE000, v8;
	v9 =	vld [tilespmem:$0xC0];
	v0 =	vor.u32 v2, v0  }
0x78: {  	v4 =	vand.u32 $0x1FFF, v4;
	v2 =	vld [tilespmem:$0x0];
	v1 =	vand.u32 $0xFFFFE000, v1;
	v10 =	vshra.s32 v6, $0x2  }
0x79: {  	v6 =	vand.u32 $0x1FFF, v6;
	v1 =	vor.u32 v4, v1;
	v4 =	vld [tilespmem:$0x60];
	v10 =	vand.u32 $0xFFFFE000, v10  }
0x7a: {  	v3 =	vor.u32 v3, v8;
	v11 =	vand.u32 $0x1FFF, v7;
	v12 =	vld [tilespmem:$0x50];
	v6 =	vor.u32 v6, v10  }
0x7b: {  	v7 =	vshra.s32 v7, $0x2;
	v8 =	vshra.s32 v5, $0x2;
	v5 =	vand.u32 $0x1FFF, v5;
	[tilespmem:$0x30] =	vst v1;
	v1 =	vld [tilespmem:$0xA0]  }
0x7c: {  	v7 =	vand.u32 $0xFFFFE000, v7;
	v8 =	vand.u32 $0xFFFFE000, v8;
	v10 =	vld [tilespmem:$0x40];
	v13 =	vand.u32 $0x1FFF, v9;
	[tilespmem:$0x1B0] =	vst v0  }
0x7d: {  	v7 =	vor.u32 v11, v7;
	v0 =	vshra.s32 v2, $0x2;
	v5 =	vor.u32 v5, v8;
	[tilespmem:$0x80] =	vst v3;
	v3 =	vld [tilespmem:$0x90]  }
0x7e: {  	v2 =	vand.u32 $0x1FFF, v2;
	v0 =	vand.u32 $0xFFFFE000, v0;
	[tilespmem:$0x20] =	vst v7;
	v7 =	vshra.s32 v4, $0x2;
	v8 =	vld [tilespmem:$0x120]  }
0x7f: {  	v0 =	vor.u32 v2, v0;
	v2 =	vand.u32 $0x1FFF, v4;
	[tilespmem:$0x70] =	vst v6;
	v4 =	vshra.s32 v9, $0x2;
	v6 =	vld [tilespmem:$0x110]  }
0x80: {  	v7 =	vand.u32 $0xFFFFE000, v7;
	[tilespmem:$0x0] =	vst v0;
	v0 =	vshra.s32 v12, $0x2;
	v9 =	vshra.s32 v1, $0x2;
	v11 =	vld [tilespmem:$0xB0]  }
0x81: {  	v2 =	vor.u32 v2, v7;
	v1 =	vand.u32 $0x1FFF, v1;
	[tilespmem:$0x10] =	vst v5;
	v0 =	vand.u32 $0xFFFFE000, v0;
	v5 =	vld [tilespmem:$0x100]  }
0x82: {  	v12 =	vand.u32 $0x1FFF, v12;
	v7 =	vand.u32 $0x1FFF, v10;
	[tilespmem:$0x60] =	vst v2;
	v2 =	vand.u32 $0xFFFFE000, v4  }
0x83: {  	v4 =	vshra.s32 v10, $0x2;
	v0 =	vor.u32 v12, v0;
	v2 =	vor.u32 v13, v2;
	v10 =	vld [tilespmem:$0x180]  }
0x84: {  	v4 =	vand.u32 $0xFFFFE000, v4;
	v13 =	vand.u32 $0x1FFF, v8;
	[tilespmem:$0x50] =	vst v0;
	v0 =	vshra.s32 v3, $0x2;
	v12 =	vld [tilespmem:$0xF0]  }
0x85: {  	v4 =	vor.u32 v7, v4;
	v7 =	vand.u32 $0xFFFFE000, v9;
	v14 =	vshra.s32 v6, $0x2;
	v9 =	vld [tilespmem:$0xE0]  }
0x86: {  	v0 =	vand.u32 $0xFFFFE000, v0;
	v1 =	vor.u32 v1, v7;
	v7 =	vshra.s32 v8, $0x2;
	[tilespmem:$0x40] =	vst v4;
	v4 =	vld [tilespmem:$0xD0]  }
0x87: {  	v3 =	vand.u32 $0x1FFF, v3;
	v6 =	vand.u32 $0x1FFF, v6;
	[tilespmem:$0xA0] =	vst v1;
	v1 =	vshra.s32 v11, $0x2  }
0x88: {  	v8 =	vshra.s32 v5, $0x2;
	v1 =	vand.u32 $0xFFFFE000, v1;
	v15 =	vand.u32 $0x1FFF, v10  }
0x89: {  	v14 =	vand.u32 $0xFFFFE000, v14;
	v5 =	vand.u32 $0x1FFF, v5;
	v11 =	vand.u32 $0x1FFF, v11;
	v16 =	vld [tilespmem:$0x1F0]  }
0x8a: {  	v6 =	vor.u32 v6, v14;
	v8 =	vand.u32 $0xFFFFE000, v8;
	v10 =	vshra.s32 v10, $0x2;
	v14 =	vld [tilespmem:$0x190]  }
0x8b: {  	v0 =	vor.u32 v3, v0;
	v17 =	vand.u32 $0x1FFF, v12;
	v3 =	vand.u32 $0x1FFF, v9;
	[tilespmem:$0x110] =	vst v6;
	v6 =	vld [tilespmem:$0x170]  }
0x8c: {  	v12 =	vshra.s32 v12, $0x2;
	[tilespmem:$0xC0] =	vst v2;
	v2 =	vshra.s32 v4, $0x2;
	v4 =	vand.u32 $0x1FFF, v4;
	v18 =	vld [tilespmem:$0x130]  }
0x8d: {  	v7 =	vand.u32 $0xFFFFE000, v7;
	[tilespmem:$0x90] =	vst v0;
	v0 =	vand.u32 $0xFFFFE000, v2;
	v2 =	vshra.s32 v9, $0x2  }
0x8e: {  	v0 =	vor.u32 v4, v0;
	v4 =	vand.u32 $0xFFFFE000, v12;
	v9 =	vand.u32 $0x1FFF, v16  }
0x8f: {  	[tilespmem:$0xD0] =	vst v0;
	v0 =	vor.u32 v17, v4;
	v4 =	vor.u32 v5, v8;
	v5 =	vld [tilespmem:$0x160];
	v8 =	vand.u32 $0xFFFFE000, v10  }
0x90: {  	v1 =	vor.u32 v11, v1;
	v10 =	vshra.s32 v16, $0x2;
	[tilespmem:$0x100] =	vst v4;
	v4 =	vld [tilespmem:$0x140];
	v8 =	vor.u32 v15, v8  }
0x91: {  	v10 =	vand.u32 $0xFFFFE000, v10;
	[tilespmem:$0xB0] =	vst v1;
	v1 =	vor.u32 v13, v7;
	v7 =	vshra.s32 v18, $0x2;
	v11 =	vld [tilespmem:$0x150]  }
0x92: {  	v12 =	vand.u32 $0x1FFF, v14;
	[tilespmem:$0x120] =	vst v1;
	v1 =	vand.u32 $0xFFFFE000, v7;
	v7 =	vand.u32 $0x1FFF, v18  }
0x93: {  	v1 =	vor.u32 v7, v1;
	v7 =	vand.u32 $0x1FFF, v6;
	[tilespmem:$0x180] =	vst v8;
	v8 =	vshra.s32 v14, $0x2  }
0x94: {  	[tilespmem:$0x130] =	vst v1;
	v1 =	vshra.s32 v6, $0x2;
	v6 =	vand.u32 $0xFFFFE000, v8;
	v8 =	vld [tilespmem:$0x1D0]  }
0x95: {  	v9 =	vor.u32 v9, v10;
	[tilespmem:$0xF0] =	vst v0;
	v0 =	vshra.s32 v5, $0x2;
	v5 =	vand.u32 $0x1FFF, v5  }
0x96: {  	v2 =	vand.u32 $0xFFFFE000, v2;
	v10 =	vshra.s32 v4, $0x2;
	v4 =	vand.u32 $0x1FFF, v4;
	v13 =	vld [tilespmem:$0x1C0]  }
0x97: {  	v2 =	vor.u32 v3, v2;
	v6 =	vor.u32 v12, v6;
	v3 =	vand.u32 $0xFFFFE000, v10;
	[tilespmem:$0x1F0] =	vst v9  }
0x98: {  	[tilespmem:$0xE0] =	vst v2;
	v2 =	vor.u32 v4, v3;
	v3 =	vshra.s32 v11, $0x2;
	v4 =	vand.u32 $0x1FFF, v11  }
0x99: {  	v0 =	vand.u32 $0xFFFFE000, v0;
	[tilespmem:$0x140] =	vst v2;
	v2 =	vand.u32 $0xFFFFE000, v3;
	v3 =	vand.u32 $0x1FFF, v8  }
0x9a: {  	v1 =	vand.u32 $0xFFFFE000, v1;
	v0 =	vor.u32 v5, v0;
	v5 =	vshra.s32 v8, $0x2;
	[tilespmem:$0x190] =	vst v6  }
0x9b: {  	v5 =	vand.u32 $0xFFFFE000, v5;
	[tilespmem:$0x160] =	vst v0;
	v0 =	vor.u32 v7, v1;
	v1 =	vshra.s32 v13, $0x2  }
0x9c: {  	v3 =	vor.u32 v3, v5;
	[tilespmem:$0x170] =	vst v0;
	v0 =	vand.u32 $0xFFFFE000, v1;
	v1 =	vand.u32 $0x1FFF, v13  }
0x9d: {  	v2 =	vor.u32 v4, v2;
	v0 =	vor.u32 v1, v0;
	[tilespmem:$0x1D0] =	vst v3  }
0x9e: {  	[tilespmem:$0x1C0] =	vst v0  }
0x9f: {  	[tilespmem:$0x150] =	vst v2  }
0xa0: {  	[tilespmem:s6], [sflag:$0x1] =	stream.indirect.gather [hbm4b:s3+s8], $0x80, s2, s8, $0xb8;
	[tilespmem:$0x8200] =	vst v63  }
0xa1: {  	_ = 	snop  }
0xa2: {  	[tilespmem:s10], [sflag:$0x1] =	stream.indirect.gather [hbm4b:s3+s8], $0x80, s8, s8, $0xb8;
	[tilespmem:$0x8200] =	vst v63  }
0xa3: {  	_ =	swait.ge [sflag:s7], $0x4000  }
0xa4: {  	[sflag:s7] =	ssyncset.done $0x0  }
0xa5: {  	[sflag:s7] =	ssyncadd.s32 $0xFFFFC000  }
0xa6: {  	_ =	swait.ge [sflag:s7], $0x4000  }
0xa7: {  	[sflag:s7] =	ssyncset.done $0x0  }
0xa8: {  	[sflag:s7] =	ssyncadd.s32 $0xFFFFC000  }
0xa9: {  	[hbm4b:s9+s2] =	stream.linear.scatter [tilespmem:s6], [sflag:$0x2], $0x8000, $0x38;
	[tilespmem:$0x8200] =	vst v63  }
0xaa: {  	_ =	swait.ge [sflag:s5], $0x8000  }
0xab: {  	[sflag:s5] =	ssyncset.done $0x0  }
0xac: {  	[sflag:s5] =	ssyncadd.s32 $0xFFFF8000  }
0xad: {  	[tilespmem:s6], [sflag:$0x1] =	stream.indirect.gather [hbm4b:s3+s8], $0x80, s11, s8, $0xb8;
	[tilespmem:$0x8200] =	vst v63  }
0xae: {  	_ = 	snop  }
0xaf: {  	[tilespmem:s10], [sflag:$0x1] =	stream.indirect.gather [hbm4b:s3+s8], $0x80, s12, s8, $0xb8;
	[tilespmem:$0x8200] =	vst v63  }
0xb0: {  	_ =	swait.ge [sflag:s7], $0x4000  }
0xb1: {  	[sflag:s7] =	ssyncset.done $0x0  }
.Ltmp2:
0xb2: {  	[sflag:s7] =	ssyncadd.s32 $0xFFFFC000;
	(pc) =	sbr.rel @p1 .LBB2_2-.Ltmp2, $4  }
0xb3: {  	_ =	swait.ge [sflag:s7], $0x4000  }
0xb4: {  	[sflag:s7] =	ssyncset.done $0x0  }
0xb5: {  	[sflag:s7] =	ssyncadd.s32 $0xFFFFC000  }
0xb6: {  	[hbm4b:s4+s2] =	stream.linear.scatter [tilespmem:s6], [sflag:$0x2], $0x8000, $0x38;
	[tilespmem:$0x8200] =	vst v63  }
.LBB2_3:
0xb7: {  	_ =	swait.ge @p0 [sflag:s5], $0x8000  }
0xb8: {  	[sflag:s5] =	ssyncset.done @p0 $0x0  }
0xb9: {  	[sflag:s5] =	ssyncadd.s32 @p0 $0xFFFF8000  }
0xba: {  	[tilespmem:s2], [sflag:$0x2] =	stream.strided.gather [hbm4b:s13+s8], $0x200, s14, s8, $0x38;
	[tilespmem:$0x8200] =	vst v63  }
0xbb: {  	_ =	swait.ge [sflag:s5], $0x200  }
0xbc: {  	[sflag:s5] =	ssyncset.done $0x0  }
0xbd: {  	[sflag:s5] =	ssyncadd.s32 $0xFFFFFE00  }
0xbe: {  	v0 =	vld [tilespmem:$0x1A0]  }
0xbf: {  	v1 =	vld [tilespmem:$0x1E0]  }
0xc0: {  	v2 =	vld [tilespmem:$0x1B0]  }
0xc1: {  	v3 =	vld [tilespmem:$0x80]  }
0xc2: {  	v4 =	vld [tilespmem:$0x30]  }
0xc3: {  	v6 =	vld [tilespmem:$0x70]  }
0xc4: {  	v36 =	vld [tilespmem:$0x20]  }
0xc5: {  	v37 =	vld [tilespmem:$0x10]  }
0xc6: {  	v11 =	vld [tilespmem:$0xC0]  }
0xc7: {  	v38 =	vld [tilespmem:$0x0]  }
0xc8: {  	v39 =	vld [tilespmem:$0x60]  }
0xc9: {  	v14 =	vld [tilespmem:$0x50]  }
0xca: {  	v41 =	vld [tilespmem:$0xA0]  }
0xcb: {  	v16 =	vld [tilespmem:$0x40]  }
0xcc: {  	v42 =	vld [tilespmem:$0x90]  }
0xcd: {  	v45 =	vld [tilespmem:$0x120]  }
0xce: {  	v46 =	vld [tilespmem:$0x110];
	v5 =	vshra.s32 v0, $0x2  }
0xcf: {  	v48 =	vld [tilespmem:$0xB0];
	v0 =	vand.u32 $0x1FFF, v0;
	v7 =	vshra.s32 v1, $0x2;
	v1 =	vand.u32 $0x1FFF, v1  }
0xd0: {  	v49 =	vld [tilespmem:$0x100];
	v8 =	vshra.s32 v2, $0x2;
	v2 =	vand.u32 $0x1FFF, v2;
	v9 =	vshra.s32 v3, $0x2  }
0xd1: {  	v52 =	vld [tilespmem:$0x180];
	v3 =	vand.u32 $0x1FFF, v3;
	v10 =	vshra.s32 v4, $0x2;
	v4 =	vand.u32 $0x1FFF, v4  }
0xd2: {  	v55 =	vld [tilespmem:$0xF0];
	v12 =	vshra.s32 v6, $0x2;
	v6 =	vand.u32 $0x1FFF, v6;
	v13 =	vand.u32 $0x1FFF, v36  }
0xd3: {  	v58 =	vld [tilespmem:$0xE0];
	v40 =	vshra.s32 v37, $0x2;
	v15 =	vand.u32 $0x1FFF, v11;
	v17 =	vshra.s32 v38, $0x2  }
0xd4: {  	v59 =	vld [tilespmem:$0xD0];
	v44 =	vshra.s32 v39, $0x2;
	v11 =	vshra.s32 v11, $0x2;
	v47 =	vshra.s32 v14, $0x2  }
0xd5: {  	v22 =	vld [tilespmem:$0x1F0];
	v18 =	vshra.s32 v41, $0x2;
	v50 =	vand.u32 $0x1FFF, v16;
	v14 =	vand.u32 $0x1FFF, v14  }
0xd6: {  	v34 =	vld [tilespmem:$0x160];
	v51 =	vshra.s32 v16, $0x2;
	v53 =	vshra.s32 v42, $0x2;
	v54 =	vand.u32 $0x1FFF, v45  }
0xd7: {  	v57 =	vshra.s32 v46, $0x2;
	v60 =	vshra.s32 v48, $0x2;
	v62 =	vshra.s32 v49, $0x2  }
0xd8: {  	v63 =	vand.u32 $0x1FFF, v52;
	v24 =	vshra.s32 v52, $0x2;
	v25 =	vand.u32 $0x1FFF, v58  }
0xd9: {  	v26 =	vand.u32 $0x1FFF, v55;
	v27 =	vshra.s32 v59, $0x2;
	v5 =	vand.u32 $0xFFFFE000, v5  }
0xda: {  	v32 =	vand.u32 $0x1FFF, v22;
	v35 =	vand.u32 $0xFFFFE000, v7;
	v0 =	vor.u32 v0, v5  }
0xdb: {  	v52 =	vand.u32 $0x1FFF, v34;
	v10 =	vand.u32 $0xFFFFE000, v10;
	v1 =	vor.u32 v1, v35;
	[tilespmem:$0x1A0] =	vst v0  }
0xdc: {  	v8 =	vand.u32 $0xFFFFE000, v8;
	v9 =	vand.u32 $0xFFFFE000, v9;
	v4 =	vor.u32 v4, v10;
	[tilespmem:$0x1E0] =	vst v1  }
0xdd: {  	v12 =	vand.u32 $0xFFFFE000, v12;
	v7 =	vshra.s32 v36, $0x2;
	v2 =	vor.u32 v2, v8;
	[tilespmem:$0x30] =	vst v4  }
0xde: {  	v43 =	vand.u32 $0xFFFFE000, v17;
	v17 =	vand.u32 $0xFFFFE000, v44;
	v3 =	vor.u32 v3, v9;
	[tilespmem:$0x1B0] =	vst v2  }
0xdf: {  	v29 =	vld [tilespmem:$0x190];
	v11 =	vand.u32 $0xFFFFE000, v11;
	v56 =	vand.u32 $0xFFFFE000, v18;
	v6 =	vor.u32 v6, v12;
	[tilespmem:$0x80] =	vst v3  }
0xe0: {  	v61 =	vand.u32 $0xFFFFE000, v60;
	v7 =	vand.u32 $0xFFFFE000, v7;
	v11 =	vor.u32 v15, v11;
	[tilespmem:$0x70] =	vst v6  }
0xe1: {  	v21 =	vand.u32 $0xFFFFE000, v57;
	v8 =	vand.u32 $0x1FFF, v38;
	v7 =	vor.u32 v13, v7;
	[tilespmem:$0xC0] =	vst v11  }
0xe2: {  	v28 =	vld [tilespmem:$0x130];
	v5 =	vand.u32 $0x1FFF, v37;
	v9 =	vand.u32 $0xFFFFE000, v40;
	v8 =	vor.u32 v8, v43;
	[tilespmem:$0x20] =	vst v7  }
0xe3: {  	v23 =	vand.u32 $0xFFFFE000, v62;
	v10 =	vand.u32 $0x1FFF, v39;
	v5 =	vor.u32 v5, v9;
	[tilespmem:$0x0] =	vst v8  }
0xe4: {  	v44 =	vshra.s32 v29, $0x2;
	v12 =	vand.u32 $0x1FFF, v41;
	v10 =	vor.u32 v10, v17;
	[tilespmem:$0x10] =	vst v5  }
0xe5: {  	v35 =	vand.u32 $0xFFFFE000, v24;
	v13 =	vand.u32 $0xFFFFE000, v47;
	v12 =	vor.u32 v12, v56;
	[tilespmem:$0x60] =	vst v10  }
0xe6: {  	v37 =	vshra.s32 v22, $0x2;
	v3 =	vand.u32 $0xFFFFE000, v51;
	v13 =	vor.u32 v14, v13;
	[tilespmem:$0xA0] =	vst v12  }
0xe7: {  	v38 =	vshra.s32 v28, $0x2;
	v1 =	vand.u32 $0x1FFF, v46;
	v3 =	vor.u32 v50, v3;
	[tilespmem:$0x50] =	vst v13  }
0xe8: {  	v41 =	vand.u32 $0x1FFF, v28;
	v2 =	vand.u32 $0x1FFF, v49;
	v1 =	vor.u32 v1, v21;
	[tilespmem:$0x40] =	vst v3  }
0xe9: {  	v30 =	vld [tilespmem:$0x170];
	v0 =	vshra.s32 v45, $0x2;
	v4 =	vand.u32 $0x1FFF, v48;
	v2 =	vor.u32 v2, v23;
	[tilespmem:$0x110] =	vst v1  }
0xea: {  	v9 =	vand.u32 $0x1FFF, v42;
	v7 =	vand.u32 $0xFFFFE000, v53;
	v4 =	vor.u32 v4, v61;
	[tilespmem:$0x100] =	vst v2  }
0xeb: {  	v6 =	vshra.s32 v55, $0x2;
	v0 =	vand.u32 $0xFFFFE000, v0;
	v7 =	vor.u32 v9, v7;
	[tilespmem:$0xB0] =	vst v4  }
0xec: {  	v40 =	vand.u32 $0xFFFFE000, v38;
	v31 =	vand.u32 $0xFFFFE000, v6;
	v0 =	vor.u32 v54, v0;
	[tilespmem:$0x90] =	vst v7  }
0xed: {  	v36 =	vld [tilespmem:$0x140];
	v5 =	vand.u32 $0x1FFF, v59;
	v1 =	vand.u32 $0xFFFFE000, v27;
	v33 =	vor.u32 v26, v31;
	[tilespmem:$0x120] =	vst v0  }
0xee: {  	v42 =	vand.u32 $0x1FFF, v29;
	v43 =	vand.u32 $0x1FFF, v30;
	v1 =	vor.u32 v5, v1;
	[tilespmem:$0xF0] =	vst v33  }
0xef: {  	v39 =	vld [tilespmem:$0x150];
	v46 =	vshra.s32 v30, $0x2;
	v8 =	vshra.s32 v58, $0x2;
	v5 =	vor.u32 v63, v35;
	[tilespmem:$0xD0] =	vst v1  }
0xf0: {  	v45 =	vld [tilespmem:$0x1D0];
	v47 =	vshra.s32 v34, $0x2;
	v49 =	vand.u32 $0xFFFFE000, v8;
	v0 =	vor.u32 v41, v40;
	[tilespmem:$0x180] =	vst v5  }
0xf1: {  	v55 =	vand.u32 $0xFFFFE000, v47;
	v7 =	vand.u32 $0xFFFFE000, v37;
	v6 =	vor.u32 v25, v49;
	[tilespmem:$0x130] =	vst v0  }
0xf2: {  	v51 =	vld [tilespmem:$0x1C0];
	v50 =	vshra.s32 v36, $0x2;
	v2 =	vand.u32 $0x1FFF, v36;
	v48 =	vor.u32 v32, v7;
	[tilespmem:$0xE0] =	vst v6  }
0xf3: {  	v5 =	vand.u32 $0xFFFFE000, v44;
	v7 =	vand.u32 $0xFFFFE000, v50;
	v1 =	vor.u32 v52, v55;
	[tilespmem:$0x1F0] =	vst v48  }
0xf4: {  	v54 =	vshra.s32 v39, $0x2;
	v0 =	vand.u32 $0xFFFFE000, v46;
	v2 =	vor.u32 v2, v7;
	[tilespmem:$0x160] =	vst v1  }
0xf5: {  	v61 =	vand.u32 $0x1FFF, v39;
	v53 =	vor.u32 v42, v5;
	v56 =	vand.u32 $0x1FFF, v45;
	[tilespmem:$0x140] =	vst v2  }
0xf6: {  	v57 =	vshra.s32 v45, $0x2;
	v0 =	vor.u32 v43, v0;
	v62 =	vand.u32 $0xFFFFE000, v54;
	[tilespmem:$0x190] =	vst v53  }
0xf7: {  	v58 =	vshra.s32 v51, $0x2;
	v2 =	vand.u32 $0xFFFFE000, v57;
	[tilespmem:$0x170] =	vst v0;
	v63 =	vor.u32 v61, v62  }
0xf8: {  	v60 =	vand.u32 $0x1FFF, v51;
	v59 =	vand.u32 $0xFFFFE000, v58;
	v2 =	vor.u32 v56, v2;
	[tilespmem:$0x150] =	vst v63  }
0xf9: {  	v0 =	vor.u32 v60, v59;
	[tilespmem:$0x1D0] =	vst v2  }
0xfa: {  	[tilespmem:$0x1C0] =	vst v0  }
0xfb: {  	[tilespmem:s6], [sflag:$0x1] =	stream.indirect.gather [hbm4b:s3+s8], $0x80, s2, s8, $0xb8;
	[tilespmem:$0x8200] =	vst v63  }
0xfc: {  	_ = 	snop  }
0xfd: {  	[tilespmem:s10], [sflag:$0x1] =	stream.indirect.gather [hbm4b:s3+s8], $0x80, s8, s8, $0xb8;
	[tilespmem:$0x8200] =	vst v63  }
0xfe: {  	_ =	swait.ge [sflag:s7], $0x4000  }
0xff: {  	[sflag:s7] =	ssyncset.done $0x0  }
0x100: {  	[sflag:s7] =	ssyncadd.s32 $0xFFFFC000  }
0x101: {  	_ =	swait.ge [sflag:s7], $0x4000  }
0x102: {  	[sflag:s7] =	ssyncset.done $0x0  }
0x103: {  	[sflag:s7] =	ssyncadd.s32 $0xFFFFC000  }
0x104: {  	[hbm4b:s9+s2] =	stream.linear.scatter [tilespmem:s6], [sflag:$0x2], $0x8000, $0x38;
	[tilespmem:$0x8200] =	vst v63  }
0x105: {  	_ =	swait.ge [sflag:s5], $0x8000  }
0x106: {  	[sflag:s5] =	ssyncset.done $0x0  }
0x107: {  	[sflag:s5] =	ssyncadd.s32 $0xFFFF8000  }
0x108: {  	[tilespmem:s6], [sflag:$0x1] =	stream.indirect.gather [hbm4b:s3+s8], $0x80, s11, s8, $0xb8;
	[tilespmem:$0x8200] =	vst v63  }
0x109: {  	_ = 	snop  }
0x10a: {  	[tilespmem:s10], [sflag:$0x1] =	stream.indirect.gather [hbm4b:s3+s8], $0x80, s12, s8, $0xb8;
	[tilespmem:$0x8200] =	vst v63  }
0x10b: {  	_ =	swait.ge [sflag:s7], $0x4000  }
0x10c: {  	[sflag:s7] =	ssyncset.done $0x0  }
0x10d: {  	[sflag:s7] =	ssyncadd.s32 $0xFFFFC000  }
0x10e: {  	_ =	swait.ge [sflag:s7], $0x4000  }
0x10f: {  	[sflag:s7] =	ssyncset.done $0x0  }
0x110: {  	[sflag:s7] =	ssyncadd.s32 $0xFFFFC000  }
0x111: {  	[hbm4b:s4+s2] =	stream.linear.scatter [tilespmem:s6], [sflag:$0x2], $0x8000, $0x38;
	[tilespmem:$0x8200] =	vst v63  }
0x112: {  	_ =	swait.ge [sflag:s5], $0x8000  }
0x113: {  	[sflag:s5] =	ssyncset.done $0x0  }
0x114: {  	[sflag:s5] =	ssyncadd.s32 $0xFFFF8000  }
0x115: {  	_ =	sfence.sel $0x180000  }
0x116: {  	[bflag:$0x0] =	sbarrier.arrive $0xFFFF  }
0x117: {  	p0 =	sne.s32 s1, $0x0;
	_ =	strace $0x9000004D  }
0x118: {  	s0 =	sadd.s32 @!p0 $0x100000, s0;
	[bflag:$0x2] =	sbarrier.arrive $0xFFFF  }
0x119: {  	[sflag:s0] =	ssyncadd.tile.s32 @!p0 $0x1;
	_ =	shalt  }
.Lfunc_end2:
_tile_overlayer_lowered:
.L_overlay_start_2:
0x11a: {  	(tag) =	ssettag $0x2  }
0x11b: {  	s0 =	rddreg [dreg:$0x0];
	s2 =	stileid.u32  }
0x11c: {  	s1 =	rddreg [dreg:$0x1];
	p0 =	sne.s32 s2, $0x0  }
0x11d: {  	s3 =	rddreg [dreg:$0x2];
	[bflag:$0x3] =	sbarrier.arrive $0xFFFF;
	s2 =	simm.s32 @!p0 $0x1C02  }
0x11e: {  	[timem:s3], [sflag:s2] =	dma.local @!p0 [hbm:s0], s1  }
0x11f: {  	s0 =	simm.s32 @!p0 $0x2  }
0x120: {  	_ =	swait.ge @!p0 [sflag:s0], s1  }
0x121: {  	s1 =	ssub.s32 @!p0 $0x0, s1;
	[sflag:s0] =	ssyncset.done @!p0 $0x0  }
0x122: {  	[sflag:s0] =	ssyncadd.s32 @!p0 s1  }
0x123: {  	[bflag:$0x3] =	sbarrier.arrive $0xFFFF  }
0x124: {  	_ =	shalt  }

// kernel: kernel.9.cloned.1.call-start
scs
__scs_entry_jumppad:
0x0: {  	(pc) =	sbr.rel $0x88, $3  }
0x1: {  	(tag) =	ssettag $0x0;
	lr =	simm.s32 $0x1  }
0x2: {  	[smem:$0x3F89] =	sst lr;
	_ =	strace $0xD0000000  }
0x3: {  	_ = 	snop  }
0x4: {  	_ = 	snop  }
0x5: {  	_ = 	snop  }
0x6: {  	_ = 	snop  }
0x7: {  	_ = 	snop  }
__scs_overlays_trampoline_lowered:
0x8: {  	[smem:$0x3F98] =	sst s0  }
0x9: {  	[smem:$0x3F99] =	sst s1  }
0xa: {  	[smem:$0x3F9A] =	sst s2  }
0xb: {  	[smem:$0x3F9B] =	sst s3  }
0xc: {  	[smem:$0x3F9C] =	sst s4  }
0xd: {  	[smem:$0x3F9D] =	sst s5  }
0xe: {  	[smem:$0x3F9E] =	sst s6  }
0xf: {  	[smem:$0x3F9F] =	sst s7  }
0x10: {  	[smem:$0x3FA0] =	sst s8  }
0x11: {  	[smem:$0x3FA1] =	sst s9;
	s0 =	simm.s32 @!p0 $0x0  }
0x12: {  	s1 =	sld [smem:$0x3F87];
	s0 =	simm.s32 @p0 $0x1  }
0x13: {  	[smem:$0x3FA2] =	sst s0;
	s0 =	simm.s32 @!p1 $0x0  }
0x14: {  	s2 =	sld [smem:$0x3F86];
	s0 =	simm.s32 @p1 $0x1  }
0x15: {  	[smem:$0x3FA3] =	sst s0;
	s0 =	simm.s32 @!p2 $0x0  }
0x16: {  	s3 =	sld [smem:$0x3FDB];
	s0 =	simm.s32 @p2 $0x1  }
0x17: {  	s4 =	simm.s32 $0x1BF5;
	[smem:$0x3FA5] =	sst s0  }
0x18: {  	s0 =	sld [smem:$0x3F88];
	_ =	swait.ge [sflag:s4], $0x0  }
0x19: {  	s7 =	sld [smem:$0x3F89]  }
0x1a: {  	s8 =	sadd.s32 $0xFFFFE003, lr  }
0x1b: {  	s9 =	sadd.s32 $0xFFFFFEF7, lr;
	s5 =	simm.s32 $0xFFFFFFFF;
	p2 =	slt.u32 s8, $0xFFFFF086  }
0x1c: {  	p1 =	slt.u32 s9, $0xF7A;
	s5 =	simm.s32 @!p2 $0x0  }
0x1d: {  	s5 =	simm.s32 @p1 $0x1;
	p0 =	seq.s32 s7, s2  }
0x1e: {  	s7 =	smul.u32 @!p0 $0xF7A, s2;
	p2 =	seq.s32 @!p0 s5, $0x0  }
0x1f: {  	s9 =	smul.u32 $0xF7A, s1;
	s8 =	simm.s32 @!p0 $0x1BF5;
	p2 =	por !p2, p0  }
0x20: {  	[sflag:s8] =	ssyncset.s32 @!p0 $0xFFFFF086;
	s6 =	sadd.s32 @!p0 s3, s7;
	s7 =	simm.s32 @!p0 $0x108  }
0x21: {  	s3 =	sadd.s32 s3, s9;
	s6 =	sadd.s32 @!p0 $0x88, s6;
	s7 =	simm.s32 @p2 $0x1082  }
0x22: {  	[simem:s7], [sflag:s8] =	dma.local @!p0 [hbm:s6], $0xF7A  }
0x23: {  	s9 =	sor.u32 $0xD0000000, s2;
	s6 =	simm.s32 $0x108;
	_ =	swait.ge @!p0 [sflag:s8], $0x0  }
0x24: {  	s3 =	sadd.s32 $0x88, s3;
	s6 =	simm.s32 @!p1 $0x1082;
	[sflag:s4] =	ssyncset.s32 $0xFFFFF086  }
0x25: {  	[simem:s6], [sflag:s4] =	dma.local [hbm:s3], $0xF7A  }
0x26: {  	[smem:$0x3F89] =	sst s1;
	(tag) =	ssettag s2;
	_ =	strace s9  }
0x27: {  	s1 =	sld [smem:$0x3F99]  }
0x28: {  	s2 =	sld [smem:$0x3F9A]  }
0x29: {  	s4 =	sld [smem:$0x3F9C]  }
0x2a: {  	p0 =	seq.s32 s5, $0x0;
	s5 =	sld [smem:$0x3F9D]  }
0x2b: {  	s6 =	sld [smem:$0x3F9E]  }
0x2c: {  	s7 =	sld [smem:$0x3F9F]  }
0x2d: {  	s3 =	simm.s32 $0x108;
	s8 =	sld [smem:$0x3FA0]  }
0x2e: {  	s3 =	simm.s32 @!p0 $0x1082;
	s9 =	sld [smem:$0x3FA1]  }
0x2f: {  	lr =	sadd.s32 s0, s3;
	s0 =	sld [smem:$0x3F98]  }
0x30: {  	s3 =	sld [smem:$0x3F9B]  }
0x31: {  	[smem:$0x3FA4] =	sst s10  }
0x32: {  	s10 =	sld [smem:$0x3FA2];
	_ =	sdelay $0x3  }
0x33: {  	p0 =	seq.s32 s10, $0x1;
	s10 =	sld [smem:$0x3FA4];
	_ =	sdelay $0x3  }
0x34: {  	[smem:$0x3FA4] =	sst s10  }
0x35: {  	s10 =	sld [smem:$0x3FA3];
	_ =	sdelay $0x3  }
0x36: {  	p1 =	seq.s32 s10, $0x1;
	s10 =	sld [smem:$0x3FA4];
	_ =	sdelay $0x3  }
0x37: {  	[smem:$0x3FA4] =	sst s10  }
0x38: {  	s10 =	sld [smem:$0x3FA5]  }
0x39: {  	_ = 	snop;
	(pc) =	sbr.ind lr, $3  }
0x3a: {  	_ = 	snop  }
0x3b: {  	_ = 	snop  }
0x3c: {  	p2 =	seq.s32 s10, $0x1;
	s10 =	sld [smem:$0x3FA4]  }
0x3d: {  	_ =	shalt  }
0x3e: {  	_ =	shalt  }
0x3f: {  	_ =	shalt  }
0x40: {  	_ =	shalt  }
0x41: {  	_ =	shalt  }
0x42: {  	_ =	shalt  }
0x43: {  	_ =	shalt  }
0x44: {  	_ =	shalt  }
0x45: {  	_ =	shalt  }
0x46: {  	_ =	shalt  }
0x47: {  	_ =	shalt  }
0x48: {  	_ =	shalt  }
0x49: {  	_ =	shalt  }
0x4a: {  	_ =	shalt  }
0x4b: {  	_ =	shalt  }
0x4c: {  	_ =	shalt  }
0x4d: {  	_ =	shalt  }
0x4e: {  	_ =	shalt  }
0x4f: {  	_ =	shalt  }
0x50: {  	_ =	shalt  }
0x51: {  	_ =	shalt  }
0x52: {  	_ =	shalt  }
0x53: {  	_ =	shalt  }
0x54: {  	_ =	shalt  }
0x55: {  	_ =	shalt  }
0x56: {  	_ =	shalt  }
0x57: {  	_ =	shalt  }
0x58: {  	_ =	shalt  }
0x59: {  	_ =	shalt  }
0x5a: {  	_ =	shalt  }
0x5b: {  	_ =	shalt  }
0x5c: {  	_ =	shalt  }
0x5d: {  	_ =	shalt  }
0x5e: {  	_ =	shalt  }
0x5f: {  	_ =	shalt  }
0x60: {  	_ =	shalt  }
0x61: {  	_ =	shalt  }
0x62: {  	_ =	shalt  }
0x63: {  	_ =	shalt  }
0x64: {  	_ =	shalt  }
0x65: {  	_ =	shalt  }
0x66: {  	_ =	shalt  }
0x67: {  	_ =	shalt  }
0x68: {  	_ =	shalt  }
0x69: {  	_ =	shalt  }
0x6a: {  	_ =	shalt  }
0x6b: {  	_ =	shalt  }
0x6c: {  	_ =	shalt  }
0x6d: {  	_ =	shalt  }
0x6e: {  	_ =	shalt  }
0x6f: {  	_ =	shalt  }
0x70: {  	_ =	shalt  }
0x71: {  	_ =	shalt  }
0x72: {  	_ =	shalt  }
0x73: {  	_ =	shalt  }
0x74: {  	_ =	shalt  }
0x75: {  	_ =	shalt  }
0x76: {  	_ =	shalt  }
0x77: {  	_ =	shalt  }
0x78: {  	_ =	shalt  }
0x79: {  	_ =	shalt  }
0x7a: {  	_ =	shalt  }
0x7b: {  	_ =	shalt  }
0x7c: {  	_ =	shalt  }
0x7d: {  	_ =	shalt  }
0x7e: {  	_ =	shalt  }
0x7f: {  	_ =	shalt  }
0x80: {  	_ =	shalt  }
0x81: {  	_ =	shalt  }
0x82: {  	_ =	shalt  }
0x83: {  	_ =	shalt  }
0x84: {  	_ =	shalt  }
0x85: {  	_ =	shalt  }
0x86: {  	_ =	shalt  }
0x87: {  	_ =	shalt  }
.Lfunc_end0:
.L_simem_size_0:
called_computation_lowered:
.L_overlay_start_0:
0x88: {  	s2 =	sld [smem:$0x3FD9]  }
0x89: {  	s3 =	sld [smem:$0x3FFE];
	_ =	sdelay $0x1  }
0x8a: {  	s1 =	srdreg.scid  }
0x8b: {  	s0 =	sand.u32 $0x1, s1  }
0x8c: {  	s17 =	sshll.u32 s0, $0xA;
	s2 =	sadd.s32 s3, s2  }
0x8d: {  	s2 =	sadd.s32 s2, s17  }
0x8e: {  	[smem:$0x3FB0] =	sst s2  }
0x8f: {  	_ = 	snop  }
0x90: {  	s2 =	sld [smem:$0x3FD0];
	(tm) =	ssettm $0x1  }
0x91: {  	s18 =	sld [smem:$0x3FFB];
	_ =	sdelay $0x3  }
0x92: {  	_ =	strace s18  }
0x93: {  	s3 =	sld [smem:$0x3FFC];
	_ =	sdelay $0x3  }
0x94: {  	_ =	strace s3  }
0x95: {  	s3 =	sld [smem:$0x3FFD];
	_ =	sdelay $0x3  }
0x96: {  	_ =	strace s3  }
0x97: {  	_ =	strace $0x8FFFFFFF  }
0x98: {  	s19 =	sld [smem:$0x3FDB];
	_ =	sdelay $0x1  }
0x99: {  	s4 =	simm.s32 $_scs_section_size  }
0x9a: {  	s5 =	simm.s32 $_size__tile_overlayer_lowered;
	s6 =	simm.s32 $_tile_overlayer_lowered  }
0x9b: {  	s22 =	simm.s32 $0x1BFF;
	s21 =	sshll.u32 s6, $0x1;
	s3 =	sadd.s32 s4, s19  }
0x9c: {  	s7 =	simm.s32 $0x0;
	s20 =	sshll.u32 s5, $0x1;
	s5 =	sadd.s32 s21, s3  }
0x9d: {  	[timem:s7], [sflag:s22] =	dma.local [hbm:s5], s20  }
0x9e: {  	_ =	swait.ge [sflag:s22], s20  }
0x9f: {  	s4 =	ssub.s32 $0x0, s20;
	[sflag:s22] =	ssyncset.done $0x0  }
0xa0: {  	[sflag:s22] =	ssyncadd.s32 s4;
	_ =	sdelay $0x1  }
0xa1: {  	s23 =	simm.s32 $0x1B8B  }
0xa2: {  	_ =	swait.ge [sflag:s23], $0x1  }
0xa3: {  	[sflag:s23] =	ssyncset.done $0x0  }
0xa4: {  	s25 =	simm.s32 $0x1B8E;
	s24 =	sld [smem:$0x3FFE];
	[sflag:s23] =	ssyncadd.s32 $0xFFFFFFFF  }
0xa5: {  	s26 =	simm.s32 $execute0_lowered;
	[smem:$0x3FD2] =	sst s25  }
0xa6: {  	s5 =	sshll.u32 s26, $0x1;
	_ =	strace $0x80000046;
	[dreg:$0x1] =	wrdreg $0xFFFFFFFF  }
0xa7: {  	s28 =	simm.s32 $_size_execute0_lowered;
	s3 =	sadd.s32 s3, s5;
	[dreg:$0x0] =	wrdreg $0x0  }
0xa8: {  	s5 =	sshll.u32 s28, $0x1;
	[dreg:$0x2] =	wrdreg s3  }
0xa9: {  	[dreg:$0x3] =	wrdreg s5  }
0xaa: {  	[dreg:$0x4] =	wrdreg $0xC0  }
0xab: {  	_ =	task [dreg:s7], $0x5FFFF  }
0xac: {  	[dreg:$0x1] =	wrdreg $0xFFFFFFFF  }
0xad: {  	[dreg:$0x0] =	wrdreg $0x60  }
0xae: {  	[dreg:$0x2] =	wrdreg s2  }
0xaf: {  	[dreg:$0x3] =	wrdreg s24  }
0xb0: {  	[dreg:$0x4] =	wrdreg $0x9  }
0xb1: {  	_ =	task.clear_ibuf [dreg:s7], $0x5FFFF;
	_ =	strace $0x90000046  }
0xb2: {  	s29 =	simm.s32 $0x9;
	_ =	strace $0x80000048  }
0xb3: {  	_ =	swait.ge [sflag:s29], $0x1  }
0xb4: {  	[sflag:s29] =	ssyncadd.s32 $0xFFFFFFFF  }
0xb5: {  	_ =	strace $0x90000048  }
0xb6: {  	_ =	sfence  }
0xb7: {  	s30 =	sld [smem:$0x0];
	_ =	sdelay $0x2  }
0xb8: {  	s31 =	sshll.u32 s1, $0xD;
	s1 =	sshrl.u32 s1, $0x2  }
0xb9: {  	s3 =	sand.u32 $0x4000, s31;
	s1 =	sadd.s32 s1, s30  }
0xba: {  	s0 =	sor.u32 s3, s0;
	s1 =	sshll.u32 s1, $0x11  }
0xbb: {  	s0 =	sor.u32 s1, s0  }
0xbc: {  	s0 =	sadd.s32 $0x8F2B, s0  }
0xbd: {  	[sflag:s0] =	ssyncadd.remote.s32 $0x1  }
0xbe: {  	_ =	sfence.sel $0xFFFF  }
0xbf: {  	[dreg:$0x0] =	wrdreg $0xFFFFFFFF;
	(pc) =	sbr.abs _section_cstart, $3  }
0xc0: {  	[dreg:$0x1] =	wrdreg $0xFFFFFFFF  }
0xc1: {  	_ =	task.clear_ibuf [dreg:s7], $0x2FFFF;
	_ =	strace $0x9FFFFFFF  }
0xc2: {  	(tm) =	ssettm $0x7FFFFFFF  }
0xc3: {  	_ =	shalt  }
tec
execute0_lowered:
.L_overlay_start_1:
0x0: {  	(tag) =	ssettag $0x1  }
0x1: {  	s4 =	rddreg [dreg:$0x0]  }
0x2: {  	s5 =	rddreg [dreg:$0x1]  }
0x3: {  	s0 =	rddreg [dreg:$0x2]  }
0x4: {  	s3 =	srdreg.scid;
	s1 =	stileid.u32  }
0x5: {  	s2 =	simm.s32 $0x0;
	s6 =	sand.u32 $0x1, s3;
	s30 =	sshll.u32 s1, $0x1  }
0x6: {  	s14 =	simm.s32 $0x400;
	s7 =	sor.u32 s6, s30;
	s6 =	ssub.s32 $0x2, s6  }
0x7: {  	s10 =	simm.s32 $0x4200;
	s11 =	simm.s32 $0x100;
	s9 =	sshrl.u32 s6, $0x1  }
0x8: {  	s12 =	simm.s32 $0x180;
	p0 =	por $0x0, $0x0;
	s6 =	ssub.s32 s6, s9  }
0x9: {  	[smem:$0x7FF] =	sst s2;
	s3 =	sadd.s32 $0x3E00, s5;
	s15 =	smax.u32 s6, $0x1  }
0xa: {  	s31 =	sshll.u32 s1, $0x7;
	_ =	strace $0x80000047;
	p1 =	sne.s32 s15, $0x1  }
.Ltmp0:
0xb: {  	s8 =	sshll.u32 s7, $0xD;
	s7 =	sshll.u32 s7, $0x4;
	(pc) =	sbr.rel @!p1 .LBB2_3-.Ltmp0, $4  }
0xc: {  	s5 =	sadd.s32 s8, s5;
	s8 =	sand.u32 $0x600, s31;
	s7 =	sand.u32 $0x70, s7  }
0xd: {  	s4 =	sadd.s32 s4, s8;
	s9 =	sadd.s32 $0x3E3E00, s5;
	s8 =	simm.s32 $0x80  }
0xe: {  	s6 =	simm.s32 $0x200;
	s13 =	sadd.s32 s7, s4;
	s4 =	sadd.s32 $0x3E4E00, s5  }
0xf: {  	s5 =	simm.s32 $0x2;
	s7 =	simm.s32 $0x1;
	s15 =	sadd.s32 $0xFFFFFFFF, s15  }
0x10: {  	[tilespmem:s2], [sflag:$0x2] =	stream.strided.gather [hbm4b:s13+s8], $0x200, s14, s8, $0x38;
	[tilespmem:$0x8200] =	vst v63  }
0x11: {  	_ =	swait.ge [sflag:s5], $0x200  }
0x12: {  	[sflag:s5] =	ssyncset.done $0x0  }
0x13: {  	[sflag:s5] =	ssyncadd.s32 $0xFFFFFE00  }
0x14: {  	v0 =	vld [tilespmem:$0x1A0]  }
0x15: {  	v1 =	vld [tilespmem:$0x1E0]  }
0x16: {  	v2 =	vld [tilespmem:$0x1B0]  }
0x17: {  	v3 =	vld [tilespmem:$0x80]  }
0x18: {  	v4 =	vld [tilespmem:$0x30]  }
0x19: {  	v6 =	vld [tilespmem:$0x70]  }
0x1a: {  	v36 =	vld [tilespmem:$0x20]  }
0x1b: {  	v37 =	vld [tilespmem:$0x10]  }
0x1c: {  	v11 =	vld [tilespmem:$0xC0]  }
0x1d: {  	v38 =	vld [tilespmem:$0x0]  }
0x1e: {  	v39 =	vld [tilespmem:$0x60]  }
0x1f: {  	v14 =	vld [tilespmem:$0x50]  }
0x20: {  	v41 =	vld [tilespmem:$0xA0]  }
0x21: {  	v16 =	vld [tilespmem:$0x40]  }
0x22: {  	v42 =	vld [tilespmem:$0x90]  }
0x23: {  	v45 =	vld [tilespmem:$0x120]  }
0x24: {  	v46 =	vld [tilespmem:$0x110];
	v5 =	vshra.s32 v0, $0x2  }
0x25: {  	v48 =	vld [tilespmem:$0xB0];
	v0 =	vand.u32 $0x1FFF, v0;
	v7 =	vshra.s32 v1, $0x2;
	v1 =	vand.u32 $0x1FFF, v1  }
0x26: {  	v49 =	vld [tilespmem:$0x100];
	v8 =	vshra.s32 v2, $0x2;
	v2 =	vand.u32 $0x1FFF, v2;
	v9 =	vshra.s32 v3, $0x2  }
0x27: {  	v52 =	vld [tilespmem:$0x180];
	v3 =	vand.u32 $0x1FFF, v3;
	v10 =	vshra.s32 v4, $0x2;
	v4 =	vand.u32 $0x1FFF, v4  }
0x28: {  	v55 =	vld [tilespmem:$0xF0];
	v12 =	vshra.s32 v6, $0x2;
	v6 =	vand.u32 $0x1FFF, v6;
	v13 =	vand.u32 $0x1FFF, v36  }
0x29: {  	v58 =	vld [tilespmem:$0xE0];
	v40 =	vshra.s32 v37, $0x2;
	v15 =	vand.u32 $0x1FFF, v11;
	v17 =	vshra.s32 v38, $0x2  }
0x2a: {  	v59 =	vld [tilespmem:$0xD0];
	v44 =	vshra.s32 v39, $0x2;
	v11 =	vshra.s32 v11, $0x2;
	v47 =	vshra.s32 v14, $0x2  }
0x2b: {  	v22 =	vld [tilespmem:$0x1F0];
	v18 =	vshra.s32 v41, $0x2;
	v50 =	vand.u32 $0x1FFF, v16;
	v14 =	vand.u32 $0x1FFF, v14  }
0x2c: {  	v34 =	vld [tilespmem:$0x160];
	v51 =	vshra.s32 v16, $0x2;
	v53 =	vshra.s32 v42, $0x2;
	v54 =	vand.u32 $0x1FFF, v45  }
0x2d: {  	v57 =	vshra.s32 v46, $0x2;
	v60 =	vshra.s32 v48, $0x2;
	v62 =	vshra.s32 v49, $0x2  }
0x2e: {  	v63 =	vand.u32 $0x1FFF, v52;
	v24 =	vshra.s32 v52, $0x2;
	v25 =	vand.u32 $0x1FFF, v58  }
0x2f: {  	v26 =	vand.u32 $0x1FFF, v55;
	v27 =	vshra.s32 v59, $0x2;
	v5 =	vand.u32 $0xFFFFE000, v5  }
0x30: {  	v32 =	vand.u32 $0x1FFF, v22;
	v35 =	vand.u32 $0xFFFFE000, v7;
	v0 =	vor.u32 v0, v5  }
0x31: {  	v52 =	vand.u32 $0x1FFF, v34;
	v10 =	vand.u32 $0xFFFFE000, v10;
	v1 =	vor.u32 v1, v35;
	[tilespmem:$0x1A0] =	vst v0  }
0x32: {  	v8 =	vand.u32 $0xFFFFE000, v8;
	v9 =	vand.u32 $0xFFFFE000, v9;
	v4 =	vor.u32 v4, v10;
	[tilespmem:$0x1E0] =	vst v1  }
0x33: {  	v12 =	vand.u32 $0xFFFFE000, v12;
	v7 =	vshra.s32 v36, $0x2;
	v2 =	vor.u32 v2, v8;
	[tilespmem:$0x30] =	vst v4  }
0x34: {  	v43 =	vand.u32 $0xFFFFE000, v17;
	v17 =	vand.u32 $0xFFFFE000, v44;
	v3 =	vor.u32 v3, v9;
	[tilespmem:$0x1B0] =	vst v2  }
0x35: {  	v29 =	vld [tilespmem:$0x190];
	v11 =	vand.u32 $0xFFFFE000, v11;
	v56 =	vand.u32 $0xFFFFE000, v18;
	v6 =	vor.u32 v6, v12;
	[tilespmem:$0x80] =	vst v3  }
0x36: {  	v61 =	vand.u32 $0xFFFFE000, v60;
	v7 =	vand.u32 $0xFFFFE000, v7;
	v11 =	vor.u32 v15, v11;
	[tilespmem:$0x70] =	vst v6  }
0x37: {  	v21 =	vand.u32 $0xFFFFE000, v57;
	v8 =	vand.u32 $0x1FFF, v38;
	v7 =	vor.u32 v13, v7;
	[tilespmem:$0xC0] =	vst v11  }
0x38: {  	v28 =	vld [tilespmem:$0x130];
	v5 =	vand.u32 $0x1FFF, v37;
	v9 =	vand.u32 $0xFFFFE000, v40;
	v8 =	vor.u32 v8, v43;
	[tilespmem:$0x20] =	vst v7  }
0x39: {  	v23 =	vand.u32 $0xFFFFE000, v62;
	v10 =	vand.u32 $0x1FFF, v39;
	v5 =	vor.u32 v5, v9;
	[tilespmem:$0x0] =	vst v8  }
0x3a: {  	v44 =	vshra.s32 v29, $0x2;
	v12 =	vand.u32 $0x1FFF, v41;
	v10 =	vor.u32 v10, v17;
	[tilespmem:$0x10] =	vst v5  }
0x3b: {  	v35 =	vand.u32 $0xFFFFE000, v24;
	v13 =	vand.u32 $0xFFFFE000, v47;
	v12 =	vor.u32 v12, v56;
	[tilespmem:$0x60] =	vst v10  }
0x3c: {  	v37 =	vshra.s32 v22, $0x2;
	v3 =	vand.u32 $0xFFFFE000, v51;
	v13 =	vor.u32 v14, v13;
	[tilespmem:$0xA0] =	vst v12  }
0x3d: {  	v38 =	vshra.s32 v28, $0x2;
	v1 =	vand.u32 $0x1FFF, v46;
	v3 =	vor.u32 v50, v3;
	[tilespmem:$0x50] =	vst v13  }
0x3e: {  	v41 =	vand.u32 $0x1FFF, v28;
	v2 =	vand.u32 $0x1FFF, v49;
	v1 =	vor.u32 v1, v21;
	[tilespmem:$0x40] =	vst v3  }
0x3f: {  	v30 =	vld [tilespmem:$0x170];
	v0 =	vshra.s32 v45, $0x2;
	v4 =	vand.u32 $0x1FFF, v48;
	v2 =	vor.u32 v2, v23;
	[tilespmem:$0x110] =	vst v1  }
0x40: {  	v9 =	vand.u32 $0x1FFF, v42;
	v7 =	vand.u32 $0xFFFFE000, v53;
	v4 =	vor.u32 v4, v61;
	[tilespmem:$0x100] =	vst v2  }
0x41: {  	v6 =	vshra.s32 v55, $0x2;
	v0 =	vand.u32 $0xFFFFE000, v0;
	v7 =	vor.u32 v9, v7;
	[tilespmem:$0xB0] =	vst v4  }
0x42: {  	v40 =	vand.u32 $0xFFFFE000, v38;
	v31 =	vand.u32 $0xFFFFE000, v6;
	v0 =	vor.u32 v54, v0;
	[tilespmem:$0x90] =	vst v7  }
0x43: {  	v36 =	vld [tilespmem:$0x140];
	v5 =	vand.u32 $0x1FFF, v59;
	v1 =	vand.u32 $0xFFFFE000, v27;
	v33 =	vor.u32 v26, v31;
	[tilespmem:$0x120] =	vst v0  }
0x44: {  	v42 =	vand.u32 $0x1FFF, v29;
	v43 =	vand.u32 $0x1FFF, v30;
	v1 =	vor.u32 v5, v1;
	[tilespmem:$0xF0] =	vst v33  }
0x45: {  	v39 =	vld [tilespmem:$0x150];
	v46 =	vshra.s32 v30, $0x2;
	v8 =	vshra.s32 v58, $0x2;
	v5 =	vor.u32 v63, v35;
	[tilespmem:$0xD0] =	vst v1  }
0x46: {  	v45 =	vld [tilespmem:$0x1D0];
	v47 =	vshra.s32 v34, $0x2;
	v49 =	vand.u32 $0xFFFFE000, v8;
	v0 =	vor.u32 v41, v40;
	[tilespmem:$0x180] =	vst v5  }
0x47: {  	v55 =	vand.u32 $0xFFFFE000, v47;
	v7 =	vand.u32 $0xFFFFE000, v37;
	v6 =	vor.u32 v25, v49;
	[tilespmem:$0x130] =	vst v0  }
0x48: {  	v51 =	vld [tilespmem:$0x1C0];
	v50 =	vshra.s32 v36, $0x2;
	v2 =	vand.u32 $0x1FFF, v36;
	v48 =	vor.u32 v32, v7;
	[tilespmem:$0xE0] =	vst v6  }
0x49: {  	v5 =	vand.u32 $0xFFFFE000, v44;
	v7 =	vand.u32 $0xFFFFE000, v50;
	v1 =	vor.u32 v52, v55;
	[tilespmem:$0x1F0] =	vst v48  }
0x4a: {  	v54 =	vshra.s32 v39, $0x2;
	v0 =	vand.u32 $0xFFFFE000, v46;
	v2 =	vor.u32 v2, v7;
	[tilespmem:$0x160] =	vst v1  }
0x4b: {  	v61 =	vand.u32 $0x1FFF, v39;
	v53 =	vor.u32 v42, v5;
	v56 =	vand.u32 $0x1FFF, v45;
	[tilespmem:$0x140] =	vst v2  }
0x4c: {  	v57 =	vshra.s32 v45, $0x2;
	v0 =	vor.u32 v43, v0;
	v62 =	vand.u32 $0xFFFFE000, v54;
	[tilespmem:$0x190] =	vst v53  }
0x4d: {  	v58 =	vshra.s32 v51, $0x2;
	v2 =	vand.u32 $0xFFFFE000, v57;
	[tilespmem:$0x170] =	vst v0;
	v63 =	vor.u32 v61, v62  }
0x4e: {  	v60 =	vand.u32 $0x1FFF, v51;
	v59 =	vand.u32 $0xFFFFE000, v58;
	v2 =	vor.u32 v56, v2;
	[tilespmem:$0x150] =	vst v63  }
0x4f: {  	v0 =	vor.u32 v60, v59;
	[tilespmem:$0x1D0] =	vst v2  }
0x50: {  	[tilespmem:$0x1C0] =	vst v0  }
0x51: {  	[tilespmem:s6], [sflag:$0x1] =	stream.indirect.gather [hbm4b:s3+s8], $0x80, s2, s8, $0xb8;
	[tilespmem:$0x8200] =	vst v63  }
0x52: {  	_ = 	snop  }
0x53: {  	[tilespmem:s10], [sflag:$0x1] =	stream.indirect.gather [hbm4b:s3+s8], $0x80, s8, s8, $0xb8;
	[tilespmem:$0x8200] =	vst v63  }
0x54: {  	_ =	swait.ge [sflag:s7], $0x4000  }
0x55: {  	[sflag:s7] =	ssyncset.done $0x0  }
0x56: {  	[sflag:s7] =	ssyncadd.s32 $0xFFFFC000  }
0x57: {  	_ =	swait.ge [sflag:s7], $0x4000  }
0x58: {  	[sflag:s7] =	ssyncset.done $0x0  }
0x59: {  	[sflag:s7] =	ssyncadd.s32 $0xFFFFC000  }
0x5a: {  	[hbm4b:s9+s2] =	stream.linear.scatter [tilespmem:s6], [sflag:$0x2], $0x8000, $0x38;
	[tilespmem:$0x8200] =	vst v63  }
0x5b: {  	_ =	swait.ge [sflag:s5], $0x8000  }
0x5c: {  	[sflag:s5] =	ssyncset.done $0x0  }
0x5d: {  	[sflag:s5] =	ssyncadd.s32 $0xFFFF8000  }
0x5e: {  	[tilespmem:s6], [sflag:$0x1] =	stream.indirect.gather [hbm4b:s3+s8], $0x80, s11, s8, $0xb8;
	[tilespmem:$0x8200] =	vst v63  }
0x5f: {  	_ = 	snop  }
0x60: {  	[tilespmem:s10], [sflag:$0x1] =	stream.indirect.gather [hbm4b:s3+s8], $0x80, s12, s8, $0xb8;
	[tilespmem:$0x8200] =	vst v63  }
0x61: {  	_ =	swait.ge [sflag:s7], $0x4000  }
0x62: {  	p1 =	sne.s32 s15, $0x1;
	[sflag:s7] =	ssyncset.done $0x0  }
.Ltmp1:
0x63: {  	[sflag:s7] =	ssyncadd.s32 $0xFFFFC000;
	(pc) =	sbr.rel @!p1 .LBB2_3-.Ltmp1, $4  }
0x64: {  	_ =	swait.ge [sflag:s7], $0x4000  }
0x65: {  	[sflag:s7] =	ssyncset.done $0x0  }
0x66: {  	s15 =	sadd.s32 $0xFFFFFFFF, s15;
	p0 =	por $0x1, $0x1;
	[sflag:s7] =	ssyncadd.s32 $0xFFFFC000  }
0x67: {  	[hbm4b:s4+s2] =	stream.linear.scatter [tilespmem:s6], [sflag:$0x2], $0x8000, $0x38;
	[tilespmem:$0x8200] =	vst v63  }
.LBB2_2:
0x68: {  	p1 =	sne.s32 s15, $0x1;
	s15 =	sadd.s32 $0xFFFFFFFF, s15;
	_ =	swait.ge [sflag:s5], $0x8000  }
0x69: {  	[sflag:s5] =	ssyncset.done $0x0  }
0x6a: {  	[sflag:s5] =	ssyncadd.s32 $0xFFFF8000  }
0x6b: {  	[tilespmem:s2], [sflag:$0x2] =	stream.strided.gather [hbm4b:s13+s8], $0x200, s14, s8, $0x38;
	[tilespmem:$0x8200] =	vst v63  }
0x6c: {  	_ =	swait.ge [sflag:s5], $0x200  }
0x6d: {  	[sflag:s5] =	ssyncset.done $0x0  }
0x6e: {  	[sflag:s5] =	ssyncadd.s32 $0xFFFFFE00  }
0x6f: {  	v0 =	vld [tilespmem:$0x1A0]  }
0x70: {  	v1 =	vld [tilespmem:$0x1E0];
	_ =	sdelay $0x1  }
0x71: {  	v2 =	vld [tilespmem:$0x1B0]  }
0x72: {  	v3 =	vld [tilespmem:$0x80]  }
0x73: {  	v4 =	vld [tilespmem:$0x30];
	v5 =	vshra.s32 v0, $0x2  }
0x74: {  	v0 =	vand.u32 $0x1FFF, v0;
	v6 =	vld [tilespmem:$0x70];
	v5 =	vand.u32 $0xFFFFE000, v5;
	v7 =	vshra.s32 v1, $0x2  }
0x75: {  	v1 =	vand.u32 $0x1FFF, v1;
	v0 =	vor.u32 v0, v5;
	v5 =	vand.u32 $0xFFFFE000, v7  }
0x76: {  	v7 =	vld [tilespmem:$0x20];
	[tilespmem:$0x1A0] =	vst v0;
	v0 =	vshra.s32 v2, $0x2;
	v2 =	vand.u32 $0x1FFF, v2;
	v1 =	vor.u32 v1, v5  }
0x77: {  	v5 =	vld [tilespmem:$0x10];
	v8 =	vshra.s32 v3, $0x2;
	v3 =	vand.u32 $0x1FFF, v3;
	v0 =	vand.u32 $0xFFFFE000, v0;
	[tilespmem:$0x1E0] =	vst v1  }
0x78: {  	v1 =	vshra.s32 v4, $0x2;
	v8 =	vand.u32 $0xFFFFE000, v8;
	v9 =	vld [tilespmem:$0xC0];
	v0 =	vor.u32 v2, v0  }
0x79: {  	v4 =	vand.u32 $0x1FFF, v4;
	v2 =	vld [tilespmem:$0x0];
	v1 =	vand.u32 $0xFFFFE000, v1;
	v10 =	vshra.s32 v6, $0x2  }
0x7a: {  	v6 =	vand.u32 $0x1FFF, v6;
	v1 =	vor.u32 v4, v1;
	v4 =	vld [tilespmem:$0x60];
	v10 =	vand.u32 $0xFFFFE000, v10  }
0x7b: {  	v3 =	vor.u32 v3, v8;
	v11 =	vand.u32 $0x1FFF, v7;
	v12 =	vld [tilespmem:$0x50];
	v6 =	vor.u32 v6, v10  }
0x7c: {  	v7 =	vshra.s32 v7, $0x2;
	v8 =	vshra.s32 v5, $0x2;
	v5 =	vand.u32 $0x1FFF, v5;
	[tilespmem:$0x30] =	vst v1;
	v1 =	vld [tilespmem:$0xA0]  }
0x7d: {  	v7 =	vand.u32 $0xFFFFE000, v7;
	v8 =	vand.u32 $0xFFFFE000, v8;
	v10 =	vld [tilespmem:$0x40];
	v13 =	vand.u32 $0x1FFF, v9;
	[tilespmem:$0x1B0] =	vst v0  }
0x7e: {  	v7 =	vor.u32 v11, v7;
	v0 =	vshra.s32 v2, $0x2;
	v5 =	vor.u32 v5, v8;
	[tilespmem:$0x80] =	vst v3;
	v3 =	vld [tilespmem:$0x90]  }
0x7f: {  	v2 =	vand.u32 $0x1FFF, v2;
	v0 =	vand.u32 $0xFFFFE000, v0;
	[tilespmem:$0x20] =	vst v7;
	v7 =	vshra.s32 v4, $0x2;
	v8 =	vld [tilespmem:$0x120]  }
0x80: {  	v0 =	vor.u32 v2, v0;
	v2 =	vand.u32 $0x1FFF, v4;
	[tilespmem:$0x70] =	vst v6;
	v4 =	vshra.s32 v9, $0x2;
	v6 =	vld [tilespmem:$0x110]  }
0x81: {  	v7 =	vand.u32 $0xFFFFE000, v7;
	[tilespmem:$0x0] =	vst v0;
	v0 =	vshra.s32 v12, $0x2;
	v9 =	vshra.s32 v1, $0x2;
	v11 =	vld [tilespmem:$0xB0]  }
0x82: {  	v2 =	vor.u32 v2, v7;
	v1 =	vand.u32 $0x1FFF, v1;
	[tilespmem:$0x10] =	vst v5;
	v0 =	vand.u32 $0xFFFFE000, v0;
	v5 =	vld [tilespmem:$0x100]  }
0x83: {  	v12 =	vand.u32 $0x1FFF, v12;
	v7 =	vand.u32 $0x1FFF, v10;
	[tilespmem:$0x60] =	vst v2;
	v2 =	vand.u32 $0xFFFFE000, v4  }
0x84: {  	v4 =	vshra.s32 v10, $0x2;
	v0 =	vor.u32 v12, v0;
	v2 =	vor.u32 v13, v2;
	v10 =	vld [tilespmem:$0x180]  }
0x85: {  	v4 =	vand.u32 $0xFFFFE000, v4;
	v13 =	vand.u32 $0x1FFF, v8;
	[tilespmem:$0x50] =	vst v0;
	v0 =	vshra.s32 v3, $0x2;
	v12 =	vld [tilespmem:$0xF0]  }
0x86: {  	v4 =	vor.u32 v7, v4;
	v7 =	vand.u32 $0xFFFFE000, v9;
	v14 =	vshra.s32 v6, $0x2;
	v9 =	vld [tilespmem:$0xE0]  }
0x87: {  	v0 =	vand.u32 $0xFFFFE000, v0;
	v1 =	vor.u32 v1, v7;
	v7 =	vshra.s32 v8, $0x2;
	[tilespmem:$0x40] =	vst v4;
	v4 =	vld [tilespmem:$0xD0]  }
0x88: {  	v3 =	vand.u32 $0x1FFF, v3;
	v6 =	vand.u32 $0x1FFF, v6;
	[tilespmem:$0xA0] =	vst v1;
	v1 =	vshra.s32 v11, $0x2  }
0x89: {  	v8 =	vshra.s32 v5, $0x2;
	v1 =	vand.u32 $0xFFFFE000, v1;
	v15 =	vand.u32 $0x1FFF, v10  }
0x8a: {  	v14 =	vand.u32 $0xFFFFE000, v14;
	v5 =	vand.u32 $0x1FFF, v5;
	v11 =	vand.u32 $0x1FFF, v11;
	v16 =	vld [tilespmem:$0x1F0]  }
0x8b: {  	v6 =	vor.u32 v6, v14;
	v8 =	vand.u32 $0xFFFFE000, v8;
	v10 =	vshra.s32 v10, $0x2;
	v14 =	vld [tilespmem:$0x190]  }
0x8c: {  	v0 =	vor.u32 v3, v0;
	v17 =	vand.u32 $0x1FFF, v12;
	v3 =	vand.u32 $0x1FFF, v9;
	[tilespmem:$0x110] =	vst v6;
	v6 =	vld [tilespmem:$0x170]  }
0x8d: {  	v12 =	vshra.s32 v12, $0x2;
	[tilespmem:$0xC0] =	vst v2;
	v2 =	vshra.s32 v4, $0x2;
	v4 =	vand.u32 $0x1FFF, v4;
	v18 =	vld [tilespmem:$0x130]  }
0x8e: {  	v7 =	vand.u32 $0xFFFFE000, v7;
	[tilespmem:$0x90] =	vst v0;
	v0 =	vand.u32 $0xFFFFE000, v2;
	v2 =	vshra.s32 v9, $0x2  }
0x8f: {  	v0 =	vor.u32 v4, v0;
	v4 =	vand.u32 $0xFFFFE000, v12;
	v9 =	vand.u32 $0x1FFF, v16  }
0x90: {  	[tilespmem:$0xD0] =	vst v0;
	v0 =	vor.u32 v17, v4;
	v4 =	vor.u32 v5, v8;
	v5 =	vld [tilespmem:$0x160];
	v8 =	vand.u32 $0xFFFFE000, v10  }
0x91: {  	v1 =	vor.u32 v11, v1;
	v10 =	vshra.s32 v16, $0x2;
	[tilespmem:$0x100] =	vst v4;
	v4 =	vld [tilespmem:$0x140];
	v8 =	vor.u32 v15, v8  }
0x92: {  	v10 =	vand.u32 $0xFFFFE000, v10;
	[tilespmem:$0xB0] =	vst v1;
	v1 =	vor.u32 v13, v7;
	v7 =	vshra.s32 v18, $0x2;
	v11 =	vld [tilespmem:$0x150]  }
0x93: {  	v12 =	vand.u32 $0x1FFF, v14;
	[tilespmem:$0x120] =	vst v1;
	v1 =	vand.u32 $0xFFFFE000, v7;
	v7 =	vand.u32 $0x1FFF, v18  }
0x94: {  	v1 =	vor.u32 v7, v1;
	v7 =	vand.u32 $0x1FFF, v6;
	[tilespmem:$0x180] =	vst v8;
	v8 =	vshra.s32 v14, $0x2  }
0x95: {  	[tilespmem:$0x130] =	vst v1;
	v1 =	vshra.s32 v6, $0x2;
	v6 =	vand.u32 $0xFFFFE000, v8;
	v8 =	vld [tilespmem:$0x1D0]  }
0x96: {  	v9 =	vor.u32 v9, v10;
	[tilespmem:$0xF0] =	vst v0;
	v0 =	vshra.s32 v5, $0x2;
	v5 =	vand.u32 $0x1FFF, v5  }
0x97: {  	v2 =	vand.u32 $0xFFFFE000, v2;
	v10 =	vshra.s32 v4, $0x2;
	v4 =	vand.u32 $0x1FFF, v4;
	v13 =	vld [tilespmem:$0x1C0]  }
0x98: {  	v2 =	vor.u32 v3, v2;
	v6 =	vor.u32 v12, v6;
	v3 =	vand.u32 $0xFFFFE000, v10;
	[tilespmem:$0x1F0] =	vst v9  }
0x99: {  	[tilespmem:$0xE0] =	vst v2;
	v2 =	vor.u32 v4, v3;
	v3 =	vshra.s32 v11, $0x2;
	v4 =	vand.u32 $0x1FFF, v11  }
0x9a: {  	v0 =	vand.u32 $0xFFFFE000, v0;
	[tilespmem:$0x140] =	vst v2;
	v2 =	vand.u32 $0xFFFFE000, v3;
	v3 =	vand.u32 $0x1FFF, v8  }
0x9b: {  	v1 =	vand.u32 $0xFFFFE000, v1;
	v0 =	vor.u32 v5, v0;
	v5 =	vshra.s32 v8, $0x2;
	[tilespmem:$0x190] =	vst v6  }
0x9c: {  	v5 =	vand.u32 $0xFFFFE000, v5;
	[tilespmem:$0x160] =	vst v0;
	v0 =	vor.u32 v7, v1;
	v1 =	vshra.s32 v13, $0x2  }
0x9d: {  	v3 =	vor.u32 v3, v5;
	[tilespmem:$0x170] =	vst v0;
	v0 =	vand.u32 $0xFFFFE000, v1;
	v1 =	vand.u32 $0x1FFF, v13  }
0x9e: {  	v2 =	vor.u32 v4, v2;
	v0 =	vor.u32 v1, v0;
	[tilespmem:$0x1D0] =	vst v3  }
0x9f: {  	[tilespmem:$0x1C0] =	vst v0  }
0xa0: {  	[tilespmem:$0x150] =	vst v2  }
0xa1: {  	[tilespmem:s6], [sflag:$0x1] =	stream.indirect.gather [hbm4b:s3+s8], $0x80, s2, s8, $0xb8;
	[tilespmem:$0x8200] =	vst v63  }
0xa2: {  	_ = 	snop  }
0xa3: {  	[tilespmem:s10], [sflag:$0x1] =	stream.indirect.gather [hbm4b:s3+s8], $0x80, s8, s8, $0xb8;
	[tilespmem:$0x8200] =	vst v63  }
0xa4: {  	_ =	swait.ge [sflag:s7], $0x4000  }
0xa5: {  	[sflag:s7] =	ssyncset.done $0x0  }
0xa6: {  	[sflag:s7] =	ssyncadd.s32 $0xFFFFC000  }
0xa7: {  	_ =	swait.ge [sflag:s7], $0x4000  }
0xa8: {  	[sflag:s7] =	ssyncset.done $0x0  }
0xa9: {  	[sflag:s7] =	ssyncadd.s32 $0xFFFFC000  }
0xaa: {  	[hbm4b:s9+s2] =	stream.linear.scatter [tilespmem:s6], [sflag:$0x2], $0x8000, $0x38;
	[tilespmem:$0x8200] =	vst v63  }
0xab: {  	_ =	swait.ge [sflag:s5], $0x8000  }
0xac: {  	[sflag:s5] =	ssyncset.done $0x0  }
0xad: {  	[sflag:s5] =	ssyncadd.s32 $0xFFFF8000  }
0xae: {  	[tilespmem:s6], [sflag:$0x1] =	stream.indirect.gather [hbm4b:s3+s8], $0x80, s11, s8, $0xb8;
	[tilespmem:$0x8200] =	vst v63  }
0xaf: {  	_ = 	snop  }
0xb0: {  	[tilespmem:s10], [sflag:$0x1] =	stream.indirect.gather [hbm4b:s3+s8], $0x80, s12, s8, $0xb8;
	[tilespmem:$0x8200] =	vst v63  }
0xb1: {  	_ =	swait.ge [sflag:s7], $0x4000  }
0xb2: {  	[sflag:s7] =	ssyncset.done $0x0  }
.Ltmp2:
0xb3: {  	[sflag:s7] =	ssyncadd.s32 $0xFFFFC000;
	(pc) =	sbr.rel @p1 .LBB2_2-.Ltmp2, $4  }
0xb4: {  	_ =	swait.ge [sflag:s7], $0x4000  }
0xb5: {  	[sflag:s7] =	ssyncset.done $0x0  }
0xb6: {  	[sflag:s7] =	ssyncadd.s32 $0xFFFFC000  }
0xb7: {  	[hbm4b:s4+s2] =	stream.linear.scatter [tilespmem:s6], [sflag:$0x2], $0x8000, $0x38;
	[tilespmem:$0x8200] =	vst v63  }
.LBB2_3:
0xb8: {  	_ =	swait.ge @p0 [sflag:s5], $0x8000  }
0xb9: {  	[sflag:s5] =	ssyncset.done @p0 $0x0  }
0xba: {  	[sflag:s5] =	ssyncadd.s32 @p0 $0xFFFF8000  }
0xbb: {  	[tilespmem:s2], [sflag:$0x2] =	stream.strided.gather [hbm4b:s13+s8], $0x200, s14, s8, $0x38;
	[tilespmem:$0x8200] =	vst v63  }
0xbc: {  	_ =	swait.ge [sflag:s5], $0x200  }
0xbd: {  	[sflag:s5] =	ssyncset.done $0x0  }
0xbe: {  	[sflag:s5] =	ssyncadd.s32 $0xFFFFFE00  }
0xbf: {  	v0 =	vld [tilespmem:$0x1A0]  }
0xc0: {  	v1 =	vld [tilespmem:$0x1E0]  }
0xc1: {  	v2 =	vld [tilespmem:$0x1B0]  }
0xc2: {  	v3 =	vld [tilespmem:$0x80]  }
0xc3: {  	v4 =	vld [tilespmem:$0x30]  }
0xc4: {  	v6 =	vld [tilespmem:$0x70]  }
0xc5: {  	v36 =	vld [tilespmem:$0x20]  }
0xc6: {  	v37 =	vld [tilespmem:$0x10]  }
0xc7: {  	v11 =	vld [tilespmem:$0xC0]  }
0xc8: {  	v38 =	vld [tilespmem:$0x0]  }
0xc9: {  	v39 =	vld [tilespmem:$0x60]  }
0xca: {  	v14 =	vld [tilespmem:$0x50]  }
0xcb: {  	v41 =	vld [tilespmem:$0xA0]  }
0xcc: {  	v16 =	vld [tilespmem:$0x40]  }
0xcd: {  	v42 =	vld [tilespmem:$0x90]  }
0xce: {  	v45 =	vld [tilespmem:$0x120]  }
0xcf: {  	v46 =	vld [tilespmem:$0x110];
	v5 =	vshra.s32 v0, $0x2  }
0xd0: {  	v48 =	vld [tilespmem:$0xB0];
	v0 =	vand.u32 $0x1FFF, v0;
	v7 =	vshra.s32 v1, $0x2;
	v1 =	vand.u32 $0x1FFF, v1  }
0xd1: {  	v49 =	vld [tilespmem:$0x100];
	v8 =	vshra.s32 v2, $0x2;
	v2 =	vand.u32 $0x1FFF, v2;
	v9 =	vshra.s32 v3, $0x2  }
0xd2: {  	v52 =	vld [tilespmem:$0x180];
	v3 =	vand.u32 $0x1FFF, v3;
	v10 =	vshra.s32 v4, $0x2;
	v4 =	vand.u32 $0x1FFF, v4  }
0xd3: {  	v55 =	vld [tilespmem:$0xF0];
	v12 =	vshra.s32 v6, $0x2;
	v6 =	vand.u32 $0x1FFF, v6;
	v13 =	vand.u32 $0x1FFF, v36  }
0xd4: {  	v58 =	vld [tilespmem:$0xE0];
	v40 =	vshra.s32 v37, $0x2;
	v15 =	vand.u32 $0x1FFF, v11;
	v17 =	vshra.s32 v38, $0x2  }
0xd5: {  	v59 =	vld [tilespmem:$0xD0];
	v44 =	vshra.s32 v39, $0x2;
	v11 =	vshra.s32 v11, $0x2;
	v47 =	vshra.s32 v14, $0x2  }
0xd6: {  	v22 =	vld [tilespmem:$0x1F0];
	v18 =	vshra.s32 v41, $0x2;
	v50 =	vand.u32 $0x1FFF, v16;
	v14 =	vand.u32 $0x1FFF, v14  }
0xd7: {  	v34 =	vld [tilespmem:$0x160];
	v51 =	vshra.s32 v16, $0x2;
	v53 =	vshra.s32 v42, $0x2;
	v54 =	vand.u32 $0x1FFF, v45  }
0xd8: {  	v57 =	vshra.s32 v46, $0x2;
	v60 =	vshra.s32 v48, $0x2;
	v62 =	vshra.s32 v49, $0x2  }
0xd9: {  	v63 =	vand.u32 $0x1FFF, v52;
	v24 =	vshra.s32 v52, $0x2;
	v25 =	vand.u32 $0x1FFF, v58  }
0xda: {  	v26 =	vand.u32 $0x1FFF, v55;
	v27 =	vshra.s32 v59, $0x2;
	v5 =	vand.u32 $0xFFFFE000, v5  }
0xdb: {  	v32 =	vand.u32 $0x1FFF, v22;
	v35 =	vand.u32 $0xFFFFE000, v7;
	v0 =	vor.u32 v0, v5  }
0xdc: {  	v52 =	vand.u32 $0x1FFF, v34;
	v10 =	vand.u32 $0xFFFFE000, v10;
	v1 =	vor.u32 v1, v35;
	[tilespmem:$0x1A0] =	vst v0  }
0xdd: {  	v8 =	vand.u32 $0xFFFFE000, v8;
	v9 =	vand.u32 $0xFFFFE000, v9;
	v4 =	vor.u32 v4, v10;
	[tilespmem:$0x1E0] =	vst v1  }
0xde: {  	v12 =	vand.u32 $0xFFFFE000, v12;
	v7 =	vshra.s32 v36, $0x2;
	v2 =	vor.u32 v2, v8;
	[tilespmem:$0x30] =	vst v4  }
0xdf: {  	v43 =	vand.u32 $0xFFFFE000, v17;
	v17 =	vand.u32 $0xFFFFE000, v44;
	v3 =	vor.u32 v3, v9;
	[tilespmem:$0x1B0] =	vst v2  }
0xe0: {  	v29 =	vld [tilespmem:$0x190];
	v11 =	vand.u32 $0xFFFFE000, v11;
	v56 =	vand.u32 $0xFFFFE000, v18;
	v6 =	vor.u32 v6, v12;
	[tilespmem:$0x80] =	vst v3  }
0xe1: {  	v61 =	vand.u32 $0xFFFFE000, v60;
	v7 =	vand.u32 $0xFFFFE000, v7;
	v11 =	vor.u32 v15, v11;
	[tilespmem:$0x70] =	vst v6  }
0xe2: {  	v21 =	vand.u32 $0xFFFFE000, v57;
	v8 =	vand.u32 $0x1FFF, v38;
	v7 =	vor.u32 v13, v7;
	[tilespmem:$0xC0] =	vst v11  }
0xe3: {  	v28 =	vld [tilespmem:$0x130];
	v5 =	vand.u32 $0x1FFF, v37;
	v9 =	vand.u32 $0xFFFFE000, v40;
	v8 =	vor.u32 v8, v43;
	[tilespmem:$0x20] =	vst v7  }
0xe4: {  	v23 =	vand.u32 $0xFFFFE000, v62;
	v10 =	vand.u32 $0x1FFF, v39;
	v5 =	vor.u32 v5, v9;
	[tilespmem:$0x0] =	vst v8  }
0xe5: {  	v44 =	vshra.s32 v29, $0x2;
	v12 =	vand.u32 $0x1FFF, v41;
	v10 =	vor.u32 v10, v17;
	[tilespmem:$0x10] =	vst v5  }
0xe6: {  	v35 =	vand.u32 $0xFFFFE000, v24;
	v13 =	vand.u32 $0xFFFFE000, v47;
	v12 =	vor.u32 v12, v56;
	[tilespmem:$0x60] =	vst v10  }
0xe7: {  	v37 =	vshra.s32 v22, $0x2;
	v3 =	vand.u32 $0xFFFFE000, v51;
	v13 =	vor.u32 v14, v13;
	[tilespmem:$0xA0] =	vst v12  }
0xe8: {  	v38 =	vshra.s32 v28, $0x2;
	v1 =	vand.u32 $0x1FFF, v46;
	v3 =	vor.u32 v50, v3;
	[tilespmem:$0x50] =	vst v13  }
0xe9: {  	v41 =	vand.u32 $0x1FFF, v28;
	v2 =	vand.u32 $0x1FFF, v49;
	v1 =	vor.u32 v1, v21;
	[tilespmem:$0x40] =	vst v3  }
0xea: {  	v30 =	vld [tilespmem:$0x170];
	v0 =	vshra.s32 v45, $0x2;
	v4 =	vand.u32 $0x1FFF, v48;
	v2 =	vor.u32 v2, v23;
	[tilespmem:$0x110] =	vst v1  }
0xeb: {  	v9 =	vand.u32 $0x1FFF, v42;
	v7 =	vand.u32 $0xFFFFE000, v53;
	v4 =	vor.u32 v4, v61;
	[tilespmem:$0x100] =	vst v2  }
0xec: {  	v6 =	vshra.s32 v55, $0x2;
	v0 =	vand.u32 $0xFFFFE000, v0;
	v7 =	vor.u32 v9, v7;
	[tilespmem:$0xB0] =	vst v4  }
0xed: {  	v40 =	vand.u32 $0xFFFFE000, v38;
	v31 =	vand.u32 $0xFFFFE000, v6;
	v0 =	vor.u32 v54, v0;
	[tilespmem:$0x90] =	vst v7  }
0xee: {  	v36 =	vld [tilespmem:$0x140];
	v5 =	vand.u32 $0x1FFF, v59;
	v1 =	vand.u32 $0xFFFFE000, v27;
	v33 =	vor.u32 v26, v31;
	[tilespmem:$0x120] =	vst v0  }
0xef: {  	v42 =	vand.u32 $0x1FFF, v29;
	v43 =	vand.u32 $0x1FFF, v30;
	v1 =	vor.u32 v5, v1;
	[tilespmem:$0xF0] =	vst v33  }
0xf0: {  	v39 =	vld [tilespmem:$0x150];
	v46 =	vshra.s32 v30, $0x2;
	v8 =	vshra.s32 v58, $0x2;
	v5 =	vor.u32 v63, v35;
	[tilespmem:$0xD0] =	vst v1  }
0xf1: {  	v45 =	vld [tilespmem:$0x1D0];
	v47 =	vshra.s32 v34, $0x2;
	v49 =	vand.u32 $0xFFFFE000, v8;
	v0 =	vor.u32 v41, v40;
	[tilespmem:$0x180] =	vst v5  }
0xf2: {  	v55 =	vand.u32 $0xFFFFE000, v47;
	v7 =	vand.u32 $0xFFFFE000, v37;
	v6 =	vor.u32 v25, v49;
	[tilespmem:$0x130] =	vst v0  }
0xf3: {  	v51 =	vld [tilespmem:$0x1C0];
	v50 =	vshra.s32 v36, $0x2;
	v2 =	vand.u32 $0x1FFF, v36;
	v48 =	vor.u32 v32, v7;
	[tilespmem:$0xE0] =	vst v6  }
0xf4: {  	v5 =	vand.u32 $0xFFFFE000, v44;
	v7 =	vand.u32 $0xFFFFE000, v50;
	v1 =	vor.u32 v52, v55;
	[tilespmem:$0x1F0] =	vst v48  }
0xf5: {  	v54 =	vshra.s32 v39, $0x2;
	v0 =	vand.u32 $0xFFFFE000, v46;
	v2 =	vor.u32 v2, v7;
	[tilespmem:$0x160] =	vst v1  }
0xf6: {  	v61 =	vand.u32 $0x1FFF, v39;
	v53 =	vor.u32 v42, v5;
	v56 =	vand.u32 $0x1FFF, v45;
	[tilespmem:$0x140] =	vst v2  }
0xf7: {  	v57 =	vshra.s32 v45, $0x2;
	v0 =	vor.u32 v43, v0;
	v62 =	vand.u32 $0xFFFFE000, v54;
	[tilespmem:$0x190] =	vst v53  }
0xf8: {  	v58 =	vshra.s32 v51, $0x2;
	v2 =	vand.u32 $0xFFFFE000, v57;
	[tilespmem:$0x170] =	vst v0;
	v63 =	vor.u32 v61, v62  }
0xf9: {  	v60 =	vand.u32 $0x1FFF, v51;
	v59 =	vand.u32 $0xFFFFE000, v58;
	v2 =	vor.u32 v56, v2;
	[tilespmem:$0x150] =	vst v63  }
0xfa: {  	v0 =	vor.u32 v60, v59;
	[tilespmem:$0x1D0] =	vst v2  }
0xfb: {  	[tilespmem:$0x1C0] =	vst v0  }
0xfc: {  	[tilespmem:s6], [sflag:$0x1] =	stream.indirect.gather [hbm4b:s3+s8], $0x80, s2, s8, $0xb8;
	[tilespmem:$0x8200] =	vst v63  }
0xfd: {  	_ = 	snop  }
0xfe: {  	[tilespmem:s10], [sflag:$0x1] =	stream.indirect.gather [hbm4b:s3+s8], $0x80, s8, s8, $0xb8;
	[tilespmem:$0x8200] =	vst v63  }
0xff: {  	_ =	swait.ge [sflag:s7], $0x4000  }
0x100: {  	[sflag:s7] =	ssyncset.done $0x0  }
0x101: {  	[sflag:s7] =	ssyncadd.s32 $0xFFFFC000  }
0x102: {  	_ =	swait.ge [sflag:s7], $0x4000  }
0x103: {  	[sflag:s7] =	ssyncset.done $0x0  }
0x104: {  	[sflag:s7] =	ssyncadd.s32 $0xFFFFC000  }
0x105: {  	[hbm4b:s9+s2] =	stream.linear.scatter [tilespmem:s6], [sflag:$0x2], $0x8000, $0x38;
	[tilespmem:$0x8200] =	vst v63  }
0x106: {  	_ =	swait.ge [sflag:s5], $0x8000  }
0x107: {  	[sflag:s5] =	ssyncset.done $0x0  }
0x108: {  	[sflag:s5] =	ssyncadd.s32 $0xFFFF8000  }
0x109: {  	[tilespmem:s6], [sflag:$0x1] =	stream.indirect.gather [hbm4b:s3+s8], $0x80, s11, s8, $0xb8;
	[tilespmem:$0x8200] =	vst v63  }
0x10a: {  	_ = 	snop  }
0x10b: {  	[tilespmem:s10], [sflag:$0x1] =	stream.indirect.gather [hbm4b:s3+s8], $0x80, s12, s8, $0xb8;
	[tilespmem:$0x8200] =	vst v63  }
0x10c: {  	_ =	swait.ge [sflag:s7], $0x4000  }
0x10d: {  	[sflag:s7] =	ssyncset.done $0x0  }
0x10e: {  	[sflag:s7] =	ssyncadd.s32 $0xFFFFC000  }
0x10f: {  	_ =	swait.ge [sflag:s7], $0x4000  }
0x110: {  	[sflag:s7] =	ssyncset.done $0x0  }
0x111: {  	[sflag:s7] =	ssyncadd.s32 $0xFFFFC000  }
0x112: {  	[hbm4b:s4+s2] =	stream.linear.scatter [tilespmem:s6], [sflag:$0x2], $0x8000, $0x38;
	[tilespmem:$0x8200] =	vst v63  }
0x113: {  	_ =	swait.ge [sflag:s5], $0x8000  }
0x114: {  	[sflag:s5] =	ssyncset.done $0x0  }
0x115: {  	[sflag:s5] =	ssyncadd.s32 $0xFFFF8000  }
0x116: {  	_ =	sfence.sel $0x180000  }
0x117: {  	[bflag:$0x0] =	sbarrier.arrive $0xFFFF  }
0x118: {  	p0 =	sne.s32 s1, $0x0;
	_ =	strace $0x90000047  }
0x119: {  	s0 =	sadd.s32 @!p0 $0x100000, s0;
	[bflag:$0x2] =	sbarrier.arrive $0xFFFF  }
0x11a: {  	[sflag:s0] =	ssyncadd.tile.s32 @!p0 $0x1;
	_ =	shalt  }
.Lfunc_end2:
_tile_overlayer_lowered:
.L_overlay_start_2:
0x11b: {  	(tag) =	ssettag $0x2  }
0x11c: {  	s0 =	rddreg [dreg:$0x0];
	s2 =	stileid.u32  }
0x11d: {  	s1 =	rddreg [dreg:$0x1];
	p0 =	sne.s32 s2, $0x0  }
0x11e: {  	s3 =	rddreg [dreg:$0x2];
	[bflag:$0x3] =	sbarrier.arrive $0xFFFF;
	s2 =	simm.s32 @!p0 $0x1C02  }
0x11f: {  	[timem:s3], [sflag:s2] =	dma.local @!p0 [hbm:s0], s1  }
0x120: {  	s0 =	simm.s32 @!p0 $0x2  }
0x121: {  	_ =	swait.ge @!p0 [sflag:s0], s1  }
0x122: {  	s1 =	ssub.s32 @!p0 $0x0, s1;
	[sflag:s0] =	ssyncset.done @!p0 $0x0  }
0x123: {  	[sflag:s0] =	ssyncadd.s32 @!p0 s1  }
0x124: {  	[bflag:$0x3] =	sbarrier.arrive $0xFFFF  }
0x125: {  	_ =	shalt  }

</sc_bundles>
